<compile_context>
chip_gen: v7x
topology: tpu7x:2x2x1
jax: 0.10.2.dev20260603
libtpu: 0.0.44.dev20260713+nightly
codegen_flags: <defaults>
</compile_context>

<pallas_src>
import functools

import jax
import jax.numpy as jnp
from jax import lax
from jax.experimental import pallas as pl
from jax.experimental.pallas import tpu as pltpu
from jax.experimental.pallas import tpu_sc as plsc

N = 10000
H = 128
G = 64
NC = 2
NS = 16
NW = NC * NS
BLK = 128
EB0 = 80
EB1 = 80
EB_PAIR = EB0 + EB1
TOTB = NS * EB_PAIR
E_PAD = TOTB * BLK
ROWS_PAD = N + 8
RPS = 624
RTAIL = N - RPS * NS


def _mesh():
    return plsc.VectorSubcoreMesh(core_axis_name="c", subcore_axis_name="s")




def _agg_kernel_body(g_hbm, srcf_hbm, dstf_hbm, zeros_hbm, out_hbm,
                     srcb, dstb, rows, acc, sem):
    cid = lax.axis_index("c")
    sid = lax.axis_index("s")

    pltpu.sync_copy(zeros_hbm.at[pl.ds(sid * RPS, RPS)],
                    acc.at[pl.ds(sid * RPS, RPS)])

    @pl.when(sid == NS - 1)
    def _():
        pltpu.sync_copy(zeros_hbm.at[pl.ds(RPS * NS, RTAIL)],
                        acc.at[pl.ds(RPS * NS, RTAIL)])
    plsc.subcore_barrier()

    start = sid * EB_PAIR + cid * EB0
    pltpu.sync_copy(srcf_hbm.at[pl.ds(start, EB0)], srcb)
    pltpu.sync_copy(dstf_hbm.at[pl.ds(start, EB0)], dstb)

    def body(j, _):
        pltpu.async_copy(g_hbm.at[srcb.at[j]], rows, sem).wait()
        pltpu.sync_copy(rows, acc.at[dstb.at[j]], add=True)
        return 0
    lax.fori_loop(0, EB0, body, 0)

    plsc.subcore_barrier()
    pltpu.sync_copy(acc.at[pl.ds(sid * RPS, RPS)],
                    out_hbm.at[cid, pl.ds(sid * RPS, RPS)])

    @pl.when(sid == NS - 1)
    def _():
        pltpu.sync_copy(acc.at[pl.ds(RPS * NS, RTAIL)],
                        out_hbm.at[cid, pl.ds(RPS * NS, RTAIL)])


def _make_agg_kernel():
    return functools.partial(
        pl.kernel,
        out_type=jax.ShapeDtypeStruct((NC, N, H), jnp.float32),
        mesh=_mesh(),
        scratch_types=[
            pltpu.VMEM((EB0, BLK), jnp.int32),
            pltpu.VMEM((EB0, BLK), jnp.int32),
            pltpu.VMEM((BLK, H), jnp.float32),
            pltpu.VMEM_SHARED((ROWS_PAD, H), jnp.float32),
            pltpu.SemaphoreType.DMA,
        ],
    )(_agg_kernel_body)


def _pool_kernel_body(h_hbm, bidx3_hbm, tail_hbm, zeros_hbm, out_hbm,
                      bidxb, rows, tailidx, rows16, accp):
    cid = lax.axis_index("c")
    sid = lax.axis_index("s")
    wid = sid * NC + cid

    @pl.when(sid == 0)
    def _():
        pltpu.sync_copy(zeros_hbm.at[pl.ds(0, G)], accp)
    plsc.subcore_barrier()

    nfull = N // BLK
    for t in range(3):
        blk = wid + t * NW

        @pl.when(blk < nfull)
        def _():
            pltpu.sync_copy(bidx3_hbm.at[blk], bidxb)
            pltpu.sync_copy(h_hbm.at[pl.ds(blk * BLK, BLK)], rows)
            pltpu.sync_copy(rows, accp.at[bidxb], add=True)

    @pl.when(wid == NW - 1)
    def _():
        pltpu.sync_copy(tail_hbm, tailidx)
        pltpu.sync_copy(h_hbm.at[pl.ds(nfull * BLK, 16)], rows16)
        pltpu.sync_copy(rows16, accp.at[tailidx], add=True)

    plsc.subcore_barrier()

    @pl.when(sid < 8)
    def _():
        pltpu.sync_copy(accp.at[pl.ds(sid * 8, 8)],
                        out_hbm.at[cid, pl.ds(sid * 8, 8)])


def _make_pool_kernel():
    return functools.partial(
        pl.kernel,
        out_type=jax.ShapeDtypeStruct((NC, G, H), jnp.float32),
        mesh=_mesh(),
        scratch_types=[
            pltpu.VMEM((BLK,), jnp.int32),
            pltpu.VMEM((BLK, H), jnp.float32),
            pltpu.VMEM((16,), jnp.int32),
            pltpu.VMEM((16, H), jnp.float32),
            pltpu.VMEM_SHARED((G, H), jnp.float32),
        ],
    )(_pool_kernel_body)



_RB = 1000


def _dis_body(deg_ref, dis_ref):
    a = deg_ref[...]
    deg = (a[0] + a[1])[:, 0:1] + 1.0
    dis_ref[...] = lax.rsqrt(deg)


def _dis_kernel(deg3):
    return pl.pallas_call(
        _dis_body,
        grid=(N // _RB,),
        in_specs=[pl.BlockSpec((NC, _RB, H), lambda i: (0, i, 0))],
        out_specs=pl.BlockSpec((_RB, 1), lambda i: (i, 0)),
        out_shape=jax.ShapeDtypeStruct((N, 1), jnp.float32),
    )(deg3)


def _stage0_body(x_ref, w_ref, dis_ref, o_ref):
    g = jnp.dot(x_ref[...], w_ref[...], preferred_element_type=jnp.float32)
    o_ref[...] = g * dis_ref[...]


def _stage0(x, W1, dis):
    return pl.pallas_call(
        _stage0_body,
        grid=(N // _RB,),
        in_specs=[
            pl.BlockSpec((_RB, H), lambda i: (i, 0)),
            pl.BlockSpec((H, H), lambda i: (0, 0)),
            pl.BlockSpec((_RB, 1), lambda i: (i, 0)),
        ],
        out_specs=pl.BlockSpec((_RB, H), lambda i: (i, 0)),
        out_shape=jax.ShapeDtypeStruct((N, H), jnp.float32),
    )(x, W1, dis)


def _mid_body(acc_ref, g_ref, dis_ref, b_ref, w_ref, o_ref):
    dis = dis_ref[...]
    s = acc_ref[0] + acc_ref[1] + g_ref[...]
    h = jnp.maximum(s * dis + b_ref[...][None, :], 0.0)
    o_ref[...] = jnp.dot(h, w_ref[...], preferred_element_type=jnp.float32) * dis


def _mid_stage(acc, g, dis, b, Wn):
    return pl.pallas_call(
        _mid_body,
        grid=(N // _RB,),
        in_specs=[
            pl.BlockSpec((NC, _RB, H), lambda i: (0, i, 0)),
            pl.BlockSpec((_RB, H), lambda i: (i, 0)),
            pl.BlockSpec((_RB, 1), lambda i: (i, 0)),
            pl.BlockSpec((H,), lambda i: (0,)),
            pl.BlockSpec((H, H), lambda i: (0, 0)),
        ],
        out_specs=pl.BlockSpec((_RB, H), lambda i: (i, 0)),
        out_shape=jax.ShapeDtypeStruct((N, H), jnp.float32),
    )(acc, g, dis, b, Wn)


def _last_body(acc_ref, g_ref, dis_ref, b_ref, o_ref):
    dis = dis_ref[...]
    s = acc_ref[0] + acc_ref[1] + g_ref[...]
    o_ref[...] = jnp.maximum(s * dis + b_ref[...][None, :], 0.0)


def _last_stage(acc, g, dis, b):
    return pl.pallas_call(
        _last_body,
        grid=(N // _RB,),
        in_specs=[
            pl.BlockSpec((NC, _RB, H), lambda i: (0, i, 0)),
            pl.BlockSpec((_RB, H), lambda i: (i, 0)),
            pl.BlockSpec((_RB, 1), lambda i: (i, 0)),
            pl.BlockSpec((H,), lambda i: (0,)),
        ],
        out_specs=pl.BlockSpec((_RB, H), lambda i: (i, 0)),
        out_shape=jax.ShapeDtypeStruct((N, H), jnp.float32),
    )(acc, g, dis, b)


def _final_body(p_ref, cnt_ref, wout_ref, bout_ref, o_ref):
    c = cnt_ref[...]
    cnt = (c[0] + c[1])[:, 0:1]
    pooled = (p_ref[0] + p_ref[1]) / jnp.maximum(cnt, 1.0)
    o_ref[...] = (jnp.dot(pooled, wout_ref[...],
                          preferred_element_type=jnp.float32)
                  + bout_ref[...][None, :])


def _final(pool_part, cnt3, Wout, bout):
    C = Wout.shape[1]
    return pl.pallas_call(
        _final_body,
        out_shape=jax.ShapeDtypeStruct((G, C), jnp.float32),
    )(pool_part, cnt3, Wout, bout)




def kernel(x, edge_index, batch_index, W1, b1, W2, b2, W3, b3, W4, b4,
           W5, b5, Wout, bout):
    E = edge_index.shape[1]
    pad = E_PAD - E
    src3 = jnp.concatenate(
        [edge_index[0],
         (jnp.arange(pad, dtype=jnp.int32) * 13) % N]).reshape(TOTB, BLK)
    dst3 = jnp.concatenate(
        [edge_index[1], jnp.full((pad,), N, jnp.int32)]).reshape(TOTB, BLK)
    zeros = jnp.zeros((N, H), jnp.float32)
    ones = jnp.ones((N, H), jnp.float32)
    nfull = N // BLK
    bidx3 = batch_index[:nfull * BLK].reshape(nfull, BLK)
    btail = batch_index[nfull * BLK:]

    agg_k = _make_agg_kernel()
    pool_k = _make_pool_kernel()

    deg3 = agg_k(ones, src3, dst3, zeros)
    cnt3 = pool_k(ones, bidx3, btail, zeros)
    dis = _dis_kernel(deg3)

    g = _stage0(x, W1, dis)
    for b, Wn in ((b1, W2), (b2, W3), (b3, W4), (b4, W5)):
        acc = agg_k(g, src3, dst3, zeros)
        g = _mid_stage(acc, g, dis, b, Wn)
    acc = agg_k(g, src3, dst3, zeros)
    h = _last_stage(acc, g, dis, b5)

    pool_part = pool_k(h, bidx3, btail, zeros)
    return _final(pool_part, cnt3, Wout, bout)

# --- scband reference (transcript-rebuilt; emitter-appended) ---
"""Pipeline reference for scband-gcnclassifier-36979668418700 (READ-ONLY COPY).

The authoritative reference and input builder live on the scoring server;
editing this copy changes nothing except your own understanding.
"""

import jax, jax.numpy as jnp
import numpy as np

N = 10000
E = 320000
D = 128
H = 128
C = 2
G = 64


def _gcn(x, src, dst, norm, W, b, n):
    h = x @ W
    msg = h[src] * norm[:, None]
    return jax.ops.segment_sum(msg, dst, num_segments=n) + b


def setup_inputs(seed: int = 0):
    key = jax.random.key(seed)
    ks = jax.random.split(key, 20)
    inp = {}
    inp["x"] = jax.random.normal(ks[0], (N, D), dtype=jnp.float32)
    inp["edge_index"] = jax.random.randint(ks[1], (2, E), 0, N, dtype=jnp.int32)
    inp["batch_index"] = jnp.sort(jax.random.randint(ks[2], (N,), 0, G, dtype=jnp.int32))
    dims = [(D, H), (H, H), (H, H), (H, H), (H, H)]
    for i, (di, do) in enumerate(dims):
        inp["W%d" % (i + 1)] = jax.random.normal(ks[3 + i], (di, do), dtype=jnp.float32) / np.sqrt(di)
        inp["b%d" % (i + 1)] = jnp.zeros((do,), dtype=jnp.float32)
    inp["Wout"] = jax.random.normal(ks[10], (H, C), dtype=jnp.float32) / np.sqrt(H)
    inp["bout"] = jnp.zeros((C,), dtype=jnp.float32)
    return inp


def reference(x, edge_index, batch_index, W1, b1, W2, b2, W3, b3, W4, b4, W5, b5, Wout, bout):
    # Kipf & Welling GCN: A_hat = D^-1/2 (A + I) D^-1/2, x' = A_hat (x W) + b
    n = x.shape[0]
    loops = jnp.arange(n, dtype=edge_index.dtype)
    src = jnp.concatenate([edge_index[0], loops])
    dst = jnp.concatenate([edge_index[1], loops])
    deg = jax.ops.segment_sum(jnp.ones(src.shape[0], dtype=x.dtype), dst, num_segments=n)
    dis = jnp.where(deg > 0, deg ** -0.5, 0.0)
    norm = dis[src] * dis[dst]
    h = x
    for W, b in ((W1, b1), (W2, b2), (W3, b3), (W4, b4), (W5, b5)):
        h = jax.nn.relu(_gcn(h, src, dst, norm, W, b, n))
        # Dropout(p=0.5) is identity at inference time
    sums = jax.ops.segment_sum(h, batch_index, num_segments=G)
    counts = jax.ops.segment_sum(jnp.ones((n,), dtype=h.dtype), batch_index, num_segments=G)
    pooled = sums / jnp.maximum(counts, 1.0)[:, None]
    return pooled @ Wout + bout

if __name__ == "__main__":
    import jax
    _d = setup_inputs()
    print(jax.jit(kernel)(*tuple(_d.values())))

</pallas_src>

<mosaic_0001>
#map = affine_map<(d0, d1) -> (0, 0)>
#map1 = affine_map<(d0, d1) -> (0, 0, 0)>
module attributes {stable_mosaic.version = 14 : i64} {
  func.func @_agg_kernel_body(%arg0: i32, %arg1: i32, %arg2: memref<10000x128xf32, #tpu.memory_space<hbm>>, %arg3: memref<2560x128xi32, #tpu.memory_space<hbm>>, %arg4: memref<2560x128xi32, #tpu.memory_space<hbm>>, %arg5: memref<10000x128xf32, #tpu.memory_space<hbm>>, %arg6: memref<2x10000x128xf32, #tpu.memory_space<hbm>>, %arg7: memref<80x128xi32, #tpu.memory_space<vmem>>, %arg8: memref<80x128xi32, #tpu.memory_space<vmem>>, %arg9: memref<128x128xf32, #tpu.memory_space<vmem>>, %arg10: memref<10008x128xf32, #tpu.memory_space<vmem_shared>>, %arg11: memref<!tpu.dma_semaphore, #tpu.memory_space<semaphore_mem>>) attributes {dimension_semantics = [#tpu.dimension_semantics<core_parallel>, #tpu.dimension_semantics<subcore_parallel>], iteration_bounds = array<i64: 2, 16>, scalar_prefetch = 0 : i64, scratch_operands = 5 : i64, tpu.core_type = #tpu.core_type<sc_vector_subcore>, window_params = [{transform_indices = #map}, {transform_indices = #map}, {transform_indices = #map}, {transform_indices = #map}, {transform_indices = #map1}]} {
    %mul3A = arith.constant 624 : i32
    %mul3A_0 = arith.muli %arg1, %mul3A : i32
    %mul3A_1 = arith.constant 624 : i32
    %mul3A_2 = arith.muli %arg1, %mul3A_1 : i32
    "tpu.region"() ({
      %run_scoped3A = tpu.sem_alloc : memref<!tpu.dma_semaphore, #tpu.memory_space<semaphore_mem>>
      %dma_start3A = arith.constant 0 : i32
      %dma_start3A_25 = tpu.memref_slice %arg10[%mul3A_2, %dma_start3A] : memref<10008x128xf32, #tpu.memory_space<vmem_shared>> -> memref<624x128xf32, #tpu.memory_space<vmem_shared>>
      %dma_start3A_26 = arith.constant 0 : i32
      %dma_start3A_27 = tpu.memref_slice %arg5[%mul3A_0, %dma_start3A_26] : memref<10000x128xf32, #tpu.memory_space<hbm>> -> memref<624x128xf32, #tpu.memory_space<hbm>>
      tpu.enqueue_dma source(%dma_start3A_27 : memref<624x128xf32, #tpu.memory_space<hbm>>) target(%dma_start3A_25 : memref<624x128xf32, #tpu.memory_space<vmem_shared>>) target_semaphore(%run_scoped3A : memref<!tpu.dma_semaphore, #tpu.memory_space<semaphore_mem>>)
      %dma_wait3A = arith.constant 0 : i32
      %dma_wait3A_28 = tpu.memref_slice %arg10[%mul3A_2, %dma_wait3A] : memref<10008x128xf32, #tpu.memory_space<vmem_shared>> -> memref<624x128xf32, #tpu.memory_space<vmem_shared>>
      %dma_wait3A_29 = arith.constant 0 : i32
      %dma_wait3A_30 = tpu.memref_slice %arg5[%mul3A_0, %dma_wait3A_29] : memref<10000x128xf32, #tpu.memory_space<hbm>> -> memref<624x128xf32, #tpu.memory_space<hbm>>
      tpu.wait_dma2 semaphore(%run_scoped3A : memref<!tpu.dma_semaphore, #tpu.memory_space<semaphore_mem>>) src(%dma_wait3A_30 : memref<624x128xf32, #tpu.memory_space<hbm>>) dst(%dma_wait3A_28 : memref<624x128xf32, #tpu.memory_space<vmem_shared>>)
      tpu.yield
    }) : () -> ()
    %eq3A = arith.constant 15 : i32
    %eq3A_3 = arith.cmpi eq, %arg1, %eq3A : i32
    %convert_element_type3A = arith.extui %eq3A_3 : i1 to i32
    %cond3A = arith.constant 0 : i32
    %cond3A_4 = arith.cmpi ne, %convert_element_type3A, %cond3A : i32
    scf.if %cond3A_4 {
      "tpu.region"() ({
        %run_scoped3A = tpu.sem_alloc : memref<!tpu.dma_semaphore, #tpu.memory_space<semaphore_mem>>
        %dma_start3A = arith.constant 9984 : i32
        %dma_start3A_25 = arith.constant 0 : i32
        %dma_start3A_26 = tpu.memref_slice %arg10[%dma_start3A, %dma_start3A_25] : memref<10008x128xf32, #tpu.memory_space<vmem_shared>> -> memref<16x128xf32, #tpu.memory_space<vmem_shared>>
        %dma_start3A_27 = arith.constant 9984 : i32
        %dma_start3A_28 = arith.constant 0 : i32
        %dma_start3A_29 = tpu.memref_slice %arg5[%dma_start3A_27, %dma_start3A_28] : memref<10000x128xf32, #tpu.memory_space<hbm>> -> memref<16x128xf32, #tpu.memory_space<hbm>>
        tpu.enqueue_dma source(%dma_start3A_29 : memref<16x128xf32, #tpu.memory_space<hbm>>) target(%dma_start3A_26 : memref<16x128xf32, #tpu.memory_space<vmem_shared>>) target_semaphore(%run_scoped3A : memref<!tpu.dma_semaphore, #tpu.memory_space<semaphore_mem>>)
        %dma_wait3A = arith.constant 9984 : i32
        %dma_wait3A_30 = arith.constant 0 : i32
        %dma_wait3A_31 = tpu.memref_slice %arg10[%dma_wait3A, %dma_wait3A_30] : memref<10008x128xf32, #tpu.memory_space<vmem_shared>> -> memref<16x128xf32, #tpu.memory_space<vmem_shared>>
        %dma_wait3A_32 = arith.constant 9984 : i32
        %dma_wait3A_33 = arith.constant 0 : i32
        %dma_wait3A_34 = tpu.memref_slice %arg5[%dma_wait3A_32, %dma_wait3A_33] : memref<10000x128xf32, #tpu.memory_space<hbm>> -> memref<16x128xf32, #tpu.memory_space<hbm>>
        tpu.wait_dma2 semaphore(%run_scoped3A : memref<!tpu.dma_semaphore, #tpu.memory_space<semaphore_mem>>) src(%dma_wait3A_34 : memref<16x128xf32, #tpu.memory_space<hbm>>) dst(%dma_wait3A_31 : memref<16x128xf32, #tpu.memory_space<vmem_shared>>)
        tpu.yield
      }) : () -> ()
    } else {
    }
    %barrier3A = arith.constant 0 : index
    tpu.barrier barrier_id(%barrier3A)
    %mul3A_5 = arith.constant 160 : i32
    %mul3A_6 = arith.muli %arg1, %mul3A_5 : i32
    %mul3A_7 = arith.constant 80 : i32
    %mul3A_8 = arith.muli %arg0, %mul3A_7 : i32
    %add3A = arith.addi %mul3A_6, %mul3A_8 : i32
    "tpu.region"() ({
      %run_scoped3A = tpu.sem_alloc : memref<!tpu.dma_semaphore, #tpu.memory_space<semaphore_mem>>
      %dma_start3A = arith.constant 0 : i32
      %dma_start3A_25 = tpu.memref_slice %arg3[%add3A, %dma_start3A] : memref<2560x128xi32, #tpu.memory_space<hbm>> -> memref<80x128xi32, #tpu.memory_space<hbm>>
      %dma_start3A_26 = arith.constant 0 : i32
      %dma_start3A_27 = tpu.memref_slice %arg3[%add3A, %dma_start3A_26] : memref<2560x128xi32, #tpu.memory_space<hbm>> -> memref<80x128xi32, #tpu.memory_space<hbm>>
      tpu.enqueue_dma source(%dma_start3A_27 : memref<80x128xi32, #tpu.memory_space<hbm>>) target(%arg7 : memref<80x128xi32, #tpu.memory_space<vmem>>) target_semaphore(%run_scoped3A : memref<!tpu.dma_semaphore, #tpu.memory_space<semaphore_mem>>)
      %dma_wait3A = arith.constant 0 : i32
      %dma_wait3A_28 = tpu.memref_slice %arg3[%add3A, %dma_wait3A] : memref<2560x128xi32, #tpu.memory_space<hbm>> -> memref<80x128xi32, #tpu.memory_space<hbm>>
      %dma_wait3A_29 = arith.constant 0 : i32
      %dma_wait3A_30 = tpu.memref_slice %arg3[%add3A, %dma_wait3A_29] : memref<2560x128xi32, #tpu.memory_space<hbm>> -> memref<80x128xi32, #tpu.memory_space<hbm>>
      tpu.wait_dma2 semaphore(%run_scoped3A : memref<!tpu.dma_semaphore, #tpu.memory_space<semaphore_mem>>) src(%dma_wait3A_30 : memref<80x128xi32, #tpu.memory_space<hbm>>) dst(%arg7 : memref<80x128xi32, #tpu.memory_space<vmem>>)
      tpu.yield
    }) : () -> ()
    "tpu.region"() ({
      %run_scoped3A = tpu.sem_alloc : memref<!tpu.dma_semaphore, #tpu.memory_space<semaphore_mem>>
      %dma_start3A = arith.constant 0 : i32
      %dma_start3A_25 = tpu.memref_slice %arg4[%add3A, %dma_start3A] : memref<2560x128xi32, #tpu.memory_space<hbm>> -> memref<80x128xi32, #tpu.memory_space<hbm>>
      %dma_start3A_26 = arith.constant 0 : i32
      %dma_start3A_27 = tpu.memref_slice %arg4[%add3A, %dma_start3A_26] : memref<2560x128xi32, #tpu.memory_space<hbm>> -> memref<80x128xi32, #tpu.memory_space<hbm>>
      tpu.enqueue_dma source(%dma_start3A_27 : memref<80x128xi32, #tpu.memory_space<hbm>>) target(%arg8 : memref<80x128xi32, #tpu.memory_space<vmem>>) target_semaphore(%run_scoped3A : memref<!tpu.dma_semaphore, #tpu.memory_space<semaphore_mem>>)
      %dma_wait3A = arith.constant 0 : i32
      %dma_wait3A_28 = tpu.memref_slice %arg4[%add3A, %dma_wait3A] : memref<2560x128xi32, #tpu.memory_space<hbm>> -> memref<80x128xi32, #tpu.memory_space<hbm>>
      %dma_wait3A_29 = arith.constant 0 : i32
      %dma_wait3A_30 = tpu.memref_slice %arg4[%add3A, %dma_wait3A_29] : memref<2560x128xi32, #tpu.memory_space<hbm>> -> memref<80x128xi32, #tpu.memory_space<hbm>>
      tpu.wait_dma2 semaphore(%run_scoped3A : memref<!tpu.dma_semaphore, #tpu.memory_space<semaphore_mem>>) src(%dma_wait3A_30 : memref<80x128xi32, #tpu.memory_space<hbm>>) dst(%arg8 : memref<80x128xi32, #tpu.memory_space<vmem>>)
      tpu.yield
    }) : () -> ()
    %scan3A = arith.constant 0 : i32
    %scan3A_9 = arith.constant 0 : i32
    %scan3A_10 = arith.constant 80 : i32
    %scan3A_11 = arith.addi %scan3A_9, %scan3A_10 : i32
    %scan3A_12 = arith.constant 1 : i32
    %scan3A_13 = scf.for %scan3A_25 = %scan3A_9 to %scan3A_11 step %scan3A_12 iter_args(%scan3A_26 = %scan3A) -> (i32)  : i32 {
      %dma_start3A = arith.constant 0 : i32
      %dma_start3A_27 = tpu.memref_slice %arg7[%scan3A_25, %dma_start3A] : memref<80x128xi32, #tpu.memory_space<vmem>> -> memref<1x128xi32, #tpu.memory_space<vmem>>
      %dma_start3A_28 = tpu.memref_squeeze %dma_start3A_27 : memref<1x128xi32, #tpu.memory_space<vmem>> -> memref<128xi32, #tpu.memory_space<vmem>>
      %dma_start3A_29 = arith.constant 0 : i32
      %dma_start3A_30 = arith.constant 0 : i32
      %dma_start3A_31 = tpu.memref_slice %arg2[%dma_start3A_29, %dma_start3A_30] : memref<10000x128xf32, #tpu.memory_space<hbm>> -> memref<10000x128xf32, #tpu.memory_space<hbm>>
      tpu.enqueue_indirect_dma source(%dma_start3A_31 : memref<10000x128xf32, #tpu.memory_space<hbm>>) target(%arg9 : memref<128x128xf32, #tpu.memory_space<vmem>>) offsets(%dma_start3A_28 : memref<128xi32, #tpu.memory_space<vmem>>) semaphore(%arg11 : memref<!tpu.dma_semaphore, #tpu.memory_space<semaphore_mem>>)
      %dma_wait3A = arith.constant 0 : i32
      %dma_wait3A_32 = tpu.memref_slice %arg7[%scan3A_25, %dma_wait3A] : memref<80x128xi32, #tpu.memory_space<vmem>> -> memref<1x128xi32, #tpu.memory_space<vmem>>
      %dma_wait3A_33 = tpu.memref_squeeze %dma_wait3A_32 : memref<1x128xi32, #tpu.memory_space<vmem>> -> memref<128xi32, #tpu.memory_space<vmem>>
      %dma_wait3A_34 = arith.constant 0 : i32
      %dma_wait3A_35 = arith.constant 0 : i32
      %dma_wait3A_36 = tpu.memref_slice %arg2[%dma_wait3A_34, %dma_wait3A_35] : memref<10000x128xf32, #tpu.memory_space<hbm>> -> memref<10000x128xf32, #tpu.memory_space<hbm>>
      tpu.wait_indirect_dma semaphore(%arg11 : memref<!tpu.dma_semaphore, #tpu.memory_space<semaphore_mem>>) src(%dma_wait3A_36 : memref<10000x128xf32, #tpu.memory_space<hbm>>) dst(%arg9 : memref<128x128xf32, #tpu.memory_space<vmem>>)
      "tpu.region"() ({
        %run_scoped3A = tpu.sem_alloc : memref<!tpu.dma_semaphore, #tpu.memory_space<semaphore_mem>>
        %dma_start3A_38 = arith.constant 0 : i32
        %dma_start3A_39 = tpu.memref_slice %arg8[%scan3A_25, %dma_start3A_38] : memref<80x128xi32, #tpu.memory_space<vmem>> -> memref<1x128xi32, #tpu.memory_space<vmem>>
        %dma_start3A_40 = tpu.memref_squeeze %dma_start3A_39 : memref<1x128xi32, #tpu.memory_space<vmem>> -> memref<128xi32, #tpu.memory_space<vmem>>
        %dma_start3A_41 = arith.constant 0 : i32
        %dma_start3A_42 = arith.constant 0 : i32
        %dma_start3A_43 = tpu.memref_slice %arg10[%dma_start3A_41, %dma_start3A_42] : memref<10008x128xf32, #tpu.memory_space<vmem_shared>> -> memref<10008x128xf32, #tpu.memory_space<vmem_shared>>
        tpu.enqueue_indirect_dma source(%arg9 : memref<128x128xf32, #tpu.memory_space<vmem>>) target(%dma_start3A_43 : memref<10008x128xf32, #tpu.memory_space<vmem_shared>>) offsets(%dma_start3A_40 : memref<128xi32, #tpu.memory_space<vmem>>) semaphore(%run_scoped3A : memref<!tpu.dma_semaphore, #tpu.memory_space<semaphore_mem>>) {add = true}
        %dma_wait3A_44 = arith.constant 0 : i32
        %dma_wait3A_45 = tpu.memref_slice %arg8[%scan3A_25, %dma_wait3A_44] : memref<80x128xi32, #tpu.memory_space<vmem>> -> memref<1x128xi32, #tpu.memory_space<vmem>>
        %dma_wait3A_46 = tpu.memref_squeeze %dma_wait3A_45 : memref<1x128xi32, #tpu.memory_space<vmem>> -> memref<128xi32, #tpu.memory_space<vmem>>
        %dma_wait3A_47 = arith.constant 0 : i32
        %dma_wait3A_48 = arith.constant 0 : i32
        %dma_wait3A_49 = tpu.memref_slice %arg10[%dma_wait3A_47, %dma_wait3A_48] : memref<10008x128xf32, #tpu.memory_space<vmem_shared>> -> memref<10008x128xf32, #tpu.memory_space<vmem_shared>>
        tpu.wait_indirect_dma semaphore(%run_scoped3A : memref<!tpu.dma_semaphore, #tpu.memory_space<semaphore_mem>>) src(%arg9 : memref<128x128xf32, #tpu.memory_space<vmem>>) dst(%dma_wait3A_49 : memref<10008x128xf32, #tpu.memory_space<vmem_shared>>)
        tpu.yield
      }) : () -> ()
      %scan3A_37 = arith.constant 0 : i32
      scf.yield %scan3A_37 : i32
    }
    %scan3A_14 = arith.constant 80 : i32
    %barrier3A_15 = arith.constant 0 : index
    tpu.barrier barrier_id(%barrier3A_15)
    %mul3A_16 = arith.constant 624 : i32
    %mul3A_17 = arith.muli %arg1, %mul3A_16 : i32
    %mul3A_18 = arith.constant 624 : i32
    %mul3A_19 = arith.muli %arg1, %mul3A_18 : i32
    "tpu.region"() ({
      %run_scoped3A = tpu.sem_alloc : memref<!tpu.dma_semaphore, #tpu.memory_space<semaphore_mem>>
      %dma_start3A = arith.constant 0 : i32
      %dma_start3A_25 = tpu.memref_slice %arg6[%arg0, %mul3A_19, %dma_start3A] : memref<2x10000x128xf32, #tpu.memory_space<hbm>> -> memref<1x624x128xf32, #tpu.memory_space<hbm>>
      %dma_start3A_26 = tpu.memref_squeeze %dma_start3A_25 : memref<1x624x128xf32, #tpu.memory_space<hbm>> -> memref<624x128xf32, #tpu.memory_space<hbm>>
      %dma_start3A_27 = arith.constant 0 : i32
      %dma_start3A_28 = tpu.memref_slice %arg10[%mul3A_17, %dma_start3A_27] : memref<10008x128xf32, #tpu.memory_space<vmem_shared>> -> memref<624x128xf32, #tpu.memory_space<vmem_shared>>
      tpu.enqueue_dma source(%dma_start3A_28 : memref<624x128xf32, #tpu.memory_space<vmem_shared>>) target(%dma_start3A_26 : memref<624x128xf32, #tpu.memory_space<hbm>>) target_semaphore(%run_scoped3A : memref<!tpu.dma_semaphore, #tpu.memory_space<semaphore_mem>>)
      %dma_wait3A = arith.constant 0 : i32
      %dma_wait3A_29 = tpu.memref_slice %arg6[%arg0, %mul3A_19, %dma_wait3A] : memref<2x10000x128xf32, #tpu.memory_space<hbm>> -> memref<1x624x128xf32, #tpu.memory_space<hbm>>
      %dma_wait3A_30 = tpu.memref_squeeze %dma_wait3A_29 : memref<1x624x128xf32, #tpu.memory_space<hbm>> -> memref<624x128xf32, #tpu.memory_space<hbm>>
      %dma_wait3A_31 = arith.constant 0 : i32
      %dma_wait3A_32 = tpu.memref_slice %arg10[%mul3A_17, %dma_wait3A_31] : memref<10008x128xf32, #tpu.memory_space<vmem_shared>> -> memref<624x128xf32, #tpu.memory_space<vmem_shared>>
      tpu.wait_dma2 semaphore(%run_scoped3A : memref<!tpu.dma_semaphore, #tpu.memory_space<semaphore_mem>>) src(%dma_wait3A_32 : memref<624x128xf32, #tpu.memory_space<vmem_shared>>) dst(%dma_wait3A_30 : memref<624x128xf32, #tpu.memory_space<hbm>>)
      tpu.yield
    }) : () -> ()
    %eq3A_20 = arith.constant 15 : i32
    %eq3A_21 = arith.cmpi eq, %arg1, %eq3A_20 : i32
    %convert_element_type3A_22 = arith.extui %eq3A_21 : i1 to i32
    %cond3A_23 = arith.constant 0 : i32
    %cond3A_24 = arith.cmpi ne, %convert_element_type3A_22, %cond3A_23 : i32
    scf.if %cond3A_24 {
      "tpu.region"() ({
        %run_scoped3A = tpu.sem_alloc : memref<!tpu.dma_semaphore, #tpu.memory_space<semaphore_mem>>
        %dma_start3A = arith.constant 9984 : i32
        %dma_start3A_25 = arith.constant 0 : i32
        %dma_start3A_26 = tpu.memref_slice %arg6[%arg0, %dma_start3A, %dma_start3A_25] : memref<2x10000x128xf32, #tpu.memory_space<hbm>> -> memref<1x16x128xf32, #tpu.memory_space<hbm>>
        %dma_start3A_27 = tpu.memref_squeeze %dma_start3A_26 : memref<1x16x128xf32, #tpu.memory_space<hbm>> -> memref<16x128xf32, #tpu.memory_space<hbm>>
        %dma_start3A_28 = arith.constant 9984 : i32
        %dma_start3A_29 = arith.constant 0 : i32
        %dma_start3A_30 = tpu.memref_slice %arg10[%dma_start3A_28, %dma_start3A_29] : memref<10008x128xf32, #tpu.memory_space<vmem_shared>> -> memref<16x128xf32, #tpu.memory_space<vmem_shared>>
        tpu.enqueue_dma source(%dma_start3A_30 : memref<16x128xf32, #tpu.memory_space<vmem_shared>>) target(%dma_start3A_27 : memref<16x128xf32, #tpu.memory_space<hbm>>) target_semaphore(%run_scoped3A : memref<!tpu.dma_semaphore, #tpu.memory_space<semaphore_mem>>)
        %dma_wait3A = arith.constant 9984 : i32
        %dma_wait3A_31 = arith.constant 0 : i32
        %dma_wait3A_32 = tpu.memref_slice %arg6[%arg0, %dma_wait3A, %dma_wait3A_31] : memref<2x10000x128xf32, #tpu.memory_space<hbm>> -> memref<1x16x128xf32, #tpu.memory_space<hbm>>
        %dma_wait3A_33 = tpu.memref_squeeze %dma_wait3A_32 : memref<1x16x128xf32, #tpu.memory_space<hbm>> -> memref<16x128xf32, #tpu.memory_space<hbm>>
        %dma_wait3A_34 = arith.constant 9984 : i32
        %dma_wait3A_35 = arith.constant 0 : i32
        %dma_wait3A_36 = tpu.memref_slice %arg10[%dma_wait3A_34, %dma_wait3A_35] : memref<10008x128xf32, #tpu.memory_space<vmem_shared>> -> memref<16x128xf32, #tpu.memory_space<vmem_shared>>
        tpu.wait_dma2 semaphore(%run_scoped3A : memref<!tpu.dma_semaphore, #tpu.memory_space<semaphore_mem>>) src(%dma_wait3A_36 : memref<16x128xf32, #tpu.memory_space<vmem_shared>>) dst(%dma_wait3A_33 : memref<16x128xf32, #tpu.memory_space<hbm>>)
        tpu.yield
      }) : () -> ()
    } else {
    }
    return
  }
}

#map = affine_map<(d0, d1) -> (0, 0)>
#map1 = affine_map<(d0, d1) -> (0, 0, 0)>
module attributes {stable_mosaic.version = 14 : i64} {
  func.func @_agg_kernel_body(%arg0: i32, %arg1: i32, %arg2: memref<10000x128xf32, #tpu.memory_space<hbm>>, %arg3: memref<2560x128xi32, #tpu.memory_space<hbm>>, %arg4: memref<2560x128xi32, #tpu.memory_space<hbm>>, %arg5: memref<10000x128xf32, #tpu.memory_space<hbm>>, %arg6: memref<2x10000x128xf32, #tpu.memory_space<hbm>>, %arg7: memref<80x128xi32, #tpu.memory_space<vmem>>, %arg8: memref<80x128xi32, #tpu.memory_space<vmem>>, %arg9: memref<128x128xf32, #tpu.memory_space<vmem>>, %arg10: memref<10008x128xf32, #tpu.memory_space<vmem_shared>>, %arg11: memref<!tpu.dma_semaphore, #tpu.memory_space<semaphore_mem>>) attributes {dimension_semantics = [#tpu.dimension_semantics<core_parallel>, #tpu.dimension_semantics<subcore_parallel>], iteration_bounds = array<i64: 2, 16>, scalar_prefetch = 0 : i64, scratch_operands = 5 : i64, tpu.core_type = #tpu.core_type<sc_vector_subcore>, window_params = [{transform_indices = #map}, {transform_indices = #map}, {transform_indices = #map}, {transform_indices = #map}, {transform_indices = #map1}]} {
    %mul3A = arith.constant 624 : i32
    %mul3A_0 = arith.muli %arg1, %mul3A : i32
    %mul3A_1 = arith.constant 624 : i32
    %mul3A_2 = arith.muli %arg1, %mul3A_1 : i32
    "tpu.region"() ({
      %run_scoped3A = tpu.sem_alloc : memref<!tpu.dma_semaphore, #tpu.memory_space<semaphore_mem>>
      %dma_start3A = arith.constant 0 : i32
      %dma_start3A_25 = tpu.memref_slice %arg10[%mul3A_2, %dma_start3A] : memref<10008x128xf32, #tpu.memory_space<vmem_shared>> -> memref<624x128xf32, #tpu.memory_space<vmem_shared>>
      %dma_start3A_26 = arith.constant 0 : i32
      %dma_start3A_27 = tpu.memref_slice %arg5[%mul3A_0, %dma_start3A_26] : memref<10000x128xf32, #tpu.memory_space<hbm>> -> memref<624x128xf32, #tpu.memory_space<hbm>>
      tpu.enqueue_dma source(%dma_start3A_27 : memref<624x128xf32, #tpu.memory_space<hbm>>) target(%dma_start3A_25 : memref<624x128xf32, #tpu.memory_space<vmem_shared>>) target_semaphore(%run_scoped3A : memref<!tpu.dma_semaphore, #tpu.memory_space<semaphore_mem>>)
      %dma_wait3A = arith.constant 0 : i32
      %dma_wait3A_28 = tpu.memref_slice %arg10[%mul3A_2, %dma_wait3A] : memref<10008x128xf32, #tpu.memory_space<vmem_shared>> -> memref<624x128xf32, #tpu.memory_space<vmem_shared>>
      %dma_wait3A_29 = arith.constant 0 : i32
      %dma_wait3A_30 = tpu.memref_slice %arg5[%mul3A_0, %dma_wait3A_29] : memref<10000x128xf32, #tpu.memory_space<hbm>> -> memref<624x128xf32, #tpu.memory_space<hbm>>
      tpu.wait_dma2 semaphore(%run_scoped3A : memref<!tpu.dma_semaphore, #tpu.memory_space<semaphore_mem>>) src(%dma_wait3A_30 : memref<624x128xf32, #tpu.memory_space<hbm>>) dst(%dma_wait3A_28 : memref<624x128xf32, #tpu.memory_space<vmem_shared>>)
      tpu.yield
    }) : () -> ()
    %eq3A = arith.constant 15 : i32
    %eq3A_3 = arith.cmpi eq, %arg1, %eq3A : i32
    %convert_element_type3A = arith.extui %eq3A_3 : i1 to i32
    %cond3A = arith.constant 0 : i32
    %cond3A_4 = arith.cmpi ne, %convert_element_type3A, %cond3A : i32
    scf.if %cond3A_4 {
      "tpu.region"() ({
        %run_scoped3A = tpu.sem_alloc : memref<!tpu.dma_semaphore, #tpu.memory_space<semaphore_mem>>
        %dma_start3A = arith.constant 9984 : i32
        %dma_start3A_25 = arith.constant 0 : i32
        %dma_start3A_26 = tpu.memref_slice %arg10[%dma_start3A, %dma_start3A_25] : memref<10008x128xf32, #tpu.memory_space<vmem_shared>> -> memref<16x128xf32, #tpu.memory_space<vmem_shared>>
        %dma_start3A_27 = arith.constant 9984 : i32
        %dma_start3A_28 = arith.constant 0 : i32
        %dma_start3A_29 = tpu.memref_slice %arg5[%dma_start3A_27, %dma_start3A_28] : memref<10000x128xf32, #tpu.memory_space<hbm>> -> memref<16x128xf32, #tpu.memory_space<hbm>>
        tpu.enqueue_dma source(%dma_start3A_29 : memref<16x128xf32, #tpu.memory_space<hbm>>) target(%dma_start3A_26 : memref<16x128xf32, #tpu.memory_space<vmem_shared>>) target_semaphore(%run_scoped3A : memref<!tpu.dma_semaphore, #tpu.memory_space<semaphore_mem>>)
        %dma_wait3A = arith.constant 9984 : i32
        %dma_wait3A_30 = arith.constant 0 : i32
        %dma_wait3A_31 = tpu.memref_slice %arg10[%dma_wait3A, %dma_wait3A_30] : memref<10008x128xf32, #tpu.memory_space<vmem_shared>> -> memref<16x128xf32, #tpu.memory_space<vmem_shared>>
        %dma_wait3A_32 = arith.constant 9984 : i32
        %dma_wait3A_33 = arith.constant 0 : i32
        %dma_wait3A_34 = tpu.memref_slice %arg5[%dma_wait3A_32, %dma_wait3A_33] : memref<10000x128xf32, #tpu.memory_space<hbm>> -> memref<16x128xf32, #tpu.memory_space<hbm>>
        tpu.wait_dma2 semaphore(%run_scoped3A : memref<!tpu.dma_semaphore, #tpu.memory_space<semaphore_mem>>) src(%dma_wait3A_34 : memref<16x128xf32, #tpu.memory_space<hbm>>) dst(%dma_wait3A_31 : memref<16x128xf32, #tpu.memory_space<vmem_shared>>)
        tpu.yield
      }) : () -> ()
    } else {
    }
    %barrier3A = arith.constant 0 : index
    tpu.barrier barrier_id(%barrier3A)
    %mul3A_5 = arith.constant 160 : i32
    %mul3A_6 = arith.muli %arg1, %mul3A_5 : i32
    %mul3A_7 = arith.constant 80 : i32
    %mul3A_8 = arith.muli %arg0, %mul3A_7 : i32
    %add3A = arith.addi %mul3A_6, %mul3A_8 : i32
    "tpu.region"() ({
      %run_scoped3A = tpu.sem_alloc : memref<!tpu.dma_semaphore, #tpu.memory_space<semaphore_mem>>
      %dma_start3A = arith.constant 0 : i32
      %dma_start3A_25 = tpu.memref_slice %arg3[%add3A, %dma_start3A] : memref<2560x128xi32, #tpu.memory_space<hbm>> -> memref<80x128xi32, #tpu.memory_space<hbm>>
      %dma_start3A_26 = arith.constant 0 : i32
      %dma_start3A_27 = tpu.memref_slice %arg3[%add3A, %dma_start3A_26] : memref<2560x128xi32, #tpu.memory_space<hbm>> -> memref<80x128xi32, #tpu.memory_space<hbm>>
      tpu.enqueue_dma source(%dma_start3A_27 : memref<80x128xi32, #tpu.memory_space<hbm>>) target(%arg7 : memref<80x128xi32, #tpu.memory_space<vmem>>) target_semaphore(%run_scoped3A : memref<!tpu.dma_semaphore, #tpu.memory_space<semaphore_mem>>)
      %dma_wait3A = arith.constant 0 : i32
      %dma_wait3A_28 = tpu.memref_slice %arg3[%add3A, %dma_wait3A] : memref<2560x128xi32, #tpu.memory_space<hbm>> -> memref<80x128xi32, #tpu.memory_space<hbm>>
      %dma_wait3A_29 = arith.constant 0 : i32
      %dma_wait3A_30 = tpu.memref_slice %arg3[%add3A, %dma_wait3A_29] : memref<2560x128xi32, #tpu.memory_space<hbm>> -> memref<80x128xi32, #tpu.memory_space<hbm>>
      tpu.wait_dma2 semaphore(%run_scoped3A : memref<!tpu.dma_semaphore, #tpu.memory_space<semaphore_mem>>) src(%dma_wait3A_30 : memref<80x128xi32, #tpu.memory_space<hbm>>) dst(%arg7 : memref<80x128xi32, #tpu.memory_space<vmem>>)
      tpu.yield
    }) : () -> ()
    "tpu.region"() ({
      %run_scoped3A = tpu.sem_alloc : memref<!tpu.dma_semaphore, #tpu.memory_space<semaphore_mem>>
      %dma_start3A = arith.constant 0 : i32
      %dma_start3A_25 = tpu.memref_slice %arg4[%add3A, %dma_start3A] : memref<2560x128xi32, #tpu.memory_space<hbm>> -> memref<80x128xi32, #tpu.memory_space<hbm>>
      %dma_start3A_26 = arith.constant 0 : i32
      %dma_start3A_27 = tpu.memref_slice %arg4[%add3A, %dma_start3A_26] : memref<2560x128xi32, #tpu.memory_space<hbm>> -> memref<80x128xi32, #tpu.memory_space<hbm>>
      tpu.enqueue_dma source(%dma_start3A_27 : memref<80x128xi32, #tpu.memory_space<hbm>>) target(%arg8 : memref<80x128xi32, #tpu.memory_space<vmem>>) target_semaphore(%run_scoped3A : memref<!tpu.dma_semaphore, #tpu.memory_space<semaphore_mem>>)
      %dma_wait3A = arith.constant 0 : i32
      %dma_wait3A_28 = tpu.memref_slice %arg4[%add3A, %dma_wait3A] : memref<2560x128xi32, #tpu.memory_space<hbm>> -> memref<80x128xi32, #tpu.memory_space<hbm>>
      %dma_wait3A_29 = arith.constant 0 : i32
      %dma_wait3A_30 = tpu.memref_slice %arg4[%add3A, %dma_wait3A_29] : memref<2560x128xi32, #tpu.memory_space<hbm>> -> memref<80x128xi32, #tpu.memory_space<hbm>>
      tpu.wait_dma2 semaphore(%run_scoped3A : memref<!tpu.dma_semaphore, #tpu.memory_space<semaphore_mem>>) src(%dma_wait3A_30 : memref<80x128xi32, #tpu.memory_space<hbm>>) dst(%arg8 : memref<80x128xi32, #tpu.memory_space<vmem>>)
      tpu.yield
    }) : () -> ()
    %scan3A = arith.constant 0 : i32
    %scan3A_9 = arith.constant 0 : i32
    %scan3A_10 = arith.constant 80 : i32
    %scan3A_11 = arith.addi %scan3A_9, %scan3A_10 : i32
    %scan3A_12 = arith.constant 1 : i32
    %scan3A_13 = scf.for %scan3A_25 = %scan3A_9 to %scan3A_11 step %scan3A_12 iter_args(%scan3A_26 = %scan3A) -> (i32)  : i32 {
      %dma_start3A = arith.constant 0 : i32
      %dma_start3A_27 = tpu.memref_slice %arg7[%scan3A_25, %dma_start3A] : memref<80x128xi32, #tpu.memory_space<vmem>> -> memref<1x128xi32, #tpu.memory_space<vmem>>
      %dma_start3A_28 = tpu.memref_squeeze %dma_start3A_27 : memref<1x128xi32, #tpu.memory_space<vmem>> -> memref<128xi32, #tpu.memory_space<vmem>>
      %dma_start3A_29 = arith.constant 0 : i32
      %dma_start3A_30 = arith.constant 0 : i32
      %dma_start3A_31 = tpu.memref_slice %arg2[%dma_start3A_29, %dma_start3A_30] : memref<10000x128xf32, #tpu.memory_space<hbm>> -> memref<10000x128xf32, #tpu.memory_space<hbm>>
      tpu.enqueue_indirect_dma source(%dma_start3A_31 : memref<10000x128xf32, #tpu.memory_space<hbm>>) target(%arg9 : memref<128x128xf32, #tpu.memory_space<vmem>>) offsets(%dma_start3A_28 : memref<128xi32, #tpu.memory_space<vmem>>) semaphore(%arg11 : memref<!tpu.dma_semaphore, #tpu.memory_space<semaphore_mem>>)
      %dma_wait3A = arith.constant 0 : i32
      %dma_wait3A_32 = tpu.memref_slice %arg7[%scan3A_25, %dma_wait3A] : memref<80x128xi32, #tpu.memory_space<vmem>> -> memref<1x128xi32, #tpu.memory_space<vmem>>
      %dma_wait3A_33 = tpu.memref_squeeze %dma_wait3A_32 : memref<1x128xi32, #tpu.memory_space<vmem>> -> memref<128xi32, #tpu.memory_space<vmem>>
      %dma_wait3A_34 = arith.constant 0 : i32
      %dma_wait3A_35 = arith.constant 0 : i32
      %dma_wait3A_36 = tpu.memref_slice %arg2[%dma_wait3A_34, %dma_wait3A_35] : memref<10000x128xf32, #tpu.memory_space<hbm>> -> memref<10000x128xf32, #tpu.memory_space<hbm>>
      tpu.wait_indirect_dma semaphore(%arg11 : memref<!tpu.dma_semaphore, #tpu.memory_space<semaphore_mem>>) src(%dma_wait3A_36 : memref<10000x128xf32, #tpu.memory_space<hbm>>) dst(%arg9 : memref<128x128xf32, #tpu.memory_space<vmem>>)
      "tpu.region"() ({
        %run_scoped3A = tpu.sem_alloc : memref<!tpu.dma_semaphore, #tpu.memory_space<semaphore_mem>>
        %dma_start3A_38 = arith.constant 0 : i32
        %dma_start3A_39 = tpu.memref_slice %arg8[%scan3A_25, %dma_start3A_38] : memref<80x128xi32, #tpu.memory_space<vmem>> -> memref<1x128xi32, #tpu.memory_space<vmem>>
        %dma_start3A_40 = tpu.memref_squeeze %dma_start3A_39 : memref<1x128xi32, #tpu.memory_space<vmem>> -> memref<128xi32, #tpu.memory_space<vmem>>
        %dma_start3A_41 = arith.constant 0 : i32
        %dma_start3A_42 = arith.constant 0 : i32
        %dma_start3A_43 = tpu.memref_slice %arg10[%dma_start3A_41, %dma_start3A_42] : memref<10008x128xf32, #tpu.memory_space<vmem_shared>> -> memref<10008x128xf32, #tpu.memory_space<vmem_shared>>
        tpu.enqueue_indirect_dma source(%arg9 : memref<128x128xf32, #tpu.memory_space<vmem>>) target(%dma_start3A_43 : memref<10008x128xf32, #tpu.memory_space<vmem_shared>>) offsets(%dma_start3A_40 : memref<128xi32, #tpu.memory_space<vmem>>) semaphore(%run_scoped3A : memref<!tpu.dma_semaphore, #tpu.memory_space<semaphore_mem>>) {add = true}
        %dma_wait3A_44 = arith.constant 0 : i32
        %dma_wait3A_45 = tpu.memref_slice %arg8[%scan3A_25, %dma_wait3A_44] : memref<80x128xi32, #tpu.memory_space<vmem>> -> memref<1x128xi32, #tpu.memory_space<vmem>>
        %dma_wait3A_46 = tpu.memref_squeeze %dma_wait3A_45 : memref<1x128xi32, #tpu.memory_space<vmem>> -> memref<128xi32, #tpu.memory_space<vmem>>
        %dma_wait3A_47 = arith.constant 0 : i32
        %dma_wait3A_48 = arith.constant 0 : i32
        %dma_wait3A_49 = tpu.memref_slice %arg10[%dma_wait3A_47, %dma_wait3A_48] : memref<10008x128xf32, #tpu.memory_space<vmem_shared>> -> memref<10008x128xf32, #tpu.memory_space<vmem_shared>>
        tpu.wait_indirect_dma semaphore(%run_scoped3A : memref<!tpu.dma_semaphore, #tpu.memory_space<semaphore_mem>>) src(%arg9 : memref<128x128xf32, #tpu.memory_space<vmem>>) dst(%dma_wait3A_49 : memref<10008x128xf32, #tpu.memory_space<vmem_shared>>)
        tpu.yield
      }) : () -> ()
      %scan3A_37 = arith.constant 0 : i32
      scf.yield %scan3A_37 : i32
    }
    %scan3A_14 = arith.constant 80 : i32
    %barrier3A_15 = arith.constant 0 : index
    tpu.barrier barrier_id(%barrier3A_15)
    %mul3A_16 = arith.constant 624 : i32
    %mul3A_17 = arith.muli %arg1, %mul3A_16 : i32
    %mul3A_18 = arith.constant 624 : i32
    %mul3A_19 = arith.muli %arg1, %mul3A_18 : i32
    "tpu.region"() ({
      %run_scoped3A = tpu.sem_alloc : memref<!tpu.dma_semaphore, #tpu.memory_space<semaphore_mem>>
      %dma_start3A = arith.constant 0 : i32
      %dma_start3A_25 = tpu.memref_slice %arg6[%arg0, %mul3A_19, %dma_start3A] : memref<2x10000x128xf32, #tpu.memory_space<hbm>> -> memref<1x624x128xf32, #tpu.memory_space<hbm>>
      %dma_start3A_26 = tpu.memref_squeeze %dma_start3A_25 : memref<1x624x128xf32, #tpu.memory_space<hbm>> -> memref<624x128xf32, #tpu.memory_space<hbm>>
      %dma_start3A_27 = arith.constant 0 : i32
      %dma_start3A_28 = tpu.memref_slice %arg10[%mul3A_17, %dma_start3A_27] : memref<10008x128xf32, #tpu.memory_space<vmem_shared>> -> memref<624x128xf32, #tpu.memory_space<vmem_shared>>
      tpu.enqueue_dma source(%dma_start3A_28 : memref<624x128xf32, #tpu.memory_space<vmem_shared>>) target(%dma_start3A_26 : memref<624x128xf32, #tpu.memory_space<hbm>>) target_semaphore(%run_scoped3A : memref<!tpu.dma_semaphore, #tpu.memory_space<semaphore_mem>>)
      %dma_wait3A = arith.constant 0 : i32
      %dma_wait3A_29 = tpu.memref_slice %arg6[%arg0, %mul3A_19, %dma_wait3A] : memref<2x10000x128xf32, #tpu.memory_space<hbm>> -> memref<1x624x128xf32, #tpu.memory_space<hbm>>
      %dma_wait3A_30 = tpu.memref_squeeze %dma_wait3A_29 : memref<1x624x128xf32, #tpu.memory_space<hbm>> -> memref<624x128xf32, #tpu.memory_space<hbm>>
      %dma_wait3A_31 = arith.constant 0 : i32
      %dma_wait3A_32 = tpu.memref_slice %arg10[%mul3A_17, %dma_wait3A_31] : memref<10008x128xf32, #tpu.memory_space<vmem_shared>> -> memref<624x128xf32, #tpu.memory_space<vmem_shared>>
      tpu.wait_dma2 semaphore(%run_scoped3A : memref<!tpu.dma_semaphore, #tpu.memory_space<semaphore_mem>>) src(%dma_wait3A_32 : memref<624x128xf32, #tpu.memory_space<vmem_shared>>) dst(%dma_wait3A_30 : memref<624x128xf32, #tpu.memory_space<hbm>>)
      tpu.yield
    }) : () -> ()
    %eq3A_20 = arith.constant 15 : i32
    %eq3A_21 = arith.cmpi eq, %arg1, %eq3A_20 : i32
    %convert_element_type3A_22 = arith.extui %eq3A_21 : i1 to i32
    %cond3A_23 = arith.constant 0 : i32
    %cond3A_24 = arith.cmpi ne, %convert_element_type3A_22, %cond3A_23 : i32
    scf.if %cond3A_24 {
      "tpu.region"() ({
        %run_scoped3A = tpu.sem_alloc : memref<!tpu.dma_semaphore, #tpu.memory_space<semaphore_mem>>
        %dma_start3A = arith.constant 9984 : i32
        %dma_start3A_25 = arith.constant 0 : i32
        %dma_start3A_26 = tpu.memref_slice %arg6[%arg0, %dma_start3A, %dma_start3A_25] : memref<2x10000x128xf32, #tpu.memory_space<hbm>> -> memref<1x16x128xf32, #tpu.memory_space<hbm>>
        %dma_start3A_27 = tpu.memref_squeeze %dma_start3A_26 : memref<1x16x128xf32, #tpu.memory_space<hbm>> -> memref<16x128xf32, #tpu.memory_space<hbm>>
        %dma_start3A_28 = arith.constant 9984 : i32
        %dma_start3A_29 = arith.constant 0 : i32
        %dma_start3A_30 = tpu.memref_slice %arg10[%dma_start3A_28, %dma_start3A_29] : memref<10008x128xf32, #tpu.memory_space<vmem_shared>> -> memref<16x128xf32, #tpu.memory_space<vmem_shared>>
        tpu.enqueue_dma source(%dma_start3A_30 : memref<16x128xf32, #tpu.memory_space<vmem_shared>>) target(%dma_start3A_27 : memref<16x128xf32, #tpu.memory_space<hbm>>) target_semaphore(%run_scoped3A : memref<!tpu.dma_semaphore, #tpu.memory_space<semaphore_mem>>)
        %dma_wait3A = arith.constant 9984 : i32
        %dma_wait3A_31 = arith.constant 0 : i32
        %dma_wait3A_32 = tpu.memref_slice %arg6[%arg0, %dma_wait3A, %dma_wait3A_31] : memref<2x10000x128xf32, #tpu.memory_space<hbm>> -> memref<1x16x128xf32, #tpu.memory_space<hbm>>
        %dma_wait3A_33 = tpu.memref_squeeze %dma_wait3A_32 : memref<1x16x128xf32, #tpu.memory_space<hbm>> -> memref<16x128xf32, #tpu.memory_space<hbm>>
        %dma_wait3A_34 = arith.constant 9984 : i32
        %dma_wait3A_35 = arith.constant 0 : i32
        %dma_wait3A_36 = tpu.memref_slice %arg10[%dma_wait3A_34, %dma_wait3A_35] : memref<10008x128xf32, #tpu.memory_space<vmem_shared>> -> memref<16x128xf32, #tpu.memory_space<vmem_shared>>
        tpu.wait_dma2 semaphore(%run_scoped3A : memref<!tpu.dma_semaphore, #tpu.memory_space<semaphore_mem>>) src(%dma_wait3A_36 : memref<16x128xf32, #tpu.memory_space<vmem_shared>>) dst(%dma_wait3A_33 : memref<16x128xf32, #tpu.memory_space<hbm>>)
        tpu.yield
      }) : () -> ()
    } else {
    }
    return
  }
}

#map = affine_map<(d0, d1) -> (0, 0)>
#map1 = affine_map<(d0, d1) -> (0, 0, 0)>
module attributes {stable_mosaic.version = 14 : i64} {
  func.func @_agg_kernel_body(%arg0: i32, %arg1: i32, %arg2: memref<10000x128xf32, #tpu.memory_space<hbm>>, %arg3: memref<2560x128xi32, #tpu.memory_space<hbm>>, %arg4: memref<2560x128xi32, #tpu.memory_space<hbm>>, %arg5: memref<10000x128xf32, #tpu.memory_space<hbm>>, %arg6: memref<2x10000x128xf32, #tpu.memory_space<hbm>>, %arg7: memref<80x128xi32, #tpu.memory_space<vmem>>, %arg8: memref<80x128xi32, #tpu.memory_space<vmem>>, %arg9: memref<128x128xf32, #tpu.memory_space<vmem>>, %arg10: memref<10008x128xf32, #tpu.memory_space<vmem_shared>>, %arg11: memref<!tpu.dma_semaphore, #tpu.memory_space<semaphore_mem>>) attributes {dimension_semantics = [#tpu.dimension_semantics<core_parallel>, #tpu.dimension_semantics<subcore_parallel>], iteration_bounds = array<i64: 2, 16>, scalar_prefetch = 0 : i64, scratch_operands = 5 : i64, tpu.core_type = #tpu.core_type<sc_vector_subcore>, window_params = [{transform_indices = #map}, {transform_indices = #map}, {transform_indices = #map}, {transform_indices = #map}, {transform_indices = #map1}]} {
    %mul3A = arith.constant 624 : i32
    %mul3A_0 = arith.muli %arg1, %mul3A : i32
    %mul3A_1 = arith.constant 624 : i32
    %mul3A_2 = arith.muli %arg1, %mul3A_1 : i32
    "tpu.region"() ({
      %run_scoped3A = tpu.sem_alloc : memref<!tpu.dma_semaphore, #tpu.memory_space<semaphore_mem>>
      %dma_start3A = arith.constant 0 : i32
      %dma_start3A_25 = tpu.memref_slice %arg10[%mul3A_2, %dma_start3A] : memref<10008x128xf32, #tpu.memory_space<vmem_shared>> -> memref<624x128xf32, #tpu.memory_space<vmem_shared>>
      %dma_start3A_26 = arith.constant 0 : i32
      %dma_start3A_27 = tpu.memref_slice %arg5[%mul3A_0, %dma_start3A_26] : memref<10000x128xf32, #tpu.memory_space<hbm>> -> memref<624x128xf32, #tpu.memory_space<hbm>>
      tpu.enqueue_dma source(%dma_start3A_27 : memref<624x128xf32, #tpu.memory_space<hbm>>) target(%dma_start3A_25 : memref<624x128xf32, #tpu.memory_space<vmem_shared>>) target_semaphore(%run_scoped3A : memref<!tpu.dma_semaphore, #tpu.memory_space<semaphore_mem>>)
      %dma_wait3A = arith.constant 0 : i32
      %dma_wait3A_28 = tpu.memref_slice %arg10[%mul3A_2, %dma_wait3A] : memref<10008x128xf32, #tpu.memory_space<vmem_shared>> -> memref<624x128xf32, #tpu.memory_space<vmem_shared>>
      %dma_wait3A_29 = arith.constant 0 : i32
      %dma_wait3A_30 = tpu.memref_slice %arg5[%mul3A_0, %dma_wait3A_29] : memref<10000x128xf32, #tpu.memory_space<hbm>> -> memref<624x128xf32, #tpu.memory_space<hbm>>
      tpu.wait_dma2 semaphore(%run_scoped3A : memref<!tpu.dma_semaphore, #tpu.memory_space<semaphore_mem>>) src(%dma_wait3A_30 : memref<624x128xf32, #tpu.memory_space<hbm>>) dst(%dma_wait3A_28 : memref<624x128xf32, #tpu.memory_space<vmem_shared>>)
      tpu.yield
    }) : () -> ()
    %eq3A = arith.constant 15 : i32
    %eq3A_3 = arith.cmpi eq, %arg1, %eq3A : i32
    %convert_element_type3A = arith.extui %eq3A_3 : i1 to i32
    %cond3A = arith.constant 0 : i32
    %cond3A_4 = arith.cmpi ne, %convert_element_type3A, %cond3A : i32
    scf.if %cond3A_4 {
      "tpu.region"() ({
        %run_scoped3A = tpu.sem_alloc : memref<!tpu.dma_semaphore, #tpu.memory_space<semaphore_mem>>
        %dma_start3A = arith.constant 9984 : i32
        %dma_start3A_25 = arith.constant 0 : i32
        %dma_start3A_26 = tpu.memref_slice %arg10[%dma_start3A, %dma_start3A_25] : memref<10008x128xf32, #tpu.memory_space<vmem_shared>> -> memref<16x128xf32, #tpu.memory_space<vmem_shared>>
        %dma_start3A_27 = arith.constant 9984 : i32
        %dma_start3A_28 = arith.constant 0 : i32
        %dma_start3A_29 = tpu.memref_slice %arg5[%dma_start3A_27, %dma_start3A_28] : memref<10000x128xf32, #tpu.memory_space<hbm>> -> memref<16x128xf32, #tpu.memory_space<hbm>>
        tpu.enqueue_dma source(%dma_start3A_29 : memref<16x128xf32, #tpu.memory_space<hbm>>) target(%dma_start3A_26 : memref<16x128xf32, #tpu.memory_space<vmem_shared>>) target_semaphore(%run_scoped3A : memref<!tpu.dma_semaphore, #tpu.memory_space<semaphore_mem>>)
        %dma_wait3A = arith.constant 9984 : i32
        %dma_wait3A_30 = arith.constant 0 : i32
        %dma_wait3A_31 = tpu.memref_slice %arg10[%dma_wait3A, %dma_wait3A_30] : memref<10008x128xf32, #tpu.memory_space<vmem_shared>> -> memref<16x128xf32, #tpu.memory_space<vmem_shared>>
        %dma_wait3A_32 = arith.constant 9984 : i32
        %dma_wait3A_33 = arith.constant 0 : i32
        %dma_wait3A_34 = tpu.memref_slice %arg5[%dma_wait3A_32, %dma_wait3A_33] : memref<10000x128xf32, #tpu.memory_space<hbm>> -> memref<16x128xf32, #tpu.memory_space<hbm>>
        tpu.wait_dma2 semaphore(%run_scoped3A : memref<!tpu.dma_semaphore, #tpu.memory_space<semaphore_mem>>) src(%dma_wait3A_34 : memref<16x128xf32, #tpu.memory_space<hbm>>) dst(%dma_wait3A_31 : memref<16x128xf32, #tpu.memory_space<vmem_shared>>)
        tpu.yield
      }) : () -> ()
    } else {
    }
    %barrier3A = arith.constant 0 : index
    tpu.barrier barrier_id(%barrier3A)
    %mul3A_5 = arith.constant 160 : i32
    %mul3A_6 = arith.muli %arg1, %mul3A_5 : i32
    %mul3A_7 = arith.constant 80 : i32
    %mul3A_8 = arith.muli %arg0, %mul3A_7 : i32
    %add3A = arith.addi %mul3A_6, %mul3A_8 : i32
    "tpu.region"() ({
      %run_scoped3A = tpu.sem_alloc : memref<!tpu.dma_semaphore, #tpu.memory_space<semaphore_mem>>
      %dma_start3A = arith.constant 0 : i32
      %dma_start3A_25 = tpu.memref_slice %arg3[%add3A, %dma_start3A] : memref<2560x128xi32, #tpu.memory_space<hbm>> -> memref<80x128xi32, #tpu.memory_space<hbm>>
      %dma_start3A_26 = arith.constant 0 : i32
      %dma_start3A_27 = tpu.memref_slice %arg3[%add3A, %dma_start3A_26] : memref<2560x128xi32, #tpu.memory_space<hbm>> -> memref<80x128xi32, #tpu.memory_space<hbm>>
      tpu.enqueue_dma source(%dma_start3A_27 : memref<80x128xi32, #tpu.memory_space<hbm>>) target(%arg7 : memref<80x128xi32, #tpu.memory_space<vmem>>) target_semaphore(%run_scoped3A : memref<!tpu.dma_semaphore, #tpu.memory_space<semaphore_mem>>)
      %dma_wait3A = arith.constant 0 : i32
      %dma_wait3A_28 = tpu.memref_slice %arg3[%add3A, %dma_wait3A] : memref<2560x128xi32, #tpu.memory_space<hbm>> -> memref<80x128xi32, #tpu.memory_space<hbm>>
      %dma_wait3A_29 = arith.constant 0 : i32
      %dma_wait3A_30 = tpu.memref_slice %arg3[%add3A, %dma_wait3A_29] : memref<2560x128xi32, #tpu.memory_space<hbm>> -> memref<80x128xi32, #tpu.memory_space<hbm>>
      tpu.wait_dma2 semaphore(%run_scoped3A : memref<!tpu.dma_semaphore, #tpu.memory_space<semaphore_mem>>) src(%dma_wait3A_30 : memref<80x128xi32, #tpu.memory_space<hbm>>) dst(%arg7 : memref<80x128xi32, #tpu.memory_space<vmem>>)
      tpu.yield
    }) : () -> ()
    "tpu.region"() ({
      %run_scoped3A = tpu.sem_alloc : memref<!tpu.dma_semaphore, #tpu.memory_space<semaphore_mem>>
      %dma_start3A = arith.constant 0 : i32
      %dma_start3A_25 = tpu.memref_slice %arg4[%add3A, %dma_start3A] : memref<2560x128xi32, #tpu.memory_space<hbm>> -> memref<80x128xi32, #tpu.memory_space<hbm>>
      %dma_start3A_26 = arith.constant 0 : i32
      %dma_start3A_27 = tpu.memref_slice %arg4[%add3A, %dma_start3A_26] : memref<2560x128xi32, #tpu.memory_space<hbm>> -> memref<80x128xi32, #tpu.memory_space<hbm>>
      tpu.enqueue_dma source(%dma_start3A_27 : memref<80x128xi32, #tpu.memory_space<hbm>>) target(%arg8 : memref<80x128xi32, #tpu.memory_space<vmem>>) target_semaphore(%run_scoped3A : memref<!tpu.dma_semaphore, #tpu.memory_space<semaphore_mem>>)
      %dma_wait3A = arith.constant 0 : i32
      %dma_wait3A_28 = tpu.memref_slice %arg4[%add3A, %dma_wait3A] : memref<2560x128xi32, #tpu.memory_space<hbm>> -> memref<80x128xi32, #tpu.memory_space<hbm>>
      %dma_wait3A_29 = arith.constant 0 : i32
      %dma_wait3A_30 = tpu.memref_slice %arg4[%add3A, %dma_wait3A_29] : memref<2560x128xi32, #tpu.memory_space<hbm>> -> memref<80x128xi32, #tpu.memory_space<hbm>>
      tpu.wait_dma2 semaphore(%run_scoped3A : memref<!tpu.dma_semaphore, #tpu.memory_space<semaphore_mem>>) src(%dma_wait3A_30 : memref<80x128xi32, #tpu.memory_space<hbm>>) dst(%arg8 : memref<80x128xi32, #tpu.memory_space<vmem>>)
      tpu.yield
    }) : () -> ()
    %scan3A = arith.constant 0 : i32
    %scan3A_9 = arith.constant 0 : i32
    %scan3A_10 = arith.constant 80 : i32
    %scan3A_11 = arith.addi %scan3A_9, %scan3A_10 : i32
    %scan3A_12 = arith.constant 1 : i32
    %scan3A_13 = scf.for %scan3A_25 = %scan3A_9 to %scan3A_11 step %scan3A_12 iter_args(%scan3A_26 = %scan3A) -> (i32)  : i32 {
      %dma_start3A = arith.constant 0 : i32
      %dma_start3A_27 = tpu.memref_slice %arg7[%scan3A_25, %dma_start3A] : memref<80x128xi32, #tpu.memory_space<vmem>> -> memref<1x128xi32, #tpu.memory_space<vmem>>
      %dma_start3A_28 = tpu.memref_squeeze %dma_start3A_27 : memref<1x128xi32, #tpu.memory_space<vmem>> -> memref<128xi32, #tpu.memory_space<vmem>>
      %dma_start3A_29 = arith.constant 0 : i32
      %dma_start3A_30 = arith.constant 0 : i32
      %dma_start3A_31 = tpu.memref_slice %arg2[%dma_start3A_29, %dma_start3A_30] : memref<10000x128xf32, #tpu.memory_space<hbm>> -> memref<10000x128xf32, #tpu.memory_space<hbm>>
      tpu.enqueue_indirect_dma source(%dma_start3A_31 : memref<10000x128xf32, #tpu.memory_space<hbm>>) target(%arg9 : memref<128x128xf32, #tpu.memory_space<vmem>>) offsets(%dma_start3A_28 : memref<128xi32, #tpu.memory_space<vmem>>) semaphore(%arg11 : memref<!tpu.dma_semaphore, #tpu.memory_space<semaphore_mem>>)
      %dma_wait3A = arith.constant 0 : i32
      %dma_wait3A_32 = tpu.memref_slice %arg7[%scan3A_25, %dma_wait3A] : memref<80x128xi32, #tpu.memory_space<vmem>> -> memref<1x128xi32, #tpu.memory_space<vmem>>
      %dma_wait3A_33 = tpu.memref_squeeze %dma_wait3A_32 : memref<1x128xi32, #tpu.memory_space<vmem>> -> memref<128xi32, #tpu.memory_space<vmem>>
      %dma_wait3A_34 = arith.constant 0 : i32
      %dma_wait3A_35 = arith.constant 0 : i32
      %dma_wait3A_36 = tpu.memref_slice %arg2[%dma_wait3A_34, %dma_wait3A_35] : memref<10000x128xf32, #tpu.memory_space<hbm>> -> memref<10000x128xf32, #tpu.memory_space<hbm>>
      tpu.wait_indirect_dma semaphore(%arg11 : memref<!tpu.dma_semaphore, #tpu.memory_space<semaphore_mem>>) src(%dma_wait3A_36 : memref<10000x128xf32, #tpu.memory_space<hbm>>) dst(%arg9 : memref<128x128xf32, #tpu.memory_space<vmem>>)
      "tpu.region"() ({
        %run_scoped3A = tpu.sem_alloc : memref<!tpu.dma_semaphore, #tpu.memory_space<semaphore_mem>>
        %dma_start3A_38 = arith.constant 0 : i32
        %dma_start3A_39 = tpu.memref_slice %arg8[%scan3A_25, %dma_start3A_38] : memref<80x128xi32, #tpu.memory_space<vmem>> -> memref<1x128xi32, #tpu.memory_space<vmem>>
        %dma_start3A_40 = tpu.memref_squeeze %dma_start3A_39 : memref<1x128xi32, #tpu.memory_space<vmem>> -> memref<128xi32, #tpu.memory_space<vmem>>
        %dma_start3A_41 = arith.constant 0 : i32
        %dma_start3A_42 = arith.constant 0 : i32
        %dma_start3A_43 = tpu.memref_slice %arg10[%dma_start3A_41, %dma_start3A_42] : memref<10008x128xf32, #tpu.memory_space<vmem_shared>> -> memref<10008x128xf32, #tpu.memory_space<vmem_shared>>
        tpu.enqueue_indirect_dma source(%arg9 : memref<128x128xf32, #tpu.memory_space<vmem>>) target(%dma_start3A_43 : memref<10008x128xf32, #tpu.memory_space<vmem_shared>>) offsets(%dma_start3A_40 : memref<128xi32, #tpu.memory_space<vmem>>) semaphore(%run_scoped3A : memref<!tpu.dma_semaphore, #tpu.memory_space<semaphore_mem>>) {add = true}
        %dma_wait3A_44 = arith.constant 0 : i32
        %dma_wait3A_45 = tpu.memref_slice %arg8[%scan3A_25, %dma_wait3A_44] : memref<80x128xi32, #tpu.memory_space<vmem>> -> memref<1x128xi32, #tpu.memory_space<vmem>>
        %dma_wait3A_46 = tpu.memref_squeeze %dma_wait3A_45 : memref<1x128xi32, #tpu.memory_space<vmem>> -> memref<128xi32, #tpu.memory_space<vmem>>
        %dma_wait3A_47 = arith.constant 0 : i32
        %dma_wait3A_48 = arith.constant 0 : i32
        %dma_wait3A_49 = tpu.memref_slice %arg10[%dma_wait3A_47, %dma_wait3A_48] : memref<10008x128xf32, #tpu.memory_space<vmem_shared>> -> memref<10008x128xf32, #tpu.memory_space<vmem_shared>>
        tpu.wait_indirect_dma semaphore(%run_scoped3A : memref<!tpu.dma_semaphore, #tpu.memory_space<semaphore_mem>>) src(%arg9 : memref<128x128xf32, #tpu.memory_space<vmem>>) dst(%dma_wait3A_49 : memref<10008x128xf32, #tpu.memory_space<vmem_shared>>)
        tpu.yield
      }) : () -> ()
      %scan3A_37 = arith.constant 0 : i32
      scf.yield %scan3A_37 : i32
    }
    %scan3A_14 = arith.constant 80 : i32
    %barrier3A_15 = arith.constant 0 : index
    tpu.barrier barrier_id(%barrier3A_15)
    %mul3A_16 = arith.constant 624 : i32
    %mul3A_17 = arith.muli %arg1, %mul3A_16 : i32
    %mul3A_18 = arith.constant 624 : i32
    %mul3A_19 = arith.muli %arg1, %mul3A_18 : i32
    "tpu.region"() ({
      %run_scoped3A = tpu.sem_alloc : memref<!tpu.dma_semaphore, #tpu.memory_space<semaphore_mem>>
      %dma_start3A = arith.constant 0 : i32
      %dma_start3A_25 = tpu.memref_slice %arg6[%arg0, %mul3A_19, %dma_start3A] : memref<2x10000x128xf32, #tpu.memory_space<hbm>> -> memref<1x624x128xf32, #tpu.memory_space<hbm>>
      %dma_start3A_26 = tpu.memref_squeeze %dma_start3A_25 : memref<1x624x128xf32, #tpu.memory_space<hbm>> -> memref<624x128xf32, #tpu.memory_space<hbm>>
      %dma_start3A_27 = arith.constant 0 : i32
      %dma_start3A_28 = tpu.memref_slice %arg10[%mul3A_17, %dma_start3A_27] : memref<10008x128xf32, #tpu.memory_space<vmem_shared>> -> memref<624x128xf32, #tpu.memory_space<vmem_shared>>
      tpu.enqueue_dma source(%dma_start3A_28 : memref<624x128xf32, #tpu.memory_space<vmem_shared>>) target(%dma_start3A_26 : memref<624x128xf32, #tpu.memory_space<hbm>>) target_semaphore(%run_scoped3A : memref<!tpu.dma_semaphore, #tpu.memory_space<semaphore_mem>>)
      %dma_wait3A = arith.constant 0 : i32
      %dma_wait3A_29 = tpu.memref_slice %arg6[%arg0, %mul3A_19, %dma_wait3A] : memref<2x10000x128xf32, #tpu.memory_space<hbm>> -> memref<1x624x128xf32, #tpu.memory_space<hbm>>
      %dma_wait3A_30 = tpu.memref_squeeze %dma_wait3A_29 : memref<1x624x128xf32, #tpu.memory_space<hbm>> -> memref<624x128xf32, #tpu.memory_space<hbm>>
      %dma_wait3A_31 = arith.constant 0 : i32
      %dma_wait3A_32 = tpu.memref_slice %arg10[%mul3A_17, %dma_wait3A_31] : memref<10008x128xf32, #tpu.memory_space<vmem_shared>> -> memref<624x128xf32, #tpu.memory_space<vmem_shared>>
      tpu.wait_dma2 semaphore(%run_scoped3A : memref<!tpu.dma_semaphore, #tpu.memory_space<semaphore_mem>>) src(%dma_wait3A_32 : memref<624x128xf32, #tpu.memory_space<vmem_shared>>) dst(%dma_wait3A_30 : memref<624x128xf32, #tpu.memory_space<hbm>>)
      tpu.yield
    }) : () -> ()
    %eq3A_20 = arith.constant 15 : i32
    %eq3A_21 = arith.cmpi eq, %arg1, %eq3A_20 : i32
    %convert_element_type3A_22 = arith.extui %eq3A_21 : i1 to i32
    %cond3A_23 = arith.constant 0 : i32
    %cond3A_24 = arith.cmpi ne, %convert_element_type3A_22, %cond3A_23 : i32
    scf.if %cond3A_24 {
      "tpu.region"() ({
        %run_scoped3A = tpu.sem_alloc : memref<!tpu.dma_semaphore, #tpu.memory_space<semaphore_mem>>
        %dma_start3A = arith.constant 9984 : i32
        %dma_start3A_25 = arith.constant 0 : i32
        %dma_start3A_26 = tpu.memref_slice %arg6[%arg0, %dma_start3A, %dma_start3A_25] : memref<2x10000x128xf32, #tpu.memory_space<hbm>> -> memref<1x16x128xf32, #tpu.memory_space<hbm>>
        %dma_start3A_27 = tpu.memref_squeeze %dma_start3A_26 : memref<1x16x128xf32, #tpu.memory_space<hbm>> -> memref<16x128xf32, #tpu.memory_space<hbm>>
        %dma_start3A_28 = arith.constant 9984 : i32
        %dma_start3A_29 = arith.constant 0 : i32
        %dma_start3A_30 = tpu.memref_slice %arg10[%dma_start3A_28, %dma_start3A_29] : memref<10008x128xf32, #tpu.memory_space<vmem_shared>> -> memref<16x128xf32, #tpu.memory_space<vmem_shared>>
        tpu.enqueue_dma source(%dma_start3A_30 : memref<16x128xf32, #tpu.memory_space<vmem_shared>>) target(%dma_start3A_27 : memref<16x128xf32, #tpu.memory_space<hbm>>) target_semaphore(%run_scoped3A : memref<!tpu.dma_semaphore, #tpu.memory_space<semaphore_mem>>)
        %dma_wait3A = arith.constant 9984 : i32
        %dma_wait3A_31 = arith.constant 0 : i32
        %dma_wait3A_32 = tpu.memref_slice %arg6[%arg0, %dma_wait3A, %dma_wait3A_31] : memref<2x10000x128xf32, #tpu.memory_space<hbm>> -> memref<1x16x128xf32, #tpu.memory_space<hbm>>
        %dma_wait3A_33 = tpu.memref_squeeze %dma_wait3A_32 : memref<1x16x128xf32, #tpu.memory_space<hbm>> -> memref<16x128xf32, #tpu.memory_space<hbm>>
        %dma_wait3A_34 = arith.constant 9984 : i32
        %dma_wait3A_35 = arith.constant 0 : i32
        %dma_wait3A_36 = tpu.memref_slice %arg10[%dma_wait3A_34, %dma_wait3A_35] : memref<10008x128xf32, #tpu.memory_space<vmem_shared>> -> memref<16x128xf32, #tpu.memory_space<vmem_shared>>
        tpu.wait_dma2 semaphore(%run_scoped3A : memref<!tpu.dma_semaphore, #tpu.memory_space<semaphore_mem>>) src(%dma_wait3A_36 : memref<16x128xf32, #tpu.memory_space<vmem_shared>>) dst(%dma_wait3A_33 : memref<16x128xf32, #tpu.memory_space<hbm>>)
        tpu.yield
      }) : () -> ()
    } else {
    }
    return
  }
}

#map = affine_map<(d0, d1) -> (0, 0)>
#map1 = affine_map<(d0, d1) -> (0, 0, 0)>
module attributes {stable_mosaic.version = 14 : i64} {
  func.func @_agg_kernel_body(%arg0: i32, %arg1: i32, %arg2: memref<10000x128xf32, #tpu.memory_space<hbm>>, %arg3: memref<2560x128xi32, #tpu.memory_space<hbm>>, %arg4: memref<2560x128xi32, #tpu.memory_space<hbm>>, %arg5: memref<10000x128xf32, #tpu.memory_space<hbm>>, %arg6: memref<2x10000x128xf32, #tpu.memory_space<hbm>>, %arg7: memref<80x128xi32, #tpu.memory_space<vmem>>, %arg8: memref<80x128xi32, #tpu.memory_space<vmem>>, %arg9: memref<128x128xf32, #tpu.memory_space<vmem>>, %arg10: memref<10008x128xf32, #tpu.memory_space<vmem_shared>>, %arg11: memref<!tpu.dma_semaphore, #tpu.memory_space<semaphore_mem>>) attributes {dimension_semantics = [#tpu.dimension_semantics<core_parallel>, #tpu.dimension_semantics<subcore_parallel>], iteration_bounds = array<i64: 2, 16>, scalar_prefetch = 0 : i64, scratch_operands = 5 : i64, tpu.core_type = #tpu.core_type<sc_vector_subcore>, window_params = [{transform_indices = #map}, {transform_indices = #map}, {transform_indices = #map}, {transform_indices = #map}, {transform_indices = #map1}]} {
    %mul3A = arith.constant 624 : i32
    %mul3A_0 = arith.muli %arg1, %mul3A : i32
    %mul3A_1 = arith.constant 624 : i32
    %mul3A_2 = arith.muli %arg1, %mul3A_1 : i32
    "tpu.region"() ({
      %run_scoped3A = tpu.sem_alloc : memref<!tpu.dma_semaphore, #tpu.memory_space<semaphore_mem>>
      %dma_start3A = arith.constant 0 : i32
      %dma_start3A_25 = tpu.memref_slice %arg10[%mul3A_2, %dma_start3A] : memref<10008x128xf32, #tpu.memory_space<vmem_shared>> -> memref<624x128xf32, #tpu.memory_space<vmem_shared>>
      %dma_start3A_26 = arith.constant 0 : i32
      %dma_start3A_27 = tpu.memref_slice %arg5[%mul3A_0, %dma_start3A_26] : memref<10000x128xf32, #tpu.memory_space<hbm>> -> memref<624x128xf32, #tpu.memory_space<hbm>>
      tpu.enqueue_dma source(%dma_start3A_27 : memref<624x128xf32, #tpu.memory_space<hbm>>) target(%dma_start3A_25 : memref<624x128xf32, #tpu.memory_space<vmem_shared>>) target_semaphore(%run_scoped3A : memref<!tpu.dma_semaphore, #tpu.memory_space<semaphore_mem>>)
      %dma_wait3A = arith.constant 0 : i32
      %dma_wait3A_28 = tpu.memref_slice %arg10[%mul3A_2, %dma_wait3A] : memref<10008x128xf32, #tpu.memory_space<vmem_shared>> -> memref<624x128xf32, #tpu.memory_space<vmem_shared>>
      %dma_wait3A_29 = arith.constant 0 : i32
      %dma_wait3A_30 = tpu.memref_slice %arg5[%mul3A_0, %dma_wait3A_29] : memref<10000x128xf32, #tpu.memory_space<hbm>> -> memref<624x128xf32, #tpu.memory_space<hbm>>
      tpu.wait_dma2 semaphore(%run_scoped3A : memref<!tpu.dma_semaphore, #tpu.memory_space<semaphore_mem>>) src(%dma_wait3A_30 : memref<624x128xf32, #tpu.memory_space<hbm>>) dst(%dma_wait3A_28 : memref<624x128xf32, #tpu.memory_space<vmem_shared>>)
      tpu.yield
    }) : () -> ()
    %eq3A = arith.constant 15 : i32
    %eq3A_3 = arith.cmpi eq, %arg1, %eq3A : i32
    %convert_element_type3A = arith.extui %eq3A_3 : i1 to i32
    %cond3A = arith.constant 0 : i32
    %cond3A_4 = arith.cmpi ne, %convert_element_type3A, %cond3A : i32
    scf.if %cond3A_4 {
      "tpu.region"() ({
        %run_scoped3A = tpu.sem_alloc : memref<!tpu.dma_semaphore, #tpu.memory_space<semaphore_mem>>
        %dma_start3A = arith.constant 9984 : i32
        %dma_start3A_25 = arith.constant 0 : i32
        %dma_start3A_26 = tpu.memref_slice %arg10[%dma_start3A, %dma_start3A_25] : memref<10008x128xf32, #tpu.memory_space<vmem_shared>> -> memref<16x128xf32, #tpu.memory_space<vmem_shared>>
        %dma_start3A_27 = arith.constant 9984 : i32
        %dma_start3A_28 = arith.constant 0 : i32
        %dma_start3A_29 = tpu.memref_slice %arg5[%dma_start3A_27, %dma_start3A_28] : memref<10000x128xf32, #tpu.memory_space<hbm>> -> memref<16x128xf32, #tpu.memory_space<hbm>>
        tpu.enqueue_dma source(%dma_start3A_29 : memref<16x128xf32, #tpu.memory_space<hbm>>) target(%dma_start3A_26 : memref<16x128xf32, #tpu.memory_space<vmem_shared>>) target_semaphore(%run_scoped3A : memref<!tpu.dma_semaphore, #tpu.memory_space<semaphore_mem>>)
        %dma_wait3A = arith.constant 9984 : i32
        %dma_wait3A_30 = arith.constant 0 : i32
        %dma_wait3A_31 = tpu.memref_slice %arg10[%dma_wait3A, %dma_wait3A_30] : memref<10008x128xf32, #tpu.memory_space<vmem_shared>> -> memref<16x128xf32, #tpu.memory_space<vmem_shared>>
        %dma_wait3A_32 = arith.constant 9984 : i32
        %dma_wait3A_33 = arith.constant 0 : i32
        %dma_wait3A_34 = tpu.memref_slice %arg5[%dma_wait3A_32, %dma_wait3A_33] : memref<10000x128xf32, #tpu.memory_space<hbm>> -> memref<16x128xf32, #tpu.memory_space<hbm>>
        tpu.wait_dma2 semaphore(%run_scoped3A : memref<!tpu.dma_semaphore, #tpu.memory_space<semaphore_mem>>) src(%dma_wait3A_34 : memref<16x128xf32, #tpu.memory_space<hbm>>) dst(%dma_wait3A_31 : memref<16x128xf32, #tpu.memory_space<vmem_shared>>)
        tpu.yield
      }) : () -> ()
    } else {
    }
    %barrier3A = arith.constant 0 : index
    tpu.barrier barrier_id(%barrier3A)
    %mul3A_5 = arith.constant 160 : i32
    %mul3A_6 = arith.muli %arg1, %mul3A_5 : i32
    %mul3A_7 = arith.constant 80 : i32
    %mul3A_8 = arith.muli %arg0, %mul3A_7 : i32
    %add3A = arith.addi %mul3A_6, %mul3A_8 : i32
    "tpu.region"() ({
      %run_scoped3A = tpu.sem_alloc : memref<!tpu.dma_semaphore, #tpu.memory_space<semaphore_mem>>
      %dma_start3A = arith.constant 0 : i32
      %dma_start3A_25 = tpu.memref_slice %arg3[%add3A, %dma_start3A] : memref<2560x128xi32, #tpu.memory_space<hbm>> -> memref<80x128xi32, #tpu.memory_space<hbm>>
      %dma_start3A_26 = arith.constant 0 : i32
      %dma_start3A_27 = tpu.memref_slice %arg3[%add3A, %dma_start3A_26] : memref<2560x128xi32, #tpu.memory_space<hbm>> -> memref<80x128xi32, #tpu.memory_space<hbm>>
      tpu.enqueue_dma source(%dma_start3A_27 : memref<80x128xi32, #tpu.memory_space<hbm>>) target(%arg7 : memref<80x128xi32, #tpu.memory_space<vmem>>) target_semaphore(%run_scoped3A : memref<!tpu.dma_semaphore, #tpu.memory_space<semaphore_mem>>)
      %dma_wait3A = arith.constant 0 : i32
      %dma_wait3A_28 = tpu.memref_slice %arg3[%add3A, %dma_wait3A] : memref<2560x128xi32, #tpu.memory_space<hbm>> -> memref<80x128xi32, #tpu.memory_space<hbm>>
      %dma_wait3A_29 = arith.constant 0 : i32
      %dma_wait3A_30 = tpu.memref_slice %arg3[%add3A, %dma_wait3A_29] : memref<2560x128xi32, #tpu.memory_space<hbm>> -> memref<80x128xi32, #tpu.memory_space<hbm>>
      tpu.wait_dma2 semaphore(%run_scoped3A : memref<!tpu.dma_semaphore, #tpu.memory_space<semaphore_mem>>) src(%dma_wait3A_30 : memref<80x128xi32, #tpu.memory_space<hbm>>) dst(%arg7 : memref<80x128xi32, #tpu.memory_space<vmem>>)
      tpu.yield
    }) : () -> ()
    "tpu.region"() ({
      %run_scoped3A = tpu.sem_alloc : memref<!tpu.dma_semaphore, #tpu.memory_space<semaphore_mem>>
      %dma_start3A = arith.constant 0 : i32
      %dma_start3A_25 = tpu.memref_slice %arg4[%add3A, %dma_start3A] : memref<2560x128xi32, #tpu.memory_space<hbm>> -> memref<80x128xi32, #tpu.memory_space<hbm>>
      %dma_start3A_26 = arith.constant 0 : i32
      %dma_start3A_27 = tpu.memref_slice %arg4[%add3A, %dma_start3A_26] : memref<2560x128xi32, #tpu.memory_space<hbm>> -> memref<80x128xi32, #tpu.memory_space<hbm>>
      tpu.enqueue_dma source(%dma_start3A_27 : memref<80x128xi32, #tpu.memory_space<hbm>>) target(%arg8 : memref<80x128xi32, #tpu.memory_space<vmem>>) target_semaphore(%run_scoped3A : memref<!tpu.dma_semaphore, #tpu.memory_space<semaphore_mem>>)
      %dma_wait3A = arith.constant 0 : i32
      %dma_wait3A_28 = tpu.memref_slice %arg4[%add3A, %dma_wait3A] : memref<2560x128xi32, #tpu.memory_space<hbm>> -> memref<80x128xi32, #tpu.memory_space<hbm>>
      %dma_wait3A_29 = arith.constant 0 : i32
      %dma_wait3A_30 = tpu.memref_slice %arg4[%add3A, %dma_wait3A_29] : memref<2560x128xi32, #tpu.memory_space<hbm>> -> memref<80x128xi32, #tpu.memory_space<hbm>>
      tpu.wait_dma2 semaphore(%run_scoped3A : memref<!tpu.dma_semaphore, #tpu.memory_space<semaphore_mem>>) src(%dma_wait3A_30 : memref<80x128xi32, #tpu.memory_space<hbm>>) dst(%arg8 : memref<80x128xi32, #tpu.memory_space<vmem>>)
      tpu.yield
    }) : () -> ()
    %scan3A = arith.constant 0 : i32
    %scan3A_9 = arith.constant 0 : i32
    %scan3A_10 = arith.constant 80 : i32
    %scan3A_11 = arith.addi %scan3A_9, %scan3A_10 : i32
    %scan3A_12 = arith.constant 1 : i32
    %scan3A_13 = scf.for %scan3A_25 = %scan3A_9 to %scan3A_11 step %scan3A_12 iter_args(%scan3A_26 = %scan3A) -> (i32)  : i32 {
      %dma_start3A = arith.constant 0 : i32
      %dma_start3A_27 = tpu.memref_slice %arg7[%scan3A_25, %dma_start3A] : memref<80x128xi32, #tpu.memory_space<vmem>> -> memref<1x128xi32, #tpu.memory_space<vmem>>
      %dma_start3A_28 = tpu.memref_squeeze %dma_start3A_27 : memref<1x128xi32, #tpu.memory_space<vmem>> -> memref<128xi32, #tpu.memory_space<vmem>>
      %dma_start3A_29 = arith.constant 0 : i32
      %dma_start3A_30 = arith.constant 0 : i32
      %dma_start3A_31 = tpu.memref_slice %arg2[%dma_start3A_29, %dma_start3A_30] : memref<10000x128xf32, #tpu.memory_space<hbm>> -> memref<10000x128xf32, #tpu.memory_space<hbm>>
      tpu.enqueue_indirect_dma source(%dma_start3A_31 : memref<10000x128xf32, #tpu.memory_space<hbm>>) target(%arg9 : memref<128x128xf32, #tpu.memory_space<vmem>>) offsets(%dma_start3A_28 : memref<128xi32, #tpu.memory_space<vmem>>) semaphore(%arg11 : memref<!tpu.dma_semaphore, #tpu.memory_space<semaphore_mem>>)
      %dma_wait3A = arith.constant 0 : i32
      %dma_wait3A_32 = tpu.memref_slice %arg7[%scan3A_25, %dma_wait3A] : memref<80x128xi32, #tpu.memory_space<vmem>> -> memref<1x128xi32, #tpu.memory_space<vmem>>
      %dma_wait3A_33 = tpu.memref_squeeze %dma_wait3A_32 : memref<1x128xi32, #tpu.memory_space<vmem>> -> memref<128xi32, #tpu.memory_space<vmem>>
      %dma_wait3A_34 = arith.constant 0 : i32
      %dma_wait3A_35 = arith.constant 0 : i32
      %dma_wait3A_36 = tpu.memref_slice %arg2[%dma_wait3A_34, %dma_wait3A_35] : memref<10000x128xf32, #tpu.memory_space<hbm>> -> memref<10000x128xf32, #tpu.memory_space<hbm>>
      tpu.wait_indirect_dma semaphore(%arg11 : memref<!tpu.dma_semaphore, #tpu.memory_space<semaphore_mem>>) src(%dma_wait3A_36 : memref<10000x128xf32, #tpu.memory_space<hbm>>) dst(%arg9 : memref<128x128xf32, #tpu.memory_space<vmem>>)
      "tpu.region"() ({
        %run_scoped3A = tpu.sem_alloc : memref<!tpu.dma_semaphore, #tpu.memory_space<semaphore_mem>>
        %dma_start3A_38 = arith.constant 0 : i32
        %dma_start3A_39 = tpu.memref_slice %arg8[%scan3A_25, %dma_start3A_38] : memref<80x128xi32, #tpu.memory_space<vmem>> -> memref<1x128xi32, #tpu.memory_space<vmem>>
        %dma_start3A_40 = tpu.memref_squeeze %dma_start3A_39 : memref<1x128xi32, #tpu.memory_space<vmem>> -> memref<128xi32, #tpu.memory_space<vmem>>
        %dma_start3A_41 = arith.constant 0 : i32
        %dma_start3A_42 = arith.constant 0 : i32
        %dma_start3A_43 = tpu.memref_slice %arg10[%dma_start3A_41, %dma_start3A_42] : memref<10008x128xf32, #tpu.memory_space<vmem_shared>> -> memref<10008x128xf32, #tpu.memory_space<vmem_shared>>
        tpu.enqueue_indirect_dma source(%arg9 : memref<128x128xf32, #tpu.memory_space<vmem>>) target(%dma_start3A_43 : memref<10008x128xf32, #tpu.memory_space<vmem_shared>>) offsets(%dma_start3A_40 : memref<128xi32, #tpu.memory_space<vmem>>) semaphore(%run_scoped3A : memref<!tpu.dma_semaphore, #tpu.memory_space<semaphore_mem>>) {add = true}
        %dma_wait3A_44 = arith.constant 0 : i32
        %dma_wait3A_45 = tpu.memref_slice %arg8[%scan3A_25, %dma_wait3A_44] : memref<80x128xi32, #tpu.memory_space<vmem>> -> memref<1x128xi32, #tpu.memory_space<vmem>>
        %dma_wait3A_46 = tpu.memref_squeeze %dma_wait3A_45 : memref<1x128xi32, #tpu.memory_space<vmem>> -> memref<128xi32, #tpu.memory_space<vmem>>
        %dma_wait3A_47 = arith.constant 0 : i32
        %dma_wait3A_48 = arith.constant 0 : i32
        %dma_wait3A_49 = tpu.memref_slice %arg10[%dma_wait3A_47, %dma_wait3A_48] : memref<10008x128xf32, #tpu.memory_space<vmem_shared>> -> memref<10008x128xf32, #tpu.memory_space<vmem_shared>>
        tpu.wait_indirect_dma semaphore(%run_scoped3A : memref<!tpu.dma_semaphore, #tpu.memory_space<semaphore_mem>>) src(%arg9 : memref<128x128xf32, #tpu.memory_space<vmem>>) dst(%dma_wait3A_49 : memref<10008x128xf32, #tpu.memory_space<vmem_shared>>)
        tpu.yield
      }) : () -> ()
      %scan3A_37 = arith.constant 0 : i32
      scf.yield %scan3A_37 : i32
    }
    %scan3A_14 = arith.constant 80 : i32
    %barrier3A_15 = arith.constant 0 : index
    tpu.barrier barrier_id(%barrier3A_15)
    %mul3A_16 = arith.constant 624 : i32
    %mul3A_17 = arith.muli %arg1, %mul3A_16 : i32
    %mul3A_18 = arith.constant 624 : i32
    %mul3A_19 = arith.muli %arg1, %mul3A_18 : i32
    "tpu.region"() ({
      %run_scoped3A = tpu.sem_alloc : memref<!tpu.dma_semaphore, #tpu.memory_space<semaphore_mem>>
      %dma_start3A = arith.constant 0 : i32
      %dma_start3A_25 = tpu.memref_slice %arg6[%arg0, %mul3A_19, %dma_start3A] : memref<2x10000x128xf32, #tpu.memory_space<hbm>> -> memref<1x624x128xf32, #tpu.memory_space<hbm>>
      %dma_start3A_26 = tpu.memref_squeeze %dma_start3A_25 : memref<1x624x128xf32, #tpu.memory_space<hbm>> -> memref<624x128xf32, #tpu.memory_space<hbm>>
      %dma_start3A_27 = arith.constant 0 : i32
      %dma_start3A_28 = tpu.memref_slice %arg10[%mul3A_17, %dma_start3A_27] : memref<10008x128xf32, #tpu.memory_space<vmem_shared>> -> memref<624x128xf32, #tpu.memory_space<vmem_shared>>
      tpu.enqueue_dma source(%dma_start3A_28 : memref<624x128xf32, #tpu.memory_space<vmem_shared>>) target(%dma_start3A_26 : memref<624x128xf32, #tpu.memory_space<hbm>>) target_semaphore(%run_scoped3A : memref<!tpu.dma_semaphore, #tpu.memory_space<semaphore_mem>>)
      %dma_wait3A = arith.constant 0 : i32
      %dma_wait3A_29 = tpu.memref_slice %arg6[%arg0, %mul3A_19, %dma_wait3A] : memref<2x10000x128xf32, #tpu.memory_space<hbm>> -> memref<1x624x128xf32, #tpu.memory_space<hbm>>
      %dma_wait3A_30 = tpu.memref_squeeze %dma_wait3A_29 : memref<1x624x128xf32, #tpu.memory_space<hbm>> -> memref<624x128xf32, #tpu.memory_space<hbm>>
      %dma_wait3A_31 = arith.constant 0 : i32
      %dma_wait3A_32 = tpu.memref_slice %arg10[%mul3A_17, %dma_wait3A_31] : memref<10008x128xf32, #tpu.memory_space<vmem_shared>> -> memref<624x128xf32, #tpu.memory_space<vmem_shared>>
      tpu.wait_dma2 semaphore(%run_scoped3A : memref<!tpu.dma_semaphore, #tpu.memory_space<semaphore_mem>>) src(%dma_wait3A_32 : memref<624x128xf32, #tpu.memory_space<vmem_shared>>) dst(%dma_wait3A_30 : memref<624x128xf32, #tpu.memory_space<hbm>>)
      tpu.yield
    }) : () -> ()
    %eq3A_20 = arith.constant 15 : i32
    %eq3A_21 = arith.cmpi eq, %arg1, %eq3A_20 : i32
    %convert_element_type3A_22 = arith.extui %eq3A_21 : i1 to i32
    %cond3A_23 = arith.constant 0 : i32
    %cond3A_24 = arith.cmpi ne, %convert_element_type3A_22, %cond3A_23 : i32
    scf.if %cond3A_24 {
      "tpu.region"() ({
        %run_scoped3A = tpu.sem_alloc : memref<!tpu.dma_semaphore, #tpu.memory_space<semaphore_mem>>
        %dma_start3A = arith.constant 9984 : i32
        %dma_start3A_25 = arith.constant 0 : i32
        %dma_start3A_26 = tpu.memref_slice %arg6[%arg0, %dma_start3A, %dma_start3A_25] : memref<2x10000x128xf32, #tpu.memory_space<hbm>> -> memref<1x16x128xf32, #tpu.memory_space<hbm>>
        %dma_start3A_27 = tpu.memref_squeeze %dma_start3A_26 : memref<1x16x128xf32, #tpu.memory_space<hbm>> -> memref<16x128xf32, #tpu.memory_space<hbm>>
        %dma_start3A_28 = arith.constant 9984 : i32
        %dma_start3A_29 = arith.constant 0 : i32
        %dma_start3A_30 = tpu.memref_slice %arg10[%dma_start3A_28, %dma_start3A_29] : memref<10008x128xf32, #tpu.memory_space<vmem_shared>> -> memref<16x128xf32, #tpu.memory_space<vmem_shared>>
        tpu.enqueue_dma source(%dma_start3A_30 : memref<16x128xf32, #tpu.memory_space<vmem_shared>>) target(%dma_start3A_27 : memref<16x128xf32, #tpu.memory_space<hbm>>) target_semaphore(%run_scoped3A : memref<!tpu.dma_semaphore, #tpu.memory_space<semaphore_mem>>)
        %dma_wait3A = arith.constant 9984 : i32
        %dma_wait3A_31 = arith.constant 0 : i32
        %dma_wait3A_32 = tpu.memref_slice %arg6[%arg0, %dma_wait3A, %dma_wait3A_31] : memref<2x10000x128xf32, #tpu.memory_space<hbm>> -> memref<1x16x128xf32, #tpu.memory_space<hbm>>
        %dma_wait3A_33 = tpu.memref_squeeze %dma_wait3A_32 : memref<1x16x128xf32, #tpu.memory_space<hbm>> -> memref<16x128xf32, #tpu.memory_space<hbm>>
        %dma_wait3A_34 = arith.constant 9984 : i32
        %dma_wait3A_35 = arith.constant 0 : i32
        %dma_wait3A_36 = tpu.memref_slice %arg10[%dma_wait3A_34, %dma_wait3A_35] : memref<10008x128xf32, #tpu.memory_space<vmem_shared>> -> memref<16x128xf32, #tpu.memory_space<vmem_shared>>
        tpu.wait_dma2 semaphore(%run_scoped3A : memref<!tpu.dma_semaphore, #tpu.memory_space<semaphore_mem>>) src(%dma_wait3A_36 : memref<16x128xf32, #tpu.memory_space<vmem_shared>>) dst(%dma_wait3A_33 : memref<16x128xf32, #tpu.memory_space<hbm>>)
        tpu.yield
      }) : () -> ()
    } else {
    }
    return
  }
}

#map = affine_map<(d0, d1) -> (0, 0)>
#map1 = affine_map<(d0, d1) -> (0, 0, 0)>
module attributes {stable_mosaic.version = 14 : i64} {
  func.func @_agg_kernel_body(%arg0: i32, %arg1: i32, %arg2: memref<10000x128xf32, #tpu.memory_space<hbm>>, %arg3: memref<2560x128xi32, #tpu.memory_space<hbm>>, %arg4: memref<2560x128xi32, #tpu.memory_space<hbm>>, %arg5: memref<10000x128xf32, #tpu.memory_space<hbm>>, %arg6: memref<2x10000x128xf32, #tpu.memory_space<hbm>>, %arg7: memref<80x128xi32, #tpu.memory_space<vmem>>, %arg8: memref<80x128xi32, #tpu.memory_space<vmem>>, %arg9: memref<128x128xf32, #tpu.memory_space<vmem>>, %arg10: memref<10008x128xf32, #tpu.memory_space<vmem_shared>>, %arg11: memref<!tpu.dma_semaphore, #tpu.memory_space<semaphore_mem>>) attributes {dimension_semantics = [#tpu.dimension_semantics<core_parallel>, #tpu.dimension_semantics<subcore_parallel>], iteration_bounds = array<i64: 2, 16>, scalar_prefetch = 0 : i64, scratch_operands = 5 : i64, tpu.core_type = #tpu.core_type<sc_vector_subcore>, window_params = [{transform_indices = #map}, {transform_indices = #map}, {transform_indices = #map}, {transform_indices = #map}, {transform_indices = #map1}]} {
    %mul3A = arith.constant 624 : i32
    %mul3A_0 = arith.muli %arg1, %mul3A : i32
    %mul3A_1 = arith.constant 624 : i32
    %mul3A_2 = arith.muli %arg1, %mul3A_1 : i32
    "tpu.region"() ({
      %run_scoped3A = tpu.sem_alloc : memref<!tpu.dma_semaphore, #tpu.memory_space<semaphore_mem>>
      %dma_start3A = arith.constant 0 : i32
      %dma_start3A_25 = tpu.memref_slice %arg10[%mul3A_2, %dma_start3A] : memref<10008x128xf32, #tpu.memory_space<vmem_shared>> -> memref<624x128xf32, #tpu.memory_space<vmem_shared>>
      %dma_start3A_26 = arith.constant 0 : i32
      %dma_start3A_27 = tpu.memref_slice %arg5[%mul3A_0, %dma_start3A_26] : memref<10000x128xf32, #tpu.memory_space<hbm>> -> memref<624x128xf32, #tpu.memory_space<hbm>>
      tpu.enqueue_dma source(%dma_start3A_27 : memref<624x128xf32, #tpu.memory_space<hbm>>) target(%dma_start3A_25 : memref<624x128xf32, #tpu.memory_space<vmem_shared>>) target_semaphore(%run_scoped3A : memref<!tpu.dma_semaphore, #tpu.memory_space<semaphore_mem>>)
      %dma_wait3A = arith.constant 0 : i32
      %dma_wait3A_28 = tpu.memref_slice %arg10[%mul3A_2, %dma_wait3A] : memref<10008x128xf32, #tpu.memory_space<vmem_shared>> -> memref<624x128xf32, #tpu.memory_space<vmem_shared>>
      %dma_wait3A_29 = arith.constant 0 : i32
      %dma_wait3A_30 = tpu.memref_slice %arg5[%mul3A_0, %dma_wait3A_29] : memref<10000x128xf32, #tpu.memory_space<hbm>> -> memref<624x128xf32, #tpu.memory_space<hbm>>
      tpu.wait_dma2 semaphore(%run_scoped3A : memref<!tpu.dma_semaphore, #tpu.memory_space<semaphore_mem>>) src(%dma_wait3A_30 : memref<624x128xf32, #tpu.memory_space<hbm>>) dst(%dma_wait3A_28 : memref<624x128xf32, #tpu.memory_space<vmem_shared>>)
      tpu.yield
    }) : () -> ()
    %eq3A = arith.constant 15 : i32
    %eq3A_3 = arith.cmpi eq, %arg1, %eq3A : i32
    %convert_element_type3A = arith.extui %eq3A_3 : i1 to i32
    %cond3A = arith.constant 0 : i32
    %cond3A_4 = arith.cmpi ne, %convert_element_type3A, %cond3A : i32
    scf.if %cond3A_4 {
      "tpu.region"() ({
        %run_scoped3A = tpu.sem_alloc : memref<!tpu.dma_semaphore, #tpu.memory_space<semaphore_mem>>
        %dma_start3A = arith.constant 9984 : i32
        %dma_start3A_25 = arith.constant 0 : i32
        %dma_start3A_26 = tpu.memref_slice %arg10[%dma_start3A, %dma_start3A_25] : memref<10008x128xf32, #tpu.memory_space<vmem_shared>> -> memref<16x128xf32, #tpu.memory_space<vmem_shared>>
        %dma_start3A_27 = arith.constant 9984 : i32
        %dma_start3A_28 = arith.constant 0 : i32
        %dma_start3A_29 = tpu.memref_slice %arg5[%dma_start3A_27, %dma_start3A_28] : memref<10000x128xf32, #tpu.memory_space<hbm>> -> memref<16x128xf32, #tpu.memory_space<hbm>>
        tpu.enqueue_dma source(%dma_start3A_29 : memref<16x128xf32, #tpu.memory_space<hbm>>) target(%dma_start3A_26 : memref<16x128xf32, #tpu.memory_space<vmem_shared>>) target_semaphore(%run_scoped3A : memref<!tpu.dma_semaphore, #tpu.memory_space<semaphore_mem>>)
        %dma_wait3A = arith.constant 9984 : i32
        %dma_wait3A_30 = arith.constant 0 : i32
        %dma_wait3A_31 = tpu.memref_slice %arg10[%dma_wait3A, %dma_wait3A_30] : memref<10008x128xf32, #tpu.memory_space<vmem_shared>> -> memref<16x128xf32, #tpu.memory_space<vmem_shared>>
        %dma_wait3A_32 = arith.constant 9984 : i32
        %dma_wait3A_33 = arith.constant 0 : i32
        %dma_wait3A_34 = tpu.memref_slice %arg5[%dma_wait3A_32, %dma_wait3A_33] : memref<10000x128xf32, #tpu.memory_space<hbm>> -> memref<16x128xf32, #tpu.memory_space<hbm>>
        tpu.wait_dma2 semaphore(%run_scoped3A : memref<!tpu.dma_semaphore, #tpu.memory_space<semaphore_mem>>) src(%dma_wait3A_34 : memref<16x128xf32, #tpu.memory_space<hbm>>) dst(%dma_wait3A_31 : memref<16x128xf32, #tpu.memory_space<vmem_shared>>)
        tpu.yield
      }) : () -> ()
    } else {
    }
    %barrier3A = arith.constant 0 : index
    tpu.barrier barrier_id(%barrier3A)
    %mul3A_5 = arith.constant 160 : i32
    %mul3A_6 = arith.muli %arg1, %mul3A_5 : i32
    %mul3A_7 = arith.constant 80 : i32
    %mul3A_8 = arith.muli %arg0, %mul3A_7 : i32
    %add3A = arith.addi %mul3A_6, %mul3A_8 : i32
    "tpu.region"() ({
      %run_scoped3A = tpu.sem_alloc : memref<!tpu.dma_semaphore, #tpu.memory_space<semaphore_mem>>
      %dma_start3A = arith.constant 0 : i32
      %dma_start3A_25 = tpu.memref_slice %arg3[%add3A, %dma_start3A] : memref<2560x128xi32, #tpu.memory_space<hbm>> -> memref<80x128xi32, #tpu.memory_space<hbm>>
      %dma_start3A_26 = arith.constant 0 : i32
      %dma_start3A_27 = tpu.memref_slice %arg3[%add3A, %dma_start3A_26] : memref<2560x128xi32, #tpu.memory_space<hbm>> -> memref<80x128xi32, #tpu.memory_space<hbm>>
      tpu.enqueue_dma source(%dma_start3A_27 : memref<80x128xi32, #tpu.memory_space<hbm>>) target(%arg7 : memref<80x128xi32, #tpu.memory_space<vmem>>) target_semaphore(%run_scoped3A : memref<!tpu.dma_semaphore, #tpu.memory_space<semaphore_mem>>)
      %dma_wait3A = arith.constant 0 : i32
      %dma_wait3A_28 = tpu.memref_slice %arg3[%add3A, %dma_wait3A] : memref<2560x128xi32, #tpu.memory_space<hbm>> -> memref<80x128xi32, #tpu.memory_space<hbm>>
      %dma_wait3A_29 = arith.constant 0 : i32
      %dma_wait3A_30 = tpu.memref_slice %arg3[%add3A, %dma_wait3A_29] : memref<2560x128xi32, #tpu.memory_space<hbm>> -> memref<80x128xi32, #tpu.memory_space<hbm>>
      tpu.wait_dma2 semaphore(%run_scoped3A : memref<!tpu.dma_semaphore, #tpu.memory_space<semaphore_mem>>) src(%dma_wait3A_30 : memref<80x128xi32, #tpu.memory_space<hbm>>) dst(%arg7 : memref<80x128xi32, #tpu.memory_space<vmem>>)
      tpu.yield
    }) : () -> ()
    "tpu.region"() ({
      %run_scoped3A = tpu.sem_alloc : memref<!tpu.dma_semaphore, #tpu.memory_space<semaphore_mem>>
      %dma_start3A = arith.constant 0 : i32
      %dma_start3A_25 = tpu.memref_slice %arg4[%add3A, %dma_start3A] : memref<2560x128xi32, #tpu.memory_space<hbm>> -> memref<80x128xi32, #tpu.memory_space<hbm>>
      %dma_start3A_26 = arith.constant 0 : i32
      %dma_start3A_27 = tpu.memref_slice %arg4[%add3A, %dma_start3A_26] : memref<2560x128xi32, #tpu.memory_space<hbm>> -> memref<80x128xi32, #tpu.memory_space<hbm>>
      tpu.enqueue_dma source(%dma_start3A_27 : memref<80x128xi32, #tpu.memory_space<hbm>>) target(%arg8 : memref<80x128xi32, #tpu.memory_space<vmem>>) target_semaphore(%run_scoped3A : memref<!tpu.dma_semaphore, #tpu.memory_space<semaphore_mem>>)
      %dma_wait3A = arith.constant 0 : i32
      %dma_wait3A_28 = tpu.memref_slice %arg4[%add3A, %dma_wait3A] : memref<2560x128xi32, #tpu.memory_space<hbm>> -> memref<80x128xi32, #tpu.memory_space<hbm>>
      %dma_wait3A_29 = arith.constant 0 : i32
      %dma_wait3A_30 = tpu.memref_slice %arg4[%add3A, %dma_wait3A_29] : memref<2560x128xi32, #tpu.memory_space<hbm>> -> memref<80x128xi32, #tpu.memory_space<hbm>>
      tpu.wait_dma2 semaphore(%run_scoped3A : memref<!tpu.dma_semaphore, #tpu.memory_space<semaphore_mem>>) src(%dma_wait3A_30 : memref<80x128xi32, #tpu.memory_space<hbm>>) dst(%arg8 : memref<80x128xi32, #tpu.memory_space<vmem>>)
      tpu.yield
    }) : () -> ()
    %scan3A = arith.constant 0 : i32
    %scan3A_9 = arith.constant 0 : i32
    %scan3A_10 = arith.constant 80 : i32
    %scan3A_11 = arith.addi %scan3A_9, %scan3A_10 : i32
    %scan3A_12 = arith.constant 1 : i32
    %scan3A_13 = scf.for %scan3A_25 = %scan3A_9 to %scan3A_11 step %scan3A_12 iter_args(%scan3A_26 = %scan3A) -> (i32)  : i32 {
      %dma_start3A = arith.constant 0 : i32
      %dma_start3A_27 = tpu.memref_slice %arg7[%scan3A_25, %dma_start3A] : memref<80x128xi32, #tpu.memory_space<vmem>> -> memref<1x128xi32, #tpu.memory_space<vmem>>
      %dma_start3A_28 = tpu.memref_squeeze %dma_start3A_27 : memref<1x128xi32, #tpu.memory_space<vmem>> -> memref<128xi32, #tpu.memory_space<vmem>>
      %dma_start3A_29 = arith.constant 0 : i32
      %dma_start3A_30 = arith.constant 0 : i32
      %dma_start3A_31 = tpu.memref_slice %arg2[%dma_start3A_29, %dma_start3A_30] : memref<10000x128xf32, #tpu.memory_space<hbm>> -> memref<10000x128xf32, #tpu.memory_space<hbm>>
      tpu.enqueue_indirect_dma source(%dma_start3A_31 : memref<10000x128xf32, #tpu.memory_space<hbm>>) target(%arg9 : memref<128x128xf32, #tpu.memory_space<vmem>>) offsets(%dma_start3A_28 : memref<128xi32, #tpu.memory_space<vmem>>) semaphore(%arg11 : memref<!tpu.dma_semaphore, #tpu.memory_space<semaphore_mem>>)
      %dma_wait3A = arith.constant 0 : i32
      %dma_wait3A_32 = tpu.memref_slice %arg7[%scan3A_25, %dma_wait3A] : memref<80x128xi32, #tpu.memory_space<vmem>> -> memref<1x128xi32, #tpu.memory_space<vmem>>
      %dma_wait3A_33 = tpu.memref_squeeze %dma_wait3A_32 : memref<1x128xi32, #tpu.memory_space<vmem>> -> memref<128xi32, #tpu.memory_space<vmem>>
      %dma_wait3A_34 = arith.constant 0 : i32
      %dma_wait3A_35 = arith.constant 0 : i32
      %dma_wait3A_36 = tpu.memref_slice %arg2[%dma_wait3A_34, %dma_wait3A_35] : memref<10000x128xf32, #tpu.memory_space<hbm>> -> memref<10000x128xf32, #tpu.memory_space<hbm>>
      tpu.wait_indirect_dma semaphore(%arg11 : memref<!tpu.dma_semaphore, #tpu.memory_space<semaphore_mem>>) src(%dma_wait3A_36 : memref<10000x128xf32, #tpu.memory_space<hbm>>) dst(%arg9 : memref<128x128xf32, #tpu.memory_space<vmem>>)
      "tpu.region"() ({
        %run_scoped3A = tpu.sem_alloc : memref<!tpu.dma_semaphore, #tpu.memory_space<semaphore_mem>>
        %dma_start3A_38 = arith.constant 0 : i32
        %dma_start3A_39 = tpu.memref_slice %arg8[%scan3A_25, %dma_start3A_38] : memref<80x128xi32, #tpu.memory_space<vmem>> -> memref<1x128xi32, #tpu.memory_space<vmem>>
        %dma_start3A_40 = tpu.memref_squeeze %dma_start3A_39 : memref<1x128xi32, #tpu.memory_space<vmem>> -> memref<128xi32, #tpu.memory_space<vmem>>
        %dma_start3A_41 = arith.constant 0 : i32
        %dma_start3A_42 = arith.constant 0 : i32
        %dma_start3A_43 = tpu.memref_slice %arg10[%dma_start3A_41, %dma_start3A_42] : memref<10008x128xf32, #tpu.memory_space<vmem_shared>> -> memref<10008x128xf32, #tpu.memory_space<vmem_shared>>
        tpu.enqueue_indirect_dma source(%arg9 : memref<128x128xf32, #tpu.memory_space<vmem>>) target(%dma_start3A_43 : memref<10008x128xf32, #tpu.memory_space<vmem_shared>>) offsets(%dma_start3A_40 : memref<128xi32, #tpu.memory_space<vmem>>) semaphore(%run_scoped3A : memref<!tpu.dma_semaphore, #tpu.memory_space<semaphore_mem>>) {add = true}
        %dma_wait3A_44 = arith.constant 0 : i32
        %dma_wait3A_45 = tpu.memref_slice %arg8[%scan3A_25, %dma_wait3A_44] : memref<80x128xi32, #tpu.memory_space<vmem>> -> memref<1x128xi32, #tpu.memory_space<vmem>>
        %dma_wait3A_46 = tpu.memref_squeeze %dma_wait3A_45 : memref<1x128xi32, #tpu.memory_space<vmem>> -> memref<128xi32, #tpu.memory_space<vmem>>
        %dma_wait3A_47 = arith.constant 0 : i32
        %dma_wait3A_48 = arith.constant 0 : i32
        %dma_wait3A_49 = tpu.memref_slice %arg10[%dma_wait3A_47, %dma_wait3A_48] : memref<10008x128xf32, #tpu.memory_space<vmem_shared>> -> memref<10008x128xf32, #tpu.memory_space<vmem_shared>>
        tpu.wait_indirect_dma semaphore(%run_scoped3A : memref<!tpu.dma_semaphore, #tpu.memory_space<semaphore_mem>>) src(%arg9 : memref<128x128xf32, #tpu.memory_space<vmem>>) dst(%dma_wait3A_49 : memref<10008x128xf32, #tpu.memory_space<vmem_shared>>)
        tpu.yield
      }) : () -> ()
      %scan3A_37 = arith.constant 0 : i32
      scf.yield %scan3A_37 : i32
    }
    %scan3A_14 = arith.constant 80 : i32
    %barrier3A_15 = arith.constant 0 : index
    tpu.barrier barrier_id(%barrier3A_15)
    %mul3A_16 = arith.constant 624 : i32
    %mul3A_17 = arith.muli %arg1, %mul3A_16 : i32
    %mul3A_18 = arith.constant 624 : i32
    %mul3A_19 = arith.muli %arg1, %mul3A_18 : i32
    "tpu.region"() ({
      %run_scoped3A = tpu.sem_alloc : memref<!tpu.dma_semaphore, #tpu.memory_space<semaphore_mem>>
      %dma_start3A = arith.constant 0 : i32
      %dma_start3A_25 = tpu.memref_slice %arg6[%arg0, %mul3A_19, %dma_start3A] : memref<2x10000x128xf32, #tpu.memory_space<hbm>> -> memref<1x624x128xf32, #tpu.memory_space<hbm>>
      %dma_start3A_26 = tpu.memref_squeeze %dma_start3A_25 : memref<1x624x128xf32, #tpu.memory_space<hbm>> -> memref<624x128xf32, #tpu.memory_space<hbm>>
      %dma_start3A_27 = arith.constant 0 : i32
      %dma_start3A_28 = tpu.memref_slice %arg10[%mul3A_17, %dma_start3A_27] : memref<10008x128xf32, #tpu.memory_space<vmem_shared>> -> memref<624x128xf32, #tpu.memory_space<vmem_shared>>
      tpu.enqueue_dma source(%dma_start3A_28 : memref<624x128xf32, #tpu.memory_space<vmem_shared>>) target(%dma_start3A_26 : memref<624x128xf32, #tpu.memory_space<hbm>>) target_semaphore(%run_scoped3A : memref<!tpu.dma_semaphore, #tpu.memory_space<semaphore_mem>>)
      %dma_wait3A = arith.constant 0 : i32
      %dma_wait3A_29 = tpu.memref_slice %arg6[%arg0, %mul3A_19, %dma_wait3A] : memref<2x10000x128xf32, #tpu.memory_space<hbm>> -> memref<1x624x128xf32, #tpu.memory_space<hbm>>
      %dma_wait3A_30 = tpu.memref_squeeze %dma_wait3A_29 : memref<1x624x128xf32, #tpu.memory_space<hbm>> -> memref<624x128xf32, #tpu.memory_space<hbm>>
      %dma_wait3A_31 = arith.constant 0 : i32
      %dma_wait3A_32 = tpu.memref_slice %arg10[%mul3A_17, %dma_wait3A_31] : memref<10008x128xf32, #tpu.memory_space<vmem_shared>> -> memref<624x128xf32, #tpu.memory_space<vmem_shared>>
      tpu.wait_dma2 semaphore(%run_scoped3A : memref<!tpu.dma_semaphore, #tpu.memory_space<semaphore_mem>>) src(%dma_wait3A_32 : memref<624x128xf32, #tpu.memory_space<vmem_shared>>) dst(%dma_wait3A_30 : memref<624x128xf32, #tpu.memory_space<hbm>>)
      tpu.yield
    }) : () -> ()
    %eq3A_20 = arith.constant 15 : i32
    %eq3A_21 = arith.cmpi eq, %arg1, %eq3A_20 : i32
    %convert_element_type3A_22 = arith.extui %eq3A_21 : i1 to i32
    %cond3A_23 = arith.constant 0 : i32
    %cond3A_24 = arith.cmpi ne, %convert_element_type3A_22, %cond3A_23 : i32
    scf.if %cond3A_24 {
      "tpu.region"() ({
        %run_scoped3A = tpu.sem_alloc : memref<!tpu.dma_semaphore, #tpu.memory_space<semaphore_mem>>
        %dma_start3A = arith.constant 9984 : i32
        %dma_start3A_25 = arith.constant 0 : i32
        %dma_start3A_26 = tpu.memref_slice %arg6[%arg0, %dma_start3A, %dma_start3A_25] : memref<2x10000x128xf32, #tpu.memory_space<hbm>> -> memref<1x16x128xf32, #tpu.memory_space<hbm>>
        %dma_start3A_27 = tpu.memref_squeeze %dma_start3A_26 : memref<1x16x128xf32, #tpu.memory_space<hbm>> -> memref<16x128xf32, #tpu.memory_space<hbm>>
        %dma_start3A_28 = arith.constant 9984 : i32
        %dma_start3A_29 = arith.constant 0 : i32
        %dma_start3A_30 = tpu.memref_slice %arg10[%dma_start3A_28, %dma_start3A_29] : memref<10008x128xf32, #tpu.memory_space<vmem_shared>> -> memref<16x128xf32, #tpu.memory_space<vmem_shared>>
        tpu.enqueue_dma source(%dma_start3A_30 : memref<16x128xf32, #tpu.memory_space<vmem_shared>>) target(%dma_start3A_27 : memref<16x128xf32, #tpu.memory_space<hbm>>) target_semaphore(%run_scoped3A : memref<!tpu.dma_semaphore, #tpu.memory_space<semaphore_mem>>)
        %dma_wait3A = arith.constant 9984 : i32
        %dma_wait3A_31 = arith.constant 0 : i32
        %dma_wait3A_32 = tpu.memref_slice %arg6[%arg0, %dma_wait3A, %dma_wait3A_31] : memref<2x10000x128xf32, #tpu.memory_space<hbm>> -> memref<1x16x128xf32, #tpu.memory_space<hbm>>
        %dma_wait3A_33 = tpu.memref_squeeze %dma_wait3A_32 : memref<1x16x128xf32, #tpu.memory_space<hbm>> -> memref<16x128xf32, #tpu.memory_space<hbm>>
        %dma_wait3A_34 = arith.constant 9984 : i32
        %dma_wait3A_35 = arith.constant 0 : i32
        %dma_wait3A_36 = tpu.memref_slice %arg10[%dma_wait3A_34, %dma_wait3A_35] : memref<10008x128xf32, #tpu.memory_space<vmem_shared>> -> memref<16x128xf32, #tpu.memory_space<vmem_shared>>
        tpu.wait_dma2 semaphore(%run_scoped3A : memref<!tpu.dma_semaphore, #tpu.memory_space<semaphore_mem>>) src(%dma_wait3A_36 : memref<16x128xf32, #tpu.memory_space<vmem_shared>>) dst(%dma_wait3A_33 : memref<16x128xf32, #tpu.memory_space<hbm>>)
        tpu.yield
      }) : () -> ()
    } else {
    }
    return
  }
}

#map = affine_map<(d0, d1) -> (0, 0)>
#map1 = affine_map<(d0, d1) -> (0, 0, 0)>
module attributes {stable_mosaic.version = 14 : i64} {
  func.func @_agg_kernel_body(%arg0: i32, %arg1: i32, %arg2: memref<10000x128xf32, #tpu.memory_space<hbm>>, %arg3: memref<2560x128xi32, #tpu.memory_space<hbm>>, %arg4: memref<2560x128xi32, #tpu.memory_space<hbm>>, %arg5: memref<10000x128xf32, #tpu.memory_space<hbm>>, %arg6: memref<2x10000x128xf32, #tpu.memory_space<hbm>>, %arg7: memref<80x128xi32, #tpu.memory_space<vmem>>, %arg8: memref<80x128xi32, #tpu.memory_space<vmem>>, %arg9: memref<128x128xf32, #tpu.memory_space<vmem>>, %arg10: memref<10008x128xf32, #tpu.memory_space<vmem_shared>>, %arg11: memref<!tpu.dma_semaphore, #tpu.memory_space<semaphore_mem>>) attributes {dimension_semantics = [#tpu.dimension_semantics<core_parallel>, #tpu.dimension_semantics<subcore_parallel>], iteration_bounds = array<i64: 2, 16>, scalar_prefetch = 0 : i64, scratch_operands = 5 : i64, tpu.core_type = #tpu.core_type<sc_vector_subcore>, window_params = [{transform_indices = #map}, {transform_indices = #map}, {transform_indices = #map}, {transform_indices = #map}, {transform_indices = #map1}]} {
    %mul3A = arith.constant 624 : i32
    %mul3A_0 = arith.muli %arg1, %mul3A : i32
    %mul3A_1 = arith.constant 624 : i32
    %mul3A_2 = arith.muli %arg1, %mul3A_1 : i32
    "tpu.region"() ({
      %run_scoped3A = tpu.sem_alloc : memref<!tpu.dma_semaphore, #tpu.memory_space<semaphore_mem>>
      %dma_start3A = arith.constant 0 : i32
      %dma_start3A_25 = tpu.memref_slice %arg10[%mul3A_2, %dma_start3A] : memref<10008x128xf32, #tpu.memory_space<vmem_shared>> -> memref<624x128xf32, #tpu.memory_space<vmem_shared>>
      %dma_start3A_26 = arith.constant 0 : i32
      %dma_start3A_27 = tpu.memref_slice %arg5[%mul3A_0, %dma_start3A_26] : memref<10000x128xf32, #tpu.memory_space<hbm>> -> memref<624x128xf32, #tpu.memory_space<hbm>>
      tpu.enqueue_dma source(%dma_start3A_27 : memref<624x128xf32, #tpu.memory_space<hbm>>) target(%dma_start3A_25 : memref<624x128xf32, #tpu.memory_space<vmem_shared>>) target_semaphore(%run_scoped3A : memref<!tpu.dma_semaphore, #tpu.memory_space<semaphore_mem>>)
      %dma_wait3A = arith.constant 0 : i32
      %dma_wait3A_28 = tpu.memref_slice %arg10[%mul3A_2, %dma_wait3A] : memref<10008x128xf32, #tpu.memory_space<vmem_shared>> -> memref<624x128xf32, #tpu.memory_space<vmem_shared>>
      %dma_wait3A_29 = arith.constant 0 : i32
      %dma_wait3A_30 = tpu.memref_slice %arg5[%mul3A_0, %dma_wait3A_29] : memref<10000x128xf32, #tpu.memory_space<hbm>> -> memref<624x128xf32, #tpu.memory_space<hbm>>
      tpu.wait_dma2 semaphore(%run_scoped3A : memref<!tpu.dma_semaphore, #tpu.memory_space<semaphore_mem>>) src(%dma_wait3A_30 : memref<624x128xf32, #tpu.memory_space<hbm>>) dst(%dma_wait3A_28 : memref<624x128xf32, #tpu.memory_space<vmem_shared>>)
      tpu.yield
    }) : () -> ()
    %eq3A = arith.constant 15 : i32
    %eq3A_3 = arith.cmpi eq, %arg1, %eq3A : i32
    %convert_element_type3A = arith.extui %eq3A_3 : i1 to i32
    %cond3A = arith.constant 0 : i32
    %cond3A_4 = arith.cmpi ne, %convert_element_type3A, %cond3A : i32
    scf.if %cond3A_4 {
      "tpu.region"() ({
        %run_scoped3A = tpu.sem_alloc : memref<!tpu.dma_semaphore, #tpu.memory_space<semaphore_mem>>
        %dma_start3A = arith.constant 9984 : i32
        %dma_start3A_25 = arith.constant 0 : i32
        %dma_start3A_26 = tpu.memref_slice %arg10[%dma_start3A, %dma_start3A_25] : memref<10008x128xf32, #tpu.memory_space<vmem_shared>> -> memref<16x128xf32, #tpu.memory_space<vmem_shared>>
        %dma_start3A_27 = arith.constant 9984 : i32
        %dma_start3A_28 = arith.constant 0 : i32
        %dma_start3A_29 = tpu.memref_slice %arg5[%dma_start3A_27, %dma_start3A_28] : memref<10000x128xf32, #tpu.memory_space<hbm>> -> memref<16x128xf32, #tpu.memory_space<hbm>>
        tpu.enqueue_dma source(%dma_start3A_29 : memref<16x128xf32, #tpu.memory_space<hbm>>) target(%dma_start3A_26 : memref<16x128xf32, #tpu.memory_space<vmem_shared>>) target_semaphore(%run_scoped3A : memref<!tpu.dma_semaphore, #tpu.memory_space<semaphore_mem>>)
        %dma_wait3A = arith.constant 9984 : i32
        %dma_wait3A_30 = arith.constant 0 : i32
        %dma_wait3A_31 = tpu.memref_slice %arg10[%dma_wait3A, %dma_wait3A_30] : memref<10008x128xf32, #tpu.memory_space<vmem_shared>> -> memref<16x128xf32, #tpu.memory_space<vmem_shared>>
        %dma_wait3A_32 = arith.constant 9984 : i32
        %dma_wait3A_33 = arith.constant 0 : i32
        %dma_wait3A_34 = tpu.memref_slice %arg5[%dma_wait3A_32, %dma_wait3A_33] : memref<10000x128xf32, #tpu.memory_space<hbm>> -> memref<16x128xf32, #tpu.memory_space<hbm>>
        tpu.wait_dma2 semaphore(%run_scoped3A : memref<!tpu.dma_semaphore, #tpu.memory_space<semaphore_mem>>) src(%dma_wait3A_34 : memref<16x128xf32, #tpu.memory_space<hbm>>) dst(%dma_wait3A_31 : memref<16x128xf32, #tpu.memory_space<vmem_shared>>)
        tpu.yield
      }) : () -> ()
    } else {
    }
    %barrier3A = arith.constant 0 : index
    tpu.barrier barrier_id(%barrier3A)
    %mul3A_5 = arith.constant 160 : i32
    %mul3A_6 = arith.muli %arg1, %mul3A_5 : i32
    %mul3A_7 = arith.constant 80 : i32
    %mul3A_8 = arith.muli %arg0, %mul3A_7 : i32
    %add3A = arith.addi %mul3A_6, %mul3A_8 : i32
    "tpu.region"() ({
      %run_scoped3A = tpu.sem_alloc : memref<!tpu.dma_semaphore, #tpu.memory_space<semaphore_mem>>
      %dma_start3A = arith.constant 0 : i32
      %dma_start3A_25 = tpu.memref_slice %arg3[%add3A, %dma_start3A] : memref<2560x128xi32, #tpu.memory_space<hbm>> -> memref<80x128xi32, #tpu.memory_space<hbm>>
      %dma_start3A_26 = arith.constant 0 : i32
      %dma_start3A_27 = tpu.memref_slice %arg3[%add3A, %dma_start3A_26] : memref<2560x128xi32, #tpu.memory_space<hbm>> -> memref<80x128xi32, #tpu.memory_space<hbm>>
      tpu.enqueue_dma source(%dma_start3A_27 : memref<80x128xi32, #tpu.memory_space<hbm>>) target(%arg7 : memref<80x128xi32, #tpu.memory_space<vmem>>) target_semaphore(%run_scoped3A : memref<!tpu.dma_semaphore, #tpu.memory_space<semaphore_mem>>)
      %dma_wait3A = arith.constant 0 : i32
      %dma_wait3A_28 = tpu.memref_slice %arg3[%add3A, %dma_wait3A] : memref<2560x128xi32, #tpu.memory_space<hbm>> -> memref<80x128xi32, #tpu.memory_space<hbm>>
      %dma_wait3A_29 = arith.constant 0 : i32
      %dma_wait3A_30 = tpu.memref_slice %arg3[%add3A, %dma_wait3A_29] : memref<2560x128xi32, #tpu.memory_space<hbm>> -> memref<80x128xi32, #tpu.memory_space<hbm>>
      tpu.wait_dma2 semaphore(%run_scoped3A : memref<!tpu.dma_semaphore, #tpu.memory_space<semaphore_mem>>) src(%dma_wait3A_30 : memref<80x128xi32, #tpu.memory_space<hbm>>) dst(%arg7 : memref<80x128xi32, #tpu.memory_space<vmem>>)
      tpu.yield
    }) : () -> ()
    "tpu.region"() ({
      %run_scoped3A = tpu.sem_alloc : memref<!tpu.dma_semaphore, #tpu.memory_space<semaphore_mem>>
      %dma_start3A = arith.constant 0 : i32
      %dma_start3A_25 = tpu.memref_slice %arg4[%add3A, %dma_start3A] : memref<2560x128xi32, #tpu.memory_space<hbm>> -> memref<80x128xi32, #tpu.memory_space<hbm>>
      %dma_start3A_26 = arith.constant 0 : i32
      %dma_start3A_27 = tpu.memref_slice %arg4[%add3A, %dma_start3A_26] : memref<2560x128xi32, #tpu.memory_space<hbm>> -> memref<80x128xi32, #tpu.memory_space<hbm>>
      tpu.enqueue_dma source(%dma_start3A_27 : memref<80x128xi32, #tpu.memory_space<hbm>>) target(%arg8 : memref<80x128xi32, #tpu.memory_space<vmem>>) target_semaphore(%run_scoped3A : memref<!tpu.dma_semaphore, #tpu.memory_space<semaphore_mem>>)
      %dma_wait3A = arith.constant 0 : i32
      %dma_wait3A_28 = tpu.memref_slice %arg4[%add3A, %dma_wait3A] : memref<2560x128xi32, #tpu.memory_space<hbm>> -> memref<80x128xi32, #tpu.memory_space<hbm>>
      %dma_wait3A_29 = arith.constant 0 : i32
      %dma_wait3A_30 = tpu.memref_slice %arg4[%add3A, %dma_wait3A_29] : memref<2560x128xi32, #tpu.memory_space<hbm>> -> memref<80x128xi32, #tpu.memory_space<hbm>>
      tpu.wait_dma2 semaphore(%run_scoped3A : memref<!tpu.dma_semaphore, #tpu.memory_space<semaphore_mem>>) src(%dma_wait3A_30 : memref<80x128xi32, #tpu.memory_space<hbm>>) dst(%arg8 : memref<80x128xi32, #tpu.memory_space<vmem>>)
      tpu.yield
    }) : () -> ()
    %scan3A = arith.constant 0 : i32
    %scan3A_9 = arith.constant 0 : i32
    %scan3A_10 = arith.constant 80 : i32
    %scan3A_11 = arith.addi %scan3A_9, %scan3A_10 : i32
    %scan3A_12 = arith.constant 1 : i32
    %scan3A_13 = scf.for %scan3A_25 = %scan3A_9 to %scan3A_11 step %scan3A_12 iter_args(%scan3A_26 = %scan3A) -> (i32)  : i32 {
      %dma_start3A = arith.constant 0 : i32
      %dma_start3A_27 = tpu.memref_slice %arg7[%scan3A_25, %dma_start3A] : memref<80x128xi32, #tpu.memory_space<vmem>> -> memref<1x128xi32, #tpu.memory_space<vmem>>
      %dma_start3A_28 = tpu.memref_squeeze %dma_start3A_27 : memref<1x128xi32, #tpu.memory_space<vmem>> -> memref<128xi32, #tpu.memory_space<vmem>>
      %dma_start3A_29 = arith.constant 0 : i32
      %dma_start3A_30 = arith.constant 0 : i32
      %dma_start3A_31 = tpu.memref_slice %arg2[%dma_start3A_29, %dma_start3A_30] : memref<10000x128xf32, #tpu.memory_space<hbm>> -> memref<10000x128xf32, #tpu.memory_space<hbm>>
      tpu.enqueue_indirect_dma source(%dma_start3A_31 : memref<10000x128xf32, #tpu.memory_space<hbm>>) target(%arg9 : memref<128x128xf32, #tpu.memory_space<vmem>>) offsets(%dma_start3A_28 : memref<128xi32, #tpu.memory_space<vmem>>) semaphore(%arg11 : memref<!tpu.dma_semaphore, #tpu.memory_space<semaphore_mem>>)
      %dma_wait3A = arith.constant 0 : i32
      %dma_wait3A_32 = tpu.memref_slice %arg7[%scan3A_25, %dma_wait3A] : memref<80x128xi32, #tpu.memory_space<vmem>> -> memref<1x128xi32, #tpu.memory_space<vmem>>
      %dma_wait3A_33 = tpu.memref_squeeze %dma_wait3A_32 : memref<1x128xi32, #tpu.memory_space<vmem>> -> memref<128xi32, #tpu.memory_space<vmem>>
      %dma_wait3A_34 = arith.constant 0 : i32
      %dma_wait3A_35 = arith.constant 0 : i32
      %dma_wait3A_36 = tpu.memref_slice %arg2[%dma_wait3A_34, %dma_wait3A_35] : memref<10000x128xf32, #tpu.memory_space<hbm>> -> memref<10000x128xf32, #tpu.memory_space<hbm>>
      tpu.wait_indirect_dma semaphore(%arg11 : memref<!tpu.dma_semaphore, #tpu.memory_space<semaphore_mem>>) src(%dma_wait3A_36 : memref<10000x128xf32, #tpu.memory_space<hbm>>) dst(%arg9 : memref<128x128xf32, #tpu.memory_space<vmem>>)
      "tpu.region"() ({
        %run_scoped3A = tpu.sem_alloc : memref<!tpu.dma_semaphore, #tpu.memory_space<semaphore_mem>>
        %dma_start3A_38 = arith.constant 0 : i32
        %dma_start3A_39 = tpu.memref_slice %arg8[%scan3A_25, %dma_start3A_38] : memref<80x128xi32, #tpu.memory_space<vmem>> -> memref<1x128xi32, #tpu.memory_space<vmem>>
        %dma_start3A_40 = tpu.memref_squeeze %dma_start3A_39 : memref<1x128xi32, #tpu.memory_space<vmem>> -> memref<128xi32, #tpu.memory_space<vmem>>
        %dma_start3A_41 = arith.constant 0 : i32
        %dma_start3A_42 = arith.constant 0 : i32
        %dma_start3A_43 = tpu.memref_slice %arg10[%dma_start3A_41, %dma_start3A_42] : memref<10008x128xf32, #tpu.memory_space<vmem_shared>> -> memref<10008x128xf32, #tpu.memory_space<vmem_shared>>
        tpu.enqueue_indirect_dma source(%arg9 : memref<128x128xf32, #tpu.memory_space<vmem>>) target(%dma_start3A_43 : memref<10008x128xf32, #tpu.memory_space<vmem_shared>>) offsets(%dma_start3A_40 : memref<128xi32, #tpu.memory_space<vmem>>) semaphore(%run_scoped3A : memref<!tpu.dma_semaphore, #tpu.memory_space<semaphore_mem>>) {add = true}
        %dma_wait3A_44 = arith.constant 0 : i32
        %dma_wait3A_45 = tpu.memref_slice %arg8[%scan3A_25, %dma_wait3A_44] : memref<80x128xi32, #tpu.memory_space<vmem>> -> memref<1x128xi32, #tpu.memory_space<vmem>>
        %dma_wait3A_46 = tpu.memref_squeeze %dma_wait3A_45 : memref<1x128xi32, #tpu.memory_space<vmem>> -> memref<128xi32, #tpu.memory_space<vmem>>
        %dma_wait3A_47 = arith.constant 0 : i32
        %dma_wait3A_48 = arith.constant 0 : i32
        %dma_wait3A_49 = tpu.memref_slice %arg10[%dma_wait3A_47, %dma_wait3A_48] : memref<10008x128xf32, #tpu.memory_space<vmem_shared>> -> memref<10008x128xf32, #tpu.memory_space<vmem_shared>>
        tpu.wait_indirect_dma semaphore(%run_scoped3A : memref<!tpu.dma_semaphore, #tpu.memory_space<semaphore_mem>>) src(%arg9 : memref<128x128xf32, #tpu.memory_space<vmem>>) dst(%dma_wait3A_49 : memref<10008x128xf32, #tpu.memory_space<vmem_shared>>)
        tpu.yield
      }) : () -> ()
      %scan3A_37 = arith.constant 0 : i32
      scf.yield %scan3A_37 : i32
    }
    %scan3A_14 = arith.constant 80 : i32
    %barrier3A_15 = arith.constant 0 : index
    tpu.barrier barrier_id(%barrier3A_15)
    %mul3A_16 = arith.constant 624 : i32
    %mul3A_17 = arith.muli %arg1, %mul3A_16 : i32
    %mul3A_18 = arith.constant 624 : i32
    %mul3A_19 = arith.muli %arg1, %mul3A_18 : i32
    "tpu.region"() ({
      %run_scoped3A = tpu.sem_alloc : memref<!tpu.dma_semaphore, #tpu.memory_space<semaphore_mem>>
      %dma_start3A = arith.constant 0 : i32
      %dma_start3A_25 = tpu.memref_slice %arg6[%arg0, %mul3A_19, %dma_start3A] : memref<2x10000x128xf32, #tpu.memory_space<hbm>> -> memref<1x624x128xf32, #tpu.memory_space<hbm>>
      %dma_start3A_26 = tpu.memref_squeeze %dma_start3A_25 : memref<1x624x128xf32, #tpu.memory_space<hbm>> -> memref<624x128xf32, #tpu.memory_space<hbm>>
      %dma_start3A_27 = arith.constant 0 : i32
      %dma_start3A_28 = tpu.memref_slice %arg10[%mul3A_17, %dma_start3A_27] : memref<10008x128xf32, #tpu.memory_space<vmem_shared>> -> memref<624x128xf32, #tpu.memory_space<vmem_shared>>
      tpu.enqueue_dma source(%dma_start3A_28 : memref<624x128xf32, #tpu.memory_space<vmem_shared>>) target(%dma_start3A_26 : memref<624x128xf32, #tpu.memory_space<hbm>>) target_semaphore(%run_scoped3A : memref<!tpu.dma_semaphore, #tpu.memory_space<semaphore_mem>>)
      %dma_wait3A = arith.constant 0 : i32
      %dma_wait3A_29 = tpu.memref_slice %arg6[%arg0, %mul3A_19, %dma_wait3A] : memref<2x10000x128xf32, #tpu.memory_space<hbm>> -> memref<1x624x128xf32, #tpu.memory_space<hbm>>
      %dma_wait3A_30 = tpu.memref_squeeze %dma_wait3A_29 : memref<1x624x128xf32, #tpu.memory_space<hbm>> -> memref<624x128xf32, #tpu.memory_space<hbm>>
      %dma_wait3A_31 = arith.constant 0 : i32
      %dma_wait3A_32 = tpu.memref_slice %arg10[%mul3A_17, %dma_wait3A_31] : memref<10008x128xf32, #tpu.memory_space<vmem_shared>> -> memref<624x128xf32, #tpu.memory_space<vmem_shared>>
      tpu.wait_dma2 semaphore(%run_scoped3A : memref<!tpu.dma_semaphore, #tpu.memory_space<semaphore_mem>>) src(%dma_wait3A_32 : memref<624x128xf32, #tpu.memory_space<vmem_shared>>) dst(%dma_wait3A_30 : memref<624x128xf32, #tpu.memory_space<hbm>>)
      tpu.yield
    }) : () -> ()
    %eq3A_20 = arith.constant 15 : i32
    %eq3A_21 = arith.cmpi eq, %arg1, %eq3A_20 : i32
    %convert_element_type3A_22 = arith.extui %eq3A_21 : i1 to i32
    %cond3A_23 = arith.constant 0 : i32
    %cond3A_24 = arith.cmpi ne, %convert_element_type3A_22, %cond3A_23 : i32
    scf.if %cond3A_24 {
      "tpu.region"() ({
        %run_scoped3A = tpu.sem_alloc : memref<!tpu.dma_semaphore, #tpu.memory_space<semaphore_mem>>
        %dma_start3A = arith.constant 9984 : i32
        %dma_start3A_25 = arith.constant 0 : i32
        %dma_start3A_26 = tpu.memref_slice %arg6[%arg0, %dma_start3A, %dma_start3A_25] : memref<2x10000x128xf32, #tpu.memory_space<hbm>> -> memref<1x16x128xf32, #tpu.memory_space<hbm>>
        %dma_start3A_27 = tpu.memref_squeeze %dma_start3A_26 : memref<1x16x128xf32, #tpu.memory_space<hbm>> -> memref<16x128xf32, #tpu.memory_space<hbm>>
        %dma_start3A_28 = arith.constant 9984 : i32
        %dma_start3A_29 = arith.constant 0 : i32
        %dma_start3A_30 = tpu.memref_slice %arg10[%dma_start3A_28, %dma_start3A_29] : memref<10008x128xf32, #tpu.memory_space<vmem_shared>> -> memref<16x128xf32, #tpu.memory_space<vmem_shared>>
        tpu.enqueue_dma source(%dma_start3A_30 : memref<16x128xf32, #tpu.memory_space<vmem_shared>>) target(%dma_start3A_27 : memref<16x128xf32, #tpu.memory_space<hbm>>) target_semaphore(%run_scoped3A : memref<!tpu.dma_semaphore, #tpu.memory_space<semaphore_mem>>)
        %dma_wait3A = arith.constant 9984 : i32
        %dma_wait3A_31 = arith.constant 0 : i32
        %dma_wait3A_32 = tpu.memref_slice %arg6[%arg0, %dma_wait3A, %dma_wait3A_31] : memref<2x10000x128xf32, #tpu.memory_space<hbm>> -> memref<1x16x128xf32, #tpu.memory_space<hbm>>
        %dma_wait3A_33 = tpu.memref_squeeze %dma_wait3A_32 : memref<1x16x128xf32, #tpu.memory_space<hbm>> -> memref<16x128xf32, #tpu.memory_space<hbm>>
        %dma_wait3A_34 = arith.constant 9984 : i32
        %dma_wait3A_35 = arith.constant 0 : i32
        %dma_wait3A_36 = tpu.memref_slice %arg10[%dma_wait3A_34, %dma_wait3A_35] : memref<10008x128xf32, #tpu.memory_space<vmem_shared>> -> memref<16x128xf32, #tpu.memory_space<vmem_shared>>
        tpu.wait_dma2 semaphore(%run_scoped3A : memref<!tpu.dma_semaphore, #tpu.memory_space<semaphore_mem>>) src(%dma_wait3A_36 : memref<16x128xf32, #tpu.memory_space<vmem_shared>>) dst(%dma_wait3A_33 : memref<16x128xf32, #tpu.memory_space<hbm>>)
        tpu.yield
      }) : () -> ()
    } else {
    }
    return
  }
}

#map = affine_map<(d0, d1) -> (0, 0)>
#map1 = affine_map<(d0, d1) -> (0)>
#map2 = affine_map<(d0, d1) -> (0, 0, 0)>
module attributes {stable_mosaic.version = 14 : i64} {
  func.func @_pool_kernel_body(%arg0: i32, %arg1: i32, %arg2: memref<10000x128xf32, #tpu.memory_space<hbm>>, %arg3: memref<78x128xi32, #tpu.memory_space<hbm>>, %arg4: memref<16xi32, #tpu.memory_space<hbm>>, %arg5: memref<10000x128xf32, #tpu.memory_space<hbm>>, %arg6: memref<2x64x128xf32, #tpu.memory_space<hbm>>, %arg7: memref<128xi32, #tpu.memory_space<vmem>>, %arg8: memref<128x128xf32, #tpu.memory_space<vmem>>, %arg9: memref<16xi32, #tpu.memory_space<vmem>>, %arg10: memref<16x128xf32, #tpu.memory_space<vmem>>, %arg11: memref<64x128xf32, #tpu.memory_space<vmem_shared>>) attributes {dimension_semantics = [#tpu.dimension_semantics<core_parallel>, #tpu.dimension_semantics<subcore_parallel>], iteration_bounds = array<i64: 2, 16>, scalar_prefetch = 0 : i64, scratch_operands = 5 : i64, tpu.core_type = #tpu.core_type<sc_vector_subcore>, window_params = [{transform_indices = #map}, {transform_indices = #map}, {transform_indices = #map1}, {transform_indices = #map}, {transform_indices = #map2}]} {
    %mul3A = arith.constant 2 : i32
    %mul3A_0 = arith.muli %arg1, %mul3A : i32
    %add3A = arith.addi %mul3A_0, %arg0 : i32
    %eq3A = arith.constant 0 : i32
    %eq3A_1 = arith.cmpi eq, %arg1, %eq3A : i32
    %convert_element_type3A = arith.extui %eq3A_1 : i1 to i32
    %cond3A = arith.constant 0 : i32
    %cond3A_2 = arith.cmpi ne, %convert_element_type3A, %cond3A : i32
    scf.if %cond3A_2 {
      "tpu.region"() ({
        %run_scoped3A = tpu.sem_alloc : memref<!tpu.dma_semaphore, #tpu.memory_space<semaphore_mem>>
        %dma_start3A = arith.constant 0 : i32
        %dma_start3A_34 = arith.constant 0 : i32
        %dma_start3A_35 = tpu.memref_slice %arg5[%dma_start3A, %dma_start3A_34] : memref<10000x128xf32, #tpu.memory_space<hbm>> -> memref<64x128xf32, #tpu.memory_space<hbm>>
        tpu.enqueue_dma source(%dma_start3A_35 : memref<64x128xf32, #tpu.memory_space<hbm>>) target(%arg11 : memref<64x128xf32, #tpu.memory_space<vmem_shared>>) target_semaphore(%run_scoped3A : memref<!tpu.dma_semaphore, #tpu.memory_space<semaphore_mem>>)
        %dma_wait3A = arith.constant 0 : i32
        %dma_wait3A_36 = arith.constant 0 : i32
        %dma_wait3A_37 = tpu.memref_slice %arg5[%dma_wait3A, %dma_wait3A_36] : memref<10000x128xf32, #tpu.memory_space<hbm>> -> memref<64x128xf32, #tpu.memory_space<hbm>>
        tpu.wait_dma2 semaphore(%run_scoped3A : memref<!tpu.dma_semaphore, #tpu.memory_space<semaphore_mem>>) src(%dma_wait3A_37 : memref<64x128xf32, #tpu.memory_space<hbm>>) dst(%arg11 : memref<64x128xf32, #tpu.memory_space<vmem_shared>>)
        tpu.yield
      }) : () -> ()
    } else {
    }
    %barrier3A = arith.constant 0 : index
    tpu.barrier barrier_id(%barrier3A)
    %add3A_3 = arith.constant 0 : i32
    %add3A_4 = arith.addi %add3A, %add3A_3 : i32
    %lt3A = arith.constant 78 : i32
    %lt3A_5 = arith.cmpi slt, %add3A_4, %lt3A : i32
    %convert_element_type3A_6 = arith.extui %lt3A_5 : i1 to i32
    %cond3A_7 = arith.constant 0 : i32
    %cond3A_8 = arith.cmpi ne, %convert_element_type3A_6, %cond3A_7 : i32
    scf.if %cond3A_8 {
      "tpu.region"() ({
        %run_scoped3A = tpu.sem_alloc : memref<!tpu.dma_semaphore, #tpu.memory_space<semaphore_mem>>
        %dma_start3A = arith.constant 0 : i32
        %dma_start3A_36 = tpu.memref_slice %arg3[%add3A_4, %dma_start3A] : memref<78x128xi32, #tpu.memory_space<hbm>> -> memref<1x128xi32, #tpu.memory_space<hbm>>
        %dma_start3A_37 = tpu.memref_squeeze %dma_start3A_36 : memref<1x128xi32, #tpu.memory_space<hbm>> -> memref<128xi32, #tpu.memory_space<hbm>>
        %dma_start3A_38 = arith.constant 0 : i32
        %dma_start3A_39 = tpu.memref_slice %arg3[%add3A_4, %dma_start3A_38] : memref<78x128xi32, #tpu.memory_space<hbm>> -> memref<1x128xi32, #tpu.memory_space<hbm>>
        %dma_start3A_40 = tpu.memref_squeeze %dma_start3A_39 : memref<1x128xi32, #tpu.memory_space<hbm>> -> memref<128xi32, #tpu.memory_space<hbm>>
        tpu.enqueue_dma source(%dma_start3A_40 : memref<128xi32, #tpu.memory_space<hbm>>) target(%arg7 : memref<128xi32, #tpu.memory_space<vmem>>) target_semaphore(%run_scoped3A : memref<!tpu.dma_semaphore, #tpu.memory_space<semaphore_mem>>)
        %dma_wait3A = arith.constant 0 : i32
        %dma_wait3A_41 = tpu.memref_slice %arg3[%add3A_4, %dma_wait3A] : memref<78x128xi32, #tpu.memory_space<hbm>> -> memref<1x128xi32, #tpu.memory_space<hbm>>
        %dma_wait3A_42 = tpu.memref_squeeze %dma_wait3A_41 : memref<1x128xi32, #tpu.memory_space<hbm>> -> memref<128xi32, #tpu.memory_space<hbm>>
        %dma_wait3A_43 = arith.constant 0 : i32
        %dma_wait3A_44 = tpu.memref_slice %arg3[%add3A_4, %dma_wait3A_43] : memref<78x128xi32, #tpu.memory_space<hbm>> -> memref<1x128xi32, #tpu.memory_space<hbm>>
        %dma_wait3A_45 = tpu.memref_squeeze %dma_wait3A_44 : memref<1x128xi32, #tpu.memory_space<hbm>> -> memref<128xi32, #tpu.memory_space<hbm>>
        tpu.wait_dma2 semaphore(%run_scoped3A : memref<!tpu.dma_semaphore, #tpu.memory_space<semaphore_mem>>) src(%dma_wait3A_45 : memref<128xi32, #tpu.memory_space<hbm>>) dst(%arg7 : memref<128xi32, #tpu.memory_space<vmem>>)
        tpu.yield
      }) : () -> ()
      %mul3A_34 = arith.constant 128 : i32
      %mul3A_35 = arith.muli %add3A_4, %mul3A_34 : i32
      "tpu.region"() ({
        %run_scoped3A = tpu.sem_alloc : memref<!tpu.dma_semaphore, #tpu.memory_space<semaphore_mem>>
        %dma_start3A = arith.constant 0 : i32
        %dma_start3A_36 = tpu.memref_slice %arg2[%mul3A_35, %dma_start3A] : memref<10000x128xf32, #tpu.memory_space<hbm>> -> memref<128x128xf32, #tpu.memory_space<hbm>>
        %dma_start3A_37 = arith.constant 0 : i32
        %dma_start3A_38 = tpu.memref_slice %arg2[%mul3A_35, %dma_start3A_37] : memref<10000x128xf32, #tpu.memory_space<hbm>> -> memref<128x128xf32, #tpu.memory_space<hbm>>
        tpu.enqueue_dma source(%dma_start3A_38 : memref<128x128xf32, #tpu.memory_space<hbm>>) target(%arg8 : memref<128x128xf32, #tpu.memory_space<vmem>>) target_semaphore(%run_scoped3A : memref<!tpu.dma_semaphore, #tpu.memory_space<semaphore_mem>>)
        %dma_wait3A = arith.constant 0 : i32
        %dma_wait3A_39 = tpu.memref_slice %arg2[%mul3A_35, %dma_wait3A] : memref<10000x128xf32, #tpu.memory_space<hbm>> -> memref<128x128xf32, #tpu.memory_space<hbm>>
        %dma_wait3A_40 = arith.constant 0 : i32
        %dma_wait3A_41 = tpu.memref_slice %arg2[%mul3A_35, %dma_wait3A_40] : memref<10000x128xf32, #tpu.memory_space<hbm>> -> memref<128x128xf32, #tpu.memory_space<hbm>>
        tpu.wait_dma2 semaphore(%run_scoped3A : memref<!tpu.dma_semaphore, #tpu.memory_space<semaphore_mem>>) src(%dma_wait3A_41 : memref<128x128xf32, #tpu.memory_space<hbm>>) dst(%arg8 : memref<128x128xf32, #tpu.memory_space<vmem>>)
        tpu.yield
      }) : () -> ()
      "tpu.region"() ({
        %run_scoped3A = tpu.sem_alloc : memref<!tpu.dma_semaphore, #tpu.memory_space<semaphore_mem>>
        %dma_start3A = arith.constant 0 : i32
        %dma_start3A_36 = arith.constant 0 : i32
        %dma_start3A_37 = tpu.memref_slice %arg11[%dma_start3A, %dma_start3A_36] : memref<64x128xf32, #tpu.memory_space<vmem_shared>> -> memref<64x128xf32, #tpu.memory_space<vmem_shared>>
        tpu.enqueue_indirect_dma source(%arg8 : memref<128x128xf32, #tpu.memory_space<vmem>>) target(%dma_start3A_37 : memref<64x128xf32, #tpu.memory_space<vmem_shared>>) offsets(%arg7 : memref<128xi32, #tpu.memory_space<vmem>>) semaphore(%run_scoped3A : memref<!tpu.dma_semaphore, #tpu.memory_space<semaphore_mem>>) {add = true}
        %dma_wait3A = arith.constant 0 : i32
        %dma_wait3A_38 = arith.constant 0 : i32
        %dma_wait3A_39 = tpu.memref_slice %arg11[%dma_wait3A, %dma_wait3A_38] : memref<64x128xf32, #tpu.memory_space<vmem_shared>> -> memref<64x128xf32, #tpu.memory_space<vmem_shared>>
        tpu.wait_indirect_dma semaphore(%run_scoped3A : memref<!tpu.dma_semaphore, #tpu.memory_space<semaphore_mem>>) src(%arg8 : memref<128x128xf32, #tpu.memory_space<vmem>>) dst(%dma_wait3A_39 : memref<64x128xf32, #tpu.memory_space<vmem_shared>>)
        tpu.yield
      }) : () -> ()
    } else {
    }
    %add3A_9 = arith.constant 32 : i32
    %add3A_10 = arith.addi %add3A, %add3A_9 : i32
    %lt3A_11 = arith.constant 78 : i32
    %lt3A_12 = arith.cmpi slt, %add3A_10, %lt3A_11 : i32
    %convert_element_type3A_13 = arith.extui %lt3A_12 : i1 to i32
    %cond3A_14 = arith.constant 0 : i32
    %cond3A_15 = arith.cmpi ne, %convert_element_type3A_13, %cond3A_14 : i32
    scf.if %cond3A_15 {
      "tpu.region"() ({
        %run_scoped3A = tpu.sem_alloc : memref<!tpu.dma_semaphore, #tpu.memory_space<semaphore_mem>>
        %dma_start3A = arith.constant 0 : i32
        %dma_start3A_36 = tpu.memref_slice %arg3[%add3A_10, %dma_start3A] : memref<78x128xi32, #tpu.memory_space<hbm>> -> memref<1x128xi32, #tpu.memory_space<hbm>>
        %dma_start3A_37 = tpu.memref_squeeze %dma_start3A_36 : memref<1x128xi32, #tpu.memory_space<hbm>> -> memref<128xi32, #tpu.memory_space<hbm>>
        %dma_start3A_38 = arith.constant 0 : i32
        %dma_start3A_39 = tpu.memref_slice %arg3[%add3A_10, %dma_start3A_38] : memref<78x128xi32, #tpu.memory_space<hbm>> -> memref<1x128xi32, #tpu.memory_space<hbm>>
        %dma_start3A_40 = tpu.memref_squeeze %dma_start3A_39 : memref<1x128xi32, #tpu.memory_space<hbm>> -> memref<128xi32, #tpu.memory_space<hbm>>
        tpu.enqueue_dma source(%dma_start3A_40 : memref<128xi32, #tpu.memory_space<hbm>>) target(%arg7 : memref<128xi32, #tpu.memory_space<vmem>>) target_semaphore(%run_scoped3A : memref<!tpu.dma_semaphore, #tpu.memory_space<semaphore_mem>>)
        %dma_wait3A = arith.constant 0 : i32
        %dma_wait3A_41 = tpu.memref_slice %arg3[%add3A_10, %dma_wait3A] : memref<78x128xi32, #tpu.memory_space<hbm>> -> memref<1x128xi32, #tpu.memory_space<hbm>>
        %dma_wait3A_42 = tpu.memref_squeeze %dma_wait3A_41 : memref<1x128xi32, #tpu.memory_space<hbm>> -> memref<128xi32, #tpu.memory_space<hbm>>
        %dma_wait3A_43 = arith.constant 0 : i32
        %dma_wait3A_44 = tpu.memref_slice %arg3[%add3A_10, %dma_wait3A_43] : memref<78x128xi32, #tpu.memory_space<hbm>> -> memref<1x128xi32, #tpu.memory_space<hbm>>
        %dma_wait3A_45 = tpu.memref_squeeze %dma_wait3A_44 : memref<1x128xi32, #tpu.memory_space<hbm>> -> memref<128xi32, #tpu.memory_space<hbm>>
        tpu.wait_dma2 semaphore(%run_scoped3A : memref<!tpu.dma_semaphore, #tpu.memory_space<semaphore_mem>>) src(%dma_wait3A_45 : memref<128xi32, #tpu.memory_space<hbm>>) dst(%arg7 : memref<128xi32, #tpu.memory_space<vmem>>)
        tpu.yield
      }) : () -> ()
      %mul3A_34 = arith.constant 128 : i32
      %mul3A_35 = arith.muli %add3A_10, %mul3A_34 : i32
      "tpu.region"() ({
        %run_scoped3A = tpu.sem_alloc : memref<!tpu.dma_semaphore, #tpu.memory_space<semaphore_mem>>
        %dma_start3A = arith.constant 0 : i32
        %dma_start3A_36 = tpu.memref_slice %arg2[%mul3A_35, %dma_start3A] : memref<10000x128xf32, #tpu.memory_space<hbm>> -> memref<128x128xf32, #tpu.memory_space<hbm>>
        %dma_start3A_37 = arith.constant 0 : i32
        %dma_start3A_38 = tpu.memref_slice %arg2[%mul3A_35, %dma_start3A_37] : memref<10000x128xf32, #tpu.memory_space<hbm>> -> memref<128x128xf32, #tpu.memory_space<hbm>>
        tpu.enqueue_dma source(%dma_start3A_38 : memref<128x128xf32, #tpu.memory_space<hbm>>) target(%arg8 : memref<128x128xf32, #tpu.memory_space<vmem>>) target_semaphore(%run_scoped3A : memref<!tpu.dma_semaphore, #tpu.memory_space<semaphore_mem>>)
        %dma_wait3A = arith.constant 0 : i32
        %dma_wait3A_39 = tpu.memref_slice %arg2[%mul3A_35, %dma_wait3A] : memref<10000x128xf32, #tpu.memory_space<hbm>> -> memref<128x128xf32, #tpu.memory_space<hbm>>
        %dma_wait3A_40 = arith.constant 0 : i32
        %dma_wait3A_41 = tpu.memref_slice %arg2[%mul3A_35, %dma_wait3A_40] : memref<10000x128xf32, #tpu.memory_space<hbm>> -> memref<128x128xf32, #tpu.memory_space<hbm>>
        tpu.wait_dma2 semaphore(%run_scoped3A : memref<!tpu.dma_semaphore, #tpu.memory_space<semaphore_mem>>) src(%dma_wait3A_41 : memref<128x128xf32, #tpu.memory_space<hbm>>) dst(%arg8 : memref<128x128xf32, #tpu.memory_space<vmem>>)
        tpu.yield
      }) : () -> ()
      "tpu.region"() ({
        %run_scoped3A = tpu.sem_alloc : memref<!tpu.dma_semaphore, #tpu.memory_space<semaphore_mem>>
        %dma_start3A = arith.constant 0 : i32
        %dma_start3A_36 = arith.constant 0 : i32
        %dma_start3A_37 = tpu.memref_slice %arg11[%dma_start3A, %dma_start3A_36] : memref<64x128xf32, #tpu.memory_space<vmem_shared>> -> memref<64x128xf32, #tpu.memory_space<vmem_shared>>
        tpu.enqueue_indirect_dma source(%arg8 : memref<128x128xf32, #tpu.memory_space<vmem>>) target(%dma_start3A_37 : memref<64x128xf32, #tpu.memory_space<vmem_shared>>) offsets(%arg7 : memref<128xi32, #tpu.memory_space<vmem>>) semaphore(%run_scoped3A : memref<!tpu.dma_semaphore, #tpu.memory_space<semaphore_mem>>) {add = true}
        %dma_wait3A = arith.constant 0 : i32
        %dma_wait3A_38 = arith.constant 0 : i32
        %dma_wait3A_39 = tpu.memref_slice %arg11[%dma_wait3A, %dma_wait3A_38] : memref<64x128xf32, #tpu.memory_space<vmem_shared>> -> memref<64x128xf32, #tpu.memory_space<vmem_shared>>
        tpu.wait_indirect_dma semaphore(%run_scoped3A : memref<!tpu.dma_semaphore, #tpu.memory_space<semaphore_mem>>) src(%arg8 : memref<128x128xf32, #tpu.memory_space<vmem>>) dst(%dma_wait3A_39 : memref<64x128xf32, #tpu.memory_space<vmem_shared>>)
        tpu.yield
      }) : () -> ()
    } else {
    }
    %add3A_16 = arith.constant 64 : i32
    %add3A_17 = arith.addi %add3A, %add3A_16 : i32
    %lt3A_18 = arith.constant 78 : i32
    %lt3A_19 = arith.cmpi slt, %add3A_17, %lt3A_18 : i32
    %convert_element_type3A_20 = arith.extui %lt3A_19 : i1 to i32
    %cond3A_21 = arith.constant 0 : i32
    %cond3A_22 = arith.cmpi ne, %convert_element_type3A_20, %cond3A_21 : i32
    scf.if %cond3A_22 {
      "tpu.region"() ({
        %run_scoped3A = tpu.sem_alloc : memref<!tpu.dma_semaphore, #tpu.memory_space<semaphore_mem>>
        %dma_start3A = arith.constant 0 : i32
        %dma_start3A_36 = tpu.memref_slice %arg3[%add3A_17, %dma_start3A] : memref<78x128xi32, #tpu.memory_space<hbm>> -> memref<1x128xi32, #tpu.memory_space<hbm>>
        %dma_start3A_37 = tpu.memref_squeeze %dma_start3A_36 : memref<1x128xi32, #tpu.memory_space<hbm>> -> memref<128xi32, #tpu.memory_space<hbm>>
        %dma_start3A_38 = arith.constant 0 : i32
        %dma_start3A_39 = tpu.memref_slice %arg3[%add3A_17, %dma_start3A_38] : memref<78x128xi32, #tpu.memory_space<hbm>> -> memref<1x128xi32, #tpu.memory_space<hbm>>
        %dma_start3A_40 = tpu.memref_squeeze %dma_start3A_39 : memref<1x128xi32, #tpu.memory_space<hbm>> -> memref<128xi32, #tpu.memory_space<hbm>>
        tpu.enqueue_dma source(%dma_start3A_40 : memref<128xi32, #tpu.memory_space<hbm>>) target(%arg7 : memref<128xi32, #tpu.memory_space<vmem>>) target_semaphore(%run_scoped3A : memref<!tpu.dma_semaphore, #tpu.memory_space<semaphore_mem>>)
        %dma_wait3A = arith.constant 0 : i32
        %dma_wait3A_41 = tpu.memref_slice %arg3[%add3A_17, %dma_wait3A] : memref<78x128xi32, #tpu.memory_space<hbm>> -> memref<1x128xi32, #tpu.memory_space<hbm>>
        %dma_wait3A_42 = tpu.memref_squeeze %dma_wait3A_41 : memref<1x128xi32, #tpu.memory_space<hbm>> -> memref<128xi32, #tpu.memory_space<hbm>>
        %dma_wait3A_43 = arith.constant 0 : i32
        %dma_wait3A_44 = tpu.memref_slice %arg3[%add3A_17, %dma_wait3A_43] : memref<78x128xi32, #tpu.memory_space<hbm>> -> memref<1x128xi32, #tpu.memory_space<hbm>>
        %dma_wait3A_45 = tpu.memref_squeeze %dma_wait3A_44 : memref<1x128xi32, #tpu.memory_space<hbm>> -> memref<128xi32, #tpu.memory_space<hbm>>
        tpu.wait_dma2 semaphore(%run_scoped3A : memref<!tpu.dma_semaphore, #tpu.memory_space<semaphore_mem>>) src(%dma_wait3A_45 : memref<128xi32, #tpu.memory_space<hbm>>) dst(%arg7 : memref<128xi32, #tpu.memory_space<vmem>>)
        tpu.yield
      }) : () -> ()
      %mul3A_34 = arith.constant 128 : i32
      %mul3A_35 = arith.muli %add3A_17, %mul3A_34 : i32
      "tpu.region"() ({
        %run_scoped3A = tpu.sem_alloc : memref<!tpu.dma_semaphore, #tpu.memory_space<semaphore_mem>>
        %dma_start3A = arith.constant 0 : i32
        %dma_start3A_36 = tpu.memref_slice %arg2[%mul3A_35, %dma_start3A] : memref<10000x128xf32, #tpu.memory_space<hbm>> -> memref<128x128xf32, #tpu.memory_space<hbm>>
        %dma_start3A_37 = arith.constant 0 : i32
        %dma_start3A_38 = tpu.memref_slice %arg2[%mul3A_35, %dma_start3A_37] : memref<10000x128xf32, #tpu.memory_space<hbm>> -> memref<128x128xf32, #tpu.memory_space<hbm>>
        tpu.enqueue_dma source(%dma_start3A_38 : memref<128x128xf32, #tpu.memory_space<hbm>>) target(%arg8 : memref<128x128xf32, #tpu.memory_space<vmem>>) target_semaphore(%run_scoped3A : memref<!tpu.dma_semaphore, #tpu.memory_space<semaphore_mem>>)
        %dma_wait3A = arith.constant 0 : i32
        %dma_wait3A_39 = tpu.memref_slice %arg2[%mul3A_35, %dma_wait3A] : memref<10000x128xf32, #tpu.memory_space<hbm>> -> memref<128x128xf32, #tpu.memory_space<hbm>>
        %dma_wait3A_40 = arith.constant 0 : i32
        %dma_wait3A_41 = tpu.memref_slice %arg2[%mul3A_35, %dma_wait3A_40] : memref<10000x128xf32, #tpu.memory_space<hbm>> -> memref<128x128xf32, #tpu.memory_space<hbm>>
        tpu.wait_dma2 semaphore(%run_scoped3A : memref<!tpu.dma_semaphore, #tpu.memory_space<semaphore_mem>>) src(%dma_wait3A_41 : memref<128x128xf32, #tpu.memory_space<hbm>>) dst(%arg8 : memref<128x128xf32, #tpu.memory_space<vmem>>)
        tpu.yield
      }) : () -> ()
      "tpu.region"() ({
        %run_scoped3A = tpu.sem_alloc : memref<!tpu.dma_semaphore, #tpu.memory_space<semaphore_mem>>
        %dma_start3A = arith.constant 0 : i32
        %dma_start3A_36 = arith.constant 0 : i32
        %dma_start3A_37 = tpu.memref_slice %arg11[%dma_start3A, %dma_start3A_36] : memref<64x128xf32, #tpu.memory_space<vmem_shared>> -> memref<64x128xf32, #tpu.memory_space<vmem_shared>>
        tpu.enqueue_indirect_dma source(%arg8 : memref<128x128xf32, #tpu.memory_space<vmem>>) target(%dma_start3A_37 : memref<64x128xf32, #tpu.memory_space<vmem_shared>>) offsets(%arg7 : memref<128xi32, #tpu.memory_space<vmem>>) semaphore(%run_scoped3A : memref<!tpu.dma_semaphore, #tpu.memory_space<semaphore_mem>>) {add = true}
        %dma_wait3A = arith.constant 0 : i32
        %dma_wait3A_38 = arith.constant 0 : i32
        %dma_wait3A_39 = tpu.memref_slice %arg11[%dma_wait3A, %dma_wait3A_38] : memref<64x128xf32, #tpu.memory_space<vmem_shared>> -> memref<64x128xf32, #tpu.memory_space<vmem_shared>>
        tpu.wait_indirect_dma semaphore(%run_scoped3A : memref<!tpu.dma_semaphore, #tpu.memory_space<semaphore_mem>>) src(%arg8 : memref<128x128xf32, #tpu.memory_space<vmem>>) dst(%dma_wait3A_39 : memref<64x128xf32, #tpu.memory_space<vmem_shared>>)
        tpu.yield
      }) : () -> ()
    } else {
    }
    %eq3A_23 = arith.constant 31 : i32
    %eq3A_24 = arith.cmpi eq, %add3A, %eq3A_23 : i32
    %convert_element_type3A_25 = arith.extui %eq3A_24 : i1 to i32
    %cond3A_26 = arith.constant 0 : i32
    %cond3A_27 = arith.cmpi ne, %convert_element_type3A_25, %cond3A_26 : i32
    scf.if %cond3A_27 {
      "tpu.region"() ({
        %run_scoped3A = tpu.sem_alloc : memref<!tpu.dma_semaphore, #tpu.memory_space<semaphore_mem>>
        tpu.enqueue_dma source(%arg4 : memref<16xi32, #tpu.memory_space<hbm>>) target(%arg9 : memref<16xi32, #tpu.memory_space<vmem>>) target_semaphore(%run_scoped3A : memref<!tpu.dma_semaphore, #tpu.memory_space<semaphore_mem>>)
        tpu.wait_dma2 semaphore(%run_scoped3A : memref<!tpu.dma_semaphore, #tpu.memory_space<semaphore_mem>>) src(%arg4 : memref<16xi32, #tpu.memory_space<hbm>>) dst(%arg9 : memref<16xi32, #tpu.memory_space<vmem>>)
        tpu.yield
      }) : () -> ()
      "tpu.region"() ({
        %run_scoped3A = tpu.sem_alloc : memref<!tpu.dma_semaphore, #tpu.memory_space<semaphore_mem>>
        %dma_start3A = arith.constant 9984 : i32
        %dma_start3A_34 = arith.constant 0 : i32
        %dma_start3A_35 = tpu.memref_slice %arg2[%dma_start3A, %dma_start3A_34] : memref<10000x128xf32, #tpu.memory_space<hbm>> -> memref<16x128xf32, #tpu.memory_space<hbm>>
        %dma_start3A_36 = arith.constant 9984 : i32
        %dma_start3A_37 = arith.constant 0 : i32
        %dma_start3A_38 = tpu.memref_slice %arg2[%dma_start3A_36, %dma_start3A_37] : memref<10000x128xf32, #tpu.memory_space<hbm>> -> memref<16x128xf32, #tpu.memory_space<hbm>>
        tpu.enqueue_dma source(%dma_start3A_38 : memref<16x128xf32, #tpu.memory_space<hbm>>) target(%arg10 : memref<16x128xf32, #tpu.memory_space<vmem>>) target_semaphore(%run_scoped3A : memref<!tpu.dma_semaphore, #tpu.memory_space<semaphore_mem>>)
        %dma_wait3A = arith.constant 9984 : i32
        %dma_wait3A_39 = arith.constant 0 : i32
        %dma_wait3A_40 = tpu.memref_slice %arg2[%dma_wait3A, %dma_wait3A_39] : memref<10000x128xf32, #tpu.memory_space<hbm>> -> memref<16x128xf32, #tpu.memory_space<hbm>>
        %dma_wait3A_41 = arith.constant 9984 : i32
        %dma_wait3A_42 = arith.constant 0 : i32
        %dma_wait3A_43 = tpu.memref_slice %arg2[%dma_wait3A_41, %dma_wait3A_42] : memref<10000x128xf32, #tpu.memory_space<hbm>> -> memref<16x128xf32, #tpu.memory_space<hbm>>
        tpu.wait_dma2 semaphore(%run_scoped3A : memref<!tpu.dma_semaphore, #tpu.memory_space<semaphore_mem>>) src(%dma_wait3A_43 : memref<16x128xf32, #tpu.memory_space<hbm>>) dst(%arg10 : memref<16x128xf32, #tpu.memory_space<vmem>>)
        tpu.yield
      }) : () -> ()
      "tpu.region"() ({
        %run_scoped3A = tpu.sem_alloc : memref<!tpu.dma_semaphore, #tpu.memory_space<semaphore_mem>>
        %dma_start3A = arith.constant 0 : i32
        %dma_start3A_34 = arith.constant 0 : i32
        %dma_start3A_35 = tpu.memref_slice %arg11[%dma_start3A, %dma_start3A_34] : memref<64x128xf32, #tpu.memory_space<vmem_shared>> -> memref<64x128xf32, #tpu.memory_space<vmem_shared>>
        tpu.enqueue_indirect_dma source(%arg10 : memref<16x128xf32, #tpu.memory_space<vmem>>) target(%dma_start3A_35 : memref<64x128xf32, #tpu.memory_space<vmem_shared>>) offsets(%arg9 : memref<16xi32, #tpu.memory_space<vmem>>) semaphore(%run_scoped3A : memref<!tpu.dma_semaphore, #tpu.memory_space<semaphore_mem>>) {add = true}
        %dma_wait3A = arith.constant 0 : i32
        %dma_wait3A_36 = arith.constant 0 : i32
        %dma_wait3A_37 = tpu.memref_slice %arg11[%dma_wait3A, %dma_wait3A_36] : memref<64x128xf32, #tpu.memory_space<vmem_shared>> -> memref<64x128xf32, #tpu.memory_space<vmem_shared>>
        tpu.wait_indirect_dma semaphore(%run_scoped3A : memref<!tpu.dma_semaphore, #tpu.memory_space<semaphore_mem>>) src(%arg10 : memref<16x128xf32, #tpu.memory_space<vmem>>) dst(%dma_wait3A_37 : memref<64x128xf32, #tpu.memory_space<vmem_shared>>)
        tpu.yield
      }) : () -> ()
    } else {
    }
    %barrier3A_28 = arith.constant 0 : index
    tpu.barrier barrier_id(%barrier3A_28)
    %lt3A_29 = arith.constant 8 : i32
    %lt3A_30 = arith.cmpi slt, %arg1, %lt3A_29 : i32
    %convert_element_type3A_31 = arith.extui %lt3A_30 : i1 to i32
    %cond3A_32 = arith.constant 0 : i32
    %cond3A_33 = arith.cmpi ne, %convert_element_type3A_31, %cond3A_32 : i32
    scf.if %cond3A_33 {
      %mul3A_34 = arith.constant 8 : i32
      %mul3A_35 = arith.muli %arg1, %mul3A_34 : i32
      %mul3A_36 = arith.constant 8 : i32
      %mul3A_37 = arith.muli %arg1, %mul3A_36 : i32
      "tpu.region"() ({
        %run_scoped3A = tpu.sem_alloc : memref<!tpu.dma_semaphore, #tpu.memory_space<semaphore_mem>>
        %dma_start3A = arith.constant 0 : i32
        %dma_start3A_38 = tpu.memref_slice %arg6[%arg0, %mul3A_37, %dma_start3A] : memref<2x64x128xf32, #tpu.memory_space<hbm>> -> memref<1x8x128xf32, #tpu.memory_space<hbm>>
        %dma_start3A_39 = tpu.memref_squeeze %dma_start3A_38 : memref<1x8x128xf32, #tpu.memory_space<hbm>> -> memref<8x128xf32, #tpu.memory_space<hbm>>
        %dma_start3A_40 = arith.constant 0 : i32
        %dma_start3A_41 = tpu.memref_slice %arg11[%mul3A_35, %dma_start3A_40] : memref<64x128xf32, #tpu.memory_space<vmem_shared>> -> memref<8x128xf32, #tpu.memory_space<vmem_shared>>
        tpu.enqueue_dma source(%dma_start3A_41 : memref<8x128xf32, #tpu.memory_space<vmem_shared>>) target(%dma_start3A_39 : memref<8x128xf32, #tpu.memory_space<hbm>>) target_semaphore(%run_scoped3A : memref<!tpu.dma_semaphore, #tpu.memory_space<semaphore_mem>>)
        %dma_wait3A = arith.constant 0 : i32
        %dma_wait3A_42 = tpu.memref_slice %arg6[%arg0, %mul3A_37, %dma_wait3A] : memref<2x64x128xf32, #tpu.memory_space<hbm>> -> memref<1x8x128xf32, #tpu.memory_space<hbm>>
        %dma_wait3A_43 = tpu.memref_squeeze %dma_wait3A_42 : memref<1x8x128xf32, #tpu.memory_space<hbm>> -> memref<8x128xf32, #tpu.memory_space<hbm>>
        %dma_wait3A_44 = arith.constant 0 : i32
        %dma_wait3A_45 = tpu.memref_slice %arg11[%mul3A_35, %dma_wait3A_44] : memref<64x128xf32, #tpu.memory_space<vmem_shared>> -> memref<8x128xf32, #tpu.memory_space<vmem_shared>>
        tpu.wait_dma2 semaphore(%run_scoped3A : memref<!tpu.dma_semaphore, #tpu.memory_space<semaphore_mem>>) src(%dma_wait3A_45 : memref<8x128xf32, #tpu.memory_space<vmem_shared>>) dst(%dma_wait3A_43 : memref<8x128xf32, #tpu.memory_space<hbm>>)
        tpu.yield
      }) : () -> ()
    } else {
    }
    return
  }
}

#map = affine_map<(d0, d1) -> (0, 0)>
#map1 = affine_map<(d0, d1) -> (0)>
#map2 = affine_map<(d0, d1) -> (0, 0, 0)>
module attributes {stable_mosaic.version = 14 : i64} {
  func.func @_pool_kernel_body(%arg0: i32, %arg1: i32, %arg2: memref<10000x128xf32, #tpu.memory_space<hbm>>, %arg3: memref<78x128xi32, #tpu.memory_space<hbm>>, %arg4: memref<16xi32, #tpu.memory_space<hbm>>, %arg5: memref<10000x128xf32, #tpu.memory_space<hbm>>, %arg6: memref<2x64x128xf32, #tpu.memory_space<hbm>>, %arg7: memref<128xi32, #tpu.memory_space<vmem>>, %arg8: memref<128x128xf32, #tpu.memory_space<vmem>>, %arg9: memref<16xi32, #tpu.memory_space<vmem>>, %arg10: memref<16x128xf32, #tpu.memory_space<vmem>>, %arg11: memref<64x128xf32, #tpu.memory_space<vmem_shared>>) attributes {dimension_semantics = [#tpu.dimension_semantics<core_parallel>, #tpu.dimension_semantics<subcore_parallel>], iteration_bounds = array<i64: 2, 16>, scalar_prefetch = 0 : i64, scratch_operands = 5 : i64, tpu.core_type = #tpu.core_type<sc_vector_subcore>, window_params = [{transform_indices = #map}, {transform_indices = #map}, {transform_indices = #map1}, {transform_indices = #map}, {transform_indices = #map2}]} {
    %mul3A = arith.constant 2 : i32
    %mul3A_0 = arith.muli %arg1, %mul3A : i32
    %add3A = arith.addi %mul3A_0, %arg0 : i32
    %eq3A = arith.constant 0 : i32
    %eq3A_1 = arith.cmpi eq, %arg1, %eq3A : i32
    %convert_element_type3A = arith.extui %eq3A_1 : i1 to i32
    %cond3A = arith.constant 0 : i32
    %cond3A_2 = arith.cmpi ne, %convert_element_type3A, %cond3A : i32
    scf.if %cond3A_2 {
      "tpu.region"() ({
        %run_scoped3A = tpu.sem_alloc : memref<!tpu.dma_semaphore, #tpu.memory_space<semaphore_mem>>
        %dma_start3A = arith.constant 0 : i32
        %dma_start3A_34 = arith.constant 0 : i32
        %dma_start3A_35 = tpu.memref_slice %arg5[%dma_start3A, %dma_start3A_34] : memref<10000x128xf32, #tpu.memory_space<hbm>> -> memref<64x128xf32, #tpu.memory_space<hbm>>
        tpu.enqueue_dma source(%dma_start3A_35 : memref<64x128xf32, #tpu.memory_space<hbm>>) target(%arg11 : memref<64x128xf32, #tpu.memory_space<vmem_shared>>) target_semaphore(%run_scoped3A : memref<!tpu.dma_semaphore, #tpu.memory_space<semaphore_mem>>)
        %dma_wait3A = arith.constant 0 : i32
        %dma_wait3A_36 = arith.constant 0 : i32
        %dma_wait3A_37 = tpu.memref_slice %arg5[%dma_wait3A, %dma_wait3A_36] : memref<10000x128xf32, #tpu.memory_space<hbm>> -> memref<64x128xf32, #tpu.memory_space<hbm>>
        tpu.wait_dma2 semaphore(%run_scoped3A : memref<!tpu.dma_semaphore, #tpu.memory_space<semaphore_mem>>) src(%dma_wait3A_37 : memref<64x128xf32, #tpu.memory_space<hbm>>) dst(%arg11 : memref<64x128xf32, #tpu.memory_space<vmem_shared>>)
        tpu.yield
      }) : () -> ()
    } else {
    }
    %barrier3A = arith.constant 0 : index
    tpu.barrier barrier_id(%barrier3A)
    %add3A_3 = arith.constant 0 : i32
    %add3A_4 = arith.addi %add3A, %add3A_3 : i32
    %lt3A = arith.constant 78 : i32
    %lt3A_5 = arith.cmpi slt, %add3A_4, %lt3A : i32
    %convert_element_type3A_6 = arith.extui %lt3A_5 : i1 to i32
    %cond3A_7 = arith.constant 0 : i32
    %cond3A_8 = arith.cmpi ne, %convert_element_type3A_6, %cond3A_7 : i32
    scf.if %cond3A_8 {
      "tpu.region"() ({
        %run_scoped3A = tpu.sem_alloc : memref<!tpu.dma_semaphore, #tpu.memory_space<semaphore_mem>>
        %dma_start3A = arith.constant 0 : i32
        %dma_start3A_36 = tpu.memref_slice %arg3[%add3A_4, %dma_start3A] : memref<78x128xi32, #tpu.memory_space<hbm>> -> memref<1x128xi32, #tpu.memory_space<hbm>>
        %dma_start3A_37 = tpu.memref_squeeze %dma_start3A_36 : memref<1x128xi32, #tpu.memory_space<hbm>> -> memref<128xi32, #tpu.memory_space<hbm>>
        %dma_start3A_38 = arith.constant 0 : i32
        %dma_start3A_39 = tpu.memref_slice %arg3[%add3A_4, %dma_start3A_38] : memref<78x128xi32, #tpu.memory_space<hbm>> -> memref<1x128xi32, #tpu.memory_space<hbm>>
        %dma_start3A_40 = tpu.memref_squeeze %dma_start3A_39 : memref<1x128xi32, #tpu.memory_space<hbm>> -> memref<128xi32, #tpu.memory_space<hbm>>
        tpu.enqueue_dma source(%dma_start3A_40 : memref<128xi32, #tpu.memory_space<hbm>>) target(%arg7 : memref<128xi32, #tpu.memory_space<vmem>>) target_semaphore(%run_scoped3A : memref<!tpu.dma_semaphore, #tpu.memory_space<semaphore_mem>>)
        %dma_wait3A = arith.constant 0 : i32
        %dma_wait3A_41 = tpu.memref_slice %arg3[%add3A_4, %dma_wait3A] : memref<78x128xi32, #tpu.memory_space<hbm>> -> memref<1x128xi32, #tpu.memory_space<hbm>>
        %dma_wait3A_42 = tpu.memref_squeeze %dma_wait3A_41 : memref<1x128xi32, #tpu.memory_space<hbm>> -> memref<128xi32, #tpu.memory_space<hbm>>
        %dma_wait3A_43 = arith.constant 0 : i32
        %dma_wait3A_44 = tpu.memref_slice %arg3[%add3A_4, %dma_wait3A_43] : memref<78x128xi32, #tpu.memory_space<hbm>> -> memref<1x128xi32, #tpu.memory_space<hbm>>
        %dma_wait3A_45 = tpu.memref_squeeze %dma_wait3A_44 : memref<1x128xi32, #tpu.memory_space<hbm>> -> memref<128xi32, #tpu.memory_space<hbm>>
        tpu.wait_dma2 semaphore(%run_scoped3A : memref<!tpu.dma_semaphore, #tpu.memory_space<semaphore_mem>>) src(%dma_wait3A_45 : memref<128xi32, #tpu.memory_space<hbm>>) dst(%arg7 : memref<128xi32, #tpu.memory_space<vmem>>)
        tpu.yield
      }) : () -> ()
      %mul3A_34 = arith.constant 128 : i32
      %mul3A_35 = arith.muli %add3A_4, %mul3A_34 : i32
      "tpu.region"() ({
        %run_scoped3A = tpu.sem_alloc : memref<!tpu.dma_semaphore, #tpu.memory_space<semaphore_mem>>
        %dma_start3A = arith.constant 0 : i32
        %dma_start3A_36 = tpu.memref_slice %arg2[%mul3A_35, %dma_start3A] : memref<10000x128xf32, #tpu.memory_space<hbm>> -> memref<128x128xf32, #tpu.memory_space<hbm>>
        %dma_start3A_37 = arith.constant 0 : i32
        %dma_start3A_38 = tpu.memref_slice %arg2[%mul3A_35, %dma_start3A_37] : memref<10000x128xf32, #tpu.memory_space<hbm>> -> memref<128x128xf32, #tpu.memory_space<hbm>>
        tpu.enqueue_dma source(%dma_start3A_38 : memref<128x128xf32, #tpu.memory_space<hbm>>) target(%arg8 : memref<128x128xf32, #tpu.memory_space<vmem>>) target_semaphore(%run_scoped3A : memref<!tpu.dma_semaphore, #tpu.memory_space<semaphore_mem>>)
        %dma_wait3A = arith.constant 0 : i32
        %dma_wait3A_39 = tpu.memref_slice %arg2[%mul3A_35, %dma_wait3A] : memref<10000x128xf32, #tpu.memory_space<hbm>> -> memref<128x128xf32, #tpu.memory_space<hbm>>
        %dma_wait3A_40 = arith.constant 0 : i32
        %dma_wait3A_41 = tpu.memref_slice %arg2[%mul3A_35, %dma_wait3A_40] : memref<10000x128xf32, #tpu.memory_space<hbm>> -> memref<128x128xf32, #tpu.memory_space<hbm>>
        tpu.wait_dma2 semaphore(%run_scoped3A : memref<!tpu.dma_semaphore, #tpu.memory_space<semaphore_mem>>) src(%dma_wait3A_41 : memref<128x128xf32, #tpu.memory_space<hbm>>) dst(%arg8 : memref<128x128xf32, #tpu.memory_space<vmem>>)
        tpu.yield
      }) : () -> ()
      "tpu.region"() ({
        %run_scoped3A = tpu.sem_alloc : memref<!tpu.dma_semaphore, #tpu.memory_space<semaphore_mem>>
        %dma_start3A = arith.constant 0 : i32
        %dma_start3A_36 = arith.constant 0 : i32
        %dma_start3A_37 = tpu.memref_slice %arg11[%dma_start3A, %dma_start3A_36] : memref<64x128xf32, #tpu.memory_space<vmem_shared>> -> memref<64x128xf32, #tpu.memory_space<vmem_shared>>
        tpu.enqueue_indirect_dma source(%arg8 : memref<128x128xf32, #tpu.memory_space<vmem>>) target(%dma_start3A_37 : memref<64x128xf32, #tpu.memory_space<vmem_shared>>) offsets(%arg7 : memref<128xi32, #tpu.memory_space<vmem>>) semaphore(%run_scoped3A : memref<!tpu.dma_semaphore, #tpu.memory_space<semaphore_mem>>) {add = true}
        %dma_wait3A = arith.constant 0 : i32
        %dma_wait3A_38 = arith.constant 0 : i32
        %dma_wait3A_39 = tpu.memref_slice %arg11[%dma_wait3A, %dma_wait3A_38] : memref<64x128xf32, #tpu.memory_space<vmem_shared>> -> memref<64x128xf32, #tpu.memory_space<vmem_shared>>
        tpu.wait_indirect_dma semaphore(%run_scoped3A : memref<!tpu.dma_semaphore, #tpu.memory_space<semaphore_mem>>) src(%arg8 : memref<128x128xf32, #tpu.memory_space<vmem>>) dst(%dma_wait3A_39 : memref<64x128xf32, #tpu.memory_space<vmem_shared>>)
        tpu.yield
      }) : () -> ()
    } else {
    }
    %add3A_9 = arith.constant 32 : i32
    %add3A_10 = arith.addi %add3A, %add3A_9 : i32
    %lt3A_11 = arith.constant 78 : i32
    %lt3A_12 = arith.cmpi slt, %add3A_10, %lt3A_11 : i32
    %convert_element_type3A_13 = arith.extui %lt3A_12 : i1 to i32
    %cond3A_14 = arith.constant 0 : i32
    %cond3A_15 = arith.cmpi ne, %convert_element_type3A_13, %cond3A_14 : i32
    scf.if %cond3A_15 {
      "tpu.region"() ({
        %run_scoped3A = tpu.sem_alloc : memref<!tpu.dma_semaphore, #tpu.memory_space<semaphore_mem>>
        %dma_start3A = arith.constant 0 : i32
        %dma_start3A_36 = tpu.memref_slice %arg3[%add3A_10, %dma_start3A] : memref<78x128xi32, #tpu.memory_space<hbm>> -> memref<1x128xi32, #tpu.memory_space<hbm>>
        %dma_start3A_37 = tpu.memref_squeeze %dma_start3A_36 : memref<1x128xi32, #tpu.memory_space<hbm>> -> memref<128xi32, #tpu.memory_space<hbm>>
        %dma_start3A_38 = arith.constant 0 : i32
        %dma_start3A_39 = tpu.memref_slice %arg3[%add3A_10, %dma_start3A_38] : memref<78x128xi32, #tpu.memory_space<hbm>> -> memref<1x128xi32, #tpu.memory_space<hbm>>
        %dma_start3A_40 = tpu.memref_squeeze %dma_start3A_39 : memref<1x128xi32, #tpu.memory_space<hbm>> -> memref<128xi32, #tpu.memory_space<hbm>>
        tpu.enqueue_dma source(%dma_start3A_40 : memref<128xi32, #tpu.memory_space<hbm>>) target(%arg7 : memref<128xi32, #tpu.memory_space<vmem>>) target_semaphore(%run_scoped3A : memref<!tpu.dma_semaphore, #tpu.memory_space<semaphore_mem>>)
        %dma_wait3A = arith.constant 0 : i32
        %dma_wait3A_41 = tpu.memref_slice %arg3[%add3A_10, %dma_wait3A] : memref<78x128xi32, #tpu.memory_space<hbm>> -> memref<1x128xi32, #tpu.memory_space<hbm>>
        %dma_wait3A_42 = tpu.memref_squeeze %dma_wait3A_41 : memref<1x128xi32, #tpu.memory_space<hbm>> -> memref<128xi32, #tpu.memory_space<hbm>>
        %dma_wait3A_43 = arith.constant 0 : i32
        %dma_wait3A_44 = tpu.memref_slice %arg3[%add3A_10, %dma_wait3A_43] : memref<78x128xi32, #tpu.memory_space<hbm>> -> memref<1x128xi32, #tpu.memory_space<hbm>>
        %dma_wait3A_45 = tpu.memref_squeeze %dma_wait3A_44 : memref<1x128xi32, #tpu.memory_space<hbm>> -> memref<128xi32, #tpu.memory_space<hbm>>
        tpu.wait_dma2 semaphore(%run_scoped3A : memref<!tpu.dma_semaphore, #tpu.memory_space<semaphore_mem>>) src(%dma_wait3A_45 : memref<128xi32, #tpu.memory_space<hbm>>) dst(%arg7 : memref<128xi32, #tpu.memory_space<vmem>>)
        tpu.yield
      }) : () -> ()
      %mul3A_34 = arith.constant 128 : i32
      %mul3A_35 = arith.muli %add3A_10, %mul3A_34 : i32
      "tpu.region"() ({
        %run_scoped3A = tpu.sem_alloc : memref<!tpu.dma_semaphore, #tpu.memory_space<semaphore_mem>>
        %dma_start3A = arith.constant 0 : i32
        %dma_start3A_36 = tpu.memref_slice %arg2[%mul3A_35, %dma_start3A] : memref<10000x128xf32, #tpu.memory_space<hbm>> -> memref<128x128xf32, #tpu.memory_space<hbm>>
        %dma_start3A_37 = arith.constant 0 : i32
        %dma_start3A_38 = tpu.memref_slice %arg2[%mul3A_35, %dma_start3A_37] : memref<10000x128xf32, #tpu.memory_space<hbm>> -> memref<128x128xf32, #tpu.memory_space<hbm>>
        tpu.enqueue_dma source(%dma_start3A_38 : memref<128x128xf32, #tpu.memory_space<hbm>>) target(%arg8 : memref<128x128xf32, #tpu.memory_space<vmem>>) target_semaphore(%run_scoped3A : memref<!tpu.dma_semaphore, #tpu.memory_space<semaphore_mem>>)
        %dma_wait3A = arith.constant 0 : i32
        %dma_wait3A_39 = tpu.memref_slice %arg2[%mul3A_35, %dma_wait3A] : memref<10000x128xf32, #tpu.memory_space<hbm>> -> memref<128x128xf32, #tpu.memory_space<hbm>>
        %dma_wait3A_40 = arith.constant 0 : i32
        %dma_wait3A_41 = tpu.memref_slice %arg2[%mul3A_35, %dma_wait3A_40] : memref<10000x128xf32, #tpu.memory_space<hbm>> -> memref<128x128xf32, #tpu.memory_space<hbm>>
        tpu.wait_dma2 semaphore(%run_scoped3A : memref<!tpu.dma_semaphore, #tpu.memory_space<semaphore_mem>>) src(%dma_wait3A_41 : memref<128x128xf32, #tpu.memory_space<hbm>>) dst(%arg8 : memref<128x128xf32, #tpu.memory_space<vmem>>)
        tpu.yield
      }) : () -> ()
      "tpu.region"() ({
        %run_scoped3A = tpu.sem_alloc : memref<!tpu.dma_semaphore, #tpu.memory_space<semaphore_mem>>
        %dma_start3A = arith.constant 0 : i32
        %dma_start3A_36 = arith.constant 0 : i32
        %dma_start3A_37 = tpu.memref_slice %arg11[%dma_start3A, %dma_start3A_36] : memref<64x128xf32, #tpu.memory_space<vmem_shared>> -> memref<64x128xf32, #tpu.memory_space<vmem_shared>>
        tpu.enqueue_indirect_dma source(%arg8 : memref<128x128xf32, #tpu.memory_space<vmem>>) target(%dma_start3A_37 : memref<64x128xf32, #tpu.memory_space<vmem_shared>>) offsets(%arg7 : memref<128xi32, #tpu.memory_space<vmem>>) semaphore(%run_scoped3A : memref<!tpu.dma_semaphore, #tpu.memory_space<semaphore_mem>>) {add = true}
        %dma_wait3A = arith.constant 0 : i32
        %dma_wait3A_38 = arith.constant 0 : i32
        %dma_wait3A_39 = tpu.memref_slice %arg11[%dma_wait3A, %dma_wait3A_38] : memref<64x128xf32, #tpu.memory_space<vmem_shared>> -> memref<64x128xf32, #tpu.memory_space<vmem_shared>>
        tpu.wait_indirect_dma semaphore(%run_scoped3A : memref<!tpu.dma_semaphore, #tpu.memory_space<semaphore_mem>>) src(%arg8 : memref<128x128xf32, #tpu.memory_space<vmem>>) dst(%dma_wait3A_39 : memref<64x128xf32, #tpu.memory_space<vmem_shared>>)
        tpu.yield
      }) : () -> ()
    } else {
    }
    %add3A_16 = arith.constant 64 : i32
    %add3A_17 = arith.addi %add3A, %add3A_16 : i32
    %lt3A_18 = arith.constant 78 : i32
    %lt3A_19 = arith.cmpi slt, %add3A_17, %lt3A_18 : i32
    %convert_element_type3A_20 = arith.extui %lt3A_19 : i1 to i32
    %cond3A_21 = arith.constant 0 : i32
    %cond3A_22 = arith.cmpi ne, %convert_element_type3A_20, %cond3A_21 : i32
    scf.if %cond3A_22 {
      "tpu.region"() ({
        %run_scoped3A = tpu.sem_alloc : memref<!tpu.dma_semaphore, #tpu.memory_space<semaphore_mem>>
        %dma_start3A = arith.constant 0 : i32
        %dma_start3A_36 = tpu.memref_slice %arg3[%add3A_17, %dma_start3A] : memref<78x128xi32, #tpu.memory_space<hbm>> -> memref<1x128xi32, #tpu.memory_space<hbm>>
        %dma_start3A_37 = tpu.memref_squeeze %dma_start3A_36 : memref<1x128xi32, #tpu.memory_space<hbm>> -> memref<128xi32, #tpu.memory_space<hbm>>
        %dma_start3A_38 = arith.constant 0 : i32
        %dma_start3A_39 = tpu.memref_slice %arg3[%add3A_17, %dma_start3A_38] : memref<78x128xi32, #tpu.memory_space<hbm>> -> memref<1x128xi32, #tpu.memory_space<hbm>>
        %dma_start3A_40 = tpu.memref_squeeze %dma_start3A_39 : memref<1x128xi32, #tpu.memory_space<hbm>> -> memref<128xi32, #tpu.memory_space<hbm>>
        tpu.enqueue_dma source(%dma_start3A_40 : memref<128xi32, #tpu.memory_space<hbm>>) target(%arg7 : memref<128xi32, #tpu.memory_space<vmem>>) target_semaphore(%run_scoped3A : memref<!tpu.dma_semaphore, #tpu.memory_space<semaphore_mem>>)
        %dma_wait3A = arith.constant 0 : i32
        %dma_wait3A_41 = tpu.memref_slice %arg3[%add3A_17, %dma_wait3A] : memref<78x128xi32, #tpu.memory_space<hbm>> -> memref<1x128xi32, #tpu.memory_space<hbm>>
        %dma_wait3A_42 = tpu.memref_squeeze %dma_wait3A_41 : memref<1x128xi32, #tpu.memory_space<hbm>> -> memref<128xi32, #tpu.memory_space<hbm>>
        %dma_wait3A_43 = arith.constant 0 : i32
        %dma_wait3A_44 = tpu.memref_slice %arg3[%add3A_17, %dma_wait3A_43] : memref<78x128xi32, #tpu.memory_space<hbm>> -> memref<1x128xi32, #tpu.memory_space<hbm>>
        %dma_wait3A_45 = tpu.memref_squeeze %dma_wait3A_44 : memref<1x128xi32, #tpu.memory_space<hbm>> -> memref<128xi32, #tpu.memory_space<hbm>>
        tpu.wait_dma2 semaphore(%run_scoped3A : memref<!tpu.dma_semaphore, #tpu.memory_space<semaphore_mem>>) src(%dma_wait3A_45 : memref<128xi32, #tpu.memory_space<hbm>>) dst(%arg7 : memref<128xi32, #tpu.memory_space<vmem>>)
        tpu.yield
      }) : () -> ()
      %mul3A_34 = arith.constant 128 : i32
      %mul3A_35 = arith.muli %add3A_17, %mul3A_34 : i32
      "tpu.region"() ({
        %run_scoped3A = tpu.sem_alloc : memref<!tpu.dma_semaphore, #tpu.memory_space<semaphore_mem>>
        %dma_start3A = arith.constant 0 : i32
        %dma_start3A_36 = tpu.memref_slice %arg2[%mul3A_35, %dma_start3A] : memref<10000x128xf32, #tpu.memory_space<hbm>> -> memref<128x128xf32, #tpu.memory_space<hbm>>
        %dma_start3A_37 = arith.constant 0 : i32
        %dma_start3A_38 = tpu.memref_slice %arg2[%mul3A_35, %dma_start3A_37] : memref<10000x128xf32, #tpu.memory_space<hbm>> -> memref<128x128xf32, #tpu.memory_space<hbm>>
        tpu.enqueue_dma source(%dma_start3A_38 : memref<128x128xf32, #tpu.memory_space<hbm>>) target(%arg8 : memref<128x128xf32, #tpu.memory_space<vmem>>) target_semaphore(%run_scoped3A : memref<!tpu.dma_semaphore, #tpu.memory_space<semaphore_mem>>)
        %dma_wait3A = arith.constant 0 : i32
        %dma_wait3A_39 = tpu.memref_slice %arg2[%mul3A_35, %dma_wait3A] : memref<10000x128xf32, #tpu.memory_space<hbm>> -> memref<128x128xf32, #tpu.memory_space<hbm>>
        %dma_wait3A_40 = arith.constant 0 : i32
        %dma_wait3A_41 = tpu.memref_slice %arg2[%mul3A_35, %dma_wait3A_40] : memref<10000x128xf32, #tpu.memory_space<hbm>> -> memref<128x128xf32, #tpu.memory_space<hbm>>
        tpu.wait_dma2 semaphore(%run_scoped3A : memref<!tpu.dma_semaphore, #tpu.memory_space<semaphore_mem>>) src(%dma_wait3A_41 : memref<128x128xf32, #tpu.memory_space<hbm>>) dst(%arg8 : memref<128x128xf32, #tpu.memory_space<vmem>>)
        tpu.yield
      }) : () -> ()
      "tpu.region"() ({
        %run_scoped3A = tpu.sem_alloc : memref<!tpu.dma_semaphore, #tpu.memory_space<semaphore_mem>>
        %dma_start3A = arith.constant 0 : i32
        %dma_start3A_36 = arith.constant 0 : i32
        %dma_start3A_37 = tpu.memref_slice %arg11[%dma_start3A, %dma_start3A_36] : memref<64x128xf32, #tpu.memory_space<vmem_shared>> -> memref<64x128xf32, #tpu.memory_space<vmem_shared>>
        tpu.enqueue_indirect_dma source(%arg8 : memref<128x128xf32, #tpu.memory_space<vmem>>) target(%dma_start3A_37 : memref<64x128xf32, #tpu.memory_space<vmem_shared>>) offsets(%arg7 : memref<128xi32, #tpu.memory_space<vmem>>) semaphore(%run_scoped3A : memref<!tpu.dma_semaphore, #tpu.memory_space<semaphore_mem>>) {add = true}
        %dma_wait3A = arith.constant 0 : i32
        %dma_wait3A_38 = arith.constant 0 : i32
        %dma_wait3A_39 = tpu.memref_slice %arg11[%dma_wait3A, %dma_wait3A_38] : memref<64x128xf32, #tpu.memory_space<vmem_shared>> -> memref<64x128xf32, #tpu.memory_space<vmem_shared>>
        tpu.wait_indirect_dma semaphore(%run_scoped3A : memref<!tpu.dma_semaphore, #tpu.memory_space<semaphore_mem>>) src(%arg8 : memref<128x128xf32, #tpu.memory_space<vmem>>) dst(%dma_wait3A_39 : memref<64x128xf32, #tpu.memory_space<vmem_shared>>)
        tpu.yield
      }) : () -> ()
    } else {
    }
    %eq3A_23 = arith.constant 31 : i32
    %eq3A_24 = arith.cmpi eq, %add3A, %eq3A_23 : i32
    %convert_element_type3A_25 = arith.extui %eq3A_24 : i1 to i32
    %cond3A_26 = arith.constant 0 : i32
    %cond3A_27 = arith.cmpi ne, %convert_element_type3A_25, %cond3A_26 : i32
    scf.if %cond3A_27 {
      "tpu.region"() ({
        %run_scoped3A = tpu.sem_alloc : memref<!tpu.dma_semaphore, #tpu.memory_space<semaphore_mem>>
        tpu.enqueue_dma source(%arg4 : memref<16xi32, #tpu.memory_space<hbm>>) target(%arg9 : memref<16xi32, #tpu.memory_space<vmem>>) target_semaphore(%run_scoped3A : memref<!tpu.dma_semaphore, #tpu.memory_space<semaphore_mem>>)
        tpu.wait_dma2 semaphore(%run_scoped3A : memref<!tpu.dma_semaphore, #tpu.memory_space<semaphore_mem>>) src(%arg4 : memref<16xi32, #tpu.memory_space<hbm>>) dst(%arg9 : memref<16xi32, #tpu.memory_space<vmem>>)
        tpu.yield
      }) : () -> ()
      "tpu.region"() ({
        %run_scoped3A = tpu.sem_alloc : memref<!tpu.dma_semaphore, #tpu.memory_space<semaphore_mem>>
        %dma_start3A = arith.constant 9984 : i32
        %dma_start3A_34 = arith.constant 0 : i32
        %dma_start3A_35 = tpu.memref_slice %arg2[%dma_start3A, %dma_start3A_34] : memref<10000x128xf32, #tpu.memory_space<hbm>> -> memref<16x128xf32, #tpu.memory_space<hbm>>
        %dma_start3A_36 = arith.constant 9984 : i32
        %dma_start3A_37 = arith.constant 0 : i32
        %dma_start3A_38 = tpu.memref_slice %arg2[%dma_start3A_36, %dma_start3A_37] : memref<10000x128xf32, #tpu.memory_space<hbm>> -> memref<16x128xf32, #tpu.memory_space<hbm>>
        tpu.enqueue_dma source(%dma_start3A_38 : memref<16x128xf32, #tpu.memory_space<hbm>>) target(%arg10 : memref<16x128xf32, #tpu.memory_space<vmem>>) target_semaphore(%run_scoped3A : memref<!tpu.dma_semaphore, #tpu.memory_space<semaphore_mem>>)
        %dma_wait3A = arith.constant 9984 : i32
        %dma_wait3A_39 = arith.constant 0 : i32
        %dma_wait3A_40 = tpu.memref_slice %arg2[%dma_wait3A, %dma_wait3A_39] : memref<10000x128xf32, #tpu.memory_space<hbm>> -> memref<16x128xf32, #tpu.memory_space<hbm>>
        %dma_wait3A_41 = arith.constant 9984 : i32
        %dma_wait3A_42 = arith.constant 0 : i32
        %dma_wait3A_43 = tpu.memref_slice %arg2[%dma_wait3A_41, %dma_wait3A_42] : memref<10000x128xf32, #tpu.memory_space<hbm>> -> memref<16x128xf32, #tpu.memory_space<hbm>>
        tpu.wait_dma2 semaphore(%run_scoped3A : memref<!tpu.dma_semaphore, #tpu.memory_space<semaphore_mem>>) src(%dma_wait3A_43 : memref<16x128xf32, #tpu.memory_space<hbm>>) dst(%arg10 : memref<16x128xf32, #tpu.memory_space<vmem>>)
        tpu.yield
      }) : () -> ()
      "tpu.region"() ({
        %run_scoped3A = tpu.sem_alloc : memref<!tpu.dma_semaphore, #tpu.memory_space<semaphore_mem>>
        %dma_start3A = arith.constant 0 : i32
        %dma_start3A_34 = arith.constant 0 : i32
        %dma_start3A_35 = tpu.memref_slice %arg11[%dma_start3A, %dma_start3A_34] : memref<64x128xf32, #tpu.memory_space<vmem_shared>> -> memref<64x128xf32, #tpu.memory_space<vmem_shared>>
        tpu.enqueue_indirect_dma source(%arg10 : memref<16x128xf32, #tpu.memory_space<vmem>>) target(%dma_start3A_35 : memref<64x128xf32, #tpu.memory_space<vmem_shared>>) offsets(%arg9 : memref<16xi32, #tpu.memory_space<vmem>>) semaphore(%run_scoped3A : memref<!tpu.dma_semaphore, #tpu.memory_space<semaphore_mem>>) {add = true}
        %dma_wait3A = arith.constant 0 : i32
        %dma_wait3A_36 = arith.constant 0 : i32
        %dma_wait3A_37 = tpu.memref_slice %arg11[%dma_wait3A, %dma_wait3A_36] : memref<64x128xf32, #tpu.memory_space<vmem_shared>> -> memref<64x128xf32, #tpu.memory_space<vmem_shared>>
        tpu.wait_indirect_dma semaphore(%run_scoped3A : memref<!tpu.dma_semaphore, #tpu.memory_space<semaphore_mem>>) src(%arg10 : memref<16x128xf32, #tpu.memory_space<vmem>>) dst(%dma_wait3A_37 : memref<64x128xf32, #tpu.memory_space<vmem_shared>>)
        tpu.yield
      }) : () -> ()
    } else {
    }
    %barrier3A_28 = arith.constant 0 : index
    tpu.barrier barrier_id(%barrier3A_28)
    %lt3A_29 = arith.constant 8 : i32
    %lt3A_30 = arith.cmpi slt, %arg1, %lt3A_29 : i32
    %convert_element_type3A_31 = arith.extui %lt3A_30 : i1 to i32
    %cond3A_32 = arith.constant 0 : i32
    %cond3A_33 = arith.cmpi ne, %convert_element_type3A_31, %cond3A_32 : i32
    scf.if %cond3A_33 {
      %mul3A_34 = arith.constant 8 : i32
      %mul3A_35 = arith.muli %arg1, %mul3A_34 : i32
      %mul3A_36 = arith.constant 8 : i32
      %mul3A_37 = arith.muli %arg1, %mul3A_36 : i32
      "tpu.region"() ({
        %run_scoped3A = tpu.sem_alloc : memref<!tpu.dma_semaphore, #tpu.memory_space<semaphore_mem>>
        %dma_start3A = arith.constant 0 : i32
        %dma_start3A_38 = tpu.memref_slice %arg6[%arg0, %mul3A_37, %dma_start3A] : memref<2x64x128xf32, #tpu.memory_space<hbm>> -> memref<1x8x128xf32, #tpu.memory_space<hbm>>
        %dma_start3A_39 = tpu.memref_squeeze %dma_start3A_38 : memref<1x8x128xf32, #tpu.memory_space<hbm>> -> memref<8x128xf32, #tpu.memory_space<hbm>>
        %dma_start3A_40 = arith.constant 0 : i32
        %dma_start3A_41 = tpu.memref_slice %arg11[%mul3A_35, %dma_start3A_40] : memref<64x128xf32, #tpu.memory_space<vmem_shared>> -> memref<8x128xf32, #tpu.memory_space<vmem_shared>>
        tpu.enqueue_dma source(%dma_start3A_41 : memref<8x128xf32, #tpu.memory_space<vmem_shared>>) target(%dma_start3A_39 : memref<8x128xf32, #tpu.memory_space<hbm>>) target_semaphore(%run_scoped3A : memref<!tpu.dma_semaphore, #tpu.memory_space<semaphore_mem>>)
        %dma_wait3A = arith.constant 0 : i32
        %dma_wait3A_42 = tpu.memref_slice %arg6[%arg0, %mul3A_37, %dma_wait3A] : memref<2x64x128xf32, #tpu.memory_space<hbm>> -> memref<1x8x128xf32, #tpu.memory_space<hbm>>
        %dma_wait3A_43 = tpu.memref_squeeze %dma_wait3A_42 : memref<1x8x128xf32, #tpu.memory_space<hbm>> -> memref<8x128xf32, #tpu.memory_space<hbm>>
        %dma_wait3A_44 = arith.constant 0 : i32
        %dma_wait3A_45 = tpu.memref_slice %arg11[%mul3A_35, %dma_wait3A_44] : memref<64x128xf32, #tpu.memory_space<vmem_shared>> -> memref<8x128xf32, #tpu.memory_space<vmem_shared>>
        tpu.wait_dma2 semaphore(%run_scoped3A : memref<!tpu.dma_semaphore, #tpu.memory_space<semaphore_mem>>) src(%dma_wait3A_45 : memref<8x128xf32, #tpu.memory_space<vmem_shared>>) dst(%dma_wait3A_43 : memref<8x128xf32, #tpu.memory_space<hbm>>)
        tpu.yield
      }) : () -> ()
    } else {
    }
    return
  }
}

module attributes {stable_mosaic.version = 14 : i64} {
  func.func @_stage0_body(%arg0: i32, %arg1: memref<1000x128xf32, #tpu.memory_space<vmem>>, %arg2: memref<128x128xf32, #tpu.memory_space<vmem>>, %arg3: memref<1000x1xf32, #tpu.memory_space<vmem>>, %arg4: memref<1000x128xf32, #tpu.memory_space<vmem>>) attributes {dimension_semantics = [#tpu.dimension_semantics<arbitrary>], iteration_bounds = array<i64: 10>, scalar_prefetch = 0 : i64, scratch_operands = 0 : i64, tpu.core_type = #tpu.core_type<tc>, window_params = [{transform_indices = @transform_0, window_bounds = array<i64: 1000, 128>}, {pipeline_mode = #tpu.pipeline_mode<synchronous>, transform_indices = @transform_1, window_bounds = array<i64: 128, 128>}, {transform_indices = @transform_2, window_bounds = array<i64: 1000, 1>}, {transform_indices = @transform_3, window_bounds = array<i64: 1000, 128>}]} {
    %get3A = arith.constant 0 : index
    %get3A_0 = arith.constant 0 : index
    %get3A_1 = vector.load %arg1[%get3A, %get3A_0] : memref<1000x128xf32, #tpu.memory_space<vmem>>, vector<1000x128xf32>
    %get3A_2 = arith.constant 0 : index
    %get3A_3 = arith.constant 0 : index
    %get3A_4 = vector.load %arg2[%get3A_2, %get3A_3] : memref<128x128xf32, #tpu.memory_space<vmem>>, vector<128x128xf32>
    %dot_general3A = arith.constant dense<0.000000e+00> : vector<1000x128xf32>
    %dot_general3A_5 = tpu.matmul %get3A_1, %get3A_4, %dot_general3A {dimension_numbers = #tpu.dot_dimension_numbers<[1], [0], [0], [1], [0, 0, 1, 1], [], []>, transpose_lhs_hint = false} : vector<1000x128xf32>, vector<128x128xf32>, vector<1000x128xf32> -> vector<1000x128xf32>
    %get3A_6 = arith.constant 0 : index
    %get3A_7 = arith.constant 0 : index
    %get3A_8 = vector.load %arg3[%get3A_6, %get3A_7] : memref<1000x1xf32, #tpu.memory_space<vmem>>, vector<1000x1xf32>
    %mul3A = vector.broadcast %get3A_8 : vector<1000x1xf32> to vector<1000x128xf32>
    %mul3A_9 = arith.mulf %dot_general3A_5, %mul3A : vector<1000x128xf32>
    %swap3A = arith.constant 0 : index
    %swap3A_10 = arith.constant 0 : index
    %swap3A_11 = vector.load %arg4[%swap3A, %swap3A_10] : memref<1000x128xf32, #tpu.memory_space<vmem>>, vector<1000x128xf32>
    tpu.vector_store %arg4[%swap3A, %swap3A_10], %mul3A_9 {strides = array<i32>} : memref<1000x128xf32, #tpu.memory_space<vmem>>, vector<1000x128xf32>,
    return
  }
  func.func @transform_0(%arg0: i32) -> (i32, i32) {
    %c0_i32 = arith.constant 0 : i32
    %c0_i32_0 = arith.constant 0 : i32
    return %arg0, %c0_i32 : i32, i32
  }
  func.func @transform_1(%arg0: i32) -> (i32, i32) {
    %c0_i32 = arith.constant 0 : i32
    %c0_i32_0 = arith.constant 0 : i32
    %c0_i32_1 = arith.constant 0 : i32
    return %c0_i32, %c0_i32_0 : i32, i32
  }
  func.func @transform_2(%arg0: i32) -> (i32, i32) {
    %c0_i32 = arith.constant 0 : i32
    %c0_i32_0 = arith.constant 0 : i32
    return %arg0, %c0_i32 : i32, i32
  }
  func.func @transform_3(%arg0: i32) -> (i32, i32) {
    %c0_i32 = arith.constant 0 : i32
    %c0_i32_0 = arith.constant 0 : i32
    return %arg0, %c0_i32 : i32, i32
  }
}

module attributes {stable_mosaic.version = 14 : i64} {
  func.func @_dis_body(%arg0: i32, %arg1: memref<2x1000x128xf32, #tpu.memory_space<vmem>>, %arg2: memref<1000x1xf32, #tpu.memory_space<vmem>>) attributes {dimension_semantics = [#tpu.dimension_semantics<arbitrary>], iteration_bounds = array<i64: 10>, scalar_prefetch = 0 : i64, scratch_operands = 0 : i64, tpu.core_type = #tpu.core_type<tc>, window_params = [{transform_indices = @transform_0, window_bounds = array<i64: 2, 1000, 128>}, {transform_indices = @transform_1, window_bounds = array<i64: 1000, 1>}]} {
    %get3A = arith.constant 0 : index
    %get3A_0 = arith.constant 0 : index
    %get3A_1 = arith.constant 0 : index
    %get3A_2 = vector.load %arg1[%get3A, %get3A_0, %get3A_1] : memref<2x1000x128xf32, #tpu.memory_space<vmem>>, vector<2x1000x128xf32>
    %slice3A = vector.extract_strided_slice %get3A_2 {offsets = [0, 0, 0], sizes = [1, 1000, 128], strides = [1, 1, 1]} : vector<2x1000x128xf32> to vector<1x1000x128xf32>
    %squeeze3A = vector.shape_cast %slice3A : vector<1x1000x128xf32> to vector<1000x128xf32>
    %slice3A_3 = vector.extract_strided_slice %get3A_2 {offsets = [1, 0, 0], sizes = [1, 1000, 128], strides = [1, 1, 1]} : vector<2x1000x128xf32> to vector<1x1000x128xf32>
    %squeeze3A_4 = vector.shape_cast %slice3A_3 : vector<1x1000x128xf32> to vector<1000x128xf32>
    %add3A = arith.addf %squeeze3A, %squeeze3A_4 : vector<1000x128xf32>
    %slice3A_5 = vector.extract_strided_slice %add3A {offsets = [0, 0], sizes = [1000, 1], strides = [1, 1]} : vector<1000x128xf32> to vector<1000x1xf32>
    %add3A_6 = arith.constant 1.000000e+00 : f32
    %add3A_7 = vector.broadcast %add3A_6 : f32 to vector<1000x1xf32>
    %add3A_8 = arith.addf %slice3A_5, %add3A_7 : vector<1000x1xf32>
    %rsqrt3A = math.rsqrt %add3A_8 : vector<1000x1xf32>
    %swap3A = arith.constant 0 : index
    %swap3A_9 = arith.constant 0 : index
    %swap3A_10 = vector.load %arg2[%swap3A, %swap3A_9] : memref<1000x1xf32, #tpu.memory_space<vmem>>, vector<1000x1xf32>
    tpu.vector_store %arg2[%swap3A, %swap3A_9], %rsqrt3A {strides = array<i32>} : memref<1000x1xf32, #tpu.memory_space<vmem>>, vector<1000x1xf32>,
    return
  }
  func.func @transform_0(%arg0: i32) -> (i32, i32, i32) {
    %c0_i32 = arith.constant 0 : i32
    %c0_i32_0 = arith.constant 0 : i32
    %c0_i32_1 = arith.constant 0 : i32
    return %c0_i32, %arg0, %c0_i32_0 : i32, i32, i32
  }
  func.func @transform_1(%arg0: i32) -> (i32, i32) {
    %c0_i32 = arith.constant 0 : i32
    %c0_i32_0 = arith.constant 0 : i32
    return %arg0, %c0_i32 : i32, i32
  }
}

module attributes {stable_mosaic.version = 14 : i64} {
  func.func @_mid_body(%arg0: i32, %arg1: memref<2x1000x128xf32, #tpu.memory_space<vmem>>, %arg2: memref<1000x128xf32, #tpu.memory_space<vmem>>, %arg3: memref<1000x1xf32, #tpu.memory_space<vmem>>, %arg4: memref<128xf32, #tpu.memory_space<vmem>>, %arg5: memref<128x128xf32, #tpu.memory_space<vmem>>, %arg6: memref<1000x128xf32, #tpu.memory_space<vmem>>) attributes {dimension_semantics = [#tpu.dimension_semantics<arbitrary>], iteration_bounds = array<i64: 10>, scalar_prefetch = 0 : i64, scratch_operands = 0 : i64, tpu.core_type = #tpu.core_type<tc>, window_params = [{transform_indices = @transform_0, window_bounds = array<i64: 2, 1000, 128>}, {transform_indices = @transform_1, window_bounds = array<i64: 1000, 128>}, {transform_indices = @transform_2, window_bounds = array<i64: 1000, 1>}, {pipeline_mode = #tpu.pipeline_mode<synchronous>, transform_indices = @transform_3, window_bounds = array<i64: 128>}, {pipeline_mode = #tpu.pipeline_mode<synchronous>, transform_indices = @transform_4, window_bounds = array<i64: 128, 128>}, {transform_indices = @transform_5, window_bounds = array<i64: 1000, 128>}]} {
    %get3A = arith.constant 0 : index
    %get3A_0 = arith.constant 0 : index
    %get3A_1 = vector.load %arg3[%get3A, %get3A_0] : memref<1000x1xf32, #tpu.memory_space<vmem>>, vector<1000x1xf32>
    %get3A_2 = arith.constant 0 : index
    %get3A_3 = arith.constant 0 : index
    %get3A_4 = arith.constant 0 : index
    %get3A_5 = vector.load %arg1[%get3A_2, %get3A_3, %get3A_4] : memref<2x1000x128xf32, #tpu.memory_space<vmem>>, vector<1x1000x128xf32>
    %get3A_6 = vector.shape_cast %get3A_5 : vector<1x1000x128xf32> to vector<1000x128xf32>
    %get3A_7 = arith.constant 1 : index
    %get3A_8 = arith.constant 0 : index
    %get3A_9 = arith.constant 0 : index
    %get3A_10 = vector.load %arg1[%get3A_7, %get3A_8, %get3A_9] : memref<2x1000x128xf32, #tpu.memory_space<vmem>>, vector<1x1000x128xf32>
    %get3A_11 = vector.shape_cast %get3A_10 : vector<1x1000x128xf32> to vector<1000x128xf32>
    %add3A = arith.addf %get3A_6, %get3A_11 : vector<1000x128xf32>
    %get3A_12 = arith.constant 0 : index
    %get3A_13 = arith.constant 0 : index
    %get3A_14 = vector.load %arg2[%get3A_12, %get3A_13] : memref<1000x128xf32, #tpu.memory_space<vmem>>, vector<1000x128xf32>
    %add3A_15 = arith.addf %add3A, %get3A_14 : vector<1000x128xf32>
    %mul3A = vector.broadcast %get3A_1 : vector<1000x1xf32> to vector<1000x128xf32>
    %mul3A_16 = arith.mulf %add3A_15, %mul3A : vector<1000x128xf32>
    %get3A_17 = arith.constant 0 : index
    %get3A_18 = vector.load %arg4[%get3A_17] : memref<128xf32, #tpu.memory_space<vmem>>, vector<128xf32>
    %broadcast_in_dim3A = vector.shape_cast %get3A_18 : vector<128xf32> to vector<1x128xf32>
    %add3A_19 = vector.broadcast %broadcast_in_dim3A : vector<1x128xf32> to vector<1000x128xf32>
    %add3A_20 = arith.addf %mul3A_16, %add3A_19 : vector<1000x128xf32>
    %max3A = arith.constant 0.000000e+00 : f32
    %max3A_21 = vector.broadcast %max3A : f32 to vector<1000x128xf32>
    %max3A_22 = arith.maximumf %add3A_20, %max3A_21 : vector<1000x128xf32>
    %get3A_23 = arith.constant 0 : index
    %get3A_24 = arith.constant 0 : index
    %get3A_25 = vector.load %arg5[%get3A_23, %get3A_24] : memref<128x128xf32, #tpu.memory_space<vmem>>, vector<128x128xf32>
    %dot_general3A = arith.constant dense<0.000000e+00> : vector<1000x128xf32>
    %dot_general3A_26 = tpu.matmul %max3A_22, %get3A_25, %dot_general3A {dimension_numbers = #tpu.dot_dimension_numbers<[1], [0], [0], [1], [0, 0, 1, 1], [], []>, transpose_lhs_hint = false} : vector<1000x128xf32>, vector<128x128xf32>, vector<1000x128xf32> -> vector<1000x128xf32>
    %mul3A_27 = vector.broadcast %get3A_1 : vector<1000x1xf32> to vector<1000x128xf32>
    %mul3A_28 = arith.mulf %dot_general3A_26, %mul3A_27 : vector<1000x128xf32>
    %swap3A = arith.constant 0 : index
    %swap3A_29 = arith.constant 0 : index
    %swap3A_30 = vector.load %arg6[%swap3A, %swap3A_29] : memref<1000x128xf32, #tpu.memory_space<vmem>>, vector<1000x128xf32>
    tpu.vector_store %arg6[%swap3A, %swap3A_29], %mul3A_28 {strides = array<i32>} : memref<1000x128xf32, #tpu.memory_space<vmem>>, vector<1000x128xf32>,
    return
  }
  func.func @transform_0(%arg0: i32) -> (i32, i32, i32) {
    %c0_i32 = arith.constant 0 : i32
    %c0_i32_0 = arith.constant 0 : i32
    %c0_i32_1 = arith.constant 0 : i32
    return %c0_i32, %arg0, %c0_i32_0 : i32, i32, i32
  }
  func.func @transform_1(%arg0: i32) -> (i32, i32) {
    %c0_i32 = arith.constant 0 : i32
    %c0_i32_0 = arith.constant 0 : i32
    return %arg0, %c0_i32 : i32, i32
  }
  func.func @transform_2(%arg0: i32) -> (i32, i32) {
    %c0_i32 = arith.constant 0 : i32
    %c0_i32_0 = arith.constant 0 : i32
    return %arg0, %c0_i32 : i32, i32
  }
  func.func @transform_3(%arg0: i32) -> i32 {
    %c0_i32 = arith.constant 0 : i32
    %c0_i32_0 = arith.constant 0 : i32
    return %c0_i32 : i32
  }
  func.func @transform_4(%arg0: i32) -> (i32, i32) {
    %c0_i32 = arith.constant 0 : i32
    %c0_i32_0 = arith.constant 0 : i32
    %c0_i32_1 = arith.constant 0 : i32
    return %c0_i32, %c0_i32_0 : i32, i32
  }
  func.func @transform_5(%arg0: i32) -> (i32, i32) {
    %c0_i32 = arith.constant 0 : i32
    %c0_i32_0 = arith.constant 0 : i32
    return %arg0, %c0_i32 : i32, i32
  }
}

module attributes {stable_mosaic.version = 14 : i64} {
  func.func @_last_body(%arg0: i32, %arg1: memref<2x1000x128xf32, #tpu.memory_space<vmem>>, %arg2: memref<1000x128xf32, #tpu.memory_space<vmem>>, %arg3: memref<1000x1xf32, #tpu.memory_space<vmem>>, %arg4: memref<128xf32, #tpu.memory_space<vmem>>, %arg5: memref<1000x128xf32, #tpu.memory_space<vmem>>) attributes {dimension_semantics = [#tpu.dimension_semantics<arbitrary>], iteration_bounds = array<i64: 10>, scalar_prefetch = 0 : i64, scratch_operands = 0 : i64, tpu.core_type = #tpu.core_type<tc>, window_params = [{transform_indices = @transform_0, window_bounds = array<i64: 2, 1000, 128>}, {transform_indices = @transform_1, window_bounds = array<i64: 1000, 128>}, {transform_indices = @transform_2, window_bounds = array<i64: 1000, 1>}, {pipeline_mode = #tpu.pipeline_mode<synchronous>, transform_indices = @transform_3, window_bounds = array<i64: 128>}, {transform_indices = @transform_4, window_bounds = array<i64: 1000, 128>}]} {
    %get3A = arith.constant 0 : index
    %get3A_0 = arith.constant 0 : index
    %get3A_1 = vector.load %arg3[%get3A, %get3A_0] : memref<1000x1xf32, #tpu.memory_space<vmem>>, vector<1000x1xf32>
    %get3A_2 = arith.constant 0 : index
    %get3A_3 = arith.constant 0 : index
    %get3A_4 = arith.constant 0 : index
    %get3A_5 = vector.load %arg1[%get3A_2, %get3A_3, %get3A_4] : memref<2x1000x128xf32, #tpu.memory_space<vmem>>, vector<1x1000x128xf32>
    %get3A_6 = vector.shape_cast %get3A_5 : vector<1x1000x128xf32> to vector<1000x128xf32>
    %get3A_7 = arith.constant 1 : index
    %get3A_8 = arith.constant 0 : index
    %get3A_9 = arith.constant 0 : index
    %get3A_10 = vector.load %arg1[%get3A_7, %get3A_8, %get3A_9] : memref<2x1000x128xf32, #tpu.memory_space<vmem>>, vector<1x1000x128xf32>
    %get3A_11 = vector.shape_cast %get3A_10 : vector<1x1000x128xf32> to vector<1000x128xf32>
    %add3A = arith.addf %get3A_6, %get3A_11 : vector<1000x128xf32>
    %get3A_12 = arith.constant 0 : index
    %get3A_13 = arith.constant 0 : index
    %get3A_14 = vector.load %arg2[%get3A_12, %get3A_13] : memref<1000x128xf32, #tpu.memory_space<vmem>>, vector<1000x128xf32>
    %add3A_15 = arith.addf %add3A, %get3A_14 : vector<1000x128xf32>
    %mul3A = vector.broadcast %get3A_1 : vector<1000x1xf32> to vector<1000x128xf32>
    %mul3A_16 = arith.mulf %add3A_15, %mul3A : vector<1000x128xf32>
    %get3A_17 = arith.constant 0 : index
    %get3A_18 = vector.load %arg4[%get3A_17] : memref<128xf32, #tpu.memory_space<vmem>>, vector<128xf32>
    %broadcast_in_dim3A = vector.shape_cast %get3A_18 : vector<128xf32> to vector<1x128xf32>
    %add3A_19 = vector.broadcast %broadcast_in_dim3A : vector<1x128xf32> to vector<1000x128xf32>
    %add3A_20 = arith.addf %mul3A_16, %add3A_19 : vector<1000x128xf32>
    %max3A = arith.constant 0.000000e+00 : f32
    %max3A_21 = vector.broadcast %max3A : f32 to vector<1000x128xf32>
    %max3A_22 = arith.maximumf %add3A_20, %max3A_21 : vector<1000x128xf32>
    %swap3A = arith.constant 0 : index
    %swap3A_23 = arith.constant 0 : index
    %swap3A_24 = vector.load %arg5[%swap3A, %swap3A_23] : memref<1000x128xf32, #tpu.memory_space<vmem>>, vector<1000x128xf32>
    tpu.vector_store %arg5[%swap3A, %swap3A_23], %max3A_22 {strides = array<i32>} : memref<1000x128xf32, #tpu.memory_space<vmem>>, vector<1000x128xf32>,
    return
  }
  func.func @transform_0(%arg0: i32) -> (i32, i32, i32) {
    %c0_i32 = arith.constant 0 : i32
    %c0_i32_0 = arith.constant 0 : i32
    %c0_i32_1 = arith.constant 0 : i32
    return %c0_i32, %arg0, %c0_i32_0 : i32, i32, i32
  }
  func.func @transform_1(%arg0: i32) -> (i32, i32) {
    %c0_i32 = arith.constant 0 : i32
    %c0_i32_0 = arith.constant 0 : i32
    return %arg0, %c0_i32 : i32, i32
  }
  func.func @transform_2(%arg0: i32) -> (i32, i32) {
    %c0_i32 = arith.constant 0 : i32
    %c0_i32_0 = arith.constant 0 : i32
    return %arg0, %c0_i32 : i32, i32
  }
  func.func @transform_3(%arg0: i32) -> i32 {
    %c0_i32 = arith.constant 0 : i32
    %c0_i32_0 = arith.constant 0 : i32
    return %c0_i32 : i32
  }
  func.func @transform_4(%arg0: i32) -> (i32, i32) {
    %c0_i32 = arith.constant 0 : i32
    %c0_i32_0 = arith.constant 0 : i32
    return %arg0, %c0_i32 : i32, i32
  }
}

module attributes {stable_mosaic.version = 14 : i64} {
  func.func @_final_body(%arg0: memref<2x64x128xf32, #tpu.memory_space<vmem>>, %arg1: memref<2x64x128xf32, #tpu.memory_space<vmem>>, %arg2: memref<128x2xf32, #tpu.memory_space<vmem>>, %arg3: memref<2xf32, #tpu.memory_space<vmem>>, %arg4: memref<64x2xf32, #tpu.memory_space<vmem>>) attributes {dimension_semantics = [], scalar_prefetch = 0 : i64, scratch_operands = 0 : i64, tpu.core_type = #tpu.core_type<tc>} {
    %get3A = arith.constant 0 : index
    %get3A_0 = arith.constant 0 : index
    %get3A_1 = arith.constant 0 : index
    %get3A_2 = vector.load %arg1[%get3A, %get3A_0, %get3A_1] : memref<2x64x128xf32, #tpu.memory_space<vmem>>, vector<2x64x128xf32>
    %slice3A = vector.extract_strided_slice %get3A_2 {offsets = [0, 0, 0], sizes = [1, 64, 128], strides = [1, 1, 1]} : vector<2x64x128xf32> to vector<1x64x128xf32>
    %squeeze3A = vector.shape_cast %slice3A : vector<1x64x128xf32> to vector<64x128xf32>
    %slice3A_3 = vector.extract_strided_slice %get3A_2 {offsets = [1, 0, 0], sizes = [1, 64, 128], strides = [1, 1, 1]} : vector<2x64x128xf32> to vector<1x64x128xf32>
    %squeeze3A_4 = vector.shape_cast %slice3A_3 : vector<1x64x128xf32> to vector<64x128xf32>
    %add3A = arith.addf %squeeze3A, %squeeze3A_4 : vector<64x128xf32>
    %slice3A_5 = vector.extract_strided_slice %add3A {offsets = [0, 0], sizes = [64, 1], strides = [1, 1]} : vector<64x128xf32> to vector<64x1xf32>
    %get3A_6 = arith.constant 0 : index
    %get3A_7 = arith.constant 0 : index
    %get3A_8 = arith.constant 0 : index
    %get3A_9 = vector.load %arg0[%get3A_6, %get3A_7, %get3A_8] : memref<2x64x128xf32, #tpu.memory_space<vmem>>, vector<1x64x128xf32>
    %get3A_10 = vector.shape_cast %get3A_9 : vector<1x64x128xf32> to vector<64x128xf32>
    %get3A_11 = arith.constant 1 : index
    %get3A_12 = arith.constant 0 : index
    %get3A_13 = arith.constant 0 : index
    %get3A_14 = vector.load %arg0[%get3A_11, %get3A_12, %get3A_13] : memref<2x64x128xf32, #tpu.memory_space<vmem>>, vector<1x64x128xf32>
    %get3A_15 = vector.shape_cast %get3A_14 : vector<1x64x128xf32> to vector<64x128xf32>
    %add3A_16 = arith.addf %get3A_10, %get3A_15 : vector<64x128xf32>
    %max3A = arith.constant 1.000000e+00 : f32
    %max3A_17 = vector.broadcast %max3A : f32 to vector<64x1xf32>
    %max3A_18 = arith.maximumf %slice3A_5, %max3A_17 : vector<64x1xf32>
    %div3A = vector.broadcast %max3A_18 : vector<64x1xf32> to vector<64x128xf32>
    %div3A_19 = arith.divf %add3A_16, %div3A : vector<64x128xf32>
    %get3A_20 = arith.constant 0 : index
    %get3A_21 = arith.constant 0 : index
    %get3A_22 = vector.load %arg2[%get3A_20, %get3A_21] : memref<128x2xf32, #tpu.memory_space<vmem>>, vector<128x2xf32>
    %dot_general3A = arith.constant dense<0.000000e+00> : vector<64x2xf32>
    %dot_general3A_23 = tpu.matmul %div3A_19, %get3A_22, %dot_general3A {dimension_numbers = #tpu.dot_dimension_numbers<[1], [0], [0], [1], [0, 0, 1, 1], [], []>, transpose_lhs_hint = false} : vector<64x128xf32>, vector<128x2xf32>, vector<64x2xf32> -> vector<64x2xf32>
    %get3A_24 = arith.constant 0 : index
    %get3A_25 = vector.load %arg3[%get3A_24] : memref<2xf32, #tpu.memory_space<vmem>>, vector<2xf32>
    %broadcast_in_dim3A = vector.shape_cast %get3A_25 : vector<2xf32> to vector<1x2xf32>
    %add3A_26 = vector.broadcast %broadcast_in_dim3A : vector<1x2xf32> to vector<64x2xf32>
    %add3A_27 = arith.addf %dot_general3A_23, %add3A_26 : vector<64x2xf32>
    %swap3A = arith.constant 0 : index
    %swap3A_28 = arith.constant 0 : index
    %swap3A_29 = vector.load %arg4[%swap3A, %swap3A_28] : memref<64x2xf32, #tpu.memory_space<vmem>>, vector<64x2xf32>
    tpu.vector_store %arg4[%swap3A, %swap3A_28], %add3A_27 {strides = array<i32>} : memref<64x2xf32, #tpu.memory_space<vmem>>, vector<64x2xf32>,
    return
  }
}

</mosaic_0001>

<sc_bundles>
// kernel: kernel.18.cloned.1.call-start
scs
__scs_entry_jumppad:
0x0: {  	(pc) =	sbr.rel $0x88, $3  }
0x1: {  	(tag) =	ssettag $0x0;
	lr =	simm.s32 $0x1  }
0x2: {  	[smem:$0x3F92] =	sst lr;
	_ =	strace $0xD0000000  }
0x3: {  	_ = 	snop  }
0x4: {  	_ = 	snop  }
0x5: {  	_ = 	snop  }
0x6: {  	_ = 	snop  }
0x7: {  	_ = 	snop  }
__scs_overlays_trampoline_lowered:
0x8: {  	[smem:$0x3FA1] =	sst s0  }
0x9: {  	[smem:$0x3FA2] =	sst s1  }
0xa: {  	[smem:$0x3FA3] =	sst s2  }
0xb: {  	[smem:$0x3FA4] =	sst s3  }
0xc: {  	[smem:$0x3FA5] =	sst s4  }
0xd: {  	[smem:$0x3FA6] =	sst s5  }
0xe: {  	[smem:$0x3FA7] =	sst s6  }
0xf: {  	[smem:$0x3FA8] =	sst s7  }
0x10: {  	[smem:$0x3FA9] =	sst s8  }
0x11: {  	[smem:$0x3FAA] =	sst s9;
	s0 =	simm.s32 @!p0 $0x0  }
0x12: {  	s1 =	sld [smem:$0x3F90];
	s0 =	simm.s32 @p0 $0x1  }
0x13: {  	[smem:$0x3FAB] =	sst s0;
	s0 =	simm.s32 @!p1 $0x0  }
0x14: {  	s2 =	sld [smem:$0x3F8F];
	s0 =	simm.s32 @p1 $0x1  }
0x15: {  	[smem:$0x3FAC] =	sst s0;
	s0 =	simm.s32 @!p2 $0x0  }
0x16: {  	s3 =	sld [smem:$0x3FDB];
	s0 =	simm.s32 @p2 $0x1  }
0x17: {  	s4 =	simm.s32 $0x1BF5;
	[smem:$0x3FAE] =	sst s0  }
0x18: {  	s0 =	sld [smem:$0x3F91];
	_ =	swait.ge [sflag:s4], $0x0  }
0x19: {  	s7 =	sld [smem:$0x3F92]  }
0x1a: {  	s8 =	sadd.s32 $0xFFFFE003, lr  }
0x1b: {  	s9 =	sadd.s32 $0xFFFFFEF7, lr;
	s5 =	simm.s32 $0xFFFFFFFF;
	p2 =	slt.u32 s8, $0xFFFFF086  }
0x1c: {  	p1 =	slt.u32 s9, $0xF7A;
	s5 =	simm.s32 @!p2 $0x0  }
0x1d: {  	s5 =	simm.s32 @p1 $0x1;
	p0 =	seq.s32 s7, s2  }
0x1e: {  	s7 =	smul.u32 @!p0 $0xF7A, s2;
	p2 =	seq.s32 @!p0 s5, $0x0  }
0x1f: {  	s9 =	smul.u32 $0xF7A, s1;
	s8 =	simm.s32 @!p0 $0x1BF5;
	p2 =	por !p2, p0  }
0x20: {  	[sflag:s8] =	ssyncset.s32 @!p0 $0xFFFFF086;
	s6 =	sadd.s32 @!p0 s3, s7;
	s7 =	simm.s32 @!p0 $0x108  }
0x21: {  	s3 =	sadd.s32 s3, s9;
	s6 =	sadd.s32 @!p0 $0x88, s6;
	s7 =	simm.s32 @p2 $0x1082  }
0x22: {  	[simem:s7], [sflag:s8] =	dma.local @!p0 [hbm:s6], $0xF7A  }
0x23: {  	s9 =	sor.u32 $0xD0000000, s2;
	s6 =	simm.s32 $0x108;
	_ =	swait.ge @!p0 [sflag:s8], $0x0  }
0x24: {  	s3 =	sadd.s32 $0x88, s3;
	s6 =	simm.s32 @!p1 $0x1082;
	[sflag:s4] =	ssyncset.s32 $0xFFFFF086  }
0x25: {  	[simem:s6], [sflag:s4] =	dma.local [hbm:s3], $0xF7A  }
0x26: {  	[smem:$0x3F92] =	sst s1;
	(tag) =	ssettag s2;
	_ =	strace s9  }
0x27: {  	s1 =	sld [smem:$0x3FA2]  }
0x28: {  	s2 =	sld [smem:$0x3FA3]  }
0x29: {  	s4 =	sld [smem:$0x3FA5]  }
0x2a: {  	p0 =	seq.s32 s5, $0x0;
	s5 =	sld [smem:$0x3FA6]  }
0x2b: {  	s6 =	sld [smem:$0x3FA7]  }
0x2c: {  	s7 =	sld [smem:$0x3FA8]  }
0x2d: {  	s3 =	simm.s32 $0x108;
	s8 =	sld [smem:$0x3FA9]  }
0x2e: {  	s3 =	simm.s32 @!p0 $0x1082;
	s9 =	sld [smem:$0x3FAA]  }
0x2f: {  	lr =	sadd.s32 s0, s3;
	s0 =	sld [smem:$0x3FA1]  }
0x30: {  	s3 =	sld [smem:$0x3FA4]  }
0x31: {  	[smem:$0x3FAD] =	sst s10  }
0x32: {  	s10 =	sld [smem:$0x3FAB];
	_ =	sdelay $0x3  }
0x33: {  	p0 =	seq.s32 s10, $0x1;
	s10 =	sld [smem:$0x3FAD];
	_ =	sdelay $0x3  }
0x34: {  	[smem:$0x3FAD] =	sst s10  }
0x35: {  	s10 =	sld [smem:$0x3FAC];
	_ =	sdelay $0x3  }
0x36: {  	p1 =	seq.s32 s10, $0x1;
	s10 =	sld [smem:$0x3FAD];
	_ =	sdelay $0x3  }
0x37: {  	[smem:$0x3FAD] =	sst s10  }
0x38: {  	s10 =	sld [smem:$0x3FAE]  }
0x39: {  	_ = 	snop;
	(pc) =	sbr.ind lr, $3  }
0x3a: {  	_ = 	snop  }
0x3b: {  	_ = 	snop  }
0x3c: {  	p2 =	seq.s32 s10, $0x1;
	s10 =	sld [smem:$0x3FAD]  }
0x3d: {  	_ =	shalt  }
0x3e: {  	_ =	shalt  }
0x3f: {  	_ =	shalt  }
0x40: {  	_ =	shalt  }
0x41: {  	_ =	shalt  }
0x42: {  	_ =	shalt  }
0x43: {  	_ =	shalt  }
0x44: {  	_ =	shalt  }
0x45: {  	_ =	shalt  }
0x46: {  	_ =	shalt  }
0x47: {  	_ =	shalt  }
0x48: {  	_ =	shalt  }
0x49: {  	_ =	shalt  }
0x4a: {  	_ =	shalt  }
0x4b: {  	_ =	shalt  }
0x4c: {  	_ =	shalt  }
0x4d: {  	_ =	shalt  }
0x4e: {  	_ =	shalt  }
0x4f: {  	_ =	shalt  }
0x50: {  	_ =	shalt  }
0x51: {  	_ =	shalt  }
0x52: {  	_ =	shalt  }
0x53: {  	_ =	shalt  }
0x54: {  	_ =	shalt  }
0x55: {  	_ =	shalt  }
0x56: {  	_ =	shalt  }
0x57: {  	_ =	shalt  }
0x58: {  	_ =	shalt  }
0x59: {  	_ =	shalt  }
0x5a: {  	_ =	shalt  }
0x5b: {  	_ =	shalt  }
0x5c: {  	_ =	shalt  }
0x5d: {  	_ =	shalt  }
0x5e: {  	_ =	shalt  }
0x5f: {  	_ =	shalt  }
0x60: {  	_ =	shalt  }
0x61: {  	_ =	shalt  }
0x62: {  	_ =	shalt  }
0x63: {  	_ =	shalt  }
0x64: {  	_ =	shalt  }
0x65: {  	_ =	shalt  }
0x66: {  	_ =	shalt  }
0x67: {  	_ =	shalt  }
0x68: {  	_ =	shalt  }
0x69: {  	_ =	shalt  }
0x6a: {  	_ =	shalt  }
0x6b: {  	_ =	shalt  }
0x6c: {  	_ =	shalt  }
0x6d: {  	_ =	shalt  }
0x6e: {  	_ =	shalt  }
0x6f: {  	_ =	shalt  }
0x70: {  	_ =	shalt  }
0x71: {  	_ =	shalt  }
0x72: {  	_ =	shalt  }
0x73: {  	_ =	shalt  }
0x74: {  	_ =	shalt  }
0x75: {  	_ =	shalt  }
0x76: {  	_ =	shalt  }
0x77: {  	_ =	shalt  }
0x78: {  	_ =	shalt  }
0x79: {  	_ =	shalt  }
0x7a: {  	_ =	shalt  }
0x7b: {  	_ =	shalt  }
0x7c: {  	_ =	shalt  }
0x7d: {  	_ =	shalt  }
0x7e: {  	_ =	shalt  }
0x7f: {  	_ =	shalt  }
0x80: {  	_ =	shalt  }
0x81: {  	_ =	shalt  }
0x82: {  	_ =	shalt  }
0x83: {  	_ =	shalt  }
0x84: {  	_ =	shalt  }
0x85: {  	_ =	shalt  }
0x86: {  	_ =	shalt  }
0x87: {  	_ =	shalt  }
.Lfunc_end0:
.L_simem_size_0:
called_computation_lowered:
.L_overlay_start_0:
0x88: {  	s2 =	sld [smem:$0x3FD9]  }
0x89: {  	s3 =	sld [smem:$0x3FFE];
	_ =	sdelay $0x1  }
0x8a: {  	s1 =	srdreg.scid  }
0x8b: {  	s0 =	sand.u32 $0x1, s1  }
0x8c: {  	s16 =	sshll.u32 s0, $0xA;
	s2 =	sadd.s32 s3, s2  }
0x8d: {  	s2 =	sadd.s32 s2, s16  }
0x8e: {  	[smem:$0x3FB9] =	sst s2  }
0x8f: {  	_ = 	snop  }
0x90: {  	(tm) =	ssettm $0x1  }
0x91: {  	s17 =	sld [smem:$0x3FFB];
	_ =	sdelay $0x3  }
0x92: {  	_ =	strace s17  }
0x93: {  	s2 =	sld [smem:$0x3FFC];
	_ =	sdelay $0x3  }
0x94: {  	_ =	strace s2  }
0x95: {  	s2 =	sld [smem:$0x3FFD];
	_ =	sdelay $0x3  }
0x96: {  	_ =	strace s2  }
0x97: {  	_ =	strace $0x8FFFFFFF  }
0x98: {  	s18 =	sld [smem:$0x3FDB];
	_ =	sdelay $0x1  }
0x99: {  	s19 =	simm.s32 $_scs_section_size  }
0x9a: {  	s4 =	simm.s32 $_size__tile_overlayer_lowered;
	s5 =	simm.s32 $_tile_overlayer_lowered  }
0x9b: {  	s22 =	simm.s32 $0x1BFF;
	s21 =	sshll.u32 s5, $0x1;
	s2 =	sadd.s32 s19, s18  }
0x9c: {  	s6 =	simm.s32 $0x0;
	s20 =	sshll.u32 s4, $0x1;
	s4 =	sadd.s32 s21, s2  }
0x9d: {  	[timem:s6], [sflag:s22] =	dma.local [hbm:s4], s20  }
0x9e: {  	_ =	swait.ge [sflag:s22], s20  }
0x9f: {  	s3 =	ssub.s32 $0x0, s20;
	[sflag:s22] =	ssyncset.done $0x0  }
0xa0: {  	[sflag:s22] =	ssyncadd.s32 s3;
	_ =	sdelay $0x1  }
0xa1: {  	s23 =	simm.s32 $0x1B8B  }
0xa2: {  	_ =	swait.ge [sflag:s23], $0x1  }
0xa3: {  	[sflag:s23] =	ssyncset.done $0x0  }
0xa4: {  	s25 =	simm.s32 $0x1B8E;
	s24 =	sld [smem:$0x3FFE];
	[sflag:s23] =	ssyncadd.s32 $0xFFFFFFFF  }
0xa5: {  	s26 =	simm.s32 $execute0_lowered;
	[smem:$0x3FD2] =	sst s25  }
0xa6: {  	s4 =	sshll.u32 s26, $0x1;
	_ =	strace $0x80000046;
	[dreg:$0x1] =	wrdreg $0xFFFFFFFF  }
0xa7: {  	s28 =	simm.s32 $_size_execute0_lowered;
	s2 =	sadd.s32 s2, s4;
	[dreg:$0x0] =	wrdreg $0x0  }
0xa8: {  	s4 =	sshll.u32 s28, $0x1;
	[dreg:$0x2] =	wrdreg s2  }
0xa9: {  	[dreg:$0x3] =	wrdreg s4  }
0xaa: {  	[dreg:$0x4] =	wrdreg $0xC0  }
0xab: {  	_ =	task [dreg:s6], $0x5FFFF  }
0xac: {  	[dreg:$0x1] =	wrdreg $0xFFFFFFFF  }
0xad: {  	[dreg:$0x0] =	wrdreg $0x60  }
0xae: {  	[dreg:$0x2] =	wrdreg s24  }
0xaf: {  	[dreg:$0x3] =	wrdreg $0x90000  }
0xb0: {  	[dreg:$0x4] =	wrdreg $0x9  }
0xb1: {  	_ =	task.clear_ibuf [dreg:s6], $0x5FFFF;
	_ =	strace $0x90000046  }
0xb2: {  	s29 =	simm.s32 $0x9;
	_ =	strace $0x80000048  }
0xb3: {  	_ =	swait.ge [sflag:s29], $0x1  }
0xb4: {  	[sflag:s29] =	ssyncadd.s32 $0xFFFFFFFF  }
0xb5: {  	_ =	strace $0x90000048  }
0xb6: {  	_ =	sfence  }
0xb7: {  	s30 =	sld [smem:$0x0];
	_ =	sdelay $0x2  }
0xb8: {  	s31 =	sshll.u32 s1, $0xD;
	s1 =	sshrl.u32 s1, $0x2  }
0xb9: {  	s3 =	sand.u32 $0x4000, s31;
	s1 =	sadd.s32 s1, s30  }
0xba: {  	s0 =	sor.u32 s3, s0;
	s1 =	sshll.u32 s1, $0x11  }
0xbb: {  	s0 =	sor.u32 s1, s0  }
0xbc: {  	s0 =	sadd.s32 $0x8F2B, s0  }
0xbd: {  	[sflag:s0] =	ssyncadd.remote.s32 $0x1  }
0xbe: {  	_ =	sfence.sel $0xFFFF  }
0xbf: {  	[dreg:$0x0] =	wrdreg $0xFFFFFFFF;
	(pc) =	sbr.abs _section_cstart, $3  }
0xc0: {  	[dreg:$0x1] =	wrdreg $0xFFFFFFFF  }
0xc1: {  	_ =	task.clear_ibuf [dreg:s6], $0x2FFFF;
	_ =	strace $0x9FFFFFFF  }
0xc2: {  	(tm) =	ssettm $0x7FFFFFFF  }
0xc3: {  	_ =	shalt  }
tec
execute0_lowered:
.L_overlay_start_1:
0x0: {  	(tag) =	ssettag $0x1  }
0x1: {  	s7 =	rddreg [dreg:$0x0];
	s1 =	srdreg.scid  }
0x2: {  	s0 =	stileid.u32;
	s2 =	rddreg [dreg:$0x1]  }
0x3: {  	s3 =	simm.s32 $0x0;
	s17 =	simm.s32 $0x80;
	s18 =	simm.s32 $0x5000  }
0x4: {  	s19 =	simm.s32 $0x1;
	s20 =	simm.s32 $0x0;
	s4 =	smul.u32 $0xA0, s0  }
0x5: {  	s6 =	sand.u32 $0x1, s1;
	s1 =	rddreg [dreg:$0x2];
	s9 =	smul.u32 $0x13800, s0  }
0x6: {  	[smem:$0x7FF] =	sst s3;
	s8 =	smul.u32 $0x4E000, s0;
	s13 =	sadd.s32 $0x67C00, s7  }
0x7: {  	s29 =	sshll.u32 s0, $0x6;
	s15 =	sadd.s32 $0x138000, s2;
	p0 =	sne.s32 s0, $0xF  }
0x8: {  	s5 =	smul.u32 $0x50, s6;
	_ =	strace $0x80000047;
	s11 =	ssub.s32 $0x2, s6  }
0x9: {  	s30 =	smul.u32 $0x138800, s6;
	s6 =	sor.u32 $0x1C02, s29;
	s15 =	sshrl.u32 @!p0 s15, $0x3  }
0xa: {  	s28 =	sshrl.u32 s9, $0x3;
	s12 =	sshrl.u32 s11, $0x1;
	s8 =	sshrl.u32 s8, $0x2  }
0xb: {  	s5 =	sadd.s32 s5, s4;
	s4 =	sadd.s32 $0x40A00, s7;
	s12 =	ssub.s32 s11, s12  }
0xc: {  	s14 =	sadd.s32 s8, s2;
	s16 =	sadd.s32 s9, s30;
	s11 =	sshrl.u32 s30, $0x3  }
0xd: {  	s5 =	sshll.u32 s5, $0x4;
	s31 =	sshrl.u32 s16, $0x3;
	s11 =	sadd.s32 s13, s11  }
0xe: {  	s12 =	smax.u32 s12, $0x1;
	s16 =	simm.s32 $0x2800;
	s10 =	sadd.s32 s5, s7  }
0xf: {  	s5 =	sadd.s32 s28, s7;
	s7 =	sadd.s32 $0x40800, s7;
	s11 =	sadd.s32 $0x27000, s11  }
0x10: {  	s5 =	sadd.s32 $0x19800, s5;
	s8 =	sadd.s32 $0x5800, s10;
	s9 =	sadd.s32 $0xF800, s10  }
0x11: {  	s10 =	sadd.s32 s13, s31;
	s13 =	sshrl.u32 s14, $0x3;
	s14 =	simm.s32 $0x2  }
.LBB2_1:
0x12: {  	[spmem:s13], [sflag:s6] =	dma.local [hbm:s5], $0x2700  }
0x13: {  	_ =	swait.ge [sflag:s14], $0x2700  }
0x14: {  	[sflag:s14] =	ssyncset.done $0x0  }
0x15: {  	s21 =	simm.s32 @!p0 $0x2;
	[sflag:s14] =	ssyncadd.s32 $0xFFFFD900  }
0x16: {  	[spmem:s15], [sflag:s6] =	dma.local @!p0 [hbm:s7], $0x100  }
0x17: {  	_ =	swait.ge @!p0 [sflag:s21], $0x100  }
0x18: {  	[sflag:s21] =	ssyncset.done @!p0 $0x0  }
0x19: {  	[sflag:s21] =	ssyncadd.s32 @!p0 $0xFFFFFF00  }
0x1a: {  	[bflag:$0x0] =	sbarrier.arrive $0xFFFF  }
0x1b: {  	[tilespmem:s3], [sflag:$0x2] =	stream.linear.gather [hbm4b:s8+s3], $0x2800, $0x38;
	[tilespmem:$0x1C8C0] =	vst v63  }
0x1c: {  	_ =	swait.ge [sflag:s14], $0x2800  }
0x1d: {  	[sflag:s14] =	ssyncset.done $0x0  }
0x1e: {  	[sflag:s14] =	ssyncadd.s32 $0xFFFFD800  }
0x1f: {  	[tilespmem:s16], [sflag:$0x2] =	stream.linear.gather [hbm4b:s9+s3], $0x2800, $0x38;
	[tilespmem:$0x1C8C0] =	vst v63  }
0x20: {  	_ =	swait.ge [sflag:s14], $0x2800  }
0x21: {  	[sflag:s14] =	ssyncset.done $0x0  }
0x22: {  	s30 =	simm.s32 $0x0;
	[sflag:s14] =	ssyncadd.s32 $0xFFFFD800  }
0x23: {  	[tilespmem:s18], [sflag:$0x1] =	stream.indirect.gather [hbm4b:s4+s17], $0x80, s30, s17, $0xb8;
	[tilespmem:$0x1C8C0] =	vst v63  }
0x24: {  	_ =	swait.ge [sflag:s19], $0x4000  }
0x25: {  	[sflag:s19] =	ssyncset.done $0x0  }
0x26: {  	s31 =	simm.s32 $0x2800;
	[sflag:s19] =	ssyncadd.s32 $0xFFFFC000  }
0x27: {  	[spmem:s2] =	stream.indirect.scatter.add.f32 [tilespmem:s18], [sflag:$0x2], $0x80, s31, s17, $0xb8;
	[tilespmem:$0x1C8C0] =	vst v63  }
0x28: {  	_ =	swait.ge [sflag:s14], $0x4000  }
0x29: {  	s22 =	simm.s32 $0x400;
	s21 =	simm.s32 $0x200;
	[sflag:s14] =	ssyncset.done $0x0  }
.LBB2_2:
0x2a: {  	s23 =	sshra.s32 s21, $0x2  }
0x2b: {  	[sflag:s14] =	ssyncadd.s32 $0xFFFFC000;
	s21 =	smov.u32 s22;
	s24 =	sadd.s32 $0x200, s22  }
0x2c: {  	[tilespmem:s18], [sflag:$0x1] =	stream.indirect.gather [hbm4b:s4+s17], $0x80, s23, s17, $0xb8;
	[tilespmem:$0x1C8C0] =	vst v63  }
0x2d: {  	p1 =	sne.s32 s22, $0x9E00;
	_ =	swait.ge [sflag:s19], $0x4000  }
.Ltmp0:
0x2e: {  	[sflag:s19] =	ssyncset.done $0x0;
	(pc) =	sbr.rel @p1 .LBB2_2-.Ltmp0, $4  }
0x2f: {  	s22 =	sadd.s32 $0x2800, s23;
	[sflag:s19] =	ssyncadd.s32 $0xFFFFC000  }
0x30: {  	[spmem:s2] =	stream.indirect.scatter.add.f32 [tilespmem:s18], [sflag:$0x2], $0x80, s22, s17, $0xb8;
	[tilespmem:$0x1C8C0] =	vst v63  }
0x31: {  	_ =	swait.ge [sflag:s14], $0x4000  }
0x32: {  	s22 =	smov.u32 s24;
	[sflag:s14] =	ssyncset.done $0x0  }
0x33: {  	s21 =	sshra.s32 s21, $0x2;
	[sflag:s14] =	ssyncadd.s32 $0xFFFFC000  }
0x34: {  	[tilespmem:s18], [sflag:$0x1] =	stream.indirect.gather [hbm4b:s4+s17], $0x80, s21, s17, $0xb8;
	[tilespmem:$0x1C8C0] =	vst v63  }
0x35: {  	_ =	swait.ge [sflag:s19], $0x4000  }
0x36: {  	[sflag:s19] =	ssyncset.done $0x0  }
0x37: {  	s21 =	sadd.s32 $0x2800, s21;
	[sflag:s19] =	ssyncadd.s32 $0xFFFFC000  }
0x38: {  	[spmem:s2] =	stream.indirect.scatter.add.f32 [tilespmem:s18], [sflag:$0x2], $0x80, s21, s17, $0xb8;
	[tilespmem:$0x1C8C0] =	vst v63  }
0x39: {  	_ =	swait.ge [sflag:s14], $0x4000  }
0x3a: {  	[sflag:s14] =	ssyncset.done $0x0  }
0x3b: {  	[sflag:s14] =	ssyncadd.s32 $0xFFFFC000  }
0x3c: {  	[bflag:$0x0] =	sbarrier.arrive $0xFFFF  }
0x3d: {  	[hbm:s10], [sflag:s6] =	dma.local [spmem:s13], $0x2700  }
0x3e: {  	s20 =	sadd.s32 $0x1, s20;
	_ =	swait.ge [sflag:s14], $0x2700  }
0x3f: {  	p1 =	sne.s32 s20, s12;
	[sflag:s14] =	ssyncset.done $0x0  }
.Ltmp1:
0x40: {  	s21 =	simm.s32 @!p0 $0x2;
	[sflag:s14] =	ssyncadd.s32 $0xFFFFD900;
	(pc) =	sbr.rel @p1 .LBB2_1-.Ltmp1, $4  }
0x41: {  	[hbm:s11], [sflag:s6] =	dma.local @!p0 [spmem:s15], $0x100  }
0x42: {  	_ =	swait.ge @!p0 [sflag:s21], $0x100  }
0x43: {  	[sflag:s21] =	ssyncset.done @!p0 $0x0  }
0x44: {  	[sflag:s21] =	ssyncadd.s32 @!p0 $0xFFFFFF00  }
0x45: {  	_ =	sfence.sel $0x180000  }
0x46: {  	[bflag:$0x0] =	sbarrier.arrive $0xFFFF  }
0x47: {  	p0 =	sne.s32 s0, $0x0;
	_ =	strace $0x90000047  }
0x48: {  	s0 =	sadd.s32 @!p0 $0x100000, s1;
	[bflag:$0x2] =	sbarrier.arrive $0xFFFF  }
0x49: {  	[sflag:s0] =	ssyncadd.tile.s32 @!p0 $0x1;
	_ =	shalt  }
.Lfunc_end2:
_tile_overlayer_lowered:
.L_overlay_start_2:
0x4a: {  	(tag) =	ssettag $0x2  }
0x4b: {  	s0 =	rddreg [dreg:$0x0];
	s2 =	stileid.u32  }
0x4c: {  	s1 =	rddreg [dreg:$0x1];
	p0 =	sne.s32 s2, $0x0  }
0x4d: {  	s3 =	rddreg [dreg:$0x2];
	[bflag:$0x3] =	sbarrier.arrive $0xFFFF;
	s2 =	simm.s32 @!p0 $0x1C02  }
0x4e: {  	[timem:s3], [sflag:s2] =	dma.local @!p0 [hbm:s0], s1  }
0x4f: {  	s0 =	simm.s32 @!p0 $0x2  }
0x50: {  	_ =	swait.ge @!p0 [sflag:s0], s1  }
0x51: {  	s1 =	ssub.s32 @!p0 $0x0, s1;
	[sflag:s0] =	ssyncset.done @!p0 $0x0  }
0x52: {  	[sflag:s0] =	ssyncadd.s32 @!p0 s1  }
0x53: {  	[bflag:$0x3] =	sbarrier.arrive $0xFFFF  }
0x54: {  	_ =	shalt  }

// kernel: kernel.21.cloned.1.call-start
scs
__scs_entry_jumppad:
0x0: {  	(pc) =	sbr.rel $0x88, $3  }
0x1: {  	(tag) =	ssettag $0x0;
	lr =	simm.s32 $0x1  }
0x2: {  	[smem:$0x3F92] =	sst lr;
	_ =	strace $0xD0000000  }
0x3: {  	_ = 	snop  }
0x4: {  	_ = 	snop  }
0x5: {  	_ = 	snop  }
0x6: {  	_ = 	snop  }
0x7: {  	_ = 	snop  }
__scs_overlays_trampoline_lowered:
0x8: {  	[smem:$0x3FA1] =	sst s0  }
0x9: {  	[smem:$0x3FA2] =	sst s1  }
0xa: {  	[smem:$0x3FA3] =	sst s2  }
0xb: {  	[smem:$0x3FA4] =	sst s3  }
0xc: {  	[smem:$0x3FA5] =	sst s4  }
0xd: {  	[smem:$0x3FA6] =	sst s5  }
0xe: {  	[smem:$0x3FA7] =	sst s6  }
0xf: {  	[smem:$0x3FA8] =	sst s7  }
0x10: {  	[smem:$0x3FA9] =	sst s8  }
0x11: {  	[smem:$0x3FAA] =	sst s9;
	s0 =	simm.s32 @!p0 $0x0  }
0x12: {  	s1 =	sld [smem:$0x3F90];
	s0 =	simm.s32 @p0 $0x1  }
0x13: {  	[smem:$0x3FAB] =	sst s0;
	s0 =	simm.s32 @!p1 $0x0  }
0x14: {  	s2 =	sld [smem:$0x3F8F];
	s0 =	simm.s32 @p1 $0x1  }
0x15: {  	[smem:$0x3FAC] =	sst s0;
	s0 =	simm.s32 @!p2 $0x0  }
0x16: {  	s3 =	sld [smem:$0x3FDB];
	s0 =	simm.s32 @p2 $0x1  }
0x17: {  	s4 =	simm.s32 $0x1BF5;
	[smem:$0x3FAE] =	sst s0  }
0x18: {  	s0 =	sld [smem:$0x3F91];
	_ =	swait.ge [sflag:s4], $0x0  }
0x19: {  	s7 =	sld [smem:$0x3F92]  }
0x1a: {  	s8 =	sadd.s32 $0xFFFFE003, lr  }
0x1b: {  	s9 =	sadd.s32 $0xFFFFFEF7, lr;
	s5 =	simm.s32 $0xFFFFFFFF;
	p2 =	slt.u32 s8, $0xFFFFF086  }
0x1c: {  	p1 =	slt.u32 s9, $0xF7A;
	s5 =	simm.s32 @!p2 $0x0  }
0x1d: {  	s5 =	simm.s32 @p1 $0x1;
	p0 =	seq.s32 s7, s2  }
0x1e: {  	s7 =	smul.u32 @!p0 $0xF7A, s2;
	p2 =	seq.s32 @!p0 s5, $0x0  }
0x1f: {  	s9 =	smul.u32 $0xF7A, s1;
	s8 =	simm.s32 @!p0 $0x1BF5;
	p2 =	por !p2, p0  }
0x20: {  	[sflag:s8] =	ssyncset.s32 @!p0 $0xFFFFF086;
	s6 =	sadd.s32 @!p0 s3, s7;
	s7 =	simm.s32 @!p0 $0x108  }
0x21: {  	s3 =	sadd.s32 s3, s9;
	s6 =	sadd.s32 @!p0 $0x88, s6;
	s7 =	simm.s32 @p2 $0x1082  }
0x22: {  	[simem:s7], [sflag:s8] =	dma.local @!p0 [hbm:s6], $0xF7A  }
0x23: {  	s9 =	sor.u32 $0xD0000000, s2;
	s6 =	simm.s32 $0x108;
	_ =	swait.ge @!p0 [sflag:s8], $0x0  }
0x24: {  	s3 =	sadd.s32 $0x88, s3;
	s6 =	simm.s32 @!p1 $0x1082;
	[sflag:s4] =	ssyncset.s32 $0xFFFFF086  }
0x25: {  	[simem:s6], [sflag:s4] =	dma.local [hbm:s3], $0xF7A  }
0x26: {  	[smem:$0x3F92] =	sst s1;
	(tag) =	ssettag s2;
	_ =	strace s9  }
0x27: {  	s1 =	sld [smem:$0x3FA2]  }
0x28: {  	s2 =	sld [smem:$0x3FA3]  }
0x29: {  	s4 =	sld [smem:$0x3FA5]  }
0x2a: {  	p0 =	seq.s32 s5, $0x0;
	s5 =	sld [smem:$0x3FA6]  }
0x2b: {  	s6 =	sld [smem:$0x3FA7]  }
0x2c: {  	s7 =	sld [smem:$0x3FA8]  }
0x2d: {  	s3 =	simm.s32 $0x108;
	s8 =	sld [smem:$0x3FA9]  }
0x2e: {  	s3 =	simm.s32 @!p0 $0x1082;
	s9 =	sld [smem:$0x3FAA]  }
0x2f: {  	lr =	sadd.s32 s0, s3;
	s0 =	sld [smem:$0x3FA1]  }
0x30: {  	s3 =	sld [smem:$0x3FA4]  }
0x31: {  	[smem:$0x3FAD] =	sst s10  }
0x32: {  	s10 =	sld [smem:$0x3FAB];
	_ =	sdelay $0x3  }
0x33: {  	p0 =	seq.s32 s10, $0x1;
	s10 =	sld [smem:$0x3FAD];
	_ =	sdelay $0x3  }
0x34: {  	[smem:$0x3FAD] =	sst s10  }
0x35: {  	s10 =	sld [smem:$0x3FAC];
	_ =	sdelay $0x3  }
0x36: {  	p1 =	seq.s32 s10, $0x1;
	s10 =	sld [smem:$0x3FAD];
	_ =	sdelay $0x3  }
0x37: {  	[smem:$0x3FAD] =	sst s10  }
0x38: {  	s10 =	sld [smem:$0x3FAE]  }
0x39: {  	_ = 	snop;
	(pc) =	sbr.ind lr, $3  }
0x3a: {  	_ = 	snop  }
0x3b: {  	_ = 	snop  }
0x3c: {  	p2 =	seq.s32 s10, $0x1;
	s10 =	sld [smem:$0x3FAD]  }
0x3d: {  	_ =	shalt  }
0x3e: {  	_ =	shalt  }
0x3f: {  	_ =	shalt  }
0x40: {  	_ =	shalt  }
0x41: {  	_ =	shalt  }
0x42: {  	_ =	shalt  }
0x43: {  	_ =	shalt  }
0x44: {  	_ =	shalt  }
0x45: {  	_ =	shalt  }
0x46: {  	_ =	shalt  }
0x47: {  	_ =	shalt  }
0x48: {  	_ =	shalt  }
0x49: {  	_ =	shalt  }
0x4a: {  	_ =	shalt  }
0x4b: {  	_ =	shalt  }
0x4c: {  	_ =	shalt  }
0x4d: {  	_ =	shalt  }
0x4e: {  	_ =	shalt  }
0x4f: {  	_ =	shalt  }
0x50: {  	_ =	shalt  }
0x51: {  	_ =	shalt  }
0x52: {  	_ =	shalt  }
0x53: {  	_ =	shalt  }
0x54: {  	_ =	shalt  }
0x55: {  	_ =	shalt  }
0x56: {  	_ =	shalt  }
0x57: {  	_ =	shalt  }
0x58: {  	_ =	shalt  }
0x59: {  	_ =	shalt  }
0x5a: {  	_ =	shalt  }
0x5b: {  	_ =	shalt  }
0x5c: {  	_ =	shalt  }
0x5d: {  	_ =	shalt  }
0x5e: {  	_ =	shalt  }
0x5f: {  	_ =	shalt  }
0x60: {  	_ =	shalt  }
0x61: {  	_ =	shalt  }
0x62: {  	_ =	shalt  }
0x63: {  	_ =	shalt  }
0x64: {  	_ =	shalt  }
0x65: {  	_ =	shalt  }
0x66: {  	_ =	shalt  }
0x67: {  	_ =	shalt  }
0x68: {  	_ =	shalt  }
0x69: {  	_ =	shalt  }
0x6a: {  	_ =	shalt  }
0x6b: {  	_ =	shalt  }
0x6c: {  	_ =	shalt  }
0x6d: {  	_ =	shalt  }
0x6e: {  	_ =	shalt  }
0x6f: {  	_ =	shalt  }
0x70: {  	_ =	shalt  }
0x71: {  	_ =	shalt  }
0x72: {  	_ =	shalt  }
0x73: {  	_ =	shalt  }
0x74: {  	_ =	shalt  }
0x75: {  	_ =	shalt  }
0x76: {  	_ =	shalt  }
0x77: {  	_ =	shalt  }
0x78: {  	_ =	shalt  }
0x79: {  	_ =	shalt  }
0x7a: {  	_ =	shalt  }
0x7b: {  	_ =	shalt  }
0x7c: {  	_ =	shalt  }
0x7d: {  	_ =	shalt  }
0x7e: {  	_ =	shalt  }
0x7f: {  	_ =	shalt  }
0x80: {  	_ =	shalt  }
0x81: {  	_ =	shalt  }
0x82: {  	_ =	shalt  }
0x83: {  	_ =	shalt  }
0x84: {  	_ =	shalt  }
0x85: {  	_ =	shalt  }
0x86: {  	_ =	shalt  }
0x87: {  	_ =	shalt  }
.Lfunc_end0:
.L_simem_size_0:
called_computation.1_lowered:
.L_overlay_start_0:
0x88: {  	s2 =	sld [smem:$0x3FD9]  }
0x89: {  	s3 =	sld [smem:$0x3FFE];
	_ =	sdelay $0x1  }
0x8a: {  	s1 =	srdreg.scid  }
0x8b: {  	s0 =	sand.u32 $0x1, s1  }
0x8c: {  	s17 =	sshll.u32 s0, $0xA;
	s2 =	sadd.s32 s3, s2  }
0x8d: {  	s2 =	sadd.s32 s2, s17  }
0x8e: {  	[smem:$0x3FB9] =	sst s2  }
0x8f: {  	_ = 	snop  }
0x90: {  	s18 =	sld [smem:$0x3FD0];
	(tm) =	ssettm $0x1  }
0x91: {  	s19 =	sld [smem:$0x3FFB];
	_ =	sdelay $0x3  }
0x92: {  	_ =	strace s19  }
0x93: {  	s2 =	sld [smem:$0x3FFC];
	_ =	sdelay $0x3  }
0x94: {  	_ =	strace s2  }
0x95: {  	s2 =	sld [smem:$0x3FFD];
	_ =	sdelay $0x3  }
0x96: {  	_ =	strace s2  }
0x97: {  	_ =	strace $0x8FFFFFFF  }
0x98: {  	s20 =	sld [smem:$0x3FDB];
	_ =	sdelay $0x1  }
0x99: {  	s4 =	simm.s32 $_scs_section_size  }
0x9a: {  	s5 =	simm.s32 $_size__tile_overlayer_lowered;
	s6 =	simm.s32 $_tile_overlayer_lowered  }
0x9b: {  	s7 =	simm.s32 $0x1BFF;
	s21 =	sshll.u32 s6, $0x1;
	s4 =	sadd.s32 s4, s20  }
0x9c: {  	s22 =	simm.s32 $0x0;
	s5 =	sshll.u32 s5, $0x1;
	s6 =	sadd.s32 s21, s4  }
0x9d: {  	[timem:s22], [sflag:s7] =	dma.local [hbm:s6], s5  }
0x9e: {  	_ =	swait.ge [sflag:s7], s5  }
0x9f: {  	s5 =	ssub.s32 $0x0, s5;
	[sflag:s7] =	ssyncset.done $0x0  }
0xa0: {  	[sflag:s7] =	ssyncadd.s32 s5;
	_ =	sdelay $0x1  }
0xa1: {  	s23 =	simm.s32 $0x1B8B  }
0xa2: {  	_ =	swait.ge [sflag:s23], $0x1  }
0xa3: {  	[sflag:s23] =	ssyncset.done $0x0  }
0xa4: {  	[sflag:s23] =	ssyncadd.s32 $0xFFFFFFFF  }
0xa5: {  	s5 =	sld [smem:$0x0]  }
0xa6: {  	s6 =	sand.u32 $0xFFFFFFFE, s1  }
0xa7: {  	p0 =	sne.s32 s1, s6  }
0xa8: {  	s6 =	sshll.u32 @p0 s6, $0xE  }
0xa9: {  	s6 =	sadd.s32 @p0 $0x11B8D, s6;
	s7 =	sshll.u32 @p0 s5, $0x11  }
0xaa: {  	s6 =	sor.u32 @p0 s7, s6  }
0xab: {  	[sflag:s6] =	ssyncadd.remote.s32 @p0 $0x1;
	_ =	sdelay $0x1  }
0xac: {  	s6 =	simm.s32 @p0 $0x1B8D  }
0xad: {  	_ =	swait.eq @p0 [sflag:s6], $0x1  }
0xae: {  	[sflag:s6] =	ssyncadd.s32 @p0 $0xFFFFFFFF  }
0xaf: {  	s7 =	sshll.u32 @!p0 s1, $0xE  }
0xb0: {  	s7 =	sor.u32 @!p0 $0x4000, s7;
	s6 =	simm.s32 @!p0 $0x1B8D  }
0xb1: {  	s5 =	sshll.u32 @!p0 s5, $0x11;
	s7 =	sadd.s32 @!p0 $0x11B8D, s7;
	_ =	swait.eq @!p0 [sflag:s6], $0x1  }
0xb2: {  	s5 =	sor.u32 @!p0 s5, s7;
	[sflag:s6] =	ssyncadd.s32 @!p0 $0xFFFFFFFF  }
0xb3: {  	s25 =	simm.s32 $0x1B8E;
	s24 =	sld [smem:$0x3FFE];
	[sflag:s5] =	ssyncadd.remote.s32 @!p0 $0x1  }
0xb4: {  	s26 =	simm.s32 $execute0_lowered;
	[smem:$0x3FD2] =	sst s25  }
0xb5: {  	s6 =	sshll.u32 s26, $0x1;
	_ =	strace $0x80000058;
	[dreg:$0x1] =	wrdreg $0xFFFFFFFF  }
0xb6: {  	s28 =	simm.s32 $_size_execute0_lowered;
	s4 =	sadd.s32 s4, s6;
	[dreg:$0x0] =	wrdreg $0x0  }
0xb7: {  	s6 =	sshll.u32 s28, $0x1;
	[dreg:$0x2] =	wrdreg s4  }
0xb8: {  	[dreg:$0x3] =	wrdreg s6  }
0xb9: {  	[dreg:$0x4] =	wrdreg $0xC0  }
0xba: {  	_ =	task [dreg:s22], $0x5FFFF  }
0xbb: {  	[dreg:$0x1] =	wrdreg $0xFFFFFFFF  }
0xbc: {  	[dreg:$0x0] =	wrdreg $0x60  }
0xbd: {  	[dreg:$0x2] =	wrdreg s24  }
0xbe: {  	[dreg:$0x3] =	wrdreg s18  }
0xbf: {  	[dreg:$0x4] =	wrdreg $0x49000  }
0xc0: {  	[dreg:$0x5] =	wrdreg $0x9  }
0xc1: {  	_ =	task.clear_ibuf [dreg:s22], $0x6FFFF;
	_ =	strace $0x90000058  }
0xc2: {  	s29 =	simm.s32 $0x9;
	_ =	strace $0x8000005A  }
0xc3: {  	_ =	swait.ge [sflag:s29], $0x1  }
0xc4: {  	[sflag:s29] =	ssyncadd.s32 $0xFFFFFFFF  }
0xc5: {  	_ =	strace $0x9000005A  }
0xc6: {  	_ =	sfence  }
0xc7: {  	s30 =	sld [smem:$0x0];
	_ =	sdelay $0x2  }
0xc8: {  	s31 =	sshll.u32 s1, $0xD;
	s1 =	sshrl.u32 s1, $0x2  }
0xc9: {  	s4 =	sand.u32 $0x4000, s31;
	s1 =	sadd.s32 s1, s30  }
0xca: {  	s0 =	sor.u32 s4, s0;
	s1 =	sshll.u32 s1, $0x11  }
0xcb: {  	s0 =	sor.u32 s1, s0  }
0xcc: {  	s0 =	sadd.s32 $0x8F2B, s0  }
0xcd: {  	[sflag:s0] =	ssyncadd.remote.s32 $0x1  }
0xce: {  	_ =	sfence.sel $0xFFFF  }
0xcf: {  	[dreg:$0x0] =	wrdreg $0xFFFFFFFF;
	(pc) =	sbr.abs _section_cstart, $3  }
0xd0: {  	[dreg:$0x1] =	wrdreg $0xFFFFFFFF  }
0xd1: {  	_ =	task.clear_ibuf [dreg:s22], $0x2FFFF;
	_ =	strace $0x9FFFFFFF  }
0xd2: {  	(tm) =	ssettm $0x7FFFFFFF  }
0xd3: {  	_ =	shalt  }
tec
execute0_lowered:
.L_overlay_start_1:
0x0: {  	(tag) =	ssettag $0x1  }
0x1: {  	s4 =	rddreg [dreg:$0x0]  }
0x2: {  	s2 =	rddreg [dreg:$0x1]  }
0x3: {  	s1 =	rddreg [dreg:$0x2]  }
0x4: {  	s0 =	rddreg [dreg:$0x3];
	s3 =	simm.s32 $0x0;
	s5 =	srdreg.scid  }
0x5: {  	s18 =	stileid.u32;
	p4 =	por $0x0, $0x0;
	[smem:$0x7FF] =	sst s3  }
0x6: {  	s6 =	sadd.s32 $0x40A00, s4;
	s7 =	sadd.s32 $0xDD000, s4;
	s5 =	sand.u32 $0x1, s5  }
0x7: {  	s10 =	sadd.s32 $0x19800, s4;
	s9 =	sshll.u32 s18, $0x7;
	s12 =	sshll.u32 s18, $0x1  }
0x8: {  	s29 =	sshll.u32 s18, $0xA;
	p0 =	sne.s32 s18, $0x0;
	p3 =	sgt.u32 s18, $0x6  }
0x9: {  	p1 =	sgt.u32 s18, $0x7;
	_ =	strace $0x80000059;
	s8 =	ssub.s32 $0x2, s5  }
0xa: {  	s15 =	sadd.s32 s9, s4;
	s19 =	sor.u32 s5, s12;
	s5 =	sshll.u32 s5, $0xA  }
0xb: {  	s11 =	sshrl.u32 s8, $0x1;
	s21 =	sshll.u32 s19, $0x7;
	s22 =	sshll.u32 s19, $0x4  }
0xc: {  	s23 =	sor.u32 $0x20, s19;
	s12 =	sshll.u32 s19, $0xB;
	s17 =	sor.u32 $0x40, s19  }
0xd: {  	s26 =	sadd.s32 s5, s15;
	s5 =	sadd.s32 $0x67A00, s4;
	s15 =	simm.s32 $0x1  }
0xe: {  	p2 =	sne.s32 s19, $0x1F;
	s16 =	ssub.s32 s8, s11;
	s8 =	sand.u32 $0x380, s21  }
0xf: {  	s13 =	sadd.s32 s7, s22;
	s24 =	sshll.u32 s23, $0x7;
	s14 =	sadd.s32 s6, s12  }
0x10: {  	s25 =	sshll.u32 s17, $0x7;
	s11 =	sshll.u32 s23, $0xB;
	s31 =	smax.u32 s16, $0x1  }
0x11: {  	s17 =	sshll.u32 s17, $0xB;
	s4 =	sadd.s32 $0xDD600, s26;
	s30 =	sadd.s32 $0xFFFFFFFF, s31  }
0x12: {  	s9 =	sand.u32 $0x1C00, s24;
	s20 =	sand.u32 $0x2400, s25;
	p5 =	sne.s32 s30, $0x0  }
.Ltmp0:
0x13: {  	s9 =	sor.u32 s8, s9;
	s8 =	sor.u32 s8, s20;
	(pc) =	sbr.rel @!p5 .LBB2_3-.Ltmp0, $4  }
0x14: {  	s11 =	sadd.s32 s6, s11;
	s9 =	sshrl.u32 s9, $0x3;
	s8 =	sshrl.u32 s8, $0x3  }
0x15: {  	s16 =	simm.s32 $0x80;
	s12 =	sadd.s32 s7, s9;
	s9 =	sadd.s32 s7, s8  }
0x16: {  	s8 =	sadd.s32 s6, s17;
	s7 =	sadd.s32 s29, s1;
	s6 =	sshll.u32 @!p1 s18, $0x6  }
0x17: {  	s17 =	sshrl.u32 @!p0 s1, $0x3;
	s6 =	sor.u32 @!p1 $0x1C01, s6;
	s7 =	sshrl.u32 @!p1 s7, $0x3  }
0x18: {  	s18 =	simm.s32 @!p0 $0x1C01;
	s19 =	simm.s32 @!p0 $0x1  }
0x19: {  	[spmem:s17], [sflag:s18] =	dma.local @!p0 [hbm:s10], $0x400  }
0x1a: {  	_ =	swait.ge @!p0 [sflag:s19], $0x400  }
0x1b: {  	[sflag:s19] =	ssyncset.done @!p0 $0x0  }
0x1c: {  	[sflag:s19] =	ssyncadd.s32 @!p0 $0xFFFFFC00  }
0x1d: {  	[bflag:$0x0] =	sbarrier.arrive $0xFFFF  }
0x1e: {  	[tilespmem:s3], [sflag:$0x1] =	stream.linear.gather [hbm4b:s13+s3], $0x80, $0x38;
	[tilespmem:$0x4B00] =	vst v63  }
0x1f: {  	_ =	swait.ge [sflag:s15], $0x80  }
0x20: {  	[sflag:s15] =	ssyncset.done $0x0  }
0x21: {  	[sflag:s15] =	ssyncadd.s32 $0xFFFFFF80  }
0x22: {  	[tilespmem:s16], [sflag:$0x1] =	stream.linear.gather [hbm4b:s14+s3], $0x4000, $0x38;
	[tilespmem:$0x4B00] =	vst v63  }
0x23: {  	_ =	swait.ge [sflag:s15], $0x4000  }
0x24: {  	[sflag:s15] =	ssyncset.done $0x0  }
0x25: {  	[sflag:s15] =	ssyncadd.s32 $0xFFFFC000  }
0x26: {  	[spmem:s1] =	stream.indirect.scatter.add.f32 [tilespmem:s16], [sflag:$0x1], $0x80, s3, s16, $0xb8;
	[tilespmem:$0x4B00] =	vst v63  }
0x27: {  	_ =	swait.ge [sflag:s15], $0x4000  }
0x28: {  	[sflag:s15] =	ssyncset.done $0x0  }
0x29: {  	[sflag:s15] =	ssyncadd.s32 $0xFFFFC000  }
0x2a: {  	[tilespmem:s3], [sflag:$0x1] =	stream.linear.gather [hbm4b:s12+s3], $0x80, $0x38;
	[tilespmem:$0x4B00] =	vst v63  }
0x2b: {  	_ =	swait.ge [sflag:s15], $0x80  }
0x2c: {  	[sflag:s15] =	ssyncset.done $0x0  }
0x2d: {  	[sflag:s15] =	ssyncadd.s32 $0xFFFFFF80  }
0x2e: {  	[tilespmem:s16], [sflag:$0x1] =	stream.linear.gather [hbm4b:s11+s3], $0x4000, $0x38;
	[tilespmem:$0x4B00] =	vst v63  }
0x2f: {  	_ =	swait.ge [sflag:s15], $0x4000  }
0x30: {  	[sflag:s15] =	ssyncset.done $0x0  }
0x31: {  	[sflag:s15] =	ssyncadd.s32 $0xFFFFC000  }
0x32: {  	[spmem:s1] =	stream.indirect.scatter.add.f32 [tilespmem:s16], [sflag:$0x1], $0x80, s3, s16, $0xb8;
	[tilespmem:$0x4B00] =	vst v63  }
0x33: {  	_ =	swait.ge [sflag:s15], $0x4000  }
0x34: {  	[sflag:s15] =	ssyncset.done $0x0  }
0x35: {  	s20 =	simm.s32 @!p3 $0x0;
	s21 =	simm.s32 @!p3 $0x1;
	[sflag:s15] =	ssyncadd.s32 $0xFFFFC000  }
0x36: {  	[tilespmem:s20], [sflag:$0x1] =	stream.linear.gather @!p3 [hbm4b:s9+s20], $0x80, $0x38;
	[tilespmem:$0x4B00] =	vst v63  }
0x37: {  	_ =	swait.ge @!p3 [sflag:s21], $0x80  }
0x38: {  	[sflag:s21] =	ssyncset.done @!p3 $0x0  }
0x39: {  	s22 =	simm.s32 @!p3 $0x80;
	[sflag:s21] =	ssyncadd.s32 @!p3 $0xFFFFFF80  }
0x3a: {  	[tilespmem:s22], [sflag:$0x1] =	stream.linear.gather @!p3 [hbm4b:s8+s20], $0x4000, $0x38;
	[tilespmem:$0x4B00] =	vst v63  }
0x3b: {  	_ =	swait.ge @!p3 [sflag:s21], $0x4000  }
0x3c: {  	[sflag:s21] =	ssyncset.done @!p3 $0x0  }
0x3d: {  	[sflag:s21] =	ssyncadd.s32 @!p3 $0xFFFFC000  }
0x3e: {  	[spmem:s1] =	stream.indirect.scatter.add.f32 @!p3 [tilespmem:s22], [sflag:$0x1], $0x80, s20, s22, $0xb8;
	[tilespmem:$0x4B00] =	vst v63  }
0x3f: {  	_ =	swait.ge @!p3 [sflag:s21], $0x4000  }
0x40: {  	s23 =	simm.s32 @!p2 $0x1;
	[sflag:s21] =	ssyncset.done @!p3 $0x0  }
0x41: {  	s24 =	simm.s32 @!p2 $0x0;
	s25 =	simm.s32 @!p2 $0x4080;
	[sflag:s21] =	ssyncadd.s32 @!p3 $0xFFFFC000  }
0x42: {  	[tilespmem:s25], [sflag:$0x1] =	stream.linear.gather @!p2 [hbm4b:s2+s24], $0x80, $0x38;
	[tilespmem:$0x4B00] =	vst v63  }
0x43: {  	_ =	swait.ge @!p2 [sflag:s23], $0x80  }
0x44: {  	[sflag:s23] =	ssyncset.done @!p2 $0x0  }
0x45: {  	s26 =	simm.s32 @!p2 $0x4100;
	[sflag:s23] =	ssyncadd.s32 @!p2 $0xFFFFFF80  }
0x46: {  	[tilespmem:s26], [sflag:$0x1] =	stream.linear.gather @!p2 [hbm4b:s5+s24], $0x800, $0x38;
	[tilespmem:$0x4B00] =	vst v63  }
0x47: {  	_ =	swait.ge @!p2 [sflag:s23], $0x800  }
0x48: {  	[sflag:s23] =	ssyncset.done @!p2 $0x0  }
0x49: {  	s29 =	simm.s32 @!p2 $0x10;
	[sflag:s23] =	ssyncadd.s32 @!p2 $0xFFFFF800  }
0x4a: {  	[spmem:s1] =	stream.indirect.scatter.add.f32 @!p2 [tilespmem:s26], [sflag:$0x1], $0x80, s25, s29, $0xb8;
	[tilespmem:$0x4B00] =	vst v63  }
0x4b: {  	s30 =	sadd.s32 $0xFFFFFFFF, s30;
	_ =	swait.ge @!p2 [sflag:s23], $0x800  }
0x4c: {  	p5 =	sne.s32 s30, $0x0;
	[sflag:s23] =	ssyncset.done @!p2 $0x0  }
.Ltmp1:
0x4d: {  	[sflag:s23] =	ssyncadd.s32 @!p2 $0xFFFFF800;
	(pc) =	sbr.rel @!p5 .LBB2_3-.Ltmp1, $4  }
0x4e: {  	s28 =	simm.s32 @!p1 $0x1;
	[bflag:$0x0] =	sbarrier.arrive $0xFFFF  }
0x4f: {  	[hbm:s4], [sflag:s6] =	dma.local @!p1 [spmem:s7], $0x80  }
0x50: {  	_ =	swait.ge @!p1 [sflag:s28], $0x80  }
0x51: {  	p4 =	por $0x1, $0x1;
	[sflag:s28] =	ssyncset.done @!p1 $0x0  }
.LBB2_2:
0x52: {  	[sflag:s28] =	ssyncadd.s32 @!p1 $0xFFFFFF80  }
0x53: {  	[spmem:s17], [sflag:s18] =	dma.local @!p0 [hbm:s10], $0x400  }
0x54: {  	s30 =	sadd.s32 $0xFFFFFFFF, s30;
	_ =	swait.ge @!p0 [sflag:s19], $0x400  }
0x55: {  	p5 =	sne.s32 s30, $0x0;
	[sflag:s19] =	ssyncset.done @!p0 $0x0  }
0x56: {  	[sflag:s19] =	ssyncadd.s32 @!p0 $0xFFFFFC00  }
0x57: {  	[bflag:$0x0] =	sbarrier.arrive $0xFFFF  }
0x58: {  	[tilespmem:s3], [sflag:$0x1] =	stream.linear.gather [hbm4b:s13+s3], $0x80, $0x38;
	[tilespmem:$0x4B00] =	vst v63  }
0x59: {  	_ =	swait.ge [sflag:s15], $0x80  }
0x5a: {  	[sflag:s15] =	ssyncset.done $0x0  }
0x5b: {  	[sflag:s15] =	ssyncadd.s32 $0xFFFFFF80  }
0x5c: {  	[tilespmem:s16], [sflag:$0x1] =	stream.linear.gather [hbm4b:s14+s3], $0x4000, $0x38;
	[tilespmem:$0x4B00] =	vst v63  }
0x5d: {  	_ =	swait.ge [sflag:s15], $0x4000  }
0x5e: {  	[sflag:s15] =	ssyncset.done $0x0  }
0x5f: {  	[sflag:s15] =	ssyncadd.s32 $0xFFFFC000  }
0x60: {  	[spmem:s1] =	stream.indirect.scatter.add.f32 [tilespmem:s16], [sflag:$0x1], $0x80, s3, s16, $0xb8;
	[tilespmem:$0x4B00] =	vst v63  }
0x61: {  	_ =	swait.ge [sflag:s15], $0x4000  }
0x62: {  	[sflag:s15] =	ssyncset.done $0x0  }
0x63: {  	[sflag:s15] =	ssyncadd.s32 $0xFFFFC000  }
0x64: {  	[tilespmem:s3], [sflag:$0x1] =	stream.linear.gather [hbm4b:s12+s3], $0x80, $0x38;
	[tilespmem:$0x4B00] =	vst v63  }
0x65: {  	_ =	swait.ge [sflag:s15], $0x80  }
0x66: {  	[sflag:s15] =	ssyncset.done $0x0  }
0x67: {  	[sflag:s15] =	ssyncadd.s32 $0xFFFFFF80  }
0x68: {  	[tilespmem:s16], [sflag:$0x1] =	stream.linear.gather [hbm4b:s11+s3], $0x4000, $0x38;
	[tilespmem:$0x4B00] =	vst v63  }
0x69: {  	_ =	swait.ge [sflag:s15], $0x4000  }
0x6a: {  	[sflag:s15] =	ssyncset.done $0x0  }
0x6b: {  	[sflag:s15] =	ssyncadd.s32 $0xFFFFC000  }
0x6c: {  	[spmem:s1] =	stream.indirect.scatter.add.f32 [tilespmem:s16], [sflag:$0x1], $0x80, s3, s16, $0xb8;
	[tilespmem:$0x4B00] =	vst v63  }
0x6d: {  	_ =	swait.ge [sflag:s15], $0x4000  }
0x6e: {  	[sflag:s15] =	ssyncset.done $0x0  }
0x6f: {  	[sflag:s15] =	ssyncadd.s32 $0xFFFFC000  }
0x70: {  	[tilespmem:s20], [sflag:$0x1] =	stream.linear.gather @!p3 [hbm4b:s9+s20], $0x80, $0x38;
	[tilespmem:$0x4B00] =	vst v63  }
0x71: {  	_ =	swait.ge @!p3 [sflag:s21], $0x80  }
0x72: {  	[sflag:s21] =	ssyncset.done @!p3 $0x0  }
0x73: {  	[sflag:s21] =	ssyncadd.s32 @!p3 $0xFFFFFF80  }
0x74: {  	[tilespmem:s22], [sflag:$0x1] =	stream.linear.gather @!p3 [hbm4b:s8+s20], $0x4000, $0x38;
	[tilespmem:$0x4B00] =	vst v63  }
0x75: {  	_ =	swait.ge @!p3 [sflag:s21], $0x4000  }
0x76: {  	[sflag:s21] =	ssyncset.done @!p3 $0x0  }
0x77: {  	[sflag:s21] =	ssyncadd.s32 @!p3 $0xFFFFC000  }
0x78: {  	[spmem:s1] =	stream.indirect.scatter.add.f32 @!p3 [tilespmem:s22], [sflag:$0x1], $0x80, s20, s22, $0xb8;
	[tilespmem:$0x4B00] =	vst v63  }
0x79: {  	_ =	swait.ge @!p3 [sflag:s21], $0x4000  }
0x7a: {  	[sflag:s21] =	ssyncset.done @!p3 $0x0  }
0x7b: {  	[sflag:s21] =	ssyncadd.s32 @!p3 $0xFFFFC000  }
0x7c: {  	[tilespmem:s25], [sflag:$0x1] =	stream.linear.gather @!p2 [hbm4b:s2+s24], $0x80, $0x38;
	[tilespmem:$0x4B00] =	vst v63  }
0x7d: {  	_ =	swait.ge @!p2 [sflag:s23], $0x80  }
0x7e: {  	[sflag:s23] =	ssyncset.done @!p2 $0x0  }
0x7f: {  	[sflag:s23] =	ssyncadd.s32 @!p2 $0xFFFFFF80  }
0x80: {  	[tilespmem:s26], [sflag:$0x1] =	stream.linear.gather @!p2 [hbm4b:s5+s24], $0x800, $0x38;
	[tilespmem:$0x4B00] =	vst v63  }
0x81: {  	_ =	swait.ge @!p2 [sflag:s23], $0x800  }
0x82: {  	[sflag:s23] =	ssyncset.done @!p2 $0x0  }
0x83: {  	[sflag:s23] =	ssyncadd.s32 @!p2 $0xFFFFF800  }
0x84: {  	[spmem:s1] =	stream.indirect.scatter.add.f32 @!p2 [tilespmem:s26], [sflag:$0x1], $0x80, s25, s29, $0xb8;
	[tilespmem:$0x4B00] =	vst v63  }
0x85: {  	_ =	swait.ge @!p2 [sflag:s23], $0x800  }
0x86: {  	[sflag:s23] =	ssyncset.done @!p2 $0x0  }
.Ltmp2:
0x87: {  	[sflag:s23] =	ssyncadd.s32 @!p2 $0xFFFFF800;
	(pc) =	sbr.rel @p5 .LBB2_2-.Ltmp2, $4  }
0x88: {  	[bflag:$0x0] =	sbarrier.arrive $0xFFFF  }
0x89: {  	[hbm:s4], [sflag:s6] =	dma.local @!p1 [spmem:s7], $0x80  }
0x8a: {  	_ =	swait.ge @!p1 [sflag:s28], $0x80  }
0x8b: {  	[sflag:s28] =	ssyncset.done @!p1 $0x0  }
.LBB2_3:
0x8c: {  	p4 =	por p1, !p4  }
0x8d: {  	s18 =	simm.s32 @!p0 $0x1C01;
	s19 =	simm.s32 @!p0 $0x1;
	[sflag:s28] =	ssyncadd.s32 @!p4 $0xFFFFFF80  }
0x8e: {  	[spmem:s17], [sflag:s18] =	dma.local @!p0 [hbm:s10], $0x400  }
0x8f: {  	_ =	swait.ge @!p0 [sflag:s19], $0x400  }
0x90: {  	[sflag:s19] =	ssyncset.done @!p0 $0x0  }
0x91: {  	[sflag:s19] =	ssyncadd.s32 @!p0 $0xFFFFFC00  }
0x92: {  	[bflag:$0x0] =	sbarrier.arrive $0xFFFF  }
0x93: {  	[tilespmem:s3], [sflag:$0x1] =	stream.linear.gather [hbm4b:s13+s3], $0x80, $0x38;
	[tilespmem:$0x4B00] =	vst v63  }
0x94: {  	_ =	swait.ge [sflag:s15], $0x80  }
0x95: {  	[sflag:s15] =	ssyncset.done $0x0  }
0x96: {  	[sflag:s15] =	ssyncadd.s32 $0xFFFFFF80  }
0x97: {  	[tilespmem:s16], [sflag:$0x1] =	stream.linear.gather [hbm4b:s14+s3], $0x4000, $0x38;
	[tilespmem:$0x4B00] =	vst v63  }
0x98: {  	_ =	swait.ge [sflag:s15], $0x4000  }
0x99: {  	[sflag:s15] =	ssyncset.done $0x0  }
0x9a: {  	[sflag:s15] =	ssyncadd.s32 $0xFFFFC000  }
0x9b: {  	[spmem:s1] =	stream.indirect.scatter.add.f32 [tilespmem:s16], [sflag:$0x1], $0x80, s3, s16, $0xb8;
	[tilespmem:$0x4B00] =	vst v63  }
0x9c: {  	_ =	swait.ge [sflag:s15], $0x4000  }
0x9d: {  	[sflag:s15] =	ssyncset.done $0x0  }
0x9e: {  	[sflag:s15] =	ssyncadd.s32 $0xFFFFC000  }
0x9f: {  	[tilespmem:s3], [sflag:$0x1] =	stream.linear.gather [hbm4b:s12+s3], $0x80, $0x38;
	[tilespmem:$0x4B00] =	vst v63  }
0xa0: {  	_ =	swait.ge [sflag:s15], $0x80  }
0xa1: {  	[sflag:s15] =	ssyncset.done $0x0  }
0xa2: {  	[sflag:s15] =	ssyncadd.s32 $0xFFFFFF80  }
0xa3: {  	[tilespmem:s16], [sflag:$0x1] =	stream.linear.gather [hbm4b:s11+s3], $0x4000, $0x38;
	[tilespmem:$0x4B00] =	vst v63  }
0xa4: {  	_ =	swait.ge [sflag:s15], $0x4000  }
0xa5: {  	[sflag:s15] =	ssyncset.done $0x0  }
0xa6: {  	[sflag:s15] =	ssyncadd.s32 $0xFFFFC000  }
0xa7: {  	[spmem:s1] =	stream.indirect.scatter.add.f32 [tilespmem:s16], [sflag:$0x1], $0x80, s3, s16, $0xb8;
	[tilespmem:$0x4B00] =	vst v63  }
0xa8: {  	_ =	swait.ge [sflag:s15], $0x4000  }
0xa9: {  	[sflag:s15] =	ssyncset.done $0x0  }
0xaa: {  	s10 =	simm.s32 @!p3 $0x1;
	s3 =	simm.s32 @!p3 $0x0;
	[sflag:s15] =	ssyncadd.s32 $0xFFFFC000  }
0xab: {  	[tilespmem:s3], [sflag:$0x1] =	stream.linear.gather @!p3 [hbm4b:s9+s3], $0x80, $0x38;
	[tilespmem:$0x4B00] =	vst v63  }
0xac: {  	_ =	swait.ge @!p3 [sflag:s10], $0x80  }
0xad: {  	[sflag:s10] =	ssyncset.done @!p3 $0x0  }
0xae: {  	s9 =	simm.s32 @!p3 $0x80;
	[sflag:s10] =	ssyncadd.s32 @!p3 $0xFFFFFF80  }
0xaf: {  	[tilespmem:s9], [sflag:$0x1] =	stream.linear.gather @!p3 [hbm4b:s8+s3], $0x4000, $0x38;
	[tilespmem:$0x4B00] =	vst v63  }
0xb0: {  	_ =	swait.ge @!p3 [sflag:s10], $0x4000  }
0xb1: {  	[sflag:s10] =	ssyncset.done @!p3 $0x0  }
0xb2: {  	[sflag:s10] =	ssyncadd.s32 @!p3 $0xFFFFC000  }
0xb3: {  	[spmem:s1] =	stream.indirect.scatter.add.f32 @!p3 [tilespmem:s9], [sflag:$0x1], $0x80, s3, s9, $0xb8;
	[tilespmem:$0x4B00] =	vst v63  }
0xb4: {  	_ =	swait.ge @!p3 [sflag:s10], $0x4000  }
0xb5: {  	s8 =	simm.s32 @!p2 $0x0;
	[sflag:s10] =	ssyncset.done @!p3 $0x0  }
0xb6: {  	s3 =	simm.s32 @!p2 $0x1;
	s9 =	simm.s32 @!p2 $0x4080;
	[sflag:s10] =	ssyncadd.s32 @!p3 $0xFFFFC000  }
0xb7: {  	[tilespmem:s9], [sflag:$0x1] =	stream.linear.gather @!p2 [hbm4b:s2+s8], $0x80, $0x38;
	[tilespmem:$0x4B00] =	vst v63  }
0xb8: {  	_ =	swait.ge @!p2 [sflag:s3], $0x80  }
0xb9: {  	[sflag:s3] =	ssyncset.done @!p2 $0x0  }
0xba: {  	s2 =	simm.s32 @!p2 $0x4100;
	[sflag:s3] =	ssyncadd.s32 @!p2 $0xFFFFFF80  }
0xbb: {  	[tilespmem:s2], [sflag:$0x1] =	stream.linear.gather @!p2 [hbm4b:s5+s8], $0x800, $0x38;
	[tilespmem:$0x4B00] =	vst v63  }
0xbc: {  	_ =	swait.ge @!p2 [sflag:s3], $0x800  }
0xbd: {  	[sflag:s3] =	ssyncset.done @!p2 $0x0  }
0xbe: {  	s5 =	simm.s32 @!p2 $0x10;
	[sflag:s3] =	ssyncadd.s32 @!p2 $0xFFFFF800  }
0xbf: {  	[spmem:s1] =	stream.indirect.scatter.add.f32 @!p2 [tilespmem:s2], [sflag:$0x1], $0x80, s9, s5, $0xb8;
	[tilespmem:$0x4B00] =	vst v63  }
0xc0: {  	_ =	swait.ge @!p2 [sflag:s3], $0x800  }
0xc1: {  	[sflag:s3] =	ssyncset.done @!p2 $0x0  }
0xc2: {  	[sflag:s3] =	ssyncadd.s32 @!p2 $0xFFFFF800  }
0xc3: {  	s1 =	simm.s32 @!p1 $0x1;
	[bflag:$0x0] =	sbarrier.arrive $0xFFFF  }
0xc4: {  	[hbm:s4], [sflag:s6] =	dma.local @!p1 [spmem:s7], $0x80  }
0xc5: {  	_ =	swait.ge @!p1 [sflag:s1], $0x80  }
0xc6: {  	[sflag:s1] =	ssyncset.done @!p1 $0x0  }
0xc7: {  	[sflag:s1] =	ssyncadd.s32 @!p1 $0xFFFFFF80  }
0xc8: {  	_ =	sfence.sel $0x180000  }
0xc9: {  	[bflag:$0x0] =	sbarrier.arrive $0xFFFF  }
0xca: {  	_ =	strace $0x90000059  }
0xcb: {  	s0 =	sadd.s32 @!p0 $0x100000, s0;
	[bflag:$0x2] =	sbarrier.arrive $0xFFFF  }
0xcc: {  	[sflag:s0] =	ssyncadd.tile.s32 @!p0 $0x1;
	_ =	shalt  }
.Lfunc_end2:
_tile_overlayer_lowered:
.L_overlay_start_2:
0xcd: {  	(tag) =	ssettag $0x2  }
0xce: {  	s0 =	rddreg [dreg:$0x0];
	s2 =	stileid.u32  }
0xcf: {  	s1 =	rddreg [dreg:$0x1];
	p0 =	sne.s32 s2, $0x0  }
0xd0: {  	s3 =	rddreg [dreg:$0x2];
	[bflag:$0x3] =	sbarrier.arrive $0xFFFF;
	s2 =	simm.s32 @!p0 $0x1C01  }
0xd1: {  	[timem:s3], [sflag:s2] =	dma.local @!p0 [hbm:s0], s1  }
0xd2: {  	s0 =	simm.s32 @!p0 $0x1  }
0xd3: {  	_ =	swait.ge @!p0 [sflag:s0], s1  }
0xd4: {  	s1 =	ssub.s32 @!p0 $0x0, s1;
	[sflag:s0] =	ssyncset.done @!p0 $0x0  }
0xd5: {  	[sflag:s0] =	ssyncadd.s32 @!p0 s1  }
0xd6: {  	[bflag:$0x3] =	sbarrier.arrive $0xFFFF  }
0xd7: {  	_ =	shalt  }

// kernel: kernel.24.cloned.1.call-start
scs
__scs_entry_jumppad:
0x0: {  	(pc) =	sbr.rel $0x88, $3  }
0x1: {  	(tag) =	ssettag $0x0;
	lr =	simm.s32 $0x1  }
0x2: {  	[smem:$0x3F92] =	sst lr;
	_ =	strace $0xD0000000  }
0x3: {  	_ = 	snop  }
0x4: {  	_ = 	snop  }
0x5: {  	_ = 	snop  }
0x6: {  	_ = 	snop  }
0x7: {  	_ = 	snop  }
__scs_overlays_trampoline_lowered:
0x8: {  	[smem:$0x3FA1] =	sst s0  }
0x9: {  	[smem:$0x3FA2] =	sst s1  }
0xa: {  	[smem:$0x3FA3] =	sst s2  }
0xb: {  	[smem:$0x3FA4] =	sst s3  }
0xc: {  	[smem:$0x3FA5] =	sst s4  }
0xd: {  	[smem:$0x3FA6] =	sst s5  }
0xe: {  	[smem:$0x3FA7] =	sst s6  }
0xf: {  	[smem:$0x3FA8] =	sst s7  }
0x10: {  	[smem:$0x3FA9] =	sst s8  }
0x11: {  	[smem:$0x3FAA] =	sst s9;
	s0 =	simm.s32 @!p0 $0x0  }
0x12: {  	s1 =	sld [smem:$0x3F90];
	s0 =	simm.s32 @p0 $0x1  }
0x13: {  	[smem:$0x3FAB] =	sst s0;
	s0 =	simm.s32 @!p1 $0x0  }
0x14: {  	s2 =	sld [smem:$0x3F8F];
	s0 =	simm.s32 @p1 $0x1  }
0x15: {  	[smem:$0x3FAC] =	sst s0;
	s0 =	simm.s32 @!p2 $0x0  }
0x16: {  	s3 =	sld [smem:$0x3FDB];
	s0 =	simm.s32 @p2 $0x1  }
0x17: {  	s4 =	simm.s32 $0x1BF5;
	[smem:$0x3FAE] =	sst s0  }
0x18: {  	s0 =	sld [smem:$0x3F91];
	_ =	swait.ge [sflag:s4], $0x0  }
0x19: {  	s7 =	sld [smem:$0x3F92]  }
0x1a: {  	s8 =	sadd.s32 $0xFFFFE003, lr  }
0x1b: {  	s9 =	sadd.s32 $0xFFFFFEF7, lr;
	s5 =	simm.s32 $0xFFFFFFFF;
	p2 =	slt.u32 s8, $0xFFFFF086  }
0x1c: {  	p1 =	slt.u32 s9, $0xF7A;
	s5 =	simm.s32 @!p2 $0x0  }
0x1d: {  	s5 =	simm.s32 @p1 $0x1;
	p0 =	seq.s32 s7, s2  }
0x1e: {  	s7 =	smul.u32 @!p0 $0xF7A, s2;
	p2 =	seq.s32 @!p0 s5, $0x0  }
0x1f: {  	s9 =	smul.u32 $0xF7A, s1;
	s8 =	simm.s32 @!p0 $0x1BF5;
	p2 =	por !p2, p0  }
0x20: {  	[sflag:s8] =	ssyncset.s32 @!p0 $0xFFFFF086;
	s6 =	sadd.s32 @!p0 s3, s7;
	s7 =	simm.s32 @!p0 $0x108  }
0x21: {  	s3 =	sadd.s32 s3, s9;
	s6 =	sadd.s32 @!p0 $0x88, s6;
	s7 =	simm.s32 @p2 $0x1082  }
0x22: {  	[simem:s7], [sflag:s8] =	dma.local @!p0 [hbm:s6], $0xF7A  }
0x23: {  	s9 =	sor.u32 $0xD0000000, s2;
	s6 =	simm.s32 $0x108;
	_ =	swait.ge @!p0 [sflag:s8], $0x0  }
0x24: {  	s3 =	sadd.s32 $0x88, s3;
	s6 =	simm.s32 @!p1 $0x1082;
	[sflag:s4] =	ssyncset.s32 $0xFFFFF086  }
0x25: {  	[simem:s6], [sflag:s4] =	dma.local [hbm:s3], $0xF7A  }
0x26: {  	[smem:$0x3F92] =	sst s1;
	(tag) =	ssettag s2;
	_ =	strace s9  }
0x27: {  	s1 =	sld [smem:$0x3FA2]  }
0x28: {  	s2 =	sld [smem:$0x3FA3]  }
0x29: {  	s4 =	sld [smem:$0x3FA5]  }
0x2a: {  	p0 =	seq.s32 s5, $0x0;
	s5 =	sld [smem:$0x3FA6]  }
0x2b: {  	s6 =	sld [smem:$0x3FA7]  }
0x2c: {  	s7 =	sld [smem:$0x3FA8]  }
0x2d: {  	s3 =	simm.s32 $0x108;
	s8 =	sld [smem:$0x3FA9]  }
0x2e: {  	s3 =	simm.s32 @!p0 $0x1082;
	s9 =	sld [smem:$0x3FAA]  }
0x2f: {  	lr =	sadd.s32 s0, s3;
	s0 =	sld [smem:$0x3FA1]  }
0x30: {  	s3 =	sld [smem:$0x3FA4]  }
0x31: {  	[smem:$0x3FAD] =	sst s10  }
0x32: {  	s10 =	sld [smem:$0x3FAB];
	_ =	sdelay $0x3  }
0x33: {  	p0 =	seq.s32 s10, $0x1;
	s10 =	sld [smem:$0x3FAD];
	_ =	sdelay $0x3  }
0x34: {  	[smem:$0x3FAD] =	sst s10  }
0x35: {  	s10 =	sld [smem:$0x3FAC];
	_ =	sdelay $0x3  }
0x36: {  	p1 =	seq.s32 s10, $0x1;
	s10 =	sld [smem:$0x3FAD];
	_ =	sdelay $0x3  }
0x37: {  	[smem:$0x3FAD] =	sst s10  }
0x38: {  	s10 =	sld [smem:$0x3FAE]  }
0x39: {  	_ = 	snop;
	(pc) =	sbr.ind lr, $3  }
0x3a: {  	_ = 	snop  }
0x3b: {  	_ = 	snop  }
0x3c: {  	p2 =	seq.s32 s10, $0x1;
	s10 =	sld [smem:$0x3FAD]  }
0x3d: {  	_ =	shalt  }
0x3e: {  	_ =	shalt  }
0x3f: {  	_ =	shalt  }
0x40: {  	_ =	shalt  }
0x41: {  	_ =	shalt  }
0x42: {  	_ =	shalt  }
0x43: {  	_ =	shalt  }
0x44: {  	_ =	shalt  }
0x45: {  	_ =	shalt  }
0x46: {  	_ =	shalt  }
0x47: {  	_ =	shalt  }
0x48: {  	_ =	shalt  }
0x49: {  	_ =	shalt  }
0x4a: {  	_ =	shalt  }
0x4b: {  	_ =	shalt  }
0x4c: {  	_ =	shalt  }
0x4d: {  	_ =	shalt  }
0x4e: {  	_ =	shalt  }
0x4f: {  	_ =	shalt  }
0x50: {  	_ =	shalt  }
0x51: {  	_ =	shalt  }
0x52: {  	_ =	shalt  }
0x53: {  	_ =	shalt  }
0x54: {  	_ =	shalt  }
0x55: {  	_ =	shalt  }
0x56: {  	_ =	shalt  }
0x57: {  	_ =	shalt  }
0x58: {  	_ =	shalt  }
0x59: {  	_ =	shalt  }
0x5a: {  	_ =	shalt  }
0x5b: {  	_ =	shalt  }
0x5c: {  	_ =	shalt  }
0x5d: {  	_ =	shalt  }
0x5e: {  	_ =	shalt  }
0x5f: {  	_ =	shalt  }
0x60: {  	_ =	shalt  }
0x61: {  	_ =	shalt  }
0x62: {  	_ =	shalt  }
0x63: {  	_ =	shalt  }
0x64: {  	_ =	shalt  }
0x65: {  	_ =	shalt  }
0x66: {  	_ =	shalt  }
0x67: {  	_ =	shalt  }
0x68: {  	_ =	shalt  }
0x69: {  	_ =	shalt  }
0x6a: {  	_ =	shalt  }
0x6b: {  	_ =	shalt  }
0x6c: {  	_ =	shalt  }
0x6d: {  	_ =	shalt  }
0x6e: {  	_ =	shalt  }
0x6f: {  	_ =	shalt  }
0x70: {  	_ =	shalt  }
0x71: {  	_ =	shalt  }
0x72: {  	_ =	shalt  }
0x73: {  	_ =	shalt  }
0x74: {  	_ =	shalt  }
0x75: {  	_ =	shalt  }
0x76: {  	_ =	shalt  }
0x77: {  	_ =	shalt  }
0x78: {  	_ =	shalt  }
0x79: {  	_ =	shalt  }
0x7a: {  	_ =	shalt  }
0x7b: {  	_ =	shalt  }
0x7c: {  	_ =	shalt  }
0x7d: {  	_ =	shalt  }
0x7e: {  	_ =	shalt  }
0x7f: {  	_ =	shalt  }
0x80: {  	_ =	shalt  }
0x81: {  	_ =	shalt  }
0x82: {  	_ =	shalt  }
0x83: {  	_ =	shalt  }
0x84: {  	_ =	shalt  }
0x85: {  	_ =	shalt  }
0x86: {  	_ =	shalt  }
0x87: {  	_ =	shalt  }
.Lfunc_end0:
.L_simem_size_0:
called_computation.2_lowered:
.L_overlay_start_0:
0x88: {  	s2 =	sld [smem:$0x3FD9]  }
0x89: {  	s3 =	sld [smem:$0x3FFE];
	_ =	sdelay $0x1  }
0x8a: {  	s1 =	srdreg.scid  }
0x8b: {  	s0 =	sand.u32 $0x1, s1  }
0x8c: {  	s16 =	sshll.u32 s0, $0xA;
	s2 =	sadd.s32 s3, s2  }
0x8d: {  	s2 =	sadd.s32 s2, s16  }
0x8e: {  	[smem:$0x3FB9] =	sst s2  }
0x8f: {  	_ = 	snop  }
0x90: {  	(tm) =	ssettm $0x1  }
0x91: {  	s17 =	sld [smem:$0x3FFB];
	_ =	sdelay $0x3  }
0x92: {  	_ =	strace s17  }
0x93: {  	s2 =	sld [smem:$0x3FFC];
	_ =	sdelay $0x3  }
0x94: {  	_ =	strace s2  }
0x95: {  	s2 =	sld [smem:$0x3FFD];
	_ =	sdelay $0x3  }
0x96: {  	_ =	strace s2  }
0x97: {  	_ =	strace $0x8FFFFFFF  }
0x98: {  	s18 =	sld [smem:$0x3FDB];
	_ =	sdelay $0x1  }
0x99: {  	s19 =	simm.s32 $_scs_section_size  }
0x9a: {  	s4 =	simm.s32 $_size__tile_overlayer_lowered;
	s5 =	simm.s32 $_tile_overlayer_lowered  }
0x9b: {  	s22 =	simm.s32 $0x1BFF;
	s21 =	sshll.u32 s5, $0x1;
	s2 =	sadd.s32 s19, s18  }
0x9c: {  	s6 =	simm.s32 $0x0;
	s20 =	sshll.u32 s4, $0x1;
	s4 =	sadd.s32 s21, s2  }
0x9d: {  	[timem:s6], [sflag:s22] =	dma.local [hbm:s4], s20  }
0x9e: {  	_ =	swait.ge [sflag:s22], s20  }
0x9f: {  	s3 =	ssub.s32 $0x0, s20;
	[sflag:s22] =	ssyncset.done $0x0  }
0xa0: {  	[sflag:s22] =	ssyncadd.s32 s3;
	_ =	sdelay $0x1  }
0xa1: {  	s23 =	simm.s32 $0x1B8B  }
0xa2: {  	_ =	swait.ge [sflag:s23], $0x1  }
0xa3: {  	[sflag:s23] =	ssyncset.done $0x0  }
0xa4: {  	s25 =	simm.s32 $0x1B8E;
	s24 =	sld [smem:$0x3FFE];
	[sflag:s23] =	ssyncadd.s32 $0xFFFFFFFF  }
0xa5: {  	s26 =	simm.s32 $execute0_lowered;
	[smem:$0x3FD2] =	sst s25  }
0xa6: {  	s4 =	sshll.u32 s26, $0x1;
	_ =	strace $0x80000049;
	[dreg:$0x1] =	wrdreg $0xFFFFFFFF  }
0xa7: {  	s28 =	simm.s32 $_size_execute0_lowered;
	s2 =	sadd.s32 s2, s4;
	[dreg:$0x0] =	wrdreg $0x0  }
0xa8: {  	s4 =	sshll.u32 s28, $0x1;
	[dreg:$0x2] =	wrdreg s2  }
0xa9: {  	[dreg:$0x3] =	wrdreg s4  }
0xaa: {  	[dreg:$0x4] =	wrdreg $0xC0  }
0xab: {  	_ =	task [dreg:s6], $0x5FFFF  }
0xac: {  	[dreg:$0x1] =	wrdreg $0xFFFFFFFF  }
0xad: {  	[dreg:$0x0] =	wrdreg $0x60  }
0xae: {  	[dreg:$0x2] =	wrdreg s24  }
0xaf: {  	[dreg:$0x3] =	wrdreg $0x90000  }
0xb0: {  	[dreg:$0x4] =	wrdreg $0x9  }
0xb1: {  	_ =	task.clear_ibuf [dreg:s6], $0x5FFFF;
	_ =	strace $0x90000049  }
0xb2: {  	s29 =	simm.s32 $0x9;
	_ =	strace $0x8000004B  }
0xb3: {  	_ =	swait.ge [sflag:s29], $0x1  }
0xb4: {  	[sflag:s29] =	ssyncadd.s32 $0xFFFFFFFF  }
0xb5: {  	_ =	strace $0x9000004B  }
0xb6: {  	_ =	sfence  }
0xb7: {  	s30 =	sld [smem:$0x0];
	_ =	sdelay $0x2  }
0xb8: {  	s31 =	sshll.u32 s1, $0xD;
	s1 =	sshrl.u32 s1, $0x2  }
0xb9: {  	s3 =	sand.u32 $0x4000, s31;
	s1 =	sadd.s32 s1, s30  }
0xba: {  	s0 =	sor.u32 s3, s0;
	s1 =	sshll.u32 s1, $0x11  }
0xbb: {  	s0 =	sor.u32 s1, s0  }
0xbc: {  	s0 =	sadd.s32 $0x8F2B, s0  }
0xbd: {  	[sflag:s0] =	ssyncadd.remote.s32 $0x1  }
0xbe: {  	_ =	sfence.sel $0xFFFF  }
0xbf: {  	[dreg:$0x0] =	wrdreg $0xFFFFFFFF;
	(pc) =	sbr.abs _section_cstart, $3  }
0xc0: {  	[dreg:$0x1] =	wrdreg $0xFFFFFFFF  }
0xc1: {  	_ =	task.clear_ibuf [dreg:s6], $0x2FFFF;
	_ =	strace $0x9FFFFFFF  }
0xc2: {  	(tm) =	ssettm $0x7FFFFFFF  }
0xc3: {  	_ =	shalt  }
tec
execute0_lowered:
.L_overlay_start_1:
0x0: {  	(tag) =	ssettag $0x1  }
0x1: {  	s7 =	rddreg [dreg:$0x0];
	s1 =	srdreg.scid  }
0x2: {  	s0 =	stileid.u32;
	s2 =	rddreg [dreg:$0x1]  }
0x3: {  	s3 =	simm.s32 $0x0;
	s17 =	simm.s32 $0x80;
	s18 =	simm.s32 $0x5000  }
0x4: {  	s19 =	simm.s32 $0x1;
	s20 =	simm.s32 $0x0;
	s4 =	smul.u32 $0xA0, s0  }
0x5: {  	s6 =	sand.u32 $0x1, s1;
	s1 =	rddreg [dreg:$0x2];
	s9 =	smul.u32 $0x13800, s0  }
0x6: {  	[smem:$0x7FF] =	sst s3;
	s8 =	smul.u32 $0x4E000, s0;
	s13 =	sadd.s32 $0x8EE00, s7  }
0x7: {  	s29 =	sshll.u32 s0, $0x6;
	s15 =	sadd.s32 $0x138000, s2;
	p0 =	sne.s32 s0, $0xF  }
0x8: {  	s5 =	smul.u32 $0x50, s6;
	_ =	strace $0x8000004A;
	s11 =	ssub.s32 $0x2, s6  }
0x9: {  	s30 =	smul.u32 $0x138800, s6;
	s6 =	sor.u32 $0x1C02, s29;
	s15 =	sshrl.u32 @!p0 s15, $0x3  }
0xa: {  	s28 =	sshrl.u32 s9, $0x3;
	s12 =	sshrl.u32 s11, $0x1;
	s8 =	sshrl.u32 s8, $0x2  }
0xb: {  	s5 =	sadd.s32 s5, s4;
	s4 =	sadd.s32 $0x67C00, s7;
	s12 =	ssub.s32 s11, s12  }
0xc: {  	s14 =	sadd.s32 s8, s2;
	s16 =	sadd.s32 s9, s30;
	s11 =	sshrl.u32 s30, $0x3  }
0xd: {  	s5 =	sshll.u32 s5, $0x4;
	s31 =	sshrl.u32 s16, $0x3;
	s11 =	sadd.s32 s13, s11  }
0xe: {  	s12 =	smax.u32 s12, $0x1;
	s16 =	simm.s32 $0x2800;
	s10 =	sadd.s32 s5, s7  }
0xf: {  	s5 =	sadd.s32 s28, s7;
	s7 =	sadd.s32 $0x40800, s7;
	s11 =	sadd.s32 $0x27000, s11  }
0x10: {  	s5 =	sadd.s32 $0x19800, s5;
	s8 =	sadd.s32 $0x5800, s10;
	s9 =	sadd.s32 $0xF800, s10  }
0x11: {  	s10 =	sadd.s32 s13, s31;
	s13 =	sshrl.u32 s14, $0x3;
	s14 =	simm.s32 $0x2  }
.LBB2_1:
0x12: {  	[spmem:s13], [sflag:s6] =	dma.local [hbm:s5], $0x2700  }
0x13: {  	_ =	swait.ge [sflag:s14], $0x2700  }
0x14: {  	[sflag:s14] =	ssyncset.done $0x0  }
0x15: {  	s21 =	simm.s32 @!p0 $0x2;
	[sflag:s14] =	ssyncadd.s32 $0xFFFFD900  }
0x16: {  	[spmem:s15], [sflag:s6] =	dma.local @!p0 [hbm:s7], $0x100  }
0x17: {  	_ =	swait.ge @!p0 [sflag:s21], $0x100  }
0x18: {  	[sflag:s21] =	ssyncset.done @!p0 $0x0  }
0x19: {  	[sflag:s21] =	ssyncadd.s32 @!p0 $0xFFFFFF00  }
0x1a: {  	[bflag:$0x0] =	sbarrier.arrive $0xFFFF  }
0x1b: {  	[tilespmem:s3], [sflag:$0x2] =	stream.linear.gather [hbm4b:s8+s3], $0x2800, $0x38;
	[tilespmem:$0x1C8C0] =	vst v63  }
0x1c: {  	_ =	swait.ge [sflag:s14], $0x2800  }
0x1d: {  	[sflag:s14] =	ssyncset.done $0x0  }
0x1e: {  	[sflag:s14] =	ssyncadd.s32 $0xFFFFD800  }
0x1f: {  	[tilespmem:s16], [sflag:$0x2] =	stream.linear.gather [hbm4b:s9+s3], $0x2800, $0x38;
	[tilespmem:$0x1C8C0] =	vst v63  }
0x20: {  	_ =	swait.ge [sflag:s14], $0x2800  }
0x21: {  	[sflag:s14] =	ssyncset.done $0x0  }
0x22: {  	s30 =	simm.s32 $0x0;
	[sflag:s14] =	ssyncadd.s32 $0xFFFFD800  }
0x23: {  	[tilespmem:s18], [sflag:$0x1] =	stream.indirect.gather [hbm4b:s4+s17], $0x80, s30, s17, $0xb8;
	[tilespmem:$0x1C8C0] =	vst v63  }
0x24: {  	_ =	swait.ge [sflag:s19], $0x4000  }
0x25: {  	[sflag:s19] =	ssyncset.done $0x0  }
0x26: {  	s31 =	simm.s32 $0x2800;
	[sflag:s19] =	ssyncadd.s32 $0xFFFFC000  }
0x27: {  	[spmem:s2] =	stream.indirect.scatter.add.f32 [tilespmem:s18], [sflag:$0x2], $0x80, s31, s17, $0xb8;
	[tilespmem:$0x1C8C0] =	vst v63  }
0x28: {  	_ =	swait.ge [sflag:s14], $0x4000  }
0x29: {  	s22 =	simm.s32 $0x400;
	s21 =	simm.s32 $0x200;
	[sflag:s14] =	ssyncset.done $0x0  }
.LBB2_2:
0x2a: {  	s23 =	sshra.s32 s21, $0x2  }
0x2b: {  	[sflag:s14] =	ssyncadd.s32 $0xFFFFC000;
	s21 =	smov.u32 s22;
	s24 =	sadd.s32 $0x200, s22  }
0x2c: {  	[tilespmem:s18], [sflag:$0x1] =	stream.indirect.gather [hbm4b:s4+s17], $0x80, s23, s17, $0xb8;
	[tilespmem:$0x1C8C0] =	vst v63  }
0x2d: {  	p1 =	sne.s32 s22, $0x9E00;
	_ =	swait.ge [sflag:s19], $0x4000  }
.Ltmp0:
0x2e: {  	[sflag:s19] =	ssyncset.done $0x0;
	(pc) =	sbr.rel @p1 .LBB2_2-.Ltmp0, $4  }
0x2f: {  	s22 =	sadd.s32 $0x2800, s23;
	[sflag:s19] =	ssyncadd.s32 $0xFFFFC000  }
0x30: {  	[spmem:s2] =	stream.indirect.scatter.add.f32 [tilespmem:s18], [sflag:$0x2], $0x80, s22, s17, $0xb8;
	[tilespmem:$0x1C8C0] =	vst v63  }
0x31: {  	_ =	swait.ge [sflag:s14], $0x4000  }
0x32: {  	s22 =	smov.u32 s24;
	[sflag:s14] =	ssyncset.done $0x0  }
0x33: {  	s21 =	sshra.s32 s21, $0x2;
	[sflag:s14] =	ssyncadd.s32 $0xFFFFC000  }
0x34: {  	[tilespmem:s18], [sflag:$0x1] =	stream.indirect.gather [hbm4b:s4+s17], $0x80, s21, s17, $0xb8;
	[tilespmem:$0x1C8C0] =	vst v63  }
0x35: {  	_ =	swait.ge [sflag:s19], $0x4000  }
0x36: {  	[sflag:s19] =	ssyncset.done $0x0  }
0x37: {  	s21 =	sadd.s32 $0x2800, s21;
	[sflag:s19] =	ssyncadd.s32 $0xFFFFC000  }
0x38: {  	[spmem:s2] =	stream.indirect.scatter.add.f32 [tilespmem:s18], [sflag:$0x2], $0x80, s21, s17, $0xb8;
	[tilespmem:$0x1C8C0] =	vst v63  }
0x39: {  	_ =	swait.ge [sflag:s14], $0x4000  }
0x3a: {  	[sflag:s14] =	ssyncset.done $0x0  }
0x3b: {  	[sflag:s14] =	ssyncadd.s32 $0xFFFFC000  }
0x3c: {  	[bflag:$0x0] =	sbarrier.arrive $0xFFFF  }
0x3d: {  	[hbm:s10], [sflag:s6] =	dma.local [spmem:s13], $0x2700  }
0x3e: {  	s20 =	sadd.s32 $0x1, s20;
	_ =	swait.ge [sflag:s14], $0x2700  }
0x3f: {  	p1 =	sne.s32 s20, s12;
	[sflag:s14] =	ssyncset.done $0x0  }
.Ltmp1:
0x40: {  	s21 =	simm.s32 @!p0 $0x2;
	[sflag:s14] =	ssyncadd.s32 $0xFFFFD900;
	(pc) =	sbr.rel @p1 .LBB2_1-.Ltmp1, $4  }
0x41: {  	[hbm:s11], [sflag:s6] =	dma.local @!p0 [spmem:s15], $0x100  }
0x42: {  	_ =	swait.ge @!p0 [sflag:s21], $0x100  }
0x43: {  	[sflag:s21] =	ssyncset.done @!p0 $0x0  }
0x44: {  	[sflag:s21] =	ssyncadd.s32 @!p0 $0xFFFFFF00  }
0x45: {  	_ =	sfence.sel $0x180000  }
0x46: {  	[bflag:$0x0] =	sbarrier.arrive $0xFFFF  }
0x47: {  	p0 =	sne.s32 s0, $0x0;
	_ =	strace $0x9000004A  }
0x48: {  	s0 =	sadd.s32 @!p0 $0x100000, s1;
	[bflag:$0x2] =	sbarrier.arrive $0xFFFF  }
0x49: {  	[sflag:s0] =	ssyncadd.tile.s32 @!p0 $0x1;
	_ =	shalt  }
.Lfunc_end2:
_tile_overlayer_lowered:
.L_overlay_start_2:
0x4a: {  	(tag) =	ssettag $0x2  }
0x4b: {  	s0 =	rddreg [dreg:$0x0];
	s2 =	stileid.u32  }
0x4c: {  	s1 =	rddreg [dreg:$0x1];
	p0 =	sne.s32 s2, $0x0  }
0x4d: {  	s3 =	rddreg [dreg:$0x2];
	[bflag:$0x3] =	sbarrier.arrive $0xFFFF;
	s2 =	simm.s32 @!p0 $0x1C02  }
0x4e: {  	[timem:s3], [sflag:s2] =	dma.local @!p0 [hbm:s0], s1  }
0x4f: {  	s0 =	simm.s32 @!p0 $0x2  }
0x50: {  	_ =	swait.ge @!p0 [sflag:s0], s1  }
0x51: {  	s1 =	ssub.s32 @!p0 $0x0, s1;
	[sflag:s0] =	ssyncset.done @!p0 $0x0  }
0x52: {  	[sflag:s0] =	ssyncadd.s32 @!p0 s1  }
0x53: {  	[bflag:$0x3] =	sbarrier.arrive $0xFFFF  }
0x54: {  	_ =	shalt  }

// kernel: kernel.27.cloned.1.call-start
scs
__scs_entry_jumppad:
0x0: {  	(pc) =	sbr.rel $0x88, $3  }
0x1: {  	(tag) =	ssettag $0x0;
	lr =	simm.s32 $0x1  }
0x2: {  	[smem:$0x3F92] =	sst lr;
	_ =	strace $0xD0000000  }
0x3: {  	_ = 	snop  }
0x4: {  	_ = 	snop  }
0x5: {  	_ = 	snop  }
0x6: {  	_ = 	snop  }
0x7: {  	_ = 	snop  }
__scs_overlays_trampoline_lowered:
0x8: {  	[smem:$0x3FA1] =	sst s0  }
0x9: {  	[smem:$0x3FA2] =	sst s1  }
0xa: {  	[smem:$0x3FA3] =	sst s2  }
0xb: {  	[smem:$0x3FA4] =	sst s3  }
0xc: {  	[smem:$0x3FA5] =	sst s4  }
0xd: {  	[smem:$0x3FA6] =	sst s5  }
0xe: {  	[smem:$0x3FA7] =	sst s6  }
0xf: {  	[smem:$0x3FA8] =	sst s7  }
0x10: {  	[smem:$0x3FA9] =	sst s8  }
0x11: {  	[smem:$0x3FAA] =	sst s9;
	s0 =	simm.s32 @!p0 $0x0  }
0x12: {  	s1 =	sld [smem:$0x3F90];
	s0 =	simm.s32 @p0 $0x1  }
0x13: {  	[smem:$0x3FAB] =	sst s0;
	s0 =	simm.s32 @!p1 $0x0  }
0x14: {  	s2 =	sld [smem:$0x3F8F];
	s0 =	simm.s32 @p1 $0x1  }
0x15: {  	[smem:$0x3FAC] =	sst s0;
	s0 =	simm.s32 @!p2 $0x0  }
0x16: {  	s3 =	sld [smem:$0x3FDB];
	s0 =	simm.s32 @p2 $0x1  }
0x17: {  	s4 =	simm.s32 $0x1BF5;
	[smem:$0x3FAE] =	sst s0  }
0x18: {  	s0 =	sld [smem:$0x3F91];
	_ =	swait.ge [sflag:s4], $0x0  }
0x19: {  	s7 =	sld [smem:$0x3F92]  }
0x1a: {  	s8 =	sadd.s32 $0xFFFFE003, lr  }
0x1b: {  	s9 =	sadd.s32 $0xFFFFFEF7, lr;
	s5 =	simm.s32 $0xFFFFFFFF;
	p2 =	slt.u32 s8, $0xFFFFF086  }
0x1c: {  	p1 =	slt.u32 s9, $0xF7A;
	s5 =	simm.s32 @!p2 $0x0  }
0x1d: {  	s5 =	simm.s32 @p1 $0x1;
	p0 =	seq.s32 s7, s2  }
0x1e: {  	s7 =	smul.u32 @!p0 $0xF7A, s2;
	p2 =	seq.s32 @!p0 s5, $0x0  }
0x1f: {  	s9 =	smul.u32 $0xF7A, s1;
	s8 =	simm.s32 @!p0 $0x1BF5;
	p2 =	por !p2, p0  }
0x20: {  	[sflag:s8] =	ssyncset.s32 @!p0 $0xFFFFF086;
	s6 =	sadd.s32 @!p0 s3, s7;
	s7 =	simm.s32 @!p0 $0x108  }
0x21: {  	s3 =	sadd.s32 s3, s9;
	s6 =	sadd.s32 @!p0 $0x88, s6;
	s7 =	simm.s32 @p2 $0x1082  }
0x22: {  	[simem:s7], [sflag:s8] =	dma.local @!p0 [hbm:s6], $0xF7A  }
0x23: {  	s9 =	sor.u32 $0xD0000000, s2;
	s6 =	simm.s32 $0x108;
	_ =	swait.ge @!p0 [sflag:s8], $0x0  }
0x24: {  	s3 =	sadd.s32 $0x88, s3;
	s6 =	simm.s32 @!p1 $0x1082;
	[sflag:s4] =	ssyncset.s32 $0xFFFFF086  }
0x25: {  	[simem:s6], [sflag:s4] =	dma.local [hbm:s3], $0xF7A  }
0x26: {  	[smem:$0x3F92] =	sst s1;
	(tag) =	ssettag s2;
	_ =	strace s9  }
0x27: {  	s1 =	sld [smem:$0x3FA2]  }
0x28: {  	s2 =	sld [smem:$0x3FA3]  }
0x29: {  	s4 =	sld [smem:$0x3FA5]  }
0x2a: {  	p0 =	seq.s32 s5, $0x0;
	s5 =	sld [smem:$0x3FA6]  }
0x2b: {  	s6 =	sld [smem:$0x3FA7]  }
0x2c: {  	s7 =	sld [smem:$0x3FA8]  }
0x2d: {  	s3 =	simm.s32 $0x108;
	s8 =	sld [smem:$0x3FA9]  }
0x2e: {  	s3 =	simm.s32 @!p0 $0x1082;
	s9 =	sld [smem:$0x3FAA]  }
0x2f: {  	lr =	sadd.s32 s0, s3;
	s0 =	sld [smem:$0x3FA1]  }
0x30: {  	s3 =	sld [smem:$0x3FA4]  }
0x31: {  	[smem:$0x3FAD] =	sst s10  }
0x32: {  	s10 =	sld [smem:$0x3FAB];
	_ =	sdelay $0x3  }
0x33: {  	p0 =	seq.s32 s10, $0x1;
	s10 =	sld [smem:$0x3FAD];
	_ =	sdelay $0x3  }
0x34: {  	[smem:$0x3FAD] =	sst s10  }
0x35: {  	s10 =	sld [smem:$0x3FAC];
	_ =	sdelay $0x3  }
0x36: {  	p1 =	seq.s32 s10, $0x1;
	s10 =	sld [smem:$0x3FAD];
	_ =	sdelay $0x3  }
0x37: {  	[smem:$0x3FAD] =	sst s10  }
0x38: {  	s10 =	sld [smem:$0x3FAE]  }
0x39: {  	_ = 	snop;
	(pc) =	sbr.ind lr, $3  }
0x3a: {  	_ = 	snop  }
0x3b: {  	_ = 	snop  }
0x3c: {  	p2 =	seq.s32 s10, $0x1;
	s10 =	sld [smem:$0x3FAD]  }
0x3d: {  	_ =	shalt  }
0x3e: {  	_ =	shalt  }
0x3f: {  	_ =	shalt  }
0x40: {  	_ =	shalt  }
0x41: {  	_ =	shalt  }
0x42: {  	_ =	shalt  }
0x43: {  	_ =	shalt  }
0x44: {  	_ =	shalt  }
0x45: {  	_ =	shalt  }
0x46: {  	_ =	shalt  }
0x47: {  	_ =	shalt  }
0x48: {  	_ =	shalt  }
0x49: {  	_ =	shalt  }
0x4a: {  	_ =	shalt  }
0x4b: {  	_ =	shalt  }
0x4c: {  	_ =	shalt  }
0x4d: {  	_ =	shalt  }
0x4e: {  	_ =	shalt  }
0x4f: {  	_ =	shalt  }
0x50: {  	_ =	shalt  }
0x51: {  	_ =	shalt  }
0x52: {  	_ =	shalt  }
0x53: {  	_ =	shalt  }
0x54: {  	_ =	shalt  }
0x55: {  	_ =	shalt  }
0x56: {  	_ =	shalt  }
0x57: {  	_ =	shalt  }
0x58: {  	_ =	shalt  }
0x59: {  	_ =	shalt  }
0x5a: {  	_ =	shalt  }
0x5b: {  	_ =	shalt  }
0x5c: {  	_ =	shalt  }
0x5d: {  	_ =	shalt  }
0x5e: {  	_ =	shalt  }
0x5f: {  	_ =	shalt  }
0x60: {  	_ =	shalt  }
0x61: {  	_ =	shalt  }
0x62: {  	_ =	shalt  }
0x63: {  	_ =	shalt  }
0x64: {  	_ =	shalt  }
0x65: {  	_ =	shalt  }
0x66: {  	_ =	shalt  }
0x67: {  	_ =	shalt  }
0x68: {  	_ =	shalt  }
0x69: {  	_ =	shalt  }
0x6a: {  	_ =	shalt  }
0x6b: {  	_ =	shalt  }
0x6c: {  	_ =	shalt  }
0x6d: {  	_ =	shalt  }
0x6e: {  	_ =	shalt  }
0x6f: {  	_ =	shalt  }
0x70: {  	_ =	shalt  }
0x71: {  	_ =	shalt  }
0x72: {  	_ =	shalt  }
0x73: {  	_ =	shalt  }
0x74: {  	_ =	shalt  }
0x75: {  	_ =	shalt  }
0x76: {  	_ =	shalt  }
0x77: {  	_ =	shalt  }
0x78: {  	_ =	shalt  }
0x79: {  	_ =	shalt  }
0x7a: {  	_ =	shalt  }
0x7b: {  	_ =	shalt  }
0x7c: {  	_ =	shalt  }
0x7d: {  	_ =	shalt  }
0x7e: {  	_ =	shalt  }
0x7f: {  	_ =	shalt  }
0x80: {  	_ =	shalt  }
0x81: {  	_ =	shalt  }
0x82: {  	_ =	shalt  }
0x83: {  	_ =	shalt  }
0x84: {  	_ =	shalt  }
0x85: {  	_ =	shalt  }
0x86: {  	_ =	shalt  }
0x87: {  	_ =	shalt  }
.Lfunc_end0:
.L_simem_size_0:
called_computation.3_lowered:
.L_overlay_start_0:
0x88: {  	s2 =	sld [smem:$0x3FD9]  }
0x89: {  	s3 =	sld [smem:$0x3FFE];
	_ =	sdelay $0x1  }
0x8a: {  	s1 =	srdreg.scid  }
0x8b: {  	s0 =	sand.u32 $0x1, s1  }
0x8c: {  	s16 =	sshll.u32 s0, $0xA;
	s2 =	sadd.s32 s3, s2  }
0x8d: {  	s2 =	sadd.s32 s2, s16  }
0x8e: {  	[smem:$0x3FB9] =	sst s2  }
0x8f: {  	_ = 	snop  }
0x90: {  	(tm) =	ssettm $0x1  }
0x91: {  	s17 =	sld [smem:$0x3FFB];
	_ =	sdelay $0x3  }
0x92: {  	_ =	strace s17  }
0x93: {  	s2 =	sld [smem:$0x3FFC];
	_ =	sdelay $0x3  }
0x94: {  	_ =	strace s2  }
0x95: {  	s2 =	sld [smem:$0x3FFD];
	_ =	sdelay $0x3  }
0x96: {  	_ =	strace s2  }
0x97: {  	_ =	strace $0x8FFFFFFF  }
0x98: {  	s18 =	sld [smem:$0x3FDB];
	_ =	sdelay $0x1  }
0x99: {  	s19 =	simm.s32 $_scs_section_size  }
0x9a: {  	s4 =	simm.s32 $_size__tile_overlayer_lowered;
	s5 =	simm.s32 $_tile_overlayer_lowered  }
0x9b: {  	s22 =	simm.s32 $0x1BFF;
	s21 =	sshll.u32 s5, $0x1;
	s2 =	sadd.s32 s19, s18  }
0x9c: {  	s6 =	simm.s32 $0x0;
	s20 =	sshll.u32 s4, $0x1;
	s4 =	sadd.s32 s21, s2  }
0x9d: {  	[timem:s6], [sflag:s22] =	dma.local [hbm:s4], s20  }
0x9e: {  	_ =	swait.ge [sflag:s22], s20  }
0x9f: {  	s3 =	ssub.s32 $0x0, s20;
	[sflag:s22] =	ssyncset.done $0x0  }
0xa0: {  	[sflag:s22] =	ssyncadd.s32 s3;
	_ =	sdelay $0x1  }
0xa1: {  	s23 =	simm.s32 $0x1B8B  }
0xa2: {  	_ =	swait.ge [sflag:s23], $0x1  }
0xa3: {  	[sflag:s23] =	ssyncset.done $0x0  }
0xa4: {  	s25 =	simm.s32 $0x1B8E;
	s24 =	sld [smem:$0x3FFE];
	[sflag:s23] =	ssyncadd.s32 $0xFFFFFFFF  }
0xa5: {  	s26 =	simm.s32 $execute0_lowered;
	[smem:$0x3FD2] =	sst s25  }
0xa6: {  	s4 =	sshll.u32 s26, $0x1;
	_ =	strace $0x8000004C;
	[dreg:$0x1] =	wrdreg $0xFFFFFFFF  }
0xa7: {  	s28 =	simm.s32 $_size_execute0_lowered;
	s2 =	sadd.s32 s2, s4;
	[dreg:$0x0] =	wrdreg $0x0  }
0xa8: {  	s4 =	sshll.u32 s28, $0x1;
	[dreg:$0x2] =	wrdreg s2  }
0xa9: {  	[dreg:$0x3] =	wrdreg s4  }
0xaa: {  	[dreg:$0x4] =	wrdreg $0xC0  }
0xab: {  	_ =	task [dreg:s6], $0x5FFFF  }
0xac: {  	[dreg:$0x1] =	wrdreg $0xFFFFFFFF  }
0xad: {  	[dreg:$0x0] =	wrdreg $0x60  }
0xae: {  	[dreg:$0x2] =	wrdreg s24  }
0xaf: {  	[dreg:$0x3] =	wrdreg $0x90000  }
0xb0: {  	[dreg:$0x4] =	wrdreg $0x9  }
0xb1: {  	_ =	task.clear_ibuf [dreg:s6], $0x5FFFF;
	_ =	strace $0x9000004C  }
0xb2: {  	s29 =	simm.s32 $0x9;
	_ =	strace $0x8000004E  }
0xb3: {  	_ =	swait.ge [sflag:s29], $0x1  }
0xb4: {  	[sflag:s29] =	ssyncadd.s32 $0xFFFFFFFF  }
0xb5: {  	_ =	strace $0x9000004E  }
0xb6: {  	_ =	sfence  }
0xb7: {  	s30 =	sld [smem:$0x0];
	_ =	sdelay $0x2  }
0xb8: {  	s31 =	sshll.u32 s1, $0xD;
	s1 =	sshrl.u32 s1, $0x2  }
0xb9: {  	s3 =	sand.u32 $0x4000, s31;
	s1 =	sadd.s32 s1, s30  }
0xba: {  	s0 =	sor.u32 s3, s0;
	s1 =	sshll.u32 s1, $0x11  }
0xbb: {  	s0 =	sor.u32 s1, s0  }
0xbc: {  	s0 =	sadd.s32 $0x8F2B, s0  }
0xbd: {  	[sflag:s0] =	ssyncadd.remote.s32 $0x1  }
0xbe: {  	_ =	sfence.sel $0xFFFF  }
0xbf: {  	[dreg:$0x0] =	wrdreg $0xFFFFFFFF;
	(pc) =	sbr.abs _section_cstart, $3  }
0xc0: {  	[dreg:$0x1] =	wrdreg $0xFFFFFFFF  }
0xc1: {  	_ =	task.clear_ibuf [dreg:s6], $0x2FFFF;
	_ =	strace $0x9FFFFFFF  }
0xc2: {  	(tm) =	ssettm $0x7FFFFFFF  }
0xc3: {  	_ =	shalt  }
tec
execute0_lowered:
.L_overlay_start_1:
0x0: {  	(tag) =	ssettag $0x1  }
0x1: {  	s7 =	rddreg [dreg:$0x0];
	s1 =	srdreg.scid  }
0x2: {  	s0 =	stileid.u32;
	s2 =	rddreg [dreg:$0x1]  }
0x3: {  	s3 =	simm.s32 $0x0;
	s17 =	simm.s32 $0x80;
	s18 =	simm.s32 $0x5000  }
0x4: {  	s19 =	simm.s32 $0x1;
	s20 =	simm.s32 $0x0;
	s4 =	smul.u32 $0xA0, s0  }
0x5: {  	s6 =	sand.u32 $0x1, s1;
	s1 =	rddreg [dreg:$0x2];
	s9 =	smul.u32 $0x13800, s0  }
0x6: {  	[smem:$0x7FF] =	sst s3;
	s8 =	smul.u32 $0x4E000, s0;
	s13 =	sadd.s32 $0x8EE00, s7  }
0x7: {  	s29 =	sshll.u32 s0, $0x6;
	s15 =	sadd.s32 $0x138000, s2;
	p0 =	sne.s32 s0, $0xF  }
0x8: {  	s5 =	smul.u32 $0x50, s6;
	_ =	strace $0x8000004D;
	s11 =	ssub.s32 $0x2, s6  }
0x9: {  	s30 =	smul.u32 $0x138800, s6;
	s6 =	sor.u32 $0x1C02, s29;
	s15 =	sshrl.u32 @!p0 s15, $0x3  }
0xa: {  	s28 =	sshrl.u32 s9, $0x3;
	s12 =	sshrl.u32 s11, $0x1;
	s8 =	sshrl.u32 s8, $0x2  }
0xb: {  	s5 =	sadd.s32 s5, s4;
	s4 =	sadd.s32 $0x67C00, s7;
	s12 =	ssub.s32 s11, s12  }
0xc: {  	s14 =	sadd.s32 s8, s2;
	s16 =	sadd.s32 s9, s30;
	s11 =	sshrl.u32 s30, $0x3  }
0xd: {  	s5 =	sshll.u32 s5, $0x4;
	s31 =	sshrl.u32 s16, $0x3;
	s11 =	sadd.s32 s13, s11  }
0xe: {  	s12 =	smax.u32 s12, $0x1;
	s16 =	simm.s32 $0x2800;
	s10 =	sadd.s32 s5, s7  }
0xf: {  	s5 =	sadd.s32 s28, s7;
	s7 =	sadd.s32 $0x40800, s7;
	s11 =	sadd.s32 $0x27000, s11  }
0x10: {  	s5 =	sadd.s32 $0x19800, s5;
	s8 =	sadd.s32 $0x5800, s10;
	s9 =	sadd.s32 $0xF800, s10  }
0x11: {  	s10 =	sadd.s32 s13, s31;
	s13 =	sshrl.u32 s14, $0x3;
	s14 =	simm.s32 $0x2  }
.LBB2_1:
0x12: {  	[spmem:s13], [sflag:s6] =	dma.local [hbm:s5], $0x2700  }
0x13: {  	_ =	swait.ge [sflag:s14], $0x2700  }
0x14: {  	[sflag:s14] =	ssyncset.done $0x0  }
0x15: {  	s21 =	simm.s32 @!p0 $0x2;
	[sflag:s14] =	ssyncadd.s32 $0xFFFFD900  }
0x16: {  	[spmem:s15], [sflag:s6] =	dma.local @!p0 [hbm:s7], $0x100  }
0x17: {  	_ =	swait.ge @!p0 [sflag:s21], $0x100  }
0x18: {  	[sflag:s21] =	ssyncset.done @!p0 $0x0  }
0x19: {  	[sflag:s21] =	ssyncadd.s32 @!p0 $0xFFFFFF00  }
0x1a: {  	[bflag:$0x0] =	sbarrier.arrive $0xFFFF  }
0x1b: {  	[tilespmem:s3], [sflag:$0x2] =	stream.linear.gather [hbm4b:s8+s3], $0x2800, $0x38;
	[tilespmem:$0x1C8C0] =	vst v63  }
0x1c: {  	_ =	swait.ge [sflag:s14], $0x2800  }
0x1d: {  	[sflag:s14] =	ssyncset.done $0x0  }
0x1e: {  	[sflag:s14] =	ssyncadd.s32 $0xFFFFD800  }
0x1f: {  	[tilespmem:s16], [sflag:$0x2] =	stream.linear.gather [hbm4b:s9+s3], $0x2800, $0x38;
	[tilespmem:$0x1C8C0] =	vst v63  }
0x20: {  	_ =	swait.ge [sflag:s14], $0x2800  }
0x21: {  	[sflag:s14] =	ssyncset.done $0x0  }
0x22: {  	s30 =	simm.s32 $0x0;
	[sflag:s14] =	ssyncadd.s32 $0xFFFFD800  }
0x23: {  	[tilespmem:s18], [sflag:$0x1] =	stream.indirect.gather [hbm4b:s4+s17], $0x80, s30, s17, $0xb8;
	[tilespmem:$0x1C8C0] =	vst v63  }
0x24: {  	_ =	swait.ge [sflag:s19], $0x4000  }
0x25: {  	[sflag:s19] =	ssyncset.done $0x0  }
0x26: {  	s31 =	simm.s32 $0x2800;
	[sflag:s19] =	ssyncadd.s32 $0xFFFFC000  }
0x27: {  	[spmem:s2] =	stream.indirect.scatter.add.f32 [tilespmem:s18], [sflag:$0x2], $0x80, s31, s17, $0xb8;
	[tilespmem:$0x1C8C0] =	vst v63  }
0x28: {  	_ =	swait.ge [sflag:s14], $0x4000  }
0x29: {  	s22 =	simm.s32 $0x400;
	s21 =	simm.s32 $0x200;
	[sflag:s14] =	ssyncset.done $0x0  }
.LBB2_2:
0x2a: {  	s23 =	sshra.s32 s21, $0x2  }
0x2b: {  	[sflag:s14] =	ssyncadd.s32 $0xFFFFC000;
	s21 =	smov.u32 s22;
	s24 =	sadd.s32 $0x200, s22  }
0x2c: {  	[tilespmem:s18], [sflag:$0x1] =	stream.indirect.gather [hbm4b:s4+s17], $0x80, s23, s17, $0xb8;
	[tilespmem:$0x1C8C0] =	vst v63  }
0x2d: {  	p1 =	sne.s32 s22, $0x9E00;
	_ =	swait.ge [sflag:s19], $0x4000  }
.Ltmp0:
0x2e: {  	[sflag:s19] =	ssyncset.done $0x0;
	(pc) =	sbr.rel @p1 .LBB2_2-.Ltmp0, $4  }
0x2f: {  	s22 =	sadd.s32 $0x2800, s23;
	[sflag:s19] =	ssyncadd.s32 $0xFFFFC000  }
0x30: {  	[spmem:s2] =	stream.indirect.scatter.add.f32 [tilespmem:s18], [sflag:$0x2], $0x80, s22, s17, $0xb8;
	[tilespmem:$0x1C8C0] =	vst v63  }
0x31: {  	_ =	swait.ge [sflag:s14], $0x4000  }
0x32: {  	s22 =	smov.u32 s24;
	[sflag:s14] =	ssyncset.done $0x0  }
0x33: {  	s21 =	sshra.s32 s21, $0x2;
	[sflag:s14] =	ssyncadd.s32 $0xFFFFC000  }
0x34: {  	[tilespmem:s18], [sflag:$0x1] =	stream.indirect.gather [hbm4b:s4+s17], $0x80, s21, s17, $0xb8;
	[tilespmem:$0x1C8C0] =	vst v63  }
0x35: {  	_ =	swait.ge [sflag:s19], $0x4000  }
0x36: {  	[sflag:s19] =	ssyncset.done $0x0  }
0x37: {  	s21 =	sadd.s32 $0x2800, s21;
	[sflag:s19] =	ssyncadd.s32 $0xFFFFC000  }
0x38: {  	[spmem:s2] =	stream.indirect.scatter.add.f32 [tilespmem:s18], [sflag:$0x2], $0x80, s21, s17, $0xb8;
	[tilespmem:$0x1C8C0] =	vst v63  }
0x39: {  	_ =	swait.ge [sflag:s14], $0x4000  }
0x3a: {  	[sflag:s14] =	ssyncset.done $0x0  }
0x3b: {  	[sflag:s14] =	ssyncadd.s32 $0xFFFFC000  }
0x3c: {  	[bflag:$0x0] =	sbarrier.arrive $0xFFFF  }
0x3d: {  	[hbm:s10], [sflag:s6] =	dma.local [spmem:s13], $0x2700  }
0x3e: {  	s20 =	sadd.s32 $0x1, s20;
	_ =	swait.ge [sflag:s14], $0x2700  }
0x3f: {  	p1 =	sne.s32 s20, s12;
	[sflag:s14] =	ssyncset.done $0x0  }
.Ltmp1:
0x40: {  	s21 =	simm.s32 @!p0 $0x2;
	[sflag:s14] =	ssyncadd.s32 $0xFFFFD900;
	(pc) =	sbr.rel @p1 .LBB2_1-.Ltmp1, $4  }
0x41: {  	[hbm:s11], [sflag:s6] =	dma.local @!p0 [spmem:s15], $0x100  }
0x42: {  	_ =	swait.ge @!p0 [sflag:s21], $0x100  }
0x43: {  	[sflag:s21] =	ssyncset.done @!p0 $0x0  }
0x44: {  	[sflag:s21] =	ssyncadd.s32 @!p0 $0xFFFFFF00  }
0x45: {  	_ =	sfence.sel $0x180000  }
0x46: {  	[bflag:$0x0] =	sbarrier.arrive $0xFFFF  }
0x47: {  	p0 =	sne.s32 s0, $0x0;
	_ =	strace $0x9000004D  }
0x48: {  	s0 =	sadd.s32 @!p0 $0x100000, s1;
	[bflag:$0x2] =	sbarrier.arrive $0xFFFF  }
0x49: {  	[sflag:s0] =	ssyncadd.tile.s32 @!p0 $0x1;
	_ =	shalt  }
.Lfunc_end2:
_tile_overlayer_lowered:
.L_overlay_start_2:
0x4a: {  	(tag) =	ssettag $0x2  }
0x4b: {  	s0 =	rddreg [dreg:$0x0];
	s2 =	stileid.u32  }
0x4c: {  	s1 =	rddreg [dreg:$0x1];
	p0 =	sne.s32 s2, $0x0  }
0x4d: {  	s3 =	rddreg [dreg:$0x2];
	[bflag:$0x3] =	sbarrier.arrive $0xFFFF;
	s2 =	simm.s32 @!p0 $0x1C02  }
0x4e: {  	[timem:s3], [sflag:s2] =	dma.local @!p0 [hbm:s0], s1  }
0x4f: {  	s0 =	simm.s32 @!p0 $0x2  }
0x50: {  	_ =	swait.ge @!p0 [sflag:s0], s1  }
0x51: {  	s1 =	ssub.s32 @!p0 $0x0, s1;
	[sflag:s0] =	ssyncset.done @!p0 $0x0  }
0x52: {  	[sflag:s0] =	ssyncadd.s32 @!p0 s1  }
0x53: {  	[bflag:$0x3] =	sbarrier.arrive $0xFFFF  }
0x54: {  	_ =	shalt  }

// kernel: kernel.30.cloned.1.call-start
scs
__scs_entry_jumppad:
0x0: {  	(pc) =	sbr.rel $0x88, $3  }
0x1: {  	(tag) =	ssettag $0x0;
	lr =	simm.s32 $0x1  }
0x2: {  	[smem:$0x3F92] =	sst lr;
	_ =	strace $0xD0000000  }
0x3: {  	_ = 	snop  }
0x4: {  	_ = 	snop  }
0x5: {  	_ = 	snop  }
0x6: {  	_ = 	snop  }
0x7: {  	_ = 	snop  }
__scs_overlays_trampoline_lowered:
0x8: {  	[smem:$0x3FA1] =	sst s0  }
0x9: {  	[smem:$0x3FA2] =	sst s1  }
0xa: {  	[smem:$0x3FA3] =	sst s2  }
0xb: {  	[smem:$0x3FA4] =	sst s3  }
0xc: {  	[smem:$0x3FA5] =	sst s4  }
0xd: {  	[smem:$0x3FA6] =	sst s5  }
0xe: {  	[smem:$0x3FA7] =	sst s6  }
0xf: {  	[smem:$0x3FA8] =	sst s7  }
0x10: {  	[smem:$0x3FA9] =	sst s8  }
0x11: {  	[smem:$0x3FAA] =	sst s9;
	s0 =	simm.s32 @!p0 $0x0  }
0x12: {  	s1 =	sld [smem:$0x3F90];
	s0 =	simm.s32 @p0 $0x1  }
0x13: {  	[smem:$0x3FAB] =	sst s0;
	s0 =	simm.s32 @!p1 $0x0  }
0x14: {  	s2 =	sld [smem:$0x3F8F];
	s0 =	simm.s32 @p1 $0x1  }
0x15: {  	[smem:$0x3FAC] =	sst s0;
	s0 =	simm.s32 @!p2 $0x0  }
0x16: {  	s3 =	sld [smem:$0x3FDB];
	s0 =	simm.s32 @p2 $0x1  }
0x17: {  	s4 =	simm.s32 $0x1BF5;
	[smem:$0x3FAE] =	sst s0  }
0x18: {  	s0 =	sld [smem:$0x3F91];
	_ =	swait.ge [sflag:s4], $0x0  }
0x19: {  	s7 =	sld [smem:$0x3F92]  }
0x1a: {  	s8 =	sadd.s32 $0xFFFFE003, lr  }
0x1b: {  	s9 =	sadd.s32 $0xFFFFFEF7, lr;
	s5 =	simm.s32 $0xFFFFFFFF;
	p2 =	slt.u32 s8, $0xFFFFF086  }
0x1c: {  	p1 =	slt.u32 s9, $0xF7A;
	s5 =	simm.s32 @!p2 $0x0  }
0x1d: {  	s5 =	simm.s32 @p1 $0x1;
	p0 =	seq.s32 s7, s2  }
0x1e: {  	s7 =	smul.u32 @!p0 $0xF7A, s2;
	p2 =	seq.s32 @!p0 s5, $0x0  }
0x1f: {  	s9 =	smul.u32 $0xF7A, s1;
	s8 =	simm.s32 @!p0 $0x1BF5;
	p2 =	por !p2, p0  }
0x20: {  	[sflag:s8] =	ssyncset.s32 @!p0 $0xFFFFF086;
	s6 =	sadd.s32 @!p0 s3, s7;
	s7 =	simm.s32 @!p0 $0x108  }
0x21: {  	s3 =	sadd.s32 s3, s9;
	s6 =	sadd.s32 @!p0 $0x88, s6;
	s7 =	simm.s32 @p2 $0x1082  }
0x22: {  	[simem:s7], [sflag:s8] =	dma.local @!p0 [hbm:s6], $0xF7A  }
0x23: {  	s9 =	sor.u32 $0xD0000000, s2;
	s6 =	simm.s32 $0x108;
	_ =	swait.ge @!p0 [sflag:s8], $0x0  }
0x24: {  	s3 =	sadd.s32 $0x88, s3;
	s6 =	simm.s32 @!p1 $0x1082;
	[sflag:s4] =	ssyncset.s32 $0xFFFFF086  }
0x25: {  	[simem:s6], [sflag:s4] =	dma.local [hbm:s3], $0xF7A  }
0x26: {  	[smem:$0x3F92] =	sst s1;
	(tag) =	ssettag s2;
	_ =	strace s9  }
0x27: {  	s1 =	sld [smem:$0x3FA2]  }
0x28: {  	s2 =	sld [smem:$0x3FA3]  }
0x29: {  	s4 =	sld [smem:$0x3FA5]  }
0x2a: {  	p0 =	seq.s32 s5, $0x0;
	s5 =	sld [smem:$0x3FA6]  }
0x2b: {  	s6 =	sld [smem:$0x3FA7]  }
0x2c: {  	s7 =	sld [smem:$0x3FA8]  }
0x2d: {  	s3 =	simm.s32 $0x108;
	s8 =	sld [smem:$0x3FA9]  }
0x2e: {  	s3 =	simm.s32 @!p0 $0x1082;
	s9 =	sld [smem:$0x3FAA]  }
0x2f: {  	lr =	sadd.s32 s0, s3;
	s0 =	sld [smem:$0x3FA1]  }
0x30: {  	s3 =	sld [smem:$0x3FA4]  }
0x31: {  	[smem:$0x3FAD] =	sst s10  }
0x32: {  	s10 =	sld [smem:$0x3FAB];
	_ =	sdelay $0x3  }
0x33: {  	p0 =	seq.s32 s10, $0x1;
	s10 =	sld [smem:$0x3FAD];
	_ =	sdelay $0x3  }
0x34: {  	[smem:$0x3FAD] =	sst s10  }
0x35: {  	s10 =	sld [smem:$0x3FAC];
	_ =	sdelay $0x3  }
0x36: {  	p1 =	seq.s32 s10, $0x1;
	s10 =	sld [smem:$0x3FAD];
	_ =	sdelay $0x3  }
0x37: {  	[smem:$0x3FAD] =	sst s10  }
0x38: {  	s10 =	sld [smem:$0x3FAE]  }
0x39: {  	_ = 	snop;
	(pc) =	sbr.ind lr, $3  }
0x3a: {  	_ = 	snop  }
0x3b: {  	_ = 	snop  }
0x3c: {  	p2 =	seq.s32 s10, $0x1;
	s10 =	sld [smem:$0x3FAD]  }
0x3d: {  	_ =	shalt  }
0x3e: {  	_ =	shalt  }
0x3f: {  	_ =	shalt  }
0x40: {  	_ =	shalt  }
0x41: {  	_ =	shalt  }
0x42: {  	_ =	shalt  }
0x43: {  	_ =	shalt  }
0x44: {  	_ =	shalt  }
0x45: {  	_ =	shalt  }
0x46: {  	_ =	shalt  }
0x47: {  	_ =	shalt  }
0x48: {  	_ =	shalt  }
0x49: {  	_ =	shalt  }
0x4a: {  	_ =	shalt  }
0x4b: {  	_ =	shalt  }
0x4c: {  	_ =	shalt  }
0x4d: {  	_ =	shalt  }
0x4e: {  	_ =	shalt  }
0x4f: {  	_ =	shalt  }
0x50: {  	_ =	shalt  }
0x51: {  	_ =	shalt  }
0x52: {  	_ =	shalt  }
0x53: {  	_ =	shalt  }
0x54: {  	_ =	shalt  }
0x55: {  	_ =	shalt  }
0x56: {  	_ =	shalt  }
0x57: {  	_ =	shalt  }
0x58: {  	_ =	shalt  }
0x59: {  	_ =	shalt  }
0x5a: {  	_ =	shalt  }
0x5b: {  	_ =	shalt  }
0x5c: {  	_ =	shalt  }
0x5d: {  	_ =	shalt  }
0x5e: {  	_ =	shalt  }
0x5f: {  	_ =	shalt  }
0x60: {  	_ =	shalt  }
0x61: {  	_ =	shalt  }
0x62: {  	_ =	shalt  }
0x63: {  	_ =	shalt  }
0x64: {  	_ =	shalt  }
0x65: {  	_ =	shalt  }
0x66: {  	_ =	shalt  }
0x67: {  	_ =	shalt  }
0x68: {  	_ =	shalt  }
0x69: {  	_ =	shalt  }
0x6a: {  	_ =	shalt  }
0x6b: {  	_ =	shalt  }
0x6c: {  	_ =	shalt  }
0x6d: {  	_ =	shalt  }
0x6e: {  	_ =	shalt  }
0x6f: {  	_ =	shalt  }
0x70: {  	_ =	shalt  }
0x71: {  	_ =	shalt  }
0x72: {  	_ =	shalt  }
0x73: {  	_ =	shalt  }
0x74: {  	_ =	shalt  }
0x75: {  	_ =	shalt  }
0x76: {  	_ =	shalt  }
0x77: {  	_ =	shalt  }
0x78: {  	_ =	shalt  }
0x79: {  	_ =	shalt  }
0x7a: {  	_ =	shalt  }
0x7b: {  	_ =	shalt  }
0x7c: {  	_ =	shalt  }
0x7d: {  	_ =	shalt  }
0x7e: {  	_ =	shalt  }
0x7f: {  	_ =	shalt  }
0x80: {  	_ =	shalt  }
0x81: {  	_ =	shalt  }
0x82: {  	_ =	shalt  }
0x83: {  	_ =	shalt  }
0x84: {  	_ =	shalt  }
0x85: {  	_ =	shalt  }
0x86: {  	_ =	shalt  }
0x87: {  	_ =	shalt  }
.Lfunc_end0:
.L_simem_size_0:
called_computation.4_lowered:
.L_overlay_start_0:
0x88: {  	s2 =	sld [smem:$0x3FD9]  }
0x89: {  	s3 =	sld [smem:$0x3FFE];
	_ =	sdelay $0x1  }
0x8a: {  	s1 =	srdreg.scid  }
0x8b: {  	s0 =	sand.u32 $0x1, s1  }
0x8c: {  	s16 =	sshll.u32 s0, $0xA;
	s2 =	sadd.s32 s3, s2  }
0x8d: {  	s2 =	sadd.s32 s2, s16  }
0x8e: {  	[smem:$0x3FB9] =	sst s2  }
0x8f: {  	_ = 	snop  }
0x90: {  	(tm) =	ssettm $0x1  }
0x91: {  	s17 =	sld [smem:$0x3FFB];
	_ =	sdelay $0x3  }
0x92: {  	_ =	strace s17  }
0x93: {  	s2 =	sld [smem:$0x3FFC];
	_ =	sdelay $0x3  }
0x94: {  	_ =	strace s2  }
0x95: {  	s2 =	sld [smem:$0x3FFD];
	_ =	sdelay $0x3  }
0x96: {  	_ =	strace s2  }
0x97: {  	_ =	strace $0x8FFFFFFF  }
0x98: {  	s18 =	sld [smem:$0x3FDB];
	_ =	sdelay $0x1  }
0x99: {  	s19 =	simm.s32 $_scs_section_size  }
0x9a: {  	s4 =	simm.s32 $_size__tile_overlayer_lowered;
	s5 =	simm.s32 $_tile_overlayer_lowered  }
0x9b: {  	s22 =	simm.s32 $0x1BFF;
	s21 =	sshll.u32 s5, $0x1;
	s2 =	sadd.s32 s19, s18  }
0x9c: {  	s6 =	simm.s32 $0x0;
	s20 =	sshll.u32 s4, $0x1;
	s4 =	sadd.s32 s21, s2  }
0x9d: {  	[timem:s6], [sflag:s22] =	dma.local [hbm:s4], s20  }
0x9e: {  	_ =	swait.ge [sflag:s22], s20  }
0x9f: {  	s3 =	ssub.s32 $0x0, s20;
	[sflag:s22] =	ssyncset.done $0x0  }
0xa0: {  	[sflag:s22] =	ssyncadd.s32 s3;
	_ =	sdelay $0x1  }
0xa1: {  	s23 =	simm.s32 $0x1B8B  }
0xa2: {  	_ =	swait.ge [sflag:s23], $0x1  }
0xa3: {  	[sflag:s23] =	ssyncset.done $0x0  }
0xa4: {  	s25 =	simm.s32 $0x1B8E;
	s24 =	sld [smem:$0x3FFE];
	[sflag:s23] =	ssyncadd.s32 $0xFFFFFFFF  }
0xa5: {  	s26 =	simm.s32 $execute0_lowered;
	[smem:$0x3FD2] =	sst s25  }
0xa6: {  	s4 =	sshll.u32 s26, $0x1;
	_ =	strace $0x8000004F;
	[dreg:$0x1] =	wrdreg $0xFFFFFFFF  }
0xa7: {  	s28 =	simm.s32 $_size_execute0_lowered;
	s2 =	sadd.s32 s2, s4;
	[dreg:$0x0] =	wrdreg $0x0  }
0xa8: {  	s4 =	sshll.u32 s28, $0x1;
	[dreg:$0x2] =	wrdreg s2  }
0xa9: {  	[dreg:$0x3] =	wrdreg s4  }
0xaa: {  	[dreg:$0x4] =	wrdreg $0xC0  }
0xab: {  	_ =	task [dreg:s6], $0x5FFFF  }
0xac: {  	[dreg:$0x1] =	wrdreg $0xFFFFFFFF  }
0xad: {  	[dreg:$0x0] =	wrdreg $0x60  }
0xae: {  	[dreg:$0x2] =	wrdreg s24  }
0xaf: {  	[dreg:$0x3] =	wrdreg $0x90000  }
0xb0: {  	[dreg:$0x4] =	wrdreg $0x9  }
0xb1: {  	_ =	task.clear_ibuf [dreg:s6], $0x5FFFF;
	_ =	strace $0x9000004F  }
0xb2: {  	s29 =	simm.s32 $0x9;
	_ =	strace $0x80000051  }
0xb3: {  	_ =	swait.ge [sflag:s29], $0x1  }
0xb4: {  	[sflag:s29] =	ssyncadd.s32 $0xFFFFFFFF  }
0xb5: {  	_ =	strace $0x90000051  }
0xb6: {  	_ =	sfence  }
0xb7: {  	s30 =	sld [smem:$0x0];
	_ =	sdelay $0x2  }
0xb8: {  	s31 =	sshll.u32 s1, $0xD;
	s1 =	sshrl.u32 s1, $0x2  }
0xb9: {  	s3 =	sand.u32 $0x4000, s31;
	s1 =	sadd.s32 s1, s30  }
0xba: {  	s0 =	sor.u32 s3, s0;
	s1 =	sshll.u32 s1, $0x11  }
0xbb: {  	s0 =	sor.u32 s1, s0  }
0xbc: {  	s0 =	sadd.s32 $0x8F2B, s0  }
0xbd: {  	[sflag:s0] =	ssyncadd.remote.s32 $0x1  }
0xbe: {  	_ =	sfence.sel $0xFFFF  }
0xbf: {  	[dreg:$0x0] =	wrdreg $0xFFFFFFFF;
	(pc) =	sbr.abs _section_cstart, $3  }
0xc0: {  	[dreg:$0x1] =	wrdreg $0xFFFFFFFF  }
0xc1: {  	_ =	task.clear_ibuf [dreg:s6], $0x2FFFF;
	_ =	strace $0x9FFFFFFF  }
0xc2: {  	(tm) =	ssettm $0x7FFFFFFF  }
0xc3: {  	_ =	shalt  }
tec
execute0_lowered:
.L_overlay_start_1:
0x0: {  	(tag) =	ssettag $0x1  }
0x1: {  	s7 =	rddreg [dreg:$0x0];
	s1 =	srdreg.scid  }
0x2: {  	s0 =	stileid.u32;
	s2 =	rddreg [dreg:$0x1]  }
0x3: {  	s3 =	simm.s32 $0x0;
	s17 =	simm.s32 $0x80;
	s18 =	simm.s32 $0x5000  }
0x4: {  	s19 =	simm.s32 $0x1;
	s20 =	simm.s32 $0x0;
	s4 =	smul.u32 $0xA0, s0  }
0x5: {  	s6 =	sand.u32 $0x1, s1;
	s1 =	rddreg [dreg:$0x2];
	s9 =	smul.u32 $0x13800, s0  }
0x6: {  	[smem:$0x7FF] =	sst s3;
	s8 =	smul.u32 $0x4E000, s0;
	s13 =	sadd.s32 $0x8EE00, s7  }
0x7: {  	s29 =	sshll.u32 s0, $0x6;
	s15 =	sadd.s32 $0x138000, s2;
	p0 =	sne.s32 s0, $0xF  }
0x8: {  	s5 =	smul.u32 $0x50, s6;
	_ =	strace $0x80000050;
	s11 =	ssub.s32 $0x2, s6  }
0x9: {  	s30 =	smul.u32 $0x138800, s6;
	s6 =	sor.u32 $0x1C02, s29;
	s15 =	sshrl.u32 @!p0 s15, $0x3  }
0xa: {  	s28 =	sshrl.u32 s9, $0x3;
	s12 =	sshrl.u32 s11, $0x1;
	s8 =	sshrl.u32 s8, $0x2  }
0xb: {  	s5 =	sadd.s32 s5, s4;
	s4 =	sadd.s32 $0x67C00, s7;
	s12 =	ssub.s32 s11, s12  }
0xc: {  	s14 =	sadd.s32 s8, s2;
	s16 =	sadd.s32 s9, s30;
	s11 =	sshrl.u32 s30, $0x3  }
0xd: {  	s5 =	sshll.u32 s5, $0x4;
	s31 =	sshrl.u32 s16, $0x3;
	s11 =	sadd.s32 s13, s11  }
0xe: {  	s12 =	smax.u32 s12, $0x1;
	s16 =	simm.s32 $0x2800;
	s10 =	sadd.s32 s5, s7  }
0xf: {  	s5 =	sadd.s32 s28, s7;
	s7 =	sadd.s32 $0x40800, s7;
	s11 =	sadd.s32 $0x27000, s11  }
0x10: {  	s5 =	sadd.s32 $0x19800, s5;
	s8 =	sadd.s32 $0x5800, s10;
	s9 =	sadd.s32 $0xF800, s10  }
0x11: {  	s10 =	sadd.s32 s13, s31;
	s13 =	sshrl.u32 s14, $0x3;
	s14 =	simm.s32 $0x2  }
.LBB2_1:
0x12: {  	[spmem:s13], [sflag:s6] =	dma.local [hbm:s5], $0x2700  }
0x13: {  	_ =	swait.ge [sflag:s14], $0x2700  }
0x14: {  	[sflag:s14] =	ssyncset.done $0x0  }
0x15: {  	s21 =	simm.s32 @!p0 $0x2;
	[sflag:s14] =	ssyncadd.s32 $0xFFFFD900  }
0x16: {  	[spmem:s15], [sflag:s6] =	dma.local @!p0 [hbm:s7], $0x100  }
0x17: {  	_ =	swait.ge @!p0 [sflag:s21], $0x100  }
0x18: {  	[sflag:s21] =	ssyncset.done @!p0 $0x0  }
0x19: {  	[sflag:s21] =	ssyncadd.s32 @!p0 $0xFFFFFF00  }
0x1a: {  	[bflag:$0x0] =	sbarrier.arrive $0xFFFF  }
0x1b: {  	[tilespmem:s3], [sflag:$0x2] =	stream.linear.gather [hbm4b:s8+s3], $0x2800, $0x38;
	[tilespmem:$0x1C8C0] =	vst v63  }
0x1c: {  	_ =	swait.ge [sflag:s14], $0x2800  }
0x1d: {  	[sflag:s14] =	ssyncset.done $0x0  }
0x1e: {  	[sflag:s14] =	ssyncadd.s32 $0xFFFFD800  }
0x1f: {  	[tilespmem:s16], [sflag:$0x2] =	stream.linear.gather [hbm4b:s9+s3], $0x2800, $0x38;
	[tilespmem:$0x1C8C0] =	vst v63  }
0x20: {  	_ =	swait.ge [sflag:s14], $0x2800  }
0x21: {  	[sflag:s14] =	ssyncset.done $0x0  }
0x22: {  	s30 =	simm.s32 $0x0;
	[sflag:s14] =	ssyncadd.s32 $0xFFFFD800  }
0x23: {  	[tilespmem:s18], [sflag:$0x1] =	stream.indirect.gather [hbm4b:s4+s17], $0x80, s30, s17, $0xb8;
	[tilespmem:$0x1C8C0] =	vst v63  }
0x24: {  	_ =	swait.ge [sflag:s19], $0x4000  }
0x25: {  	[sflag:s19] =	ssyncset.done $0x0  }
0x26: {  	s31 =	simm.s32 $0x2800;
	[sflag:s19] =	ssyncadd.s32 $0xFFFFC000  }
0x27: {  	[spmem:s2] =	stream.indirect.scatter.add.f32 [tilespmem:s18], [sflag:$0x2], $0x80, s31, s17, $0xb8;
	[tilespmem:$0x1C8C0] =	vst v63  }
0x28: {  	_ =	swait.ge [sflag:s14], $0x4000  }
0x29: {  	s22 =	simm.s32 $0x400;
	s21 =	simm.s32 $0x200;
	[sflag:s14] =	ssyncset.done $0x0  }
.LBB2_2:
0x2a: {  	s23 =	sshra.s32 s21, $0x2  }
0x2b: {  	[sflag:s14] =	ssyncadd.s32 $0xFFFFC000;
	s21 =	smov.u32 s22;
	s24 =	sadd.s32 $0x200, s22  }
0x2c: {  	[tilespmem:s18], [sflag:$0x1] =	stream.indirect.gather [hbm4b:s4+s17], $0x80, s23, s17, $0xb8;
	[tilespmem:$0x1C8C0] =	vst v63  }
0x2d: {  	p1 =	sne.s32 s22, $0x9E00;
	_ =	swait.ge [sflag:s19], $0x4000  }
.Ltmp0:
0x2e: {  	[sflag:s19] =	ssyncset.done $0x0;
	(pc) =	sbr.rel @p1 .LBB2_2-.Ltmp0, $4  }
0x2f: {  	s22 =	sadd.s32 $0x2800, s23;
	[sflag:s19] =	ssyncadd.s32 $0xFFFFC000  }
0x30: {  	[spmem:s2] =	stream.indirect.scatter.add.f32 [tilespmem:s18], [sflag:$0x2], $0x80, s22, s17, $0xb8;
	[tilespmem:$0x1C8C0] =	vst v63  }
0x31: {  	_ =	swait.ge [sflag:s14], $0x4000  }
0x32: {  	s22 =	smov.u32 s24;
	[sflag:s14] =	ssyncset.done $0x0  }
0x33: {  	s21 =	sshra.s32 s21, $0x2;
	[sflag:s14] =	ssyncadd.s32 $0xFFFFC000  }
0x34: {  	[tilespmem:s18], [sflag:$0x1] =	stream.indirect.gather [hbm4b:s4+s17], $0x80, s21, s17, $0xb8;
	[tilespmem:$0x1C8C0] =	vst v63  }
0x35: {  	_ =	swait.ge [sflag:s19], $0x4000  }
0x36: {  	[sflag:s19] =	ssyncset.done $0x0  }
0x37: {  	s21 =	sadd.s32 $0x2800, s21;
	[sflag:s19] =	ssyncadd.s32 $0xFFFFC000  }
0x38: {  	[spmem:s2] =	stream.indirect.scatter.add.f32 [tilespmem:s18], [sflag:$0x2], $0x80, s21, s17, $0xb8;
	[tilespmem:$0x1C8C0] =	vst v63  }
0x39: {  	_ =	swait.ge [sflag:s14], $0x4000  }
0x3a: {  	[sflag:s14] =	ssyncset.done $0x0  }
0x3b: {  	[sflag:s14] =	ssyncadd.s32 $0xFFFFC000  }
0x3c: {  	[bflag:$0x0] =	sbarrier.arrive $0xFFFF  }
0x3d: {  	[hbm:s10], [sflag:s6] =	dma.local [spmem:s13], $0x2700  }
0x3e: {  	s20 =	sadd.s32 $0x1, s20;
	_ =	swait.ge [sflag:s14], $0x2700  }
0x3f: {  	p1 =	sne.s32 s20, s12;
	[sflag:s14] =	ssyncset.done $0x0  }
.Ltmp1:
0x40: {  	s21 =	simm.s32 @!p0 $0x2;
	[sflag:s14] =	ssyncadd.s32 $0xFFFFD900;
	(pc) =	sbr.rel @p1 .LBB2_1-.Ltmp1, $4  }
0x41: {  	[hbm:s11], [sflag:s6] =	dma.local @!p0 [spmem:s15], $0x100  }
0x42: {  	_ =	swait.ge @!p0 [sflag:s21], $0x100  }
0x43: {  	[sflag:s21] =	ssyncset.done @!p0 $0x0  }
0x44: {  	[sflag:s21] =	ssyncadd.s32 @!p0 $0xFFFFFF00  }
0x45: {  	_ =	sfence.sel $0x180000  }
0x46: {  	[bflag:$0x0] =	sbarrier.arrive $0xFFFF  }
0x47: {  	p0 =	sne.s32 s0, $0x0;
	_ =	strace $0x90000050  }
0x48: {  	s0 =	sadd.s32 @!p0 $0x100000, s1;
	[bflag:$0x2] =	sbarrier.arrive $0xFFFF  }
0x49: {  	[sflag:s0] =	ssyncadd.tile.s32 @!p0 $0x1;
	_ =	shalt  }
.Lfunc_end2:
_tile_overlayer_lowered:
.L_overlay_start_2:
0x4a: {  	(tag) =	ssettag $0x2  }
0x4b: {  	s0 =	rddreg [dreg:$0x0];
	s2 =	stileid.u32  }
0x4c: {  	s1 =	rddreg [dreg:$0x1];
	p0 =	sne.s32 s2, $0x0  }
0x4d: {  	s3 =	rddreg [dreg:$0x2];
	[bflag:$0x3] =	sbarrier.arrive $0xFFFF;
	s2 =	simm.s32 @!p0 $0x1C02  }
0x4e: {  	[timem:s3], [sflag:s2] =	dma.local @!p0 [hbm:s0], s1  }
0x4f: {  	s0 =	simm.s32 @!p0 $0x2  }
0x50: {  	_ =	swait.ge @!p0 [sflag:s0], s1  }
0x51: {  	s1 =	ssub.s32 @!p0 $0x0, s1;
	[sflag:s0] =	ssyncset.done @!p0 $0x0  }
0x52: {  	[sflag:s0] =	ssyncadd.s32 @!p0 s1  }
0x53: {  	[bflag:$0x3] =	sbarrier.arrive $0xFFFF  }
0x54: {  	_ =	shalt  }

// kernel: kernel.33.cloned.1.call-start
scs
__scs_entry_jumppad:
0x0: {  	(pc) =	sbr.rel $0x88, $3  }
0x1: {  	(tag) =	ssettag $0x0;
	lr =	simm.s32 $0x1  }
0x2: {  	[smem:$0x3F92] =	sst lr;
	_ =	strace $0xD0000000  }
0x3: {  	_ = 	snop  }
0x4: {  	_ = 	snop  }
0x5: {  	_ = 	snop  }
0x6: {  	_ = 	snop  }
0x7: {  	_ = 	snop  }
__scs_overlays_trampoline_lowered:
0x8: {  	[smem:$0x3FA1] =	sst s0  }
0x9: {  	[smem:$0x3FA2] =	sst s1  }
0xa: {  	[smem:$0x3FA3] =	sst s2  }
0xb: {  	[smem:$0x3FA4] =	sst s3  }
0xc: {  	[smem:$0x3FA5] =	sst s4  }
0xd: {  	[smem:$0x3FA6] =	sst s5  }
0xe: {  	[smem:$0x3FA7] =	sst s6  }
0xf: {  	[smem:$0x3FA8] =	sst s7  }
0x10: {  	[smem:$0x3FA9] =	sst s8  }
0x11: {  	[smem:$0x3FAA] =	sst s9;
	s0 =	simm.s32 @!p0 $0x0  }
0x12: {  	s1 =	sld [smem:$0x3F90];
	s0 =	simm.s32 @p0 $0x1  }
0x13: {  	[smem:$0x3FAB] =	sst s0;
	s0 =	simm.s32 @!p1 $0x0  }
0x14: {  	s2 =	sld [smem:$0x3F8F];
	s0 =	simm.s32 @p1 $0x1  }
0x15: {  	[smem:$0x3FAC] =	sst s0;
	s0 =	simm.s32 @!p2 $0x0  }
0x16: {  	s3 =	sld [smem:$0x3FDB];
	s0 =	simm.s32 @p2 $0x1  }
0x17: {  	s4 =	simm.s32 $0x1BF5;
	[smem:$0x3FAE] =	sst s0  }
0x18: {  	s0 =	sld [smem:$0x3F91];
	_ =	swait.ge [sflag:s4], $0x0  }
0x19: {  	s7 =	sld [smem:$0x3F92]  }
0x1a: {  	s8 =	sadd.s32 $0xFFFFE003, lr  }
0x1b: {  	s9 =	sadd.s32 $0xFFFFFEF7, lr;
	s5 =	simm.s32 $0xFFFFFFFF;
	p2 =	slt.u32 s8, $0xFFFFF086  }
0x1c: {  	p1 =	slt.u32 s9, $0xF7A;
	s5 =	simm.s32 @!p2 $0x0  }
0x1d: {  	s5 =	simm.s32 @p1 $0x1;
	p0 =	seq.s32 s7, s2  }
0x1e: {  	s7 =	smul.u32 @!p0 $0xF7A, s2;
	p2 =	seq.s32 @!p0 s5, $0x0  }
0x1f: {  	s9 =	smul.u32 $0xF7A, s1;
	s8 =	simm.s32 @!p0 $0x1BF5;
	p2 =	por !p2, p0  }
0x20: {  	[sflag:s8] =	ssyncset.s32 @!p0 $0xFFFFF086;
	s6 =	sadd.s32 @!p0 s3, s7;
	s7 =	simm.s32 @!p0 $0x108  }
0x21: {  	s3 =	sadd.s32 s3, s9;
	s6 =	sadd.s32 @!p0 $0x88, s6;
	s7 =	simm.s32 @p2 $0x1082  }
0x22: {  	[simem:s7], [sflag:s8] =	dma.local @!p0 [hbm:s6], $0xF7A  }
0x23: {  	s9 =	sor.u32 $0xD0000000, s2;
	s6 =	simm.s32 $0x108;
	_ =	swait.ge @!p0 [sflag:s8], $0x0  }
0x24: {  	s3 =	sadd.s32 $0x88, s3;
	s6 =	simm.s32 @!p1 $0x1082;
	[sflag:s4] =	ssyncset.s32 $0xFFFFF086  }
0x25: {  	[simem:s6], [sflag:s4] =	dma.local [hbm:s3], $0xF7A  }
0x26: {  	[smem:$0x3F92] =	sst s1;
	(tag) =	ssettag s2;
	_ =	strace s9  }
0x27: {  	s1 =	sld [smem:$0x3FA2]  }
0x28: {  	s2 =	sld [smem:$0x3FA3]  }
0x29: {  	s4 =	sld [smem:$0x3FA5]  }
0x2a: {  	p0 =	seq.s32 s5, $0x0;
	s5 =	sld [smem:$0x3FA6]  }
0x2b: {  	s6 =	sld [smem:$0x3FA7]  }
0x2c: {  	s7 =	sld [smem:$0x3FA8]  }
0x2d: {  	s3 =	simm.s32 $0x108;
	s8 =	sld [smem:$0x3FA9]  }
0x2e: {  	s3 =	simm.s32 @!p0 $0x1082;
	s9 =	sld [smem:$0x3FAA]  }
0x2f: {  	lr =	sadd.s32 s0, s3;
	s0 =	sld [smem:$0x3FA1]  }
0x30: {  	s3 =	sld [smem:$0x3FA4]  }
0x31: {  	[smem:$0x3FAD] =	sst s10  }
0x32: {  	s10 =	sld [smem:$0x3FAB];
	_ =	sdelay $0x3  }
0x33: {  	p0 =	seq.s32 s10, $0x1;
	s10 =	sld [smem:$0x3FAD];
	_ =	sdelay $0x3  }
0x34: {  	[smem:$0x3FAD] =	sst s10  }
0x35: {  	s10 =	sld [smem:$0x3FAC];
	_ =	sdelay $0x3  }
0x36: {  	p1 =	seq.s32 s10, $0x1;
	s10 =	sld [smem:$0x3FAD];
	_ =	sdelay $0x3  }
0x37: {  	[smem:$0x3FAD] =	sst s10  }
0x38: {  	s10 =	sld [smem:$0x3FAE]  }
0x39: {  	_ = 	snop;
	(pc) =	sbr.ind lr, $3  }
0x3a: {  	_ = 	snop  }
0x3b: {  	_ = 	snop  }
0x3c: {  	p2 =	seq.s32 s10, $0x1;
	s10 =	sld [smem:$0x3FAD]  }
0x3d: {  	_ =	shalt  }
0x3e: {  	_ =	shalt  }
0x3f: {  	_ =	shalt  }
0x40: {  	_ =	shalt  }
0x41: {  	_ =	shalt  }
0x42: {  	_ =	shalt  }
0x43: {  	_ =	shalt  }
0x44: {  	_ =	shalt  }
0x45: {  	_ =	shalt  }
0x46: {  	_ =	shalt  }
0x47: {  	_ =	shalt  }
0x48: {  	_ =	shalt  }
0x49: {  	_ =	shalt  }
0x4a: {  	_ =	shalt  }
0x4b: {  	_ =	shalt  }
0x4c: {  	_ =	shalt  }
0x4d: {  	_ =	shalt  }
0x4e: {  	_ =	shalt  }
0x4f: {  	_ =	shalt  }
0x50: {  	_ =	shalt  }
0x51: {  	_ =	shalt  }
0x52: {  	_ =	shalt  }
0x53: {  	_ =	shalt  }
0x54: {  	_ =	shalt  }
0x55: {  	_ =	shalt  }
0x56: {  	_ =	shalt  }
0x57: {  	_ =	shalt  }
0x58: {  	_ =	shalt  }
0x59: {  	_ =	shalt  }
0x5a: {  	_ =	shalt  }
0x5b: {  	_ =	shalt  }
0x5c: {  	_ =	shalt  }
0x5d: {  	_ =	shalt  }
0x5e: {  	_ =	shalt  }
0x5f: {  	_ =	shalt  }
0x60: {  	_ =	shalt  }
0x61: {  	_ =	shalt  }
0x62: {  	_ =	shalt  }
0x63: {  	_ =	shalt  }
0x64: {  	_ =	shalt  }
0x65: {  	_ =	shalt  }
0x66: {  	_ =	shalt  }
0x67: {  	_ =	shalt  }
0x68: {  	_ =	shalt  }
0x69: {  	_ =	shalt  }
0x6a: {  	_ =	shalt  }
0x6b: {  	_ =	shalt  }
0x6c: {  	_ =	shalt  }
0x6d: {  	_ =	shalt  }
0x6e: {  	_ =	shalt  }
0x6f: {  	_ =	shalt  }
0x70: {  	_ =	shalt  }
0x71: {  	_ =	shalt  }
0x72: {  	_ =	shalt  }
0x73: {  	_ =	shalt  }
0x74: {  	_ =	shalt  }
0x75: {  	_ =	shalt  }
0x76: {  	_ =	shalt  }
0x77: {  	_ =	shalt  }
0x78: {  	_ =	shalt  }
0x79: {  	_ =	shalt  }
0x7a: {  	_ =	shalt  }
0x7b: {  	_ =	shalt  }
0x7c: {  	_ =	shalt  }
0x7d: {  	_ =	shalt  }
0x7e: {  	_ =	shalt  }
0x7f: {  	_ =	shalt  }
0x80: {  	_ =	shalt  }
0x81: {  	_ =	shalt  }
0x82: {  	_ =	shalt  }
0x83: {  	_ =	shalt  }
0x84: {  	_ =	shalt  }
0x85: {  	_ =	shalt  }
0x86: {  	_ =	shalt  }
0x87: {  	_ =	shalt  }
.Lfunc_end0:
.L_simem_size_0:
called_computation.5_lowered:
.L_overlay_start_0:
0x88: {  	s2 =	sld [smem:$0x3FD9]  }
0x89: {  	s3 =	sld [smem:$0x3FFE];
	_ =	sdelay $0x1  }
0x8a: {  	s1 =	srdreg.scid  }
0x8b: {  	s0 =	sand.u32 $0x1, s1  }
0x8c: {  	s16 =	sshll.u32 s0, $0xA;
	s2 =	sadd.s32 s3, s2  }
0x8d: {  	s2 =	sadd.s32 s2, s16  }
0x8e: {  	[smem:$0x3FB9] =	sst s2  }
0x8f: {  	_ = 	snop  }
0x90: {  	(tm) =	ssettm $0x1  }
0x91: {  	s17 =	sld [smem:$0x3FFB];
	_ =	sdelay $0x3  }
0x92: {  	_ =	strace s17  }
0x93: {  	s2 =	sld [smem:$0x3FFC];
	_ =	sdelay $0x3  }
0x94: {  	_ =	strace s2  }
0x95: {  	s2 =	sld [smem:$0x3FFD];
	_ =	sdelay $0x3  }
0x96: {  	_ =	strace s2  }
0x97: {  	_ =	strace $0x8FFFFFFF  }
0x98: {  	s18 =	sld [smem:$0x3FDB];
	_ =	sdelay $0x1  }
0x99: {  	s19 =	simm.s32 $_scs_section_size  }
0x9a: {  	s4 =	simm.s32 $_size__tile_overlayer_lowered;
	s5 =	simm.s32 $_tile_overlayer_lowered  }
0x9b: {  	s22 =	simm.s32 $0x1BFF;
	s21 =	sshll.u32 s5, $0x1;
	s2 =	sadd.s32 s19, s18  }
0x9c: {  	s6 =	simm.s32 $0x0;
	s20 =	sshll.u32 s4, $0x1;
	s4 =	sadd.s32 s21, s2  }
0x9d: {  	[timem:s6], [sflag:s22] =	dma.local [hbm:s4], s20  }
0x9e: {  	_ =	swait.ge [sflag:s22], s20  }
0x9f: {  	s3 =	ssub.s32 $0x0, s20;
	[sflag:s22] =	ssyncset.done $0x0  }
0xa0: {  	[sflag:s22] =	ssyncadd.s32 s3;
	_ =	sdelay $0x1  }
0xa1: {  	s23 =	simm.s32 $0x1B8B  }
0xa2: {  	_ =	swait.ge [sflag:s23], $0x1  }
0xa3: {  	[sflag:s23] =	ssyncset.done $0x0  }
0xa4: {  	s25 =	simm.s32 $0x1B8E;
	s24 =	sld [smem:$0x3FFE];
	[sflag:s23] =	ssyncadd.s32 $0xFFFFFFFF  }
0xa5: {  	s26 =	simm.s32 $execute0_lowered;
	[smem:$0x3FD2] =	sst s25  }
0xa6: {  	s4 =	sshll.u32 s26, $0x1;
	_ =	strace $0x80000052;
	[dreg:$0x1] =	wrdreg $0xFFFFFFFF  }
0xa7: {  	s28 =	simm.s32 $_size_execute0_lowered;
	s2 =	sadd.s32 s2, s4;
	[dreg:$0x0] =	wrdreg $0x0  }
0xa8: {  	s4 =	sshll.u32 s28, $0x1;
	[dreg:$0x2] =	wrdreg s2  }
0xa9: {  	[dreg:$0x3] =	wrdreg s4  }
0xaa: {  	[dreg:$0x4] =	wrdreg $0xC0  }
0xab: {  	_ =	task [dreg:s6], $0x5FFFF  }
0xac: {  	[dreg:$0x1] =	wrdreg $0xFFFFFFFF  }
0xad: {  	[dreg:$0x0] =	wrdreg $0x60  }
0xae: {  	[dreg:$0x2] =	wrdreg s24  }
0xaf: {  	[dreg:$0x3] =	wrdreg $0x90000  }
0xb0: {  	[dreg:$0x4] =	wrdreg $0x9  }
0xb1: {  	_ =	task.clear_ibuf [dreg:s6], $0x5FFFF;
	_ =	strace $0x90000052  }
0xb2: {  	s29 =	simm.s32 $0x9;
	_ =	strace $0x80000054  }
0xb3: {  	_ =	swait.ge [sflag:s29], $0x1  }
0xb4: {  	[sflag:s29] =	ssyncadd.s32 $0xFFFFFFFF  }
0xb5: {  	_ =	strace $0x90000054  }
0xb6: {  	_ =	sfence  }
0xb7: {  	s30 =	sld [smem:$0x0];
	_ =	sdelay $0x2  }
0xb8: {  	s31 =	sshll.u32 s1, $0xD;
	s1 =	sshrl.u32 s1, $0x2  }
0xb9: {  	s3 =	sand.u32 $0x4000, s31;
	s1 =	sadd.s32 s1, s30  }
0xba: {  	s0 =	sor.u32 s3, s0;
	s1 =	sshll.u32 s1, $0x11  }
0xbb: {  	s0 =	sor.u32 s1, s0  }
0xbc: {  	s0 =	sadd.s32 $0x8F2B, s0  }
0xbd: {  	[sflag:s0] =	ssyncadd.remote.s32 $0x1  }
0xbe: {  	_ =	sfence.sel $0xFFFF  }
0xbf: {  	[dreg:$0x0] =	wrdreg $0xFFFFFFFF;
	(pc) =	sbr.abs _section_cstart, $3  }
0xc0: {  	[dreg:$0x1] =	wrdreg $0xFFFFFFFF  }
0xc1: {  	_ =	task.clear_ibuf [dreg:s6], $0x2FFFF;
	_ =	strace $0x9FFFFFFF  }
0xc2: {  	(tm) =	ssettm $0x7FFFFFFF  }
0xc3: {  	_ =	shalt  }
tec
execute0_lowered:
.L_overlay_start_1:
0x0: {  	(tag) =	ssettag $0x1  }
0x1: {  	s7 =	rddreg [dreg:$0x0];
	s1 =	srdreg.scid  }
0x2: {  	s0 =	stileid.u32;
	s2 =	rddreg [dreg:$0x1]  }
0x3: {  	s3 =	simm.s32 $0x0;
	s17 =	simm.s32 $0x80;
	s18 =	simm.s32 $0x5000  }
0x4: {  	s19 =	simm.s32 $0x1;
	s20 =	simm.s32 $0x0;
	s4 =	smul.u32 $0xA0, s0  }
0x5: {  	s6 =	sand.u32 $0x1, s1;
	s1 =	rddreg [dreg:$0x2];
	s9 =	smul.u32 $0x13800, s0  }
0x6: {  	[smem:$0x7FF] =	sst s3;
	s8 =	smul.u32 $0x4E000, s0;
	s13 =	sadd.s32 $0x8EE00, s7  }
0x7: {  	s29 =	sshll.u32 s0, $0x6;
	s15 =	sadd.s32 $0x138000, s2;
	p0 =	sne.s32 s0, $0xF  }
0x8: {  	s5 =	smul.u32 $0x50, s6;
	_ =	strace $0x80000053;
	s11 =	ssub.s32 $0x2, s6  }
0x9: {  	s30 =	smul.u32 $0x138800, s6;
	s6 =	sor.u32 $0x1C02, s29;
	s15 =	sshrl.u32 @!p0 s15, $0x3  }
0xa: {  	s28 =	sshrl.u32 s9, $0x3;
	s12 =	sshrl.u32 s11, $0x1;
	s8 =	sshrl.u32 s8, $0x2  }
0xb: {  	s5 =	sadd.s32 s5, s4;
	s4 =	sadd.s32 $0x67C00, s7;
	s12 =	ssub.s32 s11, s12  }
0xc: {  	s14 =	sadd.s32 s8, s2;
	s16 =	sadd.s32 s9, s30;
	s11 =	sshrl.u32 s30, $0x3  }
0xd: {  	s5 =	sshll.u32 s5, $0x4;
	s31 =	sshrl.u32 s16, $0x3;
	s11 =	sadd.s32 s13, s11  }
0xe: {  	s12 =	smax.u32 s12, $0x1;
	s16 =	simm.s32 $0x2800;
	s10 =	sadd.s32 s5, s7  }
0xf: {  	s5 =	sadd.s32 s28, s7;
	s7 =	sadd.s32 $0x40800, s7;
	s11 =	sadd.s32 $0x27000, s11  }
0x10: {  	s5 =	sadd.s32 $0x19800, s5;
	s8 =	sadd.s32 $0x5800, s10;
	s9 =	sadd.s32 $0xF800, s10  }
0x11: {  	s10 =	sadd.s32 s13, s31;
	s13 =	sshrl.u32 s14, $0x3;
	s14 =	simm.s32 $0x2  }
.LBB2_1:
0x12: {  	[spmem:s13], [sflag:s6] =	dma.local [hbm:s5], $0x2700  }
0x13: {  	_ =	swait.ge [sflag:s14], $0x2700  }
0x14: {  	[sflag:s14] =	ssyncset.done $0x0  }
0x15: {  	s21 =	simm.s32 @!p0 $0x2;
	[sflag:s14] =	ssyncadd.s32 $0xFFFFD900  }
0x16: {  	[spmem:s15], [sflag:s6] =	dma.local @!p0 [hbm:s7], $0x100  }
0x17: {  	_ =	swait.ge @!p0 [sflag:s21], $0x100  }
0x18: {  	[sflag:s21] =	ssyncset.done @!p0 $0x0  }
0x19: {  	[sflag:s21] =	ssyncadd.s32 @!p0 $0xFFFFFF00  }
0x1a: {  	[bflag:$0x0] =	sbarrier.arrive $0xFFFF  }
0x1b: {  	[tilespmem:s3], [sflag:$0x2] =	stream.linear.gather [hbm4b:s8+s3], $0x2800, $0x38;
	[tilespmem:$0x1C8C0] =	vst v63  }
0x1c: {  	_ =	swait.ge [sflag:s14], $0x2800  }
0x1d: {  	[sflag:s14] =	ssyncset.done $0x0  }
0x1e: {  	[sflag:s14] =	ssyncadd.s32 $0xFFFFD800  }
0x1f: {  	[tilespmem:s16], [sflag:$0x2] =	stream.linear.gather [hbm4b:s9+s3], $0x2800, $0x38;
	[tilespmem:$0x1C8C0] =	vst v63  }
0x20: {  	_ =	swait.ge [sflag:s14], $0x2800  }
0x21: {  	[sflag:s14] =	ssyncset.done $0x0  }
0x22: {  	s30 =	simm.s32 $0x0;
	[sflag:s14] =	ssyncadd.s32 $0xFFFFD800  }
0x23: {  	[tilespmem:s18], [sflag:$0x1] =	stream.indirect.gather [hbm4b:s4+s17], $0x80, s30, s17, $0xb8;
	[tilespmem:$0x1C8C0] =	vst v63  }
0x24: {  	_ =	swait.ge [sflag:s19], $0x4000  }
0x25: {  	[sflag:s19] =	ssyncset.done $0x0  }
0x26: {  	s31 =	simm.s32 $0x2800;
	[sflag:s19] =	ssyncadd.s32 $0xFFFFC000  }
0x27: {  	[spmem:s2] =	stream.indirect.scatter.add.f32 [tilespmem:s18], [sflag:$0x2], $0x80, s31, s17, $0xb8;
	[tilespmem:$0x1C8C0] =	vst v63  }
0x28: {  	_ =	swait.ge [sflag:s14], $0x4000  }
0x29: {  	s22 =	simm.s32 $0x400;
	s21 =	simm.s32 $0x200;
	[sflag:s14] =	ssyncset.done $0x0  }
.LBB2_2:
0x2a: {  	s23 =	sshra.s32 s21, $0x2  }
0x2b: {  	[sflag:s14] =	ssyncadd.s32 $0xFFFFC000;
	s21 =	smov.u32 s22;
	s24 =	sadd.s32 $0x200, s22  }
0x2c: {  	[tilespmem:s18], [sflag:$0x1] =	stream.indirect.gather [hbm4b:s4+s17], $0x80, s23, s17, $0xb8;
	[tilespmem:$0x1C8C0] =	vst v63  }
0x2d: {  	p1 =	sne.s32 s22, $0x9E00;
	_ =	swait.ge [sflag:s19], $0x4000  }
.Ltmp0:
0x2e: {  	[sflag:s19] =	ssyncset.done $0x0;
	(pc) =	sbr.rel @p1 .LBB2_2-.Ltmp0, $4  }
0x2f: {  	s22 =	sadd.s32 $0x2800, s23;
	[sflag:s19] =	ssyncadd.s32 $0xFFFFC000  }
0x30: {  	[spmem:s2] =	stream.indirect.scatter.add.f32 [tilespmem:s18], [sflag:$0x2], $0x80, s22, s17, $0xb8;
	[tilespmem:$0x1C8C0] =	vst v63  }
0x31: {  	_ =	swait.ge [sflag:s14], $0x4000  }
0x32: {  	s22 =	smov.u32 s24;
	[sflag:s14] =	ssyncset.done $0x0  }
0x33: {  	s21 =	sshra.s32 s21, $0x2;
	[sflag:s14] =	ssyncadd.s32 $0xFFFFC000  }
0x34: {  	[tilespmem:s18], [sflag:$0x1] =	stream.indirect.gather [hbm4b:s4+s17], $0x80, s21, s17, $0xb8;
	[tilespmem:$0x1C8C0] =	vst v63  }
0x35: {  	_ =	swait.ge [sflag:s19], $0x4000  }
0x36: {  	[sflag:s19] =	ssyncset.done $0x0  }
0x37: {  	s21 =	sadd.s32 $0x2800, s21;
	[sflag:s19] =	ssyncadd.s32 $0xFFFFC000  }
0x38: {  	[spmem:s2] =	stream.indirect.scatter.add.f32 [tilespmem:s18], [sflag:$0x2], $0x80, s21, s17, $0xb8;
	[tilespmem:$0x1C8C0] =	vst v63  }
0x39: {  	_ =	swait.ge [sflag:s14], $0x4000  }
0x3a: {  	[sflag:s14] =	ssyncset.done $0x0  }
0x3b: {  	[sflag:s14] =	ssyncadd.s32 $0xFFFFC000  }
0x3c: {  	[bflag:$0x0] =	sbarrier.arrive $0xFFFF  }
0x3d: {  	[hbm:s10], [sflag:s6] =	dma.local [spmem:s13], $0x2700  }
0x3e: {  	s20 =	sadd.s32 $0x1, s20;
	_ =	swait.ge [sflag:s14], $0x2700  }
0x3f: {  	p1 =	sne.s32 s20, s12;
	[sflag:s14] =	ssyncset.done $0x0  }
.Ltmp1:
0x40: {  	s21 =	simm.s32 @!p0 $0x2;
	[sflag:s14] =	ssyncadd.s32 $0xFFFFD900;
	(pc) =	sbr.rel @p1 .LBB2_1-.Ltmp1, $4  }
0x41: {  	[hbm:s11], [sflag:s6] =	dma.local @!p0 [spmem:s15], $0x100  }
0x42: {  	_ =	swait.ge @!p0 [sflag:s21], $0x100  }
0x43: {  	[sflag:s21] =	ssyncset.done @!p0 $0x0  }
0x44: {  	[sflag:s21] =	ssyncadd.s32 @!p0 $0xFFFFFF00  }
0x45: {  	_ =	sfence.sel $0x180000  }
0x46: {  	[bflag:$0x0] =	sbarrier.arrive $0xFFFF  }
0x47: {  	p0 =	sne.s32 s0, $0x0;
	_ =	strace $0x90000053  }
0x48: {  	s0 =	sadd.s32 @!p0 $0x100000, s1;
	[bflag:$0x2] =	sbarrier.arrive $0xFFFF  }
0x49: {  	[sflag:s0] =	ssyncadd.tile.s32 @!p0 $0x1;
	_ =	shalt  }
.Lfunc_end2:
_tile_overlayer_lowered:
.L_overlay_start_2:
0x4a: {  	(tag) =	ssettag $0x2  }
0x4b: {  	s0 =	rddreg [dreg:$0x0];
	s2 =	stileid.u32  }
0x4c: {  	s1 =	rddreg [dreg:$0x1];
	p0 =	sne.s32 s2, $0x0  }
0x4d: {  	s3 =	rddreg [dreg:$0x2];
	[bflag:$0x3] =	sbarrier.arrive $0xFFFF;
	s2 =	simm.s32 @!p0 $0x1C02  }
0x4e: {  	[timem:s3], [sflag:s2] =	dma.local @!p0 [hbm:s0], s1  }
0x4f: {  	s0 =	simm.s32 @!p0 $0x2  }
0x50: {  	_ =	swait.ge @!p0 [sflag:s0], s1  }
0x51: {  	s1 =	ssub.s32 @!p0 $0x0, s1;
	[sflag:s0] =	ssyncset.done @!p0 $0x0  }
0x52: {  	[sflag:s0] =	ssyncadd.s32 @!p0 s1  }
0x53: {  	[bflag:$0x3] =	sbarrier.arrive $0xFFFF  }
0x54: {  	_ =	shalt  }

// kernel: kernel.36.cloned.1.call-start
scs
__scs_entry_jumppad:
0x0: {  	(pc) =	sbr.rel $0x88, $3  }
0x1: {  	(tag) =	ssettag $0x0;
	lr =	simm.s32 $0x1  }
0x2: {  	[smem:$0x3F92] =	sst lr;
	_ =	strace $0xD0000000  }
0x3: {  	_ = 	snop  }
0x4: {  	_ = 	snop  }
0x5: {  	_ = 	snop  }
0x6: {  	_ = 	snop  }
0x7: {  	_ = 	snop  }
__scs_overlays_trampoline_lowered:
0x8: {  	[smem:$0x3FA1] =	sst s0  }
0x9: {  	[smem:$0x3FA2] =	sst s1  }
0xa: {  	[smem:$0x3FA3] =	sst s2  }
0xb: {  	[smem:$0x3FA4] =	sst s3  }
0xc: {  	[smem:$0x3FA5] =	sst s4  }
0xd: {  	[smem:$0x3FA6] =	sst s5  }
0xe: {  	[smem:$0x3FA7] =	sst s6  }
0xf: {  	[smem:$0x3FA8] =	sst s7  }
0x10: {  	[smem:$0x3FA9] =	sst s8  }
0x11: {  	[smem:$0x3FAA] =	sst s9;
	s0 =	simm.s32 @!p0 $0x0  }
0x12: {  	s1 =	sld [smem:$0x3F90];
	s0 =	simm.s32 @p0 $0x1  }
0x13: {  	[smem:$0x3FAB] =	sst s0;
	s0 =	simm.s32 @!p1 $0x0  }
0x14: {  	s2 =	sld [smem:$0x3F8F];
	s0 =	simm.s32 @p1 $0x1  }
0x15: {  	[smem:$0x3FAC] =	sst s0;
	s0 =	simm.s32 @!p2 $0x0  }
0x16: {  	s3 =	sld [smem:$0x3FDB];
	s0 =	simm.s32 @p2 $0x1  }
0x17: {  	s4 =	simm.s32 $0x1BF5;
	[smem:$0x3FAE] =	sst s0  }
0x18: {  	s0 =	sld [smem:$0x3F91];
	_ =	swait.ge [sflag:s4], $0x0  }
0x19: {  	s7 =	sld [smem:$0x3F92]  }
0x1a: {  	s8 =	sadd.s32 $0xFFFFE003, lr  }
0x1b: {  	s9 =	sadd.s32 $0xFFFFFEF7, lr;
	s5 =	simm.s32 $0xFFFFFFFF;
	p2 =	slt.u32 s8, $0xFFFFF086  }
0x1c: {  	p1 =	slt.u32 s9, $0xF7A;
	s5 =	simm.s32 @!p2 $0x0  }
0x1d: {  	s5 =	simm.s32 @p1 $0x1;
	p0 =	seq.s32 s7, s2  }
0x1e: {  	s7 =	smul.u32 @!p0 $0xF7A, s2;
	p2 =	seq.s32 @!p0 s5, $0x0  }
0x1f: {  	s9 =	smul.u32 $0xF7A, s1;
	s8 =	simm.s32 @!p0 $0x1BF5;
	p2 =	por !p2, p0  }
0x20: {  	[sflag:s8] =	ssyncset.s32 @!p0 $0xFFFFF086;
	s6 =	sadd.s32 @!p0 s3, s7;
	s7 =	simm.s32 @!p0 $0x108  }
0x21: {  	s3 =	sadd.s32 s3, s9;
	s6 =	sadd.s32 @!p0 $0x88, s6;
	s7 =	simm.s32 @p2 $0x1082  }
0x22: {  	[simem:s7], [sflag:s8] =	dma.local @!p0 [hbm:s6], $0xF7A  }
0x23: {  	s9 =	sor.u32 $0xD0000000, s2;
	s6 =	simm.s32 $0x108;
	_ =	swait.ge @!p0 [sflag:s8], $0x0  }
0x24: {  	s3 =	sadd.s32 $0x88, s3;
	s6 =	simm.s32 @!p1 $0x1082;
	[sflag:s4] =	ssyncset.s32 $0xFFFFF086  }
0x25: {  	[simem:s6], [sflag:s4] =	dma.local [hbm:s3], $0xF7A  }
0x26: {  	[smem:$0x3F92] =	sst s1;
	(tag) =	ssettag s2;
	_ =	strace s9  }
0x27: {  	s1 =	sld [smem:$0x3FA2]  }
0x28: {  	s2 =	sld [smem:$0x3FA3]  }
0x29: {  	s4 =	sld [smem:$0x3FA5]  }
0x2a: {  	p0 =	seq.s32 s5, $0x0;
	s5 =	sld [smem:$0x3FA6]  }
0x2b: {  	s6 =	sld [smem:$0x3FA7]  }
0x2c: {  	s7 =	sld [smem:$0x3FA8]  }
0x2d: {  	s3 =	simm.s32 $0x108;
	s8 =	sld [smem:$0x3FA9]  }
0x2e: {  	s3 =	simm.s32 @!p0 $0x1082;
	s9 =	sld [smem:$0x3FAA]  }
0x2f: {  	lr =	sadd.s32 s0, s3;
	s0 =	sld [smem:$0x3FA1]  }
0x30: {  	s3 =	sld [smem:$0x3FA4]  }
0x31: {  	[smem:$0x3FAD] =	sst s10  }
0x32: {  	s10 =	sld [smem:$0x3FAB];
	_ =	sdelay $0x3  }
0x33: {  	p0 =	seq.s32 s10, $0x1;
	s10 =	sld [smem:$0x3FAD];
	_ =	sdelay $0x3  }
0x34: {  	[smem:$0x3FAD] =	sst s10  }
0x35: {  	s10 =	sld [smem:$0x3FAC];
	_ =	sdelay $0x3  }
0x36: {  	p1 =	seq.s32 s10, $0x1;
	s10 =	sld [smem:$0x3FAD];
	_ =	sdelay $0x3  }
0x37: {  	[smem:$0x3FAD] =	sst s10  }
0x38: {  	s10 =	sld [smem:$0x3FAE]  }
0x39: {  	_ = 	snop;
	(pc) =	sbr.ind lr, $3  }
0x3a: {  	_ = 	snop  }
0x3b: {  	_ = 	snop  }
0x3c: {  	p2 =	seq.s32 s10, $0x1;
	s10 =	sld [smem:$0x3FAD]  }
0x3d: {  	_ =	shalt  }
0x3e: {  	_ =	shalt  }
0x3f: {  	_ =	shalt  }
0x40: {  	_ =	shalt  }
0x41: {  	_ =	shalt  }
0x42: {  	_ =	shalt  }
0x43: {  	_ =	shalt  }
0x44: {  	_ =	shalt  }
0x45: {  	_ =	shalt  }
0x46: {  	_ =	shalt  }
0x47: {  	_ =	shalt  }
0x48: {  	_ =	shalt  }
0x49: {  	_ =	shalt  }
0x4a: {  	_ =	shalt  }
0x4b: {  	_ =	shalt  }
0x4c: {  	_ =	shalt  }
0x4d: {  	_ =	shalt  }
0x4e: {  	_ =	shalt  }
0x4f: {  	_ =	shalt  }
0x50: {  	_ =	shalt  }
0x51: {  	_ =	shalt  }
0x52: {  	_ =	shalt  }
0x53: {  	_ =	shalt  }
0x54: {  	_ =	shalt  }
0x55: {  	_ =	shalt  }
0x56: {  	_ =	shalt  }
0x57: {  	_ =	shalt  }
0x58: {  	_ =	shalt  }
0x59: {  	_ =	shalt  }
0x5a: {  	_ =	shalt  }
0x5b: {  	_ =	shalt  }
0x5c: {  	_ =	shalt  }
0x5d: {  	_ =	shalt  }
0x5e: {  	_ =	shalt  }
0x5f: {  	_ =	shalt  }
0x60: {  	_ =	shalt  }
0x61: {  	_ =	shalt  }
0x62: {  	_ =	shalt  }
0x63: {  	_ =	shalt  }
0x64: {  	_ =	shalt  }
0x65: {  	_ =	shalt  }
0x66: {  	_ =	shalt  }
0x67: {  	_ =	shalt  }
0x68: {  	_ =	shalt  }
0x69: {  	_ =	shalt  }
0x6a: {  	_ =	shalt  }
0x6b: {  	_ =	shalt  }
0x6c: {  	_ =	shalt  }
0x6d: {  	_ =	shalt  }
0x6e: {  	_ =	shalt  }
0x6f: {  	_ =	shalt  }
0x70: {  	_ =	shalt  }
0x71: {  	_ =	shalt  }
0x72: {  	_ =	shalt  }
0x73: {  	_ =	shalt  }
0x74: {  	_ =	shalt  }
0x75: {  	_ =	shalt  }
0x76: {  	_ =	shalt  }
0x77: {  	_ =	shalt  }
0x78: {  	_ =	shalt  }
0x79: {  	_ =	shalt  }
0x7a: {  	_ =	shalt  }
0x7b: {  	_ =	shalt  }
0x7c: {  	_ =	shalt  }
0x7d: {  	_ =	shalt  }
0x7e: {  	_ =	shalt  }
0x7f: {  	_ =	shalt  }
0x80: {  	_ =	shalt  }
0x81: {  	_ =	shalt  }
0x82: {  	_ =	shalt  }
0x83: {  	_ =	shalt  }
0x84: {  	_ =	shalt  }
0x85: {  	_ =	shalt  }
0x86: {  	_ =	shalt  }
0x87: {  	_ =	shalt  }
.Lfunc_end0:
.L_simem_size_0:
called_computation.6_lowered:
.L_overlay_start_0:
0x88: {  	s2 =	sld [smem:$0x3FD9]  }
0x89: {  	s3 =	sld [smem:$0x3FFE];
	_ =	sdelay $0x1  }
0x8a: {  	s1 =	srdreg.scid  }
0x8b: {  	s0 =	sand.u32 $0x1, s1  }
0x8c: {  	s16 =	sshll.u32 s0, $0xA;
	s2 =	sadd.s32 s3, s2  }
0x8d: {  	s2 =	sadd.s32 s2, s16  }
0x8e: {  	[smem:$0x3FB9] =	sst s2  }
0x8f: {  	_ = 	snop  }
0x90: {  	(tm) =	ssettm $0x1  }
0x91: {  	s17 =	sld [smem:$0x3FFB];
	_ =	sdelay $0x3  }
0x92: {  	_ =	strace s17  }
0x93: {  	s2 =	sld [smem:$0x3FFC];
	_ =	sdelay $0x3  }
0x94: {  	_ =	strace s2  }
0x95: {  	s2 =	sld [smem:$0x3FFD];
	_ =	sdelay $0x3  }
0x96: {  	_ =	strace s2  }
0x97: {  	_ =	strace $0x8FFFFFFF  }
0x98: {  	s18 =	sld [smem:$0x3FDB];
	_ =	sdelay $0x1  }
0x99: {  	s19 =	simm.s32 $_scs_section_size  }
0x9a: {  	s4 =	simm.s32 $_size__tile_overlayer_lowered;
	s5 =	simm.s32 $_tile_overlayer_lowered  }
0x9b: {  	s22 =	simm.s32 $0x1BFF;
	s21 =	sshll.u32 s5, $0x1;
	s2 =	sadd.s32 s19, s18  }
0x9c: {  	s6 =	simm.s32 $0x0;
	s20 =	sshll.u32 s4, $0x1;
	s4 =	sadd.s32 s21, s2  }
0x9d: {  	[timem:s6], [sflag:s22] =	dma.local [hbm:s4], s20  }
0x9e: {  	_ =	swait.ge [sflag:s22], s20  }
0x9f: {  	s3 =	ssub.s32 $0x0, s20;
	[sflag:s22] =	ssyncset.done $0x0  }
0xa0: {  	[sflag:s22] =	ssyncadd.s32 s3;
	_ =	sdelay $0x1  }
0xa1: {  	s23 =	simm.s32 $0x1B8B  }
0xa2: {  	_ =	swait.ge [sflag:s23], $0x1  }
0xa3: {  	[sflag:s23] =	ssyncset.done $0x0  }
0xa4: {  	s25 =	simm.s32 $0x1B8E;
	s24 =	sld [smem:$0x3FFE];
	[sflag:s23] =	ssyncadd.s32 $0xFFFFFFFF  }
0xa5: {  	s26 =	simm.s32 $execute0_lowered;
	[smem:$0x3FD2] =	sst s25  }
0xa6: {  	s4 =	sshll.u32 s26, $0x1;
	_ =	strace $0x80000055;
	[dreg:$0x1] =	wrdreg $0xFFFFFFFF  }
0xa7: {  	s28 =	simm.s32 $_size_execute0_lowered;
	s2 =	sadd.s32 s2, s4;
	[dreg:$0x0] =	wrdreg $0x0  }
0xa8: {  	s4 =	sshll.u32 s28, $0x1;
	[dreg:$0x2] =	wrdreg s2  }
0xa9: {  	[dreg:$0x3] =	wrdreg s4  }
0xaa: {  	[dreg:$0x4] =	wrdreg $0xC0  }
0xab: {  	_ =	task [dreg:s6], $0x5FFFF  }
0xac: {  	[dreg:$0x1] =	wrdreg $0xFFFFFFFF  }
0xad: {  	[dreg:$0x0] =	wrdreg $0x60  }
0xae: {  	[dreg:$0x2] =	wrdreg s24  }
0xaf: {  	[dreg:$0x3] =	wrdreg $0x90000  }
0xb0: {  	[dreg:$0x4] =	wrdreg $0xA  }
0xb1: {  	_ =	task.clear_ibuf [dreg:s6], $0x5FFFF;
	_ =	strace $0x90000055  }
0xb2: {  	s29 =	simm.s32 $0xA;
	_ =	strace $0x80000057  }
0xb3: {  	_ =	swait.ge [sflag:s29], $0x1  }
0xb4: {  	[sflag:s29] =	ssyncadd.s32 $0xFFFFFFFF  }
0xb5: {  	_ =	strace $0x90000057  }
0xb6: {  	_ =	sfence  }
0xb7: {  	s30 =	sld [smem:$0x0];
	_ =	sdelay $0x2  }
0xb8: {  	s31 =	sshll.u32 s1, $0xD;
	s1 =	sshrl.u32 s1, $0x2  }
0xb9: {  	s3 =	sand.u32 $0x4000, s31;
	s1 =	sadd.s32 s1, s30  }
0xba: {  	s0 =	sor.u32 s3, s0;
	s1 =	sshll.u32 s1, $0x11  }
0xbb: {  	s0 =	sor.u32 s1, s0  }
0xbc: {  	s0 =	sadd.s32 $0x8F2B, s0  }
0xbd: {  	[sflag:s0] =	ssyncadd.remote.s32 $0x1  }
0xbe: {  	_ =	sfence.sel $0xFFFF  }
0xbf: {  	[dreg:$0x0] =	wrdreg $0xFFFFFFFF;
	(pc) =	sbr.abs _section_cstart, $3  }
0xc0: {  	[dreg:$0x1] =	wrdreg $0xFFFFFFFF  }
0xc1: {  	_ =	task.clear_ibuf [dreg:s6], $0x2FFFF;
	_ =	strace $0x9FFFFFFF  }
0xc2: {  	(tm) =	ssettm $0x7FFFFFFF  }
0xc3: {  	_ =	shalt  }
tec
execute0_lowered:
.L_overlay_start_1:
0x0: {  	(tag) =	ssettag $0x1  }
0x1: {  	s7 =	rddreg [dreg:$0x0];
	s1 =	srdreg.scid  }
0x2: {  	s0 =	stileid.u32;
	s2 =	rddreg [dreg:$0x1]  }
0x3: {  	s3 =	simm.s32 $0x0;
	s17 =	simm.s32 $0x80;
	s18 =	simm.s32 $0x5000  }
0x4: {  	s19 =	simm.s32 $0x1;
	s20 =	simm.s32 $0x0;
	s4 =	smul.u32 $0xA0, s0  }
0x5: {  	s6 =	sand.u32 $0x1, s1;
	s1 =	rddreg [dreg:$0x2];
	s9 =	smul.u32 $0x13800, s0  }
0x6: {  	[smem:$0x7FF] =	sst s3;
	s8 =	smul.u32 $0x4E000, s0;
	s13 =	sadd.s32 $0x8EE00, s7  }
0x7: {  	s29 =	sshll.u32 s0, $0x6;
	s15 =	sadd.s32 $0x138000, s2;
	p0 =	sne.s32 s0, $0xF  }
0x8: {  	s5 =	smul.u32 $0x50, s6;
	_ =	strace $0x80000056;
	s11 =	ssub.s32 $0x2, s6  }
0x9: {  	s30 =	smul.u32 $0x138800, s6;
	s6 =	sor.u32 $0x1C02, s29;
	s15 =	sshrl.u32 @!p0 s15, $0x3  }
0xa: {  	s28 =	sshrl.u32 s9, $0x3;
	s12 =	sshrl.u32 s11, $0x1;
	s8 =	sshrl.u32 s8, $0x2  }
0xb: {  	s5 =	sadd.s32 s5, s4;
	s4 =	sadd.s32 $0x67C00, s7;
	s12 =	ssub.s32 s11, s12  }
0xc: {  	s14 =	sadd.s32 s8, s2;
	s16 =	sadd.s32 s9, s30;
	s11 =	sshrl.u32 s30, $0x3  }
0xd: {  	s5 =	sshll.u32 s5, $0x4;
	s31 =	sshrl.u32 s16, $0x3;
	s11 =	sadd.s32 s13, s11  }
0xe: {  	s12 =	smax.u32 s12, $0x1;
	s16 =	simm.s32 $0x2800;
	s10 =	sadd.s32 s5, s7  }
0xf: {  	s5 =	sadd.s32 s28, s7;
	s7 =	sadd.s32 $0x40800, s7;
	s11 =	sadd.s32 $0x27000, s11  }
0x10: {  	s5 =	sadd.s32 $0x19800, s5;
	s8 =	sadd.s32 $0x5800, s10;
	s9 =	sadd.s32 $0xF800, s10  }
0x11: {  	s10 =	sadd.s32 s13, s31;
	s13 =	sshrl.u32 s14, $0x3;
	s14 =	simm.s32 $0x2  }
.LBB2_1:
0x12: {  	[spmem:s13], [sflag:s6] =	dma.local [hbm:s5], $0x2700  }
0x13: {  	_ =	swait.ge [sflag:s14], $0x2700  }
0x14: {  	[sflag:s14] =	ssyncset.done $0x0  }
0x15: {  	s21 =	simm.s32 @!p0 $0x2;
	[sflag:s14] =	ssyncadd.s32 $0xFFFFD900  }
0x16: {  	[spmem:s15], [sflag:s6] =	dma.local @!p0 [hbm:s7], $0x100  }
0x17: {  	_ =	swait.ge @!p0 [sflag:s21], $0x100  }
0x18: {  	[sflag:s21] =	ssyncset.done @!p0 $0x0  }
0x19: {  	[sflag:s21] =	ssyncadd.s32 @!p0 $0xFFFFFF00  }
0x1a: {  	[bflag:$0x0] =	sbarrier.arrive $0xFFFF  }
0x1b: {  	[tilespmem:s3], [sflag:$0x2] =	stream.linear.gather [hbm4b:s8+s3], $0x2800, $0x38;
	[tilespmem:$0x1C8C0] =	vst v63  }
0x1c: {  	_ =	swait.ge [sflag:s14], $0x2800  }
0x1d: {  	[sflag:s14] =	ssyncset.done $0x0  }
0x1e: {  	[sflag:s14] =	ssyncadd.s32 $0xFFFFD800  }
0x1f: {  	[tilespmem:s16], [sflag:$0x2] =	stream.linear.gather [hbm4b:s9+s3], $0x2800, $0x38;
	[tilespmem:$0x1C8C0] =	vst v63  }
0x20: {  	_ =	swait.ge [sflag:s14], $0x2800  }
0x21: {  	[sflag:s14] =	ssyncset.done $0x0  }
0x22: {  	s30 =	simm.s32 $0x0;
	[sflag:s14] =	ssyncadd.s32 $0xFFFFD800  }
0x23: {  	[tilespmem:s18], [sflag:$0x1] =	stream.indirect.gather [hbm4b:s4+s17], $0x80, s30, s17, $0xb8;
	[tilespmem:$0x1C8C0] =	vst v63  }
0x24: {  	_ =	swait.ge [sflag:s19], $0x4000  }
0x25: {  	[sflag:s19] =	ssyncset.done $0x0  }
0x26: {  	s31 =	simm.s32 $0x2800;
	[sflag:s19] =	ssyncadd.s32 $0xFFFFC000  }
0x27: {  	[spmem:s2] =	stream.indirect.scatter.add.f32 [tilespmem:s18], [sflag:$0x2], $0x80, s31, s17, $0xb8;
	[tilespmem:$0x1C8C0] =	vst v63  }
0x28: {  	_ =	swait.ge [sflag:s14], $0x4000  }
0x29: {  	s22 =	simm.s32 $0x400;
	s21 =	simm.s32 $0x200;
	[sflag:s14] =	ssyncset.done $0x0  }
.LBB2_2:
0x2a: {  	s23 =	sshra.s32 s21, $0x2  }
0x2b: {  	[sflag:s14] =	ssyncadd.s32 $0xFFFFC000;
	s21 =	smov.u32 s22;
	s24 =	sadd.s32 $0x200, s22  }
0x2c: {  	[tilespmem:s18], [sflag:$0x1] =	stream.indirect.gather [hbm4b:s4+s17], $0x80, s23, s17, $0xb8;
	[tilespmem:$0x1C8C0] =	vst v63  }
0x2d: {  	p1 =	sne.s32 s22, $0x9E00;
	_ =	swait.ge [sflag:s19], $0x4000  }
.Ltmp0:
0x2e: {  	[sflag:s19] =	ssyncset.done $0x0;
	(pc) =	sbr.rel @p1 .LBB2_2-.Ltmp0, $4  }
0x2f: {  	s22 =	sadd.s32 $0x2800, s23;
	[sflag:s19] =	ssyncadd.s32 $0xFFFFC000  }
0x30: {  	[spmem:s2] =	stream.indirect.scatter.add.f32 [tilespmem:s18], [sflag:$0x2], $0x80, s22, s17, $0xb8;
	[tilespmem:$0x1C8C0] =	vst v63  }
0x31: {  	_ =	swait.ge [sflag:s14], $0x4000  }
0x32: {  	s22 =	smov.u32 s24;
	[sflag:s14] =	ssyncset.done $0x0  }
0x33: {  	s21 =	sshra.s32 s21, $0x2;
	[sflag:s14] =	ssyncadd.s32 $0xFFFFC000  }
0x34: {  	[tilespmem:s18], [sflag:$0x1] =	stream.indirect.gather [hbm4b:s4+s17], $0x80, s21, s17, $0xb8;
	[tilespmem:$0x1C8C0] =	vst v63  }
0x35: {  	_ =	swait.ge [sflag:s19], $0x4000  }
0x36: {  	[sflag:s19] =	ssyncset.done $0x0  }
0x37: {  	s21 =	sadd.s32 $0x2800, s21;
	[sflag:s19] =	ssyncadd.s32 $0xFFFFC000  }
0x38: {  	[spmem:s2] =	stream.indirect.scatter.add.f32 [tilespmem:s18], [sflag:$0x2], $0x80, s21, s17, $0xb8;
	[tilespmem:$0x1C8C0] =	vst v63  }
0x39: {  	_ =	swait.ge [sflag:s14], $0x4000  }
0x3a: {  	[sflag:s14] =	ssyncset.done $0x0  }
0x3b: {  	[sflag:s14] =	ssyncadd.s32 $0xFFFFC000  }
0x3c: {  	[bflag:$0x0] =	sbarrier.arrive $0xFFFF  }
0x3d: {  	[hbm:s10], [sflag:s6] =	dma.local [spmem:s13], $0x2700  }
0x3e: {  	s20 =	sadd.s32 $0x1, s20;
	_ =	swait.ge [sflag:s14], $0x2700  }
0x3f: {  	p1 =	sne.s32 s20, s12;
	[sflag:s14] =	ssyncset.done $0x0  }
.Ltmp1:
0x40: {  	s21 =	simm.s32 @!p0 $0x2;
	[sflag:s14] =	ssyncadd.s32 $0xFFFFD900;
	(pc) =	sbr.rel @p1 .LBB2_1-.Ltmp1, $4  }
0x41: {  	[hbm:s11], [sflag:s6] =	dma.local @!p0 [spmem:s15], $0x100  }
0x42: {  	_ =	swait.ge @!p0 [sflag:s21], $0x100  }
0x43: {  	[sflag:s21] =	ssyncset.done @!p0 $0x0  }
0x44: {  	[sflag:s21] =	ssyncadd.s32 @!p0 $0xFFFFFF00  }
0x45: {  	_ =	sfence.sel $0x180000  }
0x46: {  	[bflag:$0x0] =	sbarrier.arrive $0xFFFF  }
0x47: {  	p0 =	sne.s32 s0, $0x0;
	_ =	strace $0x90000056  }
0x48: {  	s0 =	sadd.s32 @!p0 $0x100000, s1;
	[bflag:$0x2] =	sbarrier.arrive $0xFFFF  }
0x49: {  	[sflag:s0] =	ssyncadd.tile.s32 @!p0 $0x1;
	_ =	shalt  }
.Lfunc_end2:
_tile_overlayer_lowered:
.L_overlay_start_2:
0x4a: {  	(tag) =	ssettag $0x2  }
0x4b: {  	s0 =	rddreg [dreg:$0x0];
	s2 =	stileid.u32  }
0x4c: {  	s1 =	rddreg [dreg:$0x1];
	p0 =	sne.s32 s2, $0x0  }
0x4d: {  	s3 =	rddreg [dreg:$0x2];
	[bflag:$0x3] =	sbarrier.arrive $0xFFFF;
	s2 =	simm.s32 @!p0 $0x1C02  }
0x4e: {  	[timem:s3], [sflag:s2] =	dma.local @!p0 [hbm:s0], s1  }
0x4f: {  	s0 =	simm.s32 @!p0 $0x2  }
0x50: {  	_ =	swait.ge @!p0 [sflag:s0], s1  }
0x51: {  	s1 =	ssub.s32 @!p0 $0x0, s1;
	[sflag:s0] =	ssyncset.done @!p0 $0x0  }
0x52: {  	[sflag:s0] =	ssyncadd.s32 @!p0 s1  }
0x53: {  	[bflag:$0x3] =	sbarrier.arrive $0xFFFF  }
0x54: {  	_ =	shalt  }

// kernel: kernel.39.cloned.1.call-start
scs
__scs_entry_jumppad:
0x0: {  	(pc) =	sbr.rel $0x88, $3  }
0x1: {  	(tag) =	ssettag $0x0;
	lr =	simm.s32 $0x1  }
0x2: {  	[smem:$0x3F92] =	sst lr;
	_ =	strace $0xD0000000  }
0x3: {  	_ = 	snop  }
0x4: {  	_ = 	snop  }
0x5: {  	_ = 	snop  }
0x6: {  	_ = 	snop  }
0x7: {  	_ = 	snop  }
__scs_overlays_trampoline_lowered:
0x8: {  	[smem:$0x3FA1] =	sst s0  }
0x9: {  	[smem:$0x3FA2] =	sst s1  }
0xa: {  	[smem:$0x3FA3] =	sst s2  }
0xb: {  	[smem:$0x3FA4] =	sst s3  }
0xc: {  	[smem:$0x3FA5] =	sst s4  }
0xd: {  	[smem:$0x3FA6] =	sst s5  }
0xe: {  	[smem:$0x3FA7] =	sst s6  }
0xf: {  	[smem:$0x3FA8] =	sst s7  }
0x10: {  	[smem:$0x3FA9] =	sst s8  }
0x11: {  	[smem:$0x3FAA] =	sst s9;
	s0 =	simm.s32 @!p0 $0x0  }
0x12: {  	s1 =	sld [smem:$0x3F90];
	s0 =	simm.s32 @p0 $0x1  }
0x13: {  	[smem:$0x3FAB] =	sst s0;
	s0 =	simm.s32 @!p1 $0x0  }
0x14: {  	s2 =	sld [smem:$0x3F8F];
	s0 =	simm.s32 @p1 $0x1  }
0x15: {  	[smem:$0x3FAC] =	sst s0;
	s0 =	simm.s32 @!p2 $0x0  }
0x16: {  	s3 =	sld [smem:$0x3FDB];
	s0 =	simm.s32 @p2 $0x1  }
0x17: {  	s4 =	simm.s32 $0x1BF5;
	[smem:$0x3FAE] =	sst s0  }
0x18: {  	s0 =	sld [smem:$0x3F91];
	_ =	swait.ge [sflag:s4], $0x0  }
0x19: {  	s7 =	sld [smem:$0x3F92]  }
0x1a: {  	s8 =	sadd.s32 $0xFFFFE003, lr  }
0x1b: {  	s9 =	sadd.s32 $0xFFFFFEF7, lr;
	s5 =	simm.s32 $0xFFFFFFFF;
	p2 =	slt.u32 s8, $0xFFFFF086  }
0x1c: {  	p1 =	slt.u32 s9, $0xF7A;
	s5 =	simm.s32 @!p2 $0x0  }
0x1d: {  	s5 =	simm.s32 @p1 $0x1;
	p0 =	seq.s32 s7, s2  }
0x1e: {  	s7 =	smul.u32 @!p0 $0xF7A, s2;
	p2 =	seq.s32 @!p0 s5, $0x0  }
0x1f: {  	s9 =	smul.u32 $0xF7A, s1;
	s8 =	simm.s32 @!p0 $0x1BF5;
	p2 =	por !p2, p0  }
0x20: {  	[sflag:s8] =	ssyncset.s32 @!p0 $0xFFFFF086;
	s6 =	sadd.s32 @!p0 s3, s7;
	s7 =	simm.s32 @!p0 $0x108  }
0x21: {  	s3 =	sadd.s32 s3, s9;
	s6 =	sadd.s32 @!p0 $0x88, s6;
	s7 =	simm.s32 @p2 $0x1082  }
0x22: {  	[simem:s7], [sflag:s8] =	dma.local @!p0 [hbm:s6], $0xF7A  }
0x23: {  	s9 =	sor.u32 $0xD0000000, s2;
	s6 =	simm.s32 $0x108;
	_ =	swait.ge @!p0 [sflag:s8], $0x0  }
0x24: {  	s3 =	sadd.s32 $0x88, s3;
	s6 =	simm.s32 @!p1 $0x1082;
	[sflag:s4] =	ssyncset.s32 $0xFFFFF086  }
0x25: {  	[simem:s6], [sflag:s4] =	dma.local [hbm:s3], $0xF7A  }
0x26: {  	[smem:$0x3F92] =	sst s1;
	(tag) =	ssettag s2;
	_ =	strace s9  }
0x27: {  	s1 =	sld [smem:$0x3FA2]  }
0x28: {  	s2 =	sld [smem:$0x3FA3]  }
0x29: {  	s4 =	sld [smem:$0x3FA5]  }
0x2a: {  	p0 =	seq.s32 s5, $0x0;
	s5 =	sld [smem:$0x3FA6]  }
0x2b: {  	s6 =	sld [smem:$0x3FA7]  }
0x2c: {  	s7 =	sld [smem:$0x3FA8]  }
0x2d: {  	s3 =	simm.s32 $0x108;
	s8 =	sld [smem:$0x3FA9]  }
0x2e: {  	s3 =	simm.s32 @!p0 $0x1082;
	s9 =	sld [smem:$0x3FAA]  }
0x2f: {  	lr =	sadd.s32 s0, s3;
	s0 =	sld [smem:$0x3FA1]  }
0x30: {  	s3 =	sld [smem:$0x3FA4]  }
0x31: {  	[smem:$0x3FAD] =	sst s10  }
0x32: {  	s10 =	sld [smem:$0x3FAB];
	_ =	sdelay $0x3  }
0x33: {  	p0 =	seq.s32 s10, $0x1;
	s10 =	sld [smem:$0x3FAD];
	_ =	sdelay $0x3  }
0x34: {  	[smem:$0x3FAD] =	sst s10  }
0x35: {  	s10 =	sld [smem:$0x3FAC];
	_ =	sdelay $0x3  }
0x36: {  	p1 =	seq.s32 s10, $0x1;
	s10 =	sld [smem:$0x3FAD];
	_ =	sdelay $0x3  }
0x37: {  	[smem:$0x3FAD] =	sst s10  }
0x38: {  	s10 =	sld [smem:$0x3FAE]  }
0x39: {  	_ = 	snop;
	(pc) =	sbr.ind lr, $3  }
0x3a: {  	_ = 	snop  }
0x3b: {  	_ = 	snop  }
0x3c: {  	p2 =	seq.s32 s10, $0x1;
	s10 =	sld [smem:$0x3FAD]  }
0x3d: {  	_ =	shalt  }
0x3e: {  	_ =	shalt  }
0x3f: {  	_ =	shalt  }
0x40: {  	_ =	shalt  }
0x41: {  	_ =	shalt  }
0x42: {  	_ =	shalt  }
0x43: {  	_ =	shalt  }
0x44: {  	_ =	shalt  }
0x45: {  	_ =	shalt  }
0x46: {  	_ =	shalt  }
0x47: {  	_ =	shalt  }
0x48: {  	_ =	shalt  }
0x49: {  	_ =	shalt  }
0x4a: {  	_ =	shalt  }
0x4b: {  	_ =	shalt  }
0x4c: {  	_ =	shalt  }
0x4d: {  	_ =	shalt  }
0x4e: {  	_ =	shalt  }
0x4f: {  	_ =	shalt  }
0x50: {  	_ =	shalt  }
0x51: {  	_ =	shalt  }
0x52: {  	_ =	shalt  }
0x53: {  	_ =	shalt  }
0x54: {  	_ =	shalt  }
0x55: {  	_ =	shalt  }
0x56: {  	_ =	shalt  }
0x57: {  	_ =	shalt  }
0x58: {  	_ =	shalt  }
0x59: {  	_ =	shalt  }
0x5a: {  	_ =	shalt  }
0x5b: {  	_ =	shalt  }
0x5c: {  	_ =	shalt  }
0x5d: {  	_ =	shalt  }
0x5e: {  	_ =	shalt  }
0x5f: {  	_ =	shalt  }
0x60: {  	_ =	shalt  }
0x61: {  	_ =	shalt  }
0x62: {  	_ =	shalt  }
0x63: {  	_ =	shalt  }
0x64: {  	_ =	shalt  }
0x65: {  	_ =	shalt  }
0x66: {  	_ =	shalt  }
0x67: {  	_ =	shalt  }
0x68: {  	_ =	shalt  }
0x69: {  	_ =	shalt  }
0x6a: {  	_ =	shalt  }
0x6b: {  	_ =	shalt  }
0x6c: {  	_ =	shalt  }
0x6d: {  	_ =	shalt  }
0x6e: {  	_ =	shalt  }
0x6f: {  	_ =	shalt  }
0x70: {  	_ =	shalt  }
0x71: {  	_ =	shalt  }
0x72: {  	_ =	shalt  }
0x73: {  	_ =	shalt  }
0x74: {  	_ =	shalt  }
0x75: {  	_ =	shalt  }
0x76: {  	_ =	shalt  }
0x77: {  	_ =	shalt  }
0x78: {  	_ =	shalt  }
0x79: {  	_ =	shalt  }
0x7a: {  	_ =	shalt  }
0x7b: {  	_ =	shalt  }
0x7c: {  	_ =	shalt  }
0x7d: {  	_ =	shalt  }
0x7e: {  	_ =	shalt  }
0x7f: {  	_ =	shalt  }
0x80: {  	_ =	shalt  }
0x81: {  	_ =	shalt  }
0x82: {  	_ =	shalt  }
0x83: {  	_ =	shalt  }
0x84: {  	_ =	shalt  }
0x85: {  	_ =	shalt  }
0x86: {  	_ =	shalt  }
0x87: {  	_ =	shalt  }
.Lfunc_end0:
.L_simem_size_0:
called_computation.7_lowered:
.L_overlay_start_0:
0x88: {  	s2 =	sld [smem:$0x3FD9]  }
0x89: {  	s3 =	sld [smem:$0x3FFE];
	_ =	sdelay $0x1  }
0x8a: {  	s1 =	srdreg.scid  }
0x8b: {  	s0 =	sand.u32 $0x1, s1  }
0x8c: {  	s17 =	sshll.u32 s0, $0xA;
	s2 =	sadd.s32 s3, s2  }
0x8d: {  	s2 =	sadd.s32 s2, s17  }
0x8e: {  	[smem:$0x3FB9] =	sst s2  }
0x8f: {  	_ = 	snop  }
0x90: {  	s18 =	sld [smem:$0x3FD0];
	(tm) =	ssettm $0x1  }
0x91: {  	s19 =	sld [smem:$0x3FFB];
	_ =	sdelay $0x3  }
0x92: {  	_ =	strace s19  }
0x93: {  	s2 =	sld [smem:$0x3FFC];
	_ =	sdelay $0x3  }
0x94: {  	_ =	strace s2  }
0x95: {  	s2 =	sld [smem:$0x3FFD];
	_ =	sdelay $0x3  }
0x96: {  	_ =	strace s2  }
0x97: {  	_ =	strace $0x8FFFFFFF  }
0x98: {  	s20 =	sld [smem:$0x3FDB];
	_ =	sdelay $0x1  }
0x99: {  	s4 =	simm.s32 $_scs_section_size  }
0x9a: {  	s5 =	simm.s32 $_size__tile_overlayer_lowered;
	s6 =	simm.s32 $_tile_overlayer_lowered  }
0x9b: {  	s7 =	simm.s32 $0x1BFF;
	s21 =	sshll.u32 s6, $0x1;
	s4 =	sadd.s32 s4, s20  }
0x9c: {  	s22 =	simm.s32 $0x0;
	s5 =	sshll.u32 s5, $0x1;
	s6 =	sadd.s32 s21, s4  }
0x9d: {  	[timem:s22], [sflag:s7] =	dma.local [hbm:s6], s5  }
0x9e: {  	_ =	swait.ge [sflag:s7], s5  }
0x9f: {  	s5 =	ssub.s32 $0x0, s5;
	[sflag:s7] =	ssyncset.done $0x0  }
0xa0: {  	[sflag:s7] =	ssyncadd.s32 s5;
	_ =	sdelay $0x1  }
0xa1: {  	s23 =	simm.s32 $0x1B8B  }
0xa2: {  	_ =	swait.ge [sflag:s23], $0x1  }
0xa3: {  	[sflag:s23] =	ssyncset.done $0x0  }
0xa4: {  	[sflag:s23] =	ssyncadd.s32 $0xFFFFFFFF  }
0xa5: {  	s5 =	sld [smem:$0x0]  }
0xa6: {  	s6 =	sand.u32 $0xFFFFFFFE, s1  }
0xa7: {  	p0 =	sne.s32 s1, s6  }
0xa8: {  	s6 =	sshll.u32 @p0 s6, $0xE  }
0xa9: {  	s6 =	sadd.s32 @p0 $0x11B8D, s6;
	s7 =	sshll.u32 @p0 s5, $0x11  }
0xaa: {  	s6 =	sor.u32 @p0 s7, s6  }
0xab: {  	[sflag:s6] =	ssyncadd.remote.s32 @p0 $0x1;
	_ =	sdelay $0x1  }
0xac: {  	s6 =	simm.s32 @p0 $0x1B8D  }
0xad: {  	_ =	swait.eq @p0 [sflag:s6], $0x1  }
0xae: {  	[sflag:s6] =	ssyncadd.s32 @p0 $0xFFFFFFFF  }
0xaf: {  	s7 =	sshll.u32 @!p0 s1, $0xE  }
0xb0: {  	s7 =	sor.u32 @!p0 $0x4000, s7;
	s6 =	simm.s32 @!p0 $0x1B8D  }
0xb1: {  	s5 =	sshll.u32 @!p0 s5, $0x11;
	s7 =	sadd.s32 @!p0 $0x11B8D, s7;
	_ =	swait.eq @!p0 [sflag:s6], $0x1  }
0xb2: {  	s5 =	sor.u32 @!p0 s5, s7;
	[sflag:s6] =	ssyncadd.s32 @!p0 $0xFFFFFFFF  }
0xb3: {  	s25 =	simm.s32 $0x1B8E;
	s24 =	sld [smem:$0x3FFE];
	[sflag:s5] =	ssyncadd.remote.s32 @!p0 $0x1  }
0xb4: {  	s26 =	simm.s32 $execute0_lowered;
	[smem:$0x3FD2] =	sst s25  }
0xb5: {  	s6 =	sshll.u32 s26, $0x1;
	_ =	strace $0x8000005B;
	[dreg:$0x1] =	wrdreg $0xFFFFFFFF  }
0xb6: {  	s28 =	simm.s32 $_size_execute0_lowered;
	s4 =	sadd.s32 s4, s6;
	[dreg:$0x0] =	wrdreg $0x0  }
0xb7: {  	s6 =	sshll.u32 s28, $0x1;
	[dreg:$0x2] =	wrdreg s4  }
0xb8: {  	[dreg:$0x3] =	wrdreg s6  }
0xb9: {  	[dreg:$0x4] =	wrdreg $0xC0  }
0xba: {  	_ =	task [dreg:s22], $0x5FFFF  }
0xbb: {  	[dreg:$0x1] =	wrdreg $0xFFFFFFFF  }
0xbc: {  	[dreg:$0x0] =	wrdreg $0x60  }
0xbd: {  	[dreg:$0x2] =	wrdreg s24  }
0xbe: {  	[dreg:$0x3] =	wrdreg s18  }
0xbf: {  	[dreg:$0x4] =	wrdreg $0x49000  }
0xc0: {  	[dreg:$0x5] =	wrdreg $0xA  }
0xc1: {  	_ =	task.clear_ibuf [dreg:s22], $0x6FFFF;
	_ =	strace $0x9000005B  }
0xc2: {  	s29 =	simm.s32 $0xA;
	_ =	strace $0x8000005D  }
0xc3: {  	_ =	swait.ge [sflag:s29], $0x1  }
0xc4: {  	[sflag:s29] =	ssyncadd.s32 $0xFFFFFFFF  }
0xc5: {  	_ =	strace $0x9000005D  }
0xc6: {  	_ =	sfence  }
0xc7: {  	s30 =	sld [smem:$0x0];
	_ =	sdelay $0x2  }
0xc8: {  	s31 =	sshll.u32 s1, $0xD;
	s1 =	sshrl.u32 s1, $0x2  }
0xc9: {  	s4 =	sand.u32 $0x4000, s31;
	s1 =	sadd.s32 s1, s30  }
0xca: {  	s0 =	sor.u32 s4, s0;
	s1 =	sshll.u32 s1, $0x11  }
0xcb: {  	s0 =	sor.u32 s1, s0  }
0xcc: {  	s0 =	sadd.s32 $0x8F2B, s0  }
0xcd: {  	[sflag:s0] =	ssyncadd.remote.s32 $0x1  }
0xce: {  	_ =	sfence.sel $0xFFFF  }
0xcf: {  	[dreg:$0x0] =	wrdreg $0xFFFFFFFF;
	(pc) =	sbr.abs _section_cstart, $3  }
0xd0: {  	[dreg:$0x1] =	wrdreg $0xFFFFFFFF  }
0xd1: {  	_ =	task.clear_ibuf [dreg:s22], $0x2FFFF;
	_ =	strace $0x9FFFFFFF  }
0xd2: {  	(tm) =	ssettm $0x7FFFFFFF  }
0xd3: {  	_ =	shalt  }
tec
execute0_lowered:
.L_overlay_start_1:
0x0: {  	(tag) =	ssettag $0x1  }
0x1: {  	s4 =	rddreg [dreg:$0x0]  }
0x2: {  	s2 =	rddreg [dreg:$0x1]  }
0x3: {  	s1 =	rddreg [dreg:$0x2]  }
0x4: {  	s0 =	rddreg [dreg:$0x3];
	s3 =	simm.s32 $0x0;
	s5 =	srdreg.scid  }
0x5: {  	s18 =	stileid.u32;
	p4 =	por $0x0, $0x0;
	[smem:$0x7FF] =	sst s3  }
0x6: {  	s6 =	sadd.s32 $0x67C00, s4;
	s7 =	sadd.s32 $0xDD000, s4;
	s5 =	sand.u32 $0x1, s5  }
0x7: {  	s10 =	sadd.s32 $0x19800, s4;
	s9 =	sshll.u32 s18, $0x7;
	s12 =	sshll.u32 s18, $0x1  }
0x8: {  	s29 =	sshll.u32 s18, $0xA;
	p0 =	sne.s32 s18, $0x0;
	p3 =	sgt.u32 s18, $0x6  }
0x9: {  	p1 =	sgt.u32 s18, $0x7;
	_ =	strace $0x8000005C;
	s8 =	ssub.s32 $0x2, s5  }
0xa: {  	s15 =	sadd.s32 s9, s4;
	s19 =	sor.u32 s5, s12;
	s5 =	sshll.u32 s5, $0xA  }
0xb: {  	s11 =	sshrl.u32 s8, $0x1;
	s21 =	sshll.u32 s19, $0x7;
	s22 =	sshll.u32 s19, $0x4  }
0xc: {  	s23 =	sor.u32 $0x20, s19;
	s12 =	sshll.u32 s19, $0xB;
	s17 =	sor.u32 $0x40, s19  }
0xd: {  	s26 =	sadd.s32 s5, s15;
	s5 =	sadd.s32 $0x8EC00, s4;
	s15 =	simm.s32 $0x1  }
0xe: {  	p2 =	sne.s32 s19, $0x1F;
	s16 =	ssub.s32 s8, s11;
	s8 =	sand.u32 $0x380, s21  }
0xf: {  	s13 =	sadd.s32 s7, s22;
	s24 =	sshll.u32 s23, $0x7;
	s14 =	sadd.s32 s6, s12  }
0x10: {  	s25 =	sshll.u32 s17, $0x7;
	s11 =	sshll.u32 s23, $0xB;
	s31 =	smax.u32 s16, $0x1  }
0x11: {  	s17 =	sshll.u32 s17, $0xB;
	s4 =	sadd.s32 $0x5800, s26;
	s30 =	sadd.s32 $0xFFFFFFFF, s31  }
0x12: {  	s9 =	sand.u32 $0x1C00, s24;
	s20 =	sand.u32 $0x2400, s25;
	p5 =	sne.s32 s30, $0x0  }
.Ltmp0:
0x13: {  	s9 =	sor.u32 s8, s9;
	s8 =	sor.u32 s8, s20;
	(pc) =	sbr.rel @!p5 .LBB2_3-.Ltmp0, $4  }
0x14: {  	s11 =	sadd.s32 s6, s11;
	s9 =	sshrl.u32 s9, $0x3;
	s8 =	sshrl.u32 s8, $0x3  }
0x15: {  	s16 =	simm.s32 $0x80;
	s12 =	sadd.s32 s7, s9;
	s9 =	sadd.s32 s7, s8  }
0x16: {  	s8 =	sadd.s32 s6, s17;
	s7 =	sadd.s32 s29, s1;
	s6 =	sshll.u32 @!p1 s18, $0x6  }
0x17: {  	s17 =	sshrl.u32 @!p0 s1, $0x3;
	s6 =	sor.u32 @!p1 $0x1C01, s6;
	s7 =	sshrl.u32 @!p1 s7, $0x3  }
0x18: {  	s18 =	simm.s32 @!p0 $0x1C01;
	s19 =	simm.s32 @!p0 $0x1  }
0x19: {  	[spmem:s17], [sflag:s18] =	dma.local @!p0 [hbm:s10], $0x400  }
0x1a: {  	_ =	swait.ge @!p0 [sflag:s19], $0x400  }
0x1b: {  	[sflag:s19] =	ssyncset.done @!p0 $0x0  }
0x1c: {  	[sflag:s19] =	ssyncadd.s32 @!p0 $0xFFFFFC00  }
0x1d: {  	[bflag:$0x0] =	sbarrier.arrive $0xFFFF  }
0x1e: {  	[tilespmem:s3], [sflag:$0x1] =	stream.linear.gather [hbm4b:s13+s3], $0x80, $0x38;
	[tilespmem:$0x4B00] =	vst v63  }
0x1f: {  	_ =	swait.ge [sflag:s15], $0x80  }
0x20: {  	[sflag:s15] =	ssyncset.done $0x0  }
0x21: {  	[sflag:s15] =	ssyncadd.s32 $0xFFFFFF80  }
0x22: {  	[tilespmem:s16], [sflag:$0x1] =	stream.linear.gather [hbm4b:s14+s3], $0x4000, $0x38;
	[tilespmem:$0x4B00] =	vst v63  }
0x23: {  	_ =	swait.ge [sflag:s15], $0x4000  }
0x24: {  	[sflag:s15] =	ssyncset.done $0x0  }
0x25: {  	[sflag:s15] =	ssyncadd.s32 $0xFFFFC000  }
0x26: {  	[spmem:s1] =	stream.indirect.scatter.add.f32 [tilespmem:s16], [sflag:$0x1], $0x80, s3, s16, $0xb8;
	[tilespmem:$0x4B00] =	vst v63  }
0x27: {  	_ =	swait.ge [sflag:s15], $0x4000  }
0x28: {  	[sflag:s15] =	ssyncset.done $0x0  }
0x29: {  	[sflag:s15] =	ssyncadd.s32 $0xFFFFC000  }
0x2a: {  	[tilespmem:s3], [sflag:$0x1] =	stream.linear.gather [hbm4b:s12+s3], $0x80, $0x38;
	[tilespmem:$0x4B00] =	vst v63  }
0x2b: {  	_ =	swait.ge [sflag:s15], $0x80  }
0x2c: {  	[sflag:s15] =	ssyncset.done $0x0  }
0x2d: {  	[sflag:s15] =	ssyncadd.s32 $0xFFFFFF80  }
0x2e: {  	[tilespmem:s16], [sflag:$0x1] =	stream.linear.gather [hbm4b:s11+s3], $0x4000, $0x38;
	[tilespmem:$0x4B00] =	vst v63  }
0x2f: {  	_ =	swait.ge [sflag:s15], $0x4000  }
0x30: {  	[sflag:s15] =	ssyncset.done $0x0  }
0x31: {  	[sflag:s15] =	ssyncadd.s32 $0xFFFFC000  }
0x32: {  	[spmem:s1] =	stream.indirect.scatter.add.f32 [tilespmem:s16], [sflag:$0x1], $0x80, s3, s16, $0xb8;
	[tilespmem:$0x4B00] =	vst v63  }
0x33: {  	_ =	swait.ge [sflag:s15], $0x4000  }
0x34: {  	[sflag:s15] =	ssyncset.done $0x0  }
0x35: {  	s20 =	simm.s32 @!p3 $0x0;
	s21 =	simm.s32 @!p3 $0x1;
	[sflag:s15] =	ssyncadd.s32 $0xFFFFC000  }
0x36: {  	[tilespmem:s20], [sflag:$0x1] =	stream.linear.gather @!p3 [hbm4b:s9+s20], $0x80, $0x38;
	[tilespmem:$0x4B00] =	vst v63  }
0x37: {  	_ =	swait.ge @!p3 [sflag:s21], $0x80  }
0x38: {  	[sflag:s21] =	ssyncset.done @!p3 $0x0  }
0x39: {  	s22 =	simm.s32 @!p3 $0x80;
	[sflag:s21] =	ssyncadd.s32 @!p3 $0xFFFFFF80  }
0x3a: {  	[tilespmem:s22], [sflag:$0x1] =	stream.linear.gather @!p3 [hbm4b:s8+s20], $0x4000, $0x38;
	[tilespmem:$0x4B00] =	vst v63  }
0x3b: {  	_ =	swait.ge @!p3 [sflag:s21], $0x4000  }
0x3c: {  	[sflag:s21] =	ssyncset.done @!p3 $0x0  }
0x3d: {  	[sflag:s21] =	ssyncadd.s32 @!p3 $0xFFFFC000  }
0x3e: {  	[spmem:s1] =	stream.indirect.scatter.add.f32 @!p3 [tilespmem:s22], [sflag:$0x1], $0x80, s20, s22, $0xb8;
	[tilespmem:$0x4B00] =	vst v63  }
0x3f: {  	_ =	swait.ge @!p3 [sflag:s21], $0x4000  }
0x40: {  	s23 =	simm.s32 @!p2 $0x1;
	[sflag:s21] =	ssyncset.done @!p3 $0x0  }
0x41: {  	s24 =	simm.s32 @!p2 $0x0;
	s25 =	simm.s32 @!p2 $0x4080;
	[sflag:s21] =	ssyncadd.s32 @!p3 $0xFFFFC000  }
0x42: {  	[tilespmem:s25], [sflag:$0x1] =	stream.linear.gather @!p2 [hbm4b:s2+s24], $0x80, $0x38;
	[tilespmem:$0x4B00] =	vst v63  }
0x43: {  	_ =	swait.ge @!p2 [sflag:s23], $0x80  }
0x44: {  	[sflag:s23] =	ssyncset.done @!p2 $0x0  }
0x45: {  	s26 =	simm.s32 @!p2 $0x4100;
	[sflag:s23] =	ssyncadd.s32 @!p2 $0xFFFFFF80  }
0x46: {  	[tilespmem:s26], [sflag:$0x1] =	stream.linear.gather @!p2 [hbm4b:s5+s24], $0x800, $0x38;
	[tilespmem:$0x4B00] =	vst v63  }
0x47: {  	_ =	swait.ge @!p2 [sflag:s23], $0x800  }
0x48: {  	[sflag:s23] =	ssyncset.done @!p2 $0x0  }
0x49: {  	s29 =	simm.s32 @!p2 $0x10;
	[sflag:s23] =	ssyncadd.s32 @!p2 $0xFFFFF800  }
0x4a: {  	[spmem:s1] =	stream.indirect.scatter.add.f32 @!p2 [tilespmem:s26], [sflag:$0x1], $0x80, s25, s29, $0xb8;
	[tilespmem:$0x4B00] =	vst v63  }
0x4b: {  	s30 =	sadd.s32 $0xFFFFFFFF, s30;
	_ =	swait.ge @!p2 [sflag:s23], $0x800  }
0x4c: {  	p5 =	sne.s32 s30, $0x0;
	[sflag:s23] =	ssyncset.done @!p2 $0x0  }
.Ltmp1:
0x4d: {  	[sflag:s23] =	ssyncadd.s32 @!p2 $0xFFFFF800;
	(pc) =	sbr.rel @!p5 .LBB2_3-.Ltmp1, $4  }
0x4e: {  	s28 =	simm.s32 @!p1 $0x1;
	[bflag:$0x0] =	sbarrier.arrive $0xFFFF  }
0x4f: {  	[hbm:s4], [sflag:s6] =	dma.local @!p1 [spmem:s7], $0x80  }
0x50: {  	_ =	swait.ge @!p1 [sflag:s28], $0x80  }
0x51: {  	p4 =	por $0x1, $0x1;
	[sflag:s28] =	ssyncset.done @!p1 $0x0  }
.LBB2_2:
0x52: {  	[sflag:s28] =	ssyncadd.s32 @!p1 $0xFFFFFF80  }
0x53: {  	[spmem:s17], [sflag:s18] =	dma.local @!p0 [hbm:s10], $0x400  }
0x54: {  	s30 =	sadd.s32 $0xFFFFFFFF, s30;
	_ =	swait.ge @!p0 [sflag:s19], $0x400  }
0x55: {  	p5 =	sne.s32 s30, $0x0;
	[sflag:s19] =	ssyncset.done @!p0 $0x0  }
0x56: {  	[sflag:s19] =	ssyncadd.s32 @!p0 $0xFFFFFC00  }
0x57: {  	[bflag:$0x0] =	sbarrier.arrive $0xFFFF  }
0x58: {  	[tilespmem:s3], [sflag:$0x1] =	stream.linear.gather [hbm4b:s13+s3], $0x80, $0x38;
	[tilespmem:$0x4B00] =	vst v63  }
0x59: {  	_ =	swait.ge [sflag:s15], $0x80  }
0x5a: {  	[sflag:s15] =	ssyncset.done $0x0  }
0x5b: {  	[sflag:s15] =	ssyncadd.s32 $0xFFFFFF80  }
0x5c: {  	[tilespmem:s16], [sflag:$0x1] =	stream.linear.gather [hbm4b:s14+s3], $0x4000, $0x38;
	[tilespmem:$0x4B00] =	vst v63  }
0x5d: {  	_ =	swait.ge [sflag:s15], $0x4000  }
0x5e: {  	[sflag:s15] =	ssyncset.done $0x0  }
0x5f: {  	[sflag:s15] =	ssyncadd.s32 $0xFFFFC000  }
0x60: {  	[spmem:s1] =	stream.indirect.scatter.add.f32 [tilespmem:s16], [sflag:$0x1], $0x80, s3, s16, $0xb8;
	[tilespmem:$0x4B00] =	vst v63  }
0x61: {  	_ =	swait.ge [sflag:s15], $0x4000  }
0x62: {  	[sflag:s15] =	ssyncset.done $0x0  }
0x63: {  	[sflag:s15] =	ssyncadd.s32 $0xFFFFC000  }
0x64: {  	[tilespmem:s3], [sflag:$0x1] =	stream.linear.gather [hbm4b:s12+s3], $0x80, $0x38;
	[tilespmem:$0x4B00] =	vst v63  }
0x65: {  	_ =	swait.ge [sflag:s15], $0x80  }
0x66: {  	[sflag:s15] =	ssyncset.done $0x0  }
0x67: {  	[sflag:s15] =	ssyncadd.s32 $0xFFFFFF80  }
0x68: {  	[tilespmem:s16], [sflag:$0x1] =	stream.linear.gather [hbm4b:s11+s3], $0x4000, $0x38;
	[tilespmem:$0x4B00] =	vst v63  }
0x69: {  	_ =	swait.ge [sflag:s15], $0x4000  }
0x6a: {  	[sflag:s15] =	ssyncset.done $0x0  }
0x6b: {  	[sflag:s15] =	ssyncadd.s32 $0xFFFFC000  }
0x6c: {  	[spmem:s1] =	stream.indirect.scatter.add.f32 [tilespmem:s16], [sflag:$0x1], $0x80, s3, s16, $0xb8;
	[tilespmem:$0x4B00] =	vst v63  }
0x6d: {  	_ =	swait.ge [sflag:s15], $0x4000  }
0x6e: {  	[sflag:s15] =	ssyncset.done $0x0  }
0x6f: {  	[sflag:s15] =	ssyncadd.s32 $0xFFFFC000  }
0x70: {  	[tilespmem:s20], [sflag:$0x1] =	stream.linear.gather @!p3 [hbm4b:s9+s20], $0x80, $0x38;
	[tilespmem:$0x4B00] =	vst v63  }
0x71: {  	_ =	swait.ge @!p3 [sflag:s21], $0x80  }
0x72: {  	[sflag:s21] =	ssyncset.done @!p3 $0x0  }
0x73: {  	[sflag:s21] =	ssyncadd.s32 @!p3 $0xFFFFFF80  }
0x74: {  	[tilespmem:s22], [sflag:$0x1] =	stream.linear.gather @!p3 [hbm4b:s8+s20], $0x4000, $0x38;
	[tilespmem:$0x4B00] =	vst v63  }
0x75: {  	_ =	swait.ge @!p3 [sflag:s21], $0x4000  }
0x76: {  	[sflag:s21] =	ssyncset.done @!p3 $0x0  }
0x77: {  	[sflag:s21] =	ssyncadd.s32 @!p3 $0xFFFFC000  }
0x78: {  	[spmem:s1] =	stream.indirect.scatter.add.f32 @!p3 [tilespmem:s22], [sflag:$0x1], $0x80, s20, s22, $0xb8;
	[tilespmem:$0x4B00] =	vst v63  }
0x79: {  	_ =	swait.ge @!p3 [sflag:s21], $0x4000  }
0x7a: {  	[sflag:s21] =	ssyncset.done @!p3 $0x0  }
0x7b: {  	[sflag:s21] =	ssyncadd.s32 @!p3 $0xFFFFC000  }
0x7c: {  	[tilespmem:s25], [sflag:$0x1] =	stream.linear.gather @!p2 [hbm4b:s2+s24], $0x80, $0x38;
	[tilespmem:$0x4B00] =	vst v63  }
0x7d: {  	_ =	swait.ge @!p2 [sflag:s23], $0x80  }
0x7e: {  	[sflag:s23] =	ssyncset.done @!p2 $0x0  }
0x7f: {  	[sflag:s23] =	ssyncadd.s32 @!p2 $0xFFFFFF80  }
0x80: {  	[tilespmem:s26], [sflag:$0x1] =	stream.linear.gather @!p2 [hbm4b:s5+s24], $0x800, $0x38;
	[tilespmem:$0x4B00] =	vst v63  }
0x81: {  	_ =	swait.ge @!p2 [sflag:s23], $0x800  }
0x82: {  	[sflag:s23] =	ssyncset.done @!p2 $0x0  }
0x83: {  	[sflag:s23] =	ssyncadd.s32 @!p2 $0xFFFFF800  }
0x84: {  	[spmem:s1] =	stream.indirect.scatter.add.f32 @!p2 [tilespmem:s26], [sflag:$0x1], $0x80, s25, s29, $0xb8;
	[tilespmem:$0x4B00] =	vst v63  }
0x85: {  	_ =	swait.ge @!p2 [sflag:s23], $0x800  }
0x86: {  	[sflag:s23] =	ssyncset.done @!p2 $0x0  }
.Ltmp2:
0x87: {  	[sflag:s23] =	ssyncadd.s32 @!p2 $0xFFFFF800;
	(pc) =	sbr.rel @p5 .LBB2_2-.Ltmp2, $4  }
0x88: {  	[bflag:$0x0] =	sbarrier.arrive $0xFFFF  }
0x89: {  	[hbm:s4], [sflag:s6] =	dma.local @!p1 [spmem:s7], $0x80  }
0x8a: {  	_ =	swait.ge @!p1 [sflag:s28], $0x80  }
0x8b: {  	[sflag:s28] =	ssyncset.done @!p1 $0x0  }
.LBB2_3:
0x8c: {  	p4 =	por p1, !p4  }
0x8d: {  	s18 =	simm.s32 @!p0 $0x1C01;
	s19 =	simm.s32 @!p0 $0x1;
	[sflag:s28] =	ssyncadd.s32 @!p4 $0xFFFFFF80  }
0x8e: {  	[spmem:s17], [sflag:s18] =	dma.local @!p0 [hbm:s10], $0x400  }
0x8f: {  	_ =	swait.ge @!p0 [sflag:s19], $0x400  }
0x90: {  	[sflag:s19] =	ssyncset.done @!p0 $0x0  }
0x91: {  	[sflag:s19] =	ssyncadd.s32 @!p0 $0xFFFFFC00  }
0x92: {  	[bflag:$0x0] =	sbarrier.arrive $0xFFFF  }
0x93: {  	[tilespmem:s3], [sflag:$0x1] =	stream.linear.gather [hbm4b:s13+s3], $0x80, $0x38;
	[tilespmem:$0x4B00] =	vst v63  }
0x94: {  	_ =	swait.ge [sflag:s15], $0x80  }
0x95: {  	[sflag:s15] =	ssyncset.done $0x0  }
0x96: {  	[sflag:s15] =	ssyncadd.s32 $0xFFFFFF80  }
0x97: {  	[tilespmem:s16], [sflag:$0x1] =	stream.linear.gather [hbm4b:s14+s3], $0x4000, $0x38;
	[tilespmem:$0x4B00] =	vst v63  }
0x98: {  	_ =	swait.ge [sflag:s15], $0x4000  }
0x99: {  	[sflag:s15] =	ssyncset.done $0x0  }
0x9a: {  	[sflag:s15] =	ssyncadd.s32 $0xFFFFC000  }
0x9b: {  	[spmem:s1] =	stream.indirect.scatter.add.f32 [tilespmem:s16], [sflag:$0x1], $0x80, s3, s16, $0xb8;
	[tilespmem:$0x4B00] =	vst v63  }
0x9c: {  	_ =	swait.ge [sflag:s15], $0x4000  }
0x9d: {  	[sflag:s15] =	ssyncset.done $0x0  }
0x9e: {  	[sflag:s15] =	ssyncadd.s32 $0xFFFFC000  }
0x9f: {  	[tilespmem:s3], [sflag:$0x1] =	stream.linear.gather [hbm4b:s12+s3], $0x80, $0x38;
	[tilespmem:$0x4B00] =	vst v63  }
0xa0: {  	_ =	swait.ge [sflag:s15], $0x80  }
0xa1: {  	[sflag:s15] =	ssyncset.done $0x0  }
0xa2: {  	[sflag:s15] =	ssyncadd.s32 $0xFFFFFF80  }
0xa3: {  	[tilespmem:s16], [sflag:$0x1] =	stream.linear.gather [hbm4b:s11+s3], $0x4000, $0x38;
	[tilespmem:$0x4B00] =	vst v63  }
0xa4: {  	_ =	swait.ge [sflag:s15], $0x4000  }
0xa5: {  	[sflag:s15] =	ssyncset.done $0x0  }
0xa6: {  	[sflag:s15] =	ssyncadd.s32 $0xFFFFC000  }
0xa7: {  	[spmem:s1] =	stream.indirect.scatter.add.f32 [tilespmem:s16], [sflag:$0x1], $0x80, s3, s16, $0xb8;
	[tilespmem:$0x4B00] =	vst v63  }
0xa8: {  	_ =	swait.ge [sflag:s15], $0x4000  }
0xa9: {  	[sflag:s15] =	ssyncset.done $0x0  }
0xaa: {  	s10 =	simm.s32 @!p3 $0x1;
	s3 =	simm.s32 @!p3 $0x0;
	[sflag:s15] =	ssyncadd.s32 $0xFFFFC000  }
0xab: {  	[tilespmem:s3], [sflag:$0x1] =	stream.linear.gather @!p3 [hbm4b:s9+s3], $0x80, $0x38;
	[tilespmem:$0x4B00] =	vst v63  }
0xac: {  	_ =	swait.ge @!p3 [sflag:s10], $0x80  }
0xad: {  	[sflag:s10] =	ssyncset.done @!p3 $0x0  }
0xae: {  	s9 =	simm.s32 @!p3 $0x80;
	[sflag:s10] =	ssyncadd.s32 @!p3 $0xFFFFFF80  }
0xaf: {  	[tilespmem:s9], [sflag:$0x1] =	stream.linear.gather @!p3 [hbm4b:s8+s3], $0x4000, $0x38;
	[tilespmem:$0x4B00] =	vst v63  }
0xb0: {  	_ =	swait.ge @!p3 [sflag:s10], $0x4000  }
0xb1: {  	[sflag:s10] =	ssyncset.done @!p3 $0x0  }
0xb2: {  	[sflag:s10] =	ssyncadd.s32 @!p3 $0xFFFFC000  }
0xb3: {  	[spmem:s1] =	stream.indirect.scatter.add.f32 @!p3 [tilespmem:s9], [sflag:$0x1], $0x80, s3, s9, $0xb8;
	[tilespmem:$0x4B00] =	vst v63  }
0xb4: {  	_ =	swait.ge @!p3 [sflag:s10], $0x4000  }
0xb5: {  	s8 =	simm.s32 @!p2 $0x0;
	[sflag:s10] =	ssyncset.done @!p3 $0x0  }
0xb6: {  	s3 =	simm.s32 @!p2 $0x1;
	s9 =	simm.s32 @!p2 $0x4080;
	[sflag:s10] =	ssyncadd.s32 @!p3 $0xFFFFC000  }
0xb7: {  	[tilespmem:s9], [sflag:$0x1] =	stream.linear.gather @!p2 [hbm4b:s2+s8], $0x80, $0x38;
	[tilespmem:$0x4B00] =	vst v63  }
0xb8: {  	_ =	swait.ge @!p2 [sflag:s3], $0x80  }
0xb9: {  	[sflag:s3] =	ssyncset.done @!p2 $0x0  }
0xba: {  	s2 =	simm.s32 @!p2 $0x4100;
	[sflag:s3] =	ssyncadd.s32 @!p2 $0xFFFFFF80  }
0xbb: {  	[tilespmem:s2], [sflag:$0x1] =	stream.linear.gather @!p2 [hbm4b:s5+s8], $0x800, $0x38;
	[tilespmem:$0x4B00] =	vst v63  }
0xbc: {  	_ =	swait.ge @!p2 [sflag:s3], $0x800  }
0xbd: {  	[sflag:s3] =	ssyncset.done @!p2 $0x0  }
0xbe: {  	s5 =	simm.s32 @!p2 $0x10;
	[sflag:s3] =	ssyncadd.s32 @!p2 $0xFFFFF800  }
0xbf: {  	[spmem:s1] =	stream.indirect.scatter.add.f32 @!p2 [tilespmem:s2], [sflag:$0x1], $0x80, s9, s5, $0xb8;
	[tilespmem:$0x4B00] =	vst v63  }
0xc0: {  	_ =	swait.ge @!p2 [sflag:s3], $0x800  }
0xc1: {  	[sflag:s3] =	ssyncset.done @!p2 $0x0  }
0xc2: {  	[sflag:s3] =	ssyncadd.s32 @!p2 $0xFFFFF800  }
0xc3: {  	s1 =	simm.s32 @!p1 $0x1;
	[bflag:$0x0] =	sbarrier.arrive $0xFFFF  }
0xc4: {  	[hbm:s4], [sflag:s6] =	dma.local @!p1 [spmem:s7], $0x80  }
0xc5: {  	_ =	swait.ge @!p1 [sflag:s1], $0x80  }
0xc6: {  	[sflag:s1] =	ssyncset.done @!p1 $0x0  }
0xc7: {  	[sflag:s1] =	ssyncadd.s32 @!p1 $0xFFFFFF80  }
0xc8: {  	_ =	sfence.sel $0x180000  }
0xc9: {  	[bflag:$0x0] =	sbarrier.arrive $0xFFFF  }
0xca: {  	_ =	strace $0x9000005C  }
0xcb: {  	s0 =	sadd.s32 @!p0 $0x100000, s0;
	[bflag:$0x2] =	sbarrier.arrive $0xFFFF  }
0xcc: {  	[sflag:s0] =	ssyncadd.tile.s32 @!p0 $0x1;
	_ =	shalt  }
.Lfunc_end2:
_tile_overlayer_lowered:
.L_overlay_start_2:
0xcd: {  	(tag) =	ssettag $0x2  }
0xce: {  	s0 =	rddreg [dreg:$0x0];
	s2 =	stileid.u32  }
0xcf: {  	s1 =	rddreg [dreg:$0x1];
	p0 =	sne.s32 s2, $0x0  }
0xd0: {  	s3 =	rddreg [dreg:$0x2];
	[bflag:$0x3] =	sbarrier.arrive $0xFFFF;
	s2 =	simm.s32 @!p0 $0x1C01  }
0xd1: {  	[timem:s3], [sflag:s2] =	dma.local @!p0 [hbm:s0], s1  }
0xd2: {  	s0 =	simm.s32 @!p0 $0x1  }
0xd3: {  	_ =	swait.ge @!p0 [sflag:s0], s1  }
0xd4: {  	s1 =	ssub.s32 @!p0 $0x0, s1;
	[sflag:s0] =	ssyncset.done @!p0 $0x0  }
0xd5: {  	[sflag:s0] =	ssyncadd.s32 @!p0 s1  }
0xd6: {  	[bflag:$0x3] =	sbarrier.arrive $0xFFFF  }
0xd7: {  	_ =	shalt  }

</sc_bundles>
